<compile_context>
chip_gen: v7x
topology: tpu7x:2x2x1
jax: 0.10.2.dev20260603
libtpu: 0.0.44.dev20260713+nightly
codegen_flags: <defaults>
</compile_context>

<pallas_src>
import functools

import jax
import jax.numpy as jnp
from jax import lax
from jax.experimental import pallas as pl
from jax.experimental.pallas import tpu as pltpu
from jax.experimental.pallas import tpu_sc as plsc

BATCH = 4096
HIST = 200
EMBED_DIM = 64
PAIR_DIM = 128
VOCAB = 1000000
VOCAB_PAIRS = VOCAB // 2
B = BATCH * HIST
NC = 2
NS = 16
NW = NC * NS
BPW = B // NW
BLK = 128
NBLK = BPW // BLK
BB = BATCH // BLK
VBLK = 128
NVFULL = VOCAB // VBLK
VTAIL = VOCAB - NVFULL * VBLK
K1_ITERS = NVFULL // NW + 1

_COMPILER_PARAMS = pltpu.CompilerParams(use_tc_tiling_on_sc=True,
                                        needs_layout_passes=False)


def _build_format_kernel():
  mesh = plsc.VectorSubcoreMesh(core_axis_name="c", subcore_axis_name="s")

  @functools.partial(
      pl.kernel,
      mesh=mesh,
      out_type=jax.ShapeDtypeStruct((VOCAB_PAIRS, PAIR_DIM), jnp.float32),
      scratch_types=[
          pltpu.VMEM((EMBED_DIM, VBLK), jnp.float32),
          pltpu.VMEM((EMBED_DIM, VBLK), jnp.float32),
          pltpu.VMEM((VBLK // 2, PAIR_DIM), jnp.float32),
          pltpu.VMEM((VBLK // 2, PAIR_DIM), jnp.float32),
          pltpu.SemaphoreType.DMA,
          pltpu.SemaphoreType.DMA,
          pltpu.SemaphoreType.DMA,
          pltpu.SemaphoreType.DMA,
      ],
      compiler_params=_COMPILER_PARAMS,
  )
  def format_kernel(tabt_hbm, tail_hbm, out_hbm, ebuf0, ebuf1, pbuf0, pbuf1,
                    sem0, sem1, wsem0, wsem1):
    wid = lax.axis_index("s") * NC + lax.axis_index("c")

    def load_start(blk, buf, sem):
      pltpu.async_copy(tabt_hbm.at[:, pl.ds(blk * VBLK, VBLK)], buf, sem)

    def load_wait(blk, buf, sem):
      pltpu.make_async_copy(
          tabt_hbm.at[:, pl.ds(blk * VBLK, VBLK)], buf, sem).wait()

    iota16 = jax.lax.iota(jnp.int32, 16)
    eidx = [iota16 + (16 * k) % 64 for k in range(8)]
    cidx = [iota16 + 16 * k for k in range(8)]

    load_start(wid, ebuf0, sem0)

    def store_start(blk, pbuf, wsem):
      pltpu.async_copy(
          pbuf, out_hbm.at[pl.ds(blk * (VBLK // 2), VBLK // 2)], wsem)

    def store_wait(blk, pbuf, wsem):
      pltpu.make_async_copy(
          pbuf, out_hbm.at[pl.ds(blk * (VBLK // 2), VBLK // 2)], wsem).wait()

    def body(i, carry):
      blk = wid + i * NW

      def run(buf, sem, obuf, osem, pbuf, wsem):
        nblk = blk + NW

        @pl.when(nblk < NVFULL)
        def _():
          load_start(nblk, obuf, osem)

        load_wait(blk, buf, sem)

        @pl.when(i >= 2)
        def _():
          store_wait(blk, pbuf, wsem)

        @plsc.parallel_loop(0, VBLK // 2, unroll=4)
        def trans(p0):
          pmod = jnp.bitwise_and(p0 + iota16, VBLK // 2 - 1)
          vloc0 = pmod + pmod
          vloc1 = vloc0 + 1
          for k in range(8):
            vloc = vloc0 if k < 4 else vloc1
            val = plsc.load_gather(buf, [eidx[k], vloc])
            plsc.store_scatter(pbuf, [pmod, cidx[k]], val)
        store_start(blk, pbuf, wsem)

      @pl.when(blk < NVFULL)
      def _():
        @pl.when(i % 2 == 0)
        def _():
          run(ebuf0, sem0, ebuf1, sem1, pbuf0, wsem0)

        @pl.when(i % 2 == 1)
        def _():
          run(ebuf1, sem1, ebuf0, sem0, pbuf1, wsem1)

      return carry

    lax.fori_loop(0, K1_ITERS, body, 0)

    store_wait(0, pbuf0, wsem0)
    store_wait(0, pbuf1, wsem1)

    @pl.when(wid == 0)
    def _():
      pltpu.sync_copy(tail_hbm, pbuf0.at[pl.ds(0, VTAIL // 2)])
      pltpu.sync_copy(pbuf0.at[pl.ds(0, VTAIL // 2)],
                      out_hbm.at[pl.ds(NVFULL * (VBLK // 2), VTAIL // 2)])

  return format_kernel


def _build_lookup_kernel():
  mesh = plsc.VectorSubcoreMesh(core_axis_name="c", subcore_axis_name="s")

  @functools.partial(
      pl.kernel,
      mesh=mesh,
      out_type=jax.ShapeDtypeStruct((HIST, EMBED_DIM, BATCH), jnp.float32),
      scratch_types=[
          pltpu.VMEM((BPW,), jnp.int32),
          pltpu.VMEM((BPW,), jnp.int32),
          pltpu.VMEM((BLK, PAIR_DIM), jnp.float32),
          pltpu.VMEM((BLK, PAIR_DIM), jnp.float32),
          pltpu.VMEM((BLK, PAIR_DIM), jnp.float32),
          pltpu.VMEM((EMBED_DIM, BLK), jnp.float32),
          pltpu.VMEM((EMBED_DIM, BLK), jnp.float32),
          pltpu.SemaphoreType.DMA,
          pltpu.SemaphoreType.DMA,
          pltpu.SemaphoreType.DMA,
          pltpu.SemaphoreType.DMA,
          pltpu.SemaphoreType.DMA,
      ],
      compiler_params=_COMPILER_PARAMS,
  )
  def lookup_kernel(idx_hbm, table_hbm, out_hbm, idx_v, idx2_v,
                    gbuf0, gbuf1, gbuf2, tbuf0, tbuf1,
                    sem0, sem1, sem2, wsem0, wsem1):
    wid = lax.axis_index("s") * NC + lax.axis_index("c")
    base = wid * BPW
    pltpu.sync_copy(idx_hbm.at[pl.ds(base, BPW)], idx_v)

    def halve(i, carry):
      v = idx_v[pl.ds(i * 16, 16)]
      idx2_v[pl.ds(i * 16, 16)] = lax.shift_right_logical(v, 1)
      return carry

    lax.fori_loop(0, BPW // 16, halve, 0)

    def gather_start(j, buf, sem):
      pltpu.async_copy(
          table_hbm.at[idx2_v.at[pl.ds(j * BLK, BLK)]], buf, sem)

    def gather_wait(j, buf, sem):
      pltpu.make_async_copy(
          table_hbm.at[idx2_v.at[pl.ds(j * BLK, BLK)]], buf, sem).wait()

    gather_start(0, gbuf0, sem0)
    gather_start(1, gbuf1, sem1)

    iota16 = jax.lax.iota(jnp.int32, 16)
    iotas = [iota16 + 16 * g for g in range(8)]

    def out_slice(j):
      g_id = wid * NBLK + j
      t = g_id // BB
      b1 = g_id % BB
      return out_hbm.at[t, :, pl.ds(b1 * BLK, BLK)]

    def body(j, carry):
      def run(buf, sem, obuf, osem, tbuf, wsem):
        @pl.when(j + 2 < NBLK)
        def _():
          gather_start(j + 2, obuf, osem)

        gather_wait(j, buf, sem)

        @pl.when(j >= 2)
        def _():
          pltpu.make_async_copy(tbuf, out_slice(j), wsem).wait()

        par64 = [
            lax.shift_left(
                jnp.bitwise_and(idx_v[pl.ds(j * BLK + 16 * g, 16)], 1), 6)
            for g in range(8)
        ]

        @plsc.parallel_loop(0, EMBED_DIM, unroll=4)
        def trans(e0):
          emod = jnp.bitwise_and(e0 + iota16, EMBED_DIM - 1)
          for g in range(8):
            val = plsc.load_gather(buf, [iotas[g], par64[g] + emod])
            plsc.store_scatter(tbuf, [emod, iotas[g]], val)

        pltpu.async_copy(tbuf, out_slice(j), wsem)

      gbufs = ((gbuf0, sem0), (gbuf1, sem1), (gbuf2, sem2))
      for r in range(3):
        @pl.when(j % 3 == r)
        def _(r=r):
          buf, sem = gbufs[r]
          obuf, osem = gbufs[(r + 2) % 3]

          @pl.when(j % 2 == 0)
          def _():
            run(buf, sem, obuf, osem, tbuf0, wsem0)

          @pl.when(j % 2 == 1)
          def _():
            run(buf, sem, obuf, osem, tbuf1, wsem1)

      return carry

    lax.fori_loop(0, NBLK, body, 0)

    pltpu.make_async_copy(tbuf0, out_slice(NBLK - 2), wsem0).wait()
    pltpu.make_async_copy(tbuf1, out_slice(NBLK - 1), wsem1).wait()

  return lookup_kernel


_FORMAT = _build_format_kernel()
_LOOKUP = _build_lookup_kernel()


def kernel(input_x, table):
  idx = input_x.T.reshape(B).astype(jnp.int32)
  tail = table[NVFULL * VBLK:].reshape(VTAIL // 2, PAIR_DIM)
  table_pairs = _FORMAT(table.T, tail)
  out = _LOOKUP(idx, table_pairs)
  return out.transpose(2, 0, 1)

# --- scband reference (transcript-rebuilt; emitter-appended) ---
"""Pipeline reference for scband-embedding-collection-78400333021493 (READ-ONLY COPY).

The authoritative reference and input builder live on the scoring server;
editing this copy changes nothing except your own understanding.
"""

import jax, jax.numpy as jnp
import numpy as np

VOCAB = 1000000
EMBED_DIM = 64
BATCH = 4096
HIST = 200

def setup_inputs(seed: int = 0) -> dict:
    key = jax.random.key(seed)
    k_idx, k_tab = jax.random.split(key)
    input_x = jax.random.randint(k_idx, (BATCH, HIST), 0, VOCAB, dtype=jnp.int64) if jax.config.read('jax_enable_x64') else jax.random.randint(k_idx, (BATCH, HIST), 0, VOCAB, dtype=jnp.int32)
    table = jax.random.normal(k_tab, (VOCAB, EMBED_DIM), dtype=jnp.float32)
    return {"input_x": input_x, "table": table}

def reference(input_x, table):
    # nn.Embedding forward: plain row gather from the embedding table
    embedding_x = jnp.take(table, input_x, axis=0)
    return embedding_x

if __name__ == "__main__":
    import jax
    _d = setup_inputs()
    print(jax.jit(kernel)(*tuple(_d.values())))

</pallas_src>

<mosaic_0001>
#map = affine_map<(d0, d1) -> (0, 0)>
module attributes {stable_mosaic.version = 14 : i64} {
  func.func @format_kernel(%arg0: i32, %arg1: i32, %arg2: memref<64x1000000xf32, #tpu.memory_space<hbm>>, %arg3: memref<32x128xf32, #tpu.memory_space<hbm>>, %arg4: memref<500000x128xf32, #tpu.memory_space<hbm>>, %arg5: memref<64x128xf32, #tpu.memory_space<vmem>>, %arg6: memref<64x128xf32, #tpu.memory_space<vmem>>, %arg7: memref<64x128xf32, #tpu.memory_space<vmem>>, %arg8: memref<64x128xf32, #tpu.memory_space<vmem>>, %arg9: memref<!tpu.dma_semaphore, #tpu.memory_space<semaphore_mem>>, %arg10: memref<!tpu.dma_semaphore, #tpu.memory_space<semaphore_mem>>, %arg11: memref<!tpu.dma_semaphore, #tpu.memory_space<semaphore_mem>>, %arg12: memref<!tpu.dma_semaphore, #tpu.memory_space<semaphore_mem>>) attributes {dimension_semantics = [#tpu.dimension_semantics<core_parallel>, #tpu.dimension_semantics<subcore_parallel>], iteration_bounds = array<i64: 2, 16>, scalar_prefetch = 0 : i64, scratch_operands = 8 : i64, tpu.core_type = #tpu.core_type<sc_vector_subcore>, window_params = [{transform_indices = #map}, {transform_indices = #map}, {transform_indices = #map}]} {
    %mul3A = arith.constant 2 : i32
    %mul3A_0 = arith.muli %arg1, %mul3A : i32
    %add3A = arith.addi %mul3A_0, %arg0 : i32
    %iota3A = tpu.iota {dimensions = array<i32: 0>} : vector<16xi32>
    %add3A_1 = arith.constant 0 : i32
    %add3A_2 = vector.broadcast %add3A_1 : i32 to vector<16xi32>
    %add3A_3 = arith.addi %iota3A, %add3A_2 : vector<16xi32>
    %add3A_4 = arith.constant 16 : i32
    %add3A_5 = vector.broadcast %add3A_4 : i32 to vector<16xi32>
    %add3A_6 = arith.addi %iota3A, %add3A_5 : vector<16xi32>
    %add3A_7 = arith.constant 32 : i32
    %add3A_8 = vector.broadcast %add3A_7 : i32 to vector<16xi32>
    %add3A_9 = arith.addi %iota3A, %add3A_8 : vector<16xi32>
    %add3A_10 = arith.constant 48 : i32
    %add3A_11 = vector.broadcast %add3A_10 : i32 to vector<16xi32>
    %add3A_12 = arith.addi %iota3A, %add3A_11 : vector<16xi32>
    %add3A_13 = arith.constant 0 : i32
    %add3A_14 = vector.broadcast %add3A_13 : i32 to vector<16xi32>
    %add3A_15 = arith.addi %iota3A, %add3A_14 : vector<16xi32>
    %add3A_16 = arith.constant 16 : i32
    %add3A_17 = vector.broadcast %add3A_16 : i32 to vector<16xi32>
    %add3A_18 = arith.addi %iota3A, %add3A_17 : vector<16xi32>
    %add3A_19 = arith.constant 32 : i32
    %add3A_20 = vector.broadcast %add3A_19 : i32 to vector<16xi32>
    %add3A_21 = arith.addi %iota3A, %add3A_20 : vector<16xi32>
    %add3A_22 = arith.constant 48 : i32
    %add3A_23 = vector.broadcast %add3A_22 : i32 to vector<16xi32>
    %add3A_24 = arith.addi %iota3A, %add3A_23 : vector<16xi32>
    %add3A_25 = arith.constant 0 : i32
    %add3A_26 = vector.broadcast %add3A_25 : i32 to vector<16xi32>
    %add3A_27 = arith.addi %iota3A, %add3A_26 : vector<16xi32>
    %add3A_28 = arith.constant 16 : i32
    %add3A_29 = vector.broadcast %add3A_28 : i32 to vector<16xi32>
    %add3A_30 = arith.addi %iota3A, %add3A_29 : vector<16xi32>
    %add3A_31 = arith.constant 32 : i32
    %add3A_32 = vector.broadcast %add3A_31 : i32 to vector<16xi32>
    %add3A_33 = arith.addi %iota3A, %add3A_32 : vector<16xi32>
    %add3A_34 = arith.constant 48 : i32
    %add3A_35 = vector.broadcast %add3A_34 : i32 to vector<16xi32>
    %add3A_36 = arith.addi %iota3A, %add3A_35 : vector<16xi32>
    %add3A_37 = arith.constant 64 : i32
    %add3A_38 = vector.broadcast %add3A_37 : i32 to vector<16xi32>
    %add3A_39 = arith.addi %iota3A, %add3A_38 : vector<16xi32>
    %add3A_40 = arith.constant 80 : i32
    %add3A_41 = vector.broadcast %add3A_40 : i32 to vector<16xi32>
    %add3A_42 = arith.addi %iota3A, %add3A_41 : vector<16xi32>
    %add3A_43 = arith.constant 96 : i32
    %add3A_44 = vector.broadcast %add3A_43 : i32 to vector<16xi32>
    %add3A_45 = arith.addi %iota3A, %add3A_44 : vector<16xi32>
    %add3A_46 = arith.constant 112 : i32
    %add3A_47 = vector.broadcast %add3A_46 : i32 to vector<16xi32>
    %add3A_48 = arith.addi %iota3A, %add3A_47 : vector<16xi32>
    %mul3A_49 = arith.constant 128 : i32
    %mul3A_50 = arith.muli %add3A, %mul3A_49 : i32
    %dma_start3A = arith.constant 0 : i32
    %dma_start3A_51 = tpu.memref_slice %arg2[%dma_start3A, %mul3A_50] : memref<64x1000000xf32, #tpu.memory_space<hbm>> -> memref<64x128xf32, #tpu.memory_space<hbm>>
    %dma_start3A_52 = arith.constant 0 : i32
    %dma_start3A_53 = tpu.memref_slice %arg2[%dma_start3A_52, %mul3A_50] : memref<64x1000000xf32, #tpu.memory_space<hbm>> -> memref<64x128xf32, #tpu.memory_space<hbm>>
    tpu.enqueue_dma source(%dma_start3A_53 : memref<64x128xf32, #tpu.memory_space<hbm>>) target(%arg5 : memref<64x128xf32, #tpu.memory_space<vmem>>) target_semaphore(%arg9 : memref<!tpu.dma_semaphore, #tpu.memory_space<semaphore_mem>>)
    %scan3A = arith.constant 0 : i32
    %scan3A_54 = arith.constant 0 : i32
    %scan3A_55 = arith.constant 245 : i32
    %scan3A_56 = arith.addi %scan3A_54, %scan3A_55 : i32
    %scan3A_57 = arith.constant 1 : i32
    scf.for %scan3A_72 = %scan3A_54 to %scan3A_56 step %scan3A_57  : i32 {
      %mul3A_73 = arith.constant 32 : i32
      %mul3A_74 = arith.muli %scan3A_72, %mul3A_73 : i32
      %add3A_75 = arith.addi %add3A, %mul3A_74 : i32
      %lt3A = arith.constant 7812 : i32
      %lt3A_76 = arith.cmpi slt, %add3A_75, %lt3A : i32
      %convert_element_type3A_77 = arith.extui %lt3A_76 : i1 to i32
      %cond3A_78 = arith.constant 0 : i32
      %cond3A_79 = arith.cmpi ne, %convert_element_type3A_77, %cond3A_78 : i32
      scf.if %cond3A_79 {
        %jit3A = arith.constant 2 : i32
        %eq3A_80 = arith.constant 0 : i32
        %eq3A_81 = arith.cmpi eq, %jit3A, %eq3A_80 : i32
        %jit3A_82 = arith.constant 1 : i32
        %select_n3A = arith.select %eq3A_81, %jit3A_82, %jit3A : i32
        %rem3A = arith.remsi %scan3A_72, %select_n3A : i32
        %ne3A = arith.constant 0 : i32
        %ne3A_83 = arith.cmpi ne, %rem3A, %ne3A : i32
        %lt3A_84 = arith.constant 0 : i32
        %lt3A_85 = arith.cmpi slt, %rem3A, %lt3A_84 : i32
        %lt3A_86 = arith.constant 0 : i32
        %lt3A_87 = arith.cmpi slt, %select_n3A, %lt3A_86 : i32
        %ne3A_88 = arith.xori %lt3A_85, %lt3A_87 : i1
        %and3A = arith.andi %ne3A_88, %ne3A_83 : i1
        %add3A_89 = arith.addi %rem3A, %select_n3A : i32
        %select_n3A_90 = arith.select %and3A, %add3A_89, %rem3A : i32
        %eq3A_91 = arith.constant 0 : i32
        %eq3A_92 = arith.cmpi eq, %select_n3A_90, %eq3A_91 : i32
        %convert_element_type3A_93 = arith.extui %eq3A_92 : i1 to i32
        %cond3A_94 = arith.constant 0 : i32
        %cond3A_95 = arith.cmpi ne, %convert_element_type3A_93, %cond3A_94 : i32
        scf.if %cond3A_95 {
          %add3A_117 = arith.constant 32 : i32
          %add3A_118 = arith.addi %add3A_75, %add3A_117 : i32
          %lt3A_119 = arith.constant 7812 : i32
          %lt3A_120 = arith.cmpi slt, %add3A_118, %lt3A_119 : i32
          %convert_element_type3A_121 = arith.extui %lt3A_120 : i1 to i32
          %cond3A_122 = arith.constant 0 : i32
          %cond3A_123 = arith.cmpi ne, %convert_element_type3A_121, %cond3A_122 : i32
          scf.if %cond3A_123 {
            %mul3A_142 = arith.constant 128 : i32
            %mul3A_143 = arith.muli %add3A_118, %mul3A_142 : i32
            %dma_start3A_144 = arith.constant 0 : i32
            %dma_start3A_145 = tpu.memref_slice %arg2[%dma_start3A_144, %mul3A_143] : memref<64x1000000xf32, #tpu.memory_space<hbm>> -> memref<64x128xf32, #tpu.memory_space<hbm>>
            %dma_start3A_146 = arith.constant 0 : i32
            %dma_start3A_147 = tpu.memref_slice %arg2[%dma_start3A_146, %mul3A_143] : memref<64x1000000xf32, #tpu.memory_space<hbm>> -> memref<64x128xf32, #tpu.memory_space<hbm>>
            tpu.enqueue_dma source(%dma_start3A_147 : memref<64x128xf32, #tpu.memory_space<hbm>>) target(%arg6 : memref<64x128xf32, #tpu.memory_space<vmem>>) target_semaphore(%arg10 : memref<!tpu.dma_semaphore, #tpu.memory_space<semaphore_mem>>)
          } else {
          }
          %mul3A_124 = arith.constant 128 : i32
          %mul3A_125 = arith.muli %add3A_75, %mul3A_124 : i32
          %dma_wait3A_126 = arith.constant 0 : i32
          %dma_wait3A_127 = tpu.memref_slice %arg2[%dma_wait3A_126, %mul3A_125] : memref<64x1000000xf32, #tpu.memory_space<hbm>> -> memref<64x128xf32, #tpu.memory_space<hbm>>
          %dma_wait3A_128 = arith.constant 0 : i32
          %dma_wait3A_129 = tpu.memref_slice %arg2[%dma_wait3A_128, %mul3A_125] : memref<64x1000000xf32, #tpu.memory_space<hbm>> -> memref<64x128xf32, #tpu.memory_space<hbm>>
          tpu.wait_dma2 semaphore(%arg9 : memref<!tpu.dma_semaphore, #tpu.memory_space<semaphore_mem>>) src(%dma_wait3A_129 : memref<64x128xf32, #tpu.memory_space<hbm>>) dst(%arg5 : memref<64x128xf32, #tpu.memory_space<vmem>>)
          %ge3A = arith.constant 2 : i32
          %ge3A_130 = arith.cmpi sge, %scan3A_72, %ge3A : i32
          %convert_element_type3A_131 = arith.extui %ge3A_130 : i1 to i32
          %cond3A_132 = arith.constant 0 : i32
          %cond3A_133 = arith.cmpi ne, %convert_element_type3A_131, %cond3A_132 : i32
          scf.if %cond3A_133 {
            %mul3A_142 = arith.constant 64 : i32
            %mul3A_143 = arith.muli %add3A_75, %mul3A_142 : i32
            %dma_wait3A_144 = arith.constant 0 : i32
            %dma_wait3A_145 = tpu.memref_slice %arg4[%mul3A_143, %dma_wait3A_144] : memref<500000x128xf32, #tpu.memory_space<hbm>> -> memref<64x128xf32, #tpu.memory_space<hbm>>
            %dma_wait3A_146 = arith.constant 0 : i32
            %dma_wait3A_147 = tpu.memref_slice %arg4[%mul3A_143, %dma_wait3A_146] : memref<500000x128xf32, #tpu.memory_space<hbm>> -> memref<64x128xf32, #tpu.memory_space<hbm>>
            tpu.wait_dma2 semaphore(%arg11 : memref<!tpu.dma_semaphore, #tpu.memory_space<semaphore_mem>>) src(%arg7 : memref<64x128xf32, #tpu.memory_space<vmem>>) dst(%dma_wait3A_147 : memref<64x128xf32, #tpu.memory_space<hbm>>)
          } else {
          }
          %parallel_loop3A = arith.constant 0 : i32
          %parallel_loop3A_134 = arith.constant 64 : i32
          %parallel_loop3A_135 = arith.constant 1 : i32
          scf.for %parallel_loop3A_142 = %parallel_loop3A to %parallel_loop3A_134 step %parallel_loop3A_135  : i32 {
            %parallel_loop3A_143 = vector.broadcast %parallel_loop3A_142 : i32 to vector<16xi32>
            %parallel_loop3A_144 = arith.addi %parallel_loop3A_143, %iota3A : vector<16xi32>
            %parallel_loop3A_145 = arith.constant 63 : i32
            %parallel_loop3A_146 = vector.broadcast %parallel_loop3A_145 : i32 to vector<16xi32>
            %parallel_loop3A_147 = arith.andi %parallel_loop3A_144, %parallel_loop3A_146 : vector<16xi32>
            %parallel_loop3A_148 = arith.addi %parallel_loop3A_147, %parallel_loop3A_147 : vector<16xi32>
            %parallel_loop3A_149 = arith.constant 1 : i32
            %parallel_loop3A_150 = vector.broadcast %parallel_loop3A_149 : i32 to vector<16xi32>
            %parallel_loop3A_151 = arith.addi %parallel_loop3A_148, %parallel_loop3A_150 : vector<16xi32>
            %parallel_loop3A_152 = tpu.vector_load_idx %arg5[%add3A_3, %parallel_loop3A_148] : memref<64x128xf32, #tpu.memory_space<vmem>>[vector<16xi32>, vector<16xi32>], vector<16xf32>,
            tpu.vector_store_idx %arg7[%parallel_loop3A_147, %add3A_27], %parallel_loop3A_152 : memref<64x128xf32, #tpu.memory_space<vmem>>[vector<16xi32>, vector<16xi32>], vector<16xf32>,
            %parallel_loop3A_153 = tpu.vector_load_idx %arg5[%add3A_6, %parallel_loop3A_148] : memref<64x128xf32, #tpu.memory_space<vmem>>[vector<16xi32>, vector<16xi32>], vector<16xf32>,
            tpu.vector_store_idx %arg7[%parallel_loop3A_147, %add3A_30], %parallel_loop3A_153 : memref<64x128xf32, #tpu.memory_space<vmem>>[vector<16xi32>, vector<16xi32>], vector<16xf32>,
            %parallel_loop3A_154 = tpu.vector_load_idx %arg5[%add3A_9, %parallel_loop3A_148] : memref<64x128xf32, #tpu.memory_space<vmem>>[vector<16xi32>, vector<16xi32>], vector<16xf32>,
            tpu.vector_store_idx %arg7[%parallel_loop3A_147, %add3A_33], %parallel_loop3A_154 : memref<64x128xf32, #tpu.memory_space<vmem>>[vector<16xi32>, vector<16xi32>], vector<16xf32>,
            %parallel_loop3A_155 = tpu.vector_load_idx %arg5[%add3A_12, %parallel_loop3A_148] : memref<64x128xf32, #tpu.memory_space<vmem>>[vector<16xi32>, vector<16xi32>], vector<16xf32>,
            tpu.vector_store_idx %arg7[%parallel_loop3A_147, %add3A_36], %parallel_loop3A_155 : memref<64x128xf32, #tpu.memory_space<vmem>>[vector<16xi32>, vector<16xi32>], vector<16xf32>,
            %parallel_loop3A_156 = tpu.vector_load_idx %arg5[%add3A_15, %parallel_loop3A_151] : memref<64x128xf32, #tpu.memory_space<vmem>>[vector<16xi32>, vector<16xi32>], vector<16xf32>,
            tpu.vector_store_idx %arg7[%parallel_loop3A_147, %add3A_39], %parallel_loop3A_156 : memref<64x128xf32, #tpu.memory_space<vmem>>[vector<16xi32>, vector<16xi32>], vector<16xf32>,
            %parallel_loop3A_157 = tpu.vector_load_idx %arg5[%add3A_18, %parallel_loop3A_151] : memref<64x128xf32, #tpu.memory_space<vmem>>[vector<16xi32>, vector<16xi32>], vector<16xf32>,
            tpu.vector_store_idx %arg7[%parallel_loop3A_147, %add3A_42], %parallel_loop3A_157 : memref<64x128xf32, #tpu.memory_space<vmem>>[vector<16xi32>, vector<16xi32>], vector<16xf32>,
            %parallel_loop3A_158 = tpu.vector_load_idx %arg5[%add3A_21, %parallel_loop3A_151] : memref<64x128xf32, #tpu.memory_space<vmem>>[vector<16xi32>, vector<16xi32>], vector<16xf32>,
            tpu.vector_store_idx %arg7[%parallel_loop3A_147, %add3A_45], %parallel_loop3A_158 : memref<64x128xf32, #tpu.memory_space<vmem>>[vector<16xi32>, vector<16xi32>], vector<16xf32>,
            %parallel_loop3A_159 = tpu.vector_load_idx %arg5[%add3A_24, %parallel_loop3A_151] : memref<64x128xf32, #tpu.memory_space<vmem>>[vector<16xi32>, vector<16xi32>], vector<16xf32>,
            tpu.vector_store_idx %arg7[%parallel_loop3A_147, %add3A_48], %parallel_loop3A_159 : memref<64x128xf32, #tpu.memory_space<vmem>>[vector<16xi32>, vector<16xi32>], vector<16xf32>,
          } {sc.loop_unroll_factor = 4 : i64, sc.parallel_access}
          %mul3A_136 = arith.constant 64 : i32
          %mul3A_137 = arith.muli %add3A_75, %mul3A_136 : i32
          %dma_start3A_138 = arith.constant 0 : i32
          %dma_start3A_139 = tpu.memref_slice %arg4[%mul3A_137, %dma_start3A_138] : memref<500000x128xf32, #tpu.memory_space<hbm>> -> memref<64x128xf32, #tpu.memory_space<hbm>>
          %dma_start3A_140 = arith.constant 0 : i32
          %dma_start3A_141 = tpu.memref_slice %arg4[%mul3A_137, %dma_start3A_140] : memref<500000x128xf32, #tpu.memory_space<hbm>> -> memref<64x128xf32, #tpu.memory_space<hbm>>
          tpu.enqueue_dma source(%arg7 : memref<64x128xf32, #tpu.memory_space<vmem>>) target(%dma_start3A_141 : memref<64x128xf32, #tpu.memory_space<hbm>>) target_semaphore(%arg11 : memref<!tpu.dma_semaphore, #tpu.memory_space<semaphore_mem>>)
        } else {
        }
        %jit3A_96 = arith.constant 2 : i32
        %eq3A_97 = arith.constant 0 : i32
        %eq3A_98 = arith.cmpi eq, %jit3A_96, %eq3A_97 : i32
        %jit3A_99 = arith.constant 1 : i32
        %select_n3A_100 = arith.select %eq3A_98, %jit3A_99, %jit3A_96 : i32
        %rem3A_101 = arith.remsi %scan3A_72, %select_n3A_100 : i32
        %ne3A_102 = arith.constant 0 : i32
        %ne3A_103 = arith.cmpi ne, %rem3A_101, %ne3A_102 : i32
        %lt3A_104 = arith.constant 0 : i32
        %lt3A_105 = arith.cmpi slt, %rem3A_101, %lt3A_104 : i32
        %lt3A_106 = arith.constant 0 : i32
        %lt3A_107 = arith.cmpi slt, %select_n3A_100, %lt3A_106 : i32
        %ne3A_108 = arith.xori %lt3A_105, %lt3A_107 : i1
        %and3A_109 = arith.andi %ne3A_108, %ne3A_103 : i1
        %add3A_110 = arith.addi %rem3A_101, %select_n3A_100 : i32
        %select_n3A_111 = arith.select %and3A_109, %add3A_110, %rem3A_101 : i32
        %eq3A_112 = arith.constant 1 : i32
        %eq3A_113 = arith.cmpi eq, %select_n3A_111, %eq3A_112 : i32
        %convert_element_type3A_114 = arith.extui %eq3A_113 : i1 to i32
        %cond3A_115 = arith.constant 0 : i32
        %cond3A_116 = arith.cmpi ne, %convert_element_type3A_114, %cond3A_115 : i32
        scf.if %cond3A_116 {
          %add3A_117 = arith.constant 32 : i32
          %add3A_118 = arith.addi %add3A_75, %add3A_117 : i32
          %lt3A_119 = arith.constant 7812 : i32
          %lt3A_120 = arith.cmpi slt, %add3A_118, %lt3A_119 : i32
          %convert_element_type3A_121 = arith.extui %lt3A_120 : i1 to i32
          %cond3A_122 = arith.constant 0 : i32
          %cond3A_123 = arith.cmpi ne, %convert_element_type3A_121, %cond3A_122 : i32
          scf.if %cond3A_123 {
            %mul3A_142 = arith.constant 128 : i32
            %mul3A_143 = arith.muli %add3A_118, %mul3A_142 : i32
            %dma_start3A_144 = arith.constant 0 : i32
            %dma_start3A_145 = tpu.memref_slice %arg2[%dma_start3A_144, %mul3A_143] : memref<64x1000000xf32, #tpu.memory_space<hbm>> -> memref<64x128xf32, #tpu.memory_space<hbm>>
            %dma_start3A_146 = arith.constant 0 : i32
            %dma_start3A_147 = tpu.memref_slice %arg2[%dma_start3A_146, %mul3A_143] : memref<64x1000000xf32, #tpu.memory_space<hbm>> -> memref<64x128xf32, #tpu.memory_space<hbm>>
            tpu.enqueue_dma source(%dma_start3A_147 : memref<64x128xf32, #tpu.memory_space<hbm>>) target(%arg5 : memref<64x128xf32, #tpu.memory_space<vmem>>) target_semaphore(%arg9 : memref<!tpu.dma_semaphore, #tpu.memory_space<semaphore_mem>>)
          } else {
          }
          %mul3A_124 = arith.constant 128 : i32
          %mul3A_125 = arith.muli %add3A_75, %mul3A_124 : i32
          %dma_wait3A_126 = arith.constant 0 : i32
          %dma_wait3A_127 = tpu.memref_slice %arg2[%dma_wait3A_126, %mul3A_125] : memref<64x1000000xf32, #tpu.memory_space<hbm>> -> memref<64x128xf32, #tpu.memory_space<hbm>>
          %dma_wait3A_128 = arith.constant 0 : i32
          %dma_wait3A_129 = tpu.memref_slice %arg2[%dma_wait3A_128, %mul3A_125] : memref<64x1000000xf32, #tpu.memory_space<hbm>> -> memref<64x128xf32, #tpu.memory_space<hbm>>
          tpu.wait_dma2 semaphore(%arg10 : memref<!tpu.dma_semaphore, #tpu.memory_space<semaphore_mem>>) src(%dma_wait3A_129 : memref<64x128xf32, #tpu.memory_space<hbm>>) dst(%arg6 : memref<64x128xf32, #tpu.memory_space<vmem>>)
          %ge3A = arith.constant 2 : i32
          %ge3A_130 = arith.cmpi sge, %scan3A_72, %ge3A : i32
          %convert_element_type3A_131 = arith.extui %ge3A_130 : i1 to i32
          %cond3A_132 = arith.constant 0 : i32
          %cond3A_133 = arith.cmpi ne, %convert_element_type3A_131, %cond3A_132 : i32
          scf.if %cond3A_133 {
            %mul3A_142 = arith.constant 64 : i32
            %mul3A_143 = arith.muli %add3A_75, %mul3A_142 : i32
            %dma_wait3A_144 = arith.constant 0 : i32
            %dma_wait3A_145 = tpu.memref_slice %arg4[%mul3A_143, %dma_wait3A_144] : memref<500000x128xf32, #tpu.memory_space<hbm>> -> memref<64x128xf32, #tpu.memory_space<hbm>>
            %dma_wait3A_146 = arith.constant 0 : i32
            %dma_wait3A_147 = tpu.memref_slice %arg4[%mul3A_143, %dma_wait3A_146] : memref<500000x128xf32, #tpu.memory_space<hbm>> -> memref<64x128xf32, #tpu.memory_space<hbm>>
            tpu.wait_dma2 semaphore(%arg12 : memref<!tpu.dma_semaphore, #tpu.memory_space<semaphore_mem>>) src(%arg8 : memref<64x128xf32, #tpu.memory_space<vmem>>) dst(%dma_wait3A_147 : memref<64x128xf32, #tpu.memory_space<hbm>>)
          } else {
          }
          %parallel_loop3A = arith.constant 0 : i32
          %parallel_loop3A_134 = arith.constant 64 : i32
          %parallel_loop3A_135 = arith.constant 1 : i32
          scf.for %parallel_loop3A_142 = %parallel_loop3A to %parallel_loop3A_134 step %parallel_loop3A_135  : i32 {
            %parallel_loop3A_143 = vector.broadcast %parallel_loop3A_142 : i32 to vector<16xi32>
            %parallel_loop3A_144 = arith.addi %parallel_loop3A_143, %iota3A : vector<16xi32>
            %parallel_loop3A_145 = arith.constant 63 : i32
            %parallel_loop3A_146 = vector.broadcast %parallel_loop3A_145 : i32 to vector<16xi32>
            %parallel_loop3A_147 = arith.andi %parallel_loop3A_144, %parallel_loop3A_146 : vector<16xi32>
            %parallel_loop3A_148 = arith.addi %parallel_loop3A_147, %parallel_loop3A_147 : vector<16xi32>
            %parallel_loop3A_149 = arith.constant 1 : i32
            %parallel_loop3A_150 = vector.broadcast %parallel_loop3A_149 : i32 to vector<16xi32>
            %parallel_loop3A_151 = arith.addi %parallel_loop3A_148, %parallel_loop3A_150 : vector<16xi32>
            %parallel_loop3A_152 = tpu.vector_load_idx %arg6[%add3A_3, %parallel_loop3A_148] : memref<64x128xf32, #tpu.memory_space<vmem>>[vector<16xi32>, vector<16xi32>], vector<16xf32>,
            tpu.vector_store_idx %arg8[%parallel_loop3A_147, %add3A_27], %parallel_loop3A_152 : memref<64x128xf32, #tpu.memory_space<vmem>>[vector<16xi32>, vector<16xi32>], vector<16xf32>,
            %parallel_loop3A_153 = tpu.vector_load_idx %arg6[%add3A_6, %parallel_loop3A_148] : memref<64x128xf32, #tpu.memory_space<vmem>>[vector<16xi32>, vector<16xi32>], vector<16xf32>,
            tpu.vector_store_idx %arg8[%parallel_loop3A_147, %add3A_30], %parallel_loop3A_153 : memref<64x128xf32, #tpu.memory_space<vmem>>[vector<16xi32>, vector<16xi32>], vector<16xf32>,
            %parallel_loop3A_154 = tpu.vector_load_idx %arg6[%add3A_9, %parallel_loop3A_148] : memref<64x128xf32, #tpu.memory_space<vmem>>[vector<16xi32>, vector<16xi32>], vector<16xf32>,
            tpu.vector_store_idx %arg8[%parallel_loop3A_147, %add3A_33], %parallel_loop3A_154 : memref<64x128xf32, #tpu.memory_space<vmem>>[vector<16xi32>, vector<16xi32>], vector<16xf32>,
            %parallel_loop3A_155 = tpu.vector_load_idx %arg6[%add3A_12, %parallel_loop3A_148] : memref<64x128xf32, #tpu.memory_space<vmem>>[vector<16xi32>, vector<16xi32>], vector<16xf32>,
            tpu.vector_store_idx %arg8[%parallel_loop3A_147, %add3A_36], %parallel_loop3A_155 : memref<64x128xf32, #tpu.memory_space<vmem>>[vector<16xi32>, vector<16xi32>], vector<16xf32>,
            %parallel_loop3A_156 = tpu.vector_load_idx %arg6[%add3A_15, %parallel_loop3A_151] : memref<64x128xf32, #tpu.memory_space<vmem>>[vector<16xi32>, vector<16xi32>], vector<16xf32>,
            tpu.vector_store_idx %arg8[%parallel_loop3A_147, %add3A_39], %parallel_loop3A_156 : memref<64x128xf32, #tpu.memory_space<vmem>>[vector<16xi32>, vector<16xi32>], vector<16xf32>,
            %parallel_loop3A_157 = tpu.vector_load_idx %arg6[%add3A_18, %parallel_loop3A_151] : memref<64x128xf32, #tpu.memory_space<vmem>>[vector<16xi32>, vector<16xi32>], vector<16xf32>,
            tpu.vector_store_idx %arg8[%parallel_loop3A_147, %add3A_42], %parallel_loop3A_157 : memref<64x128xf32, #tpu.memory_space<vmem>>[vector<16xi32>, vector<16xi32>], vector<16xf32>,
            %parallel_loop3A_158 = tpu.vector_load_idx %arg6[%add3A_21, %parallel_loop3A_151] : memref<64x128xf32, #tpu.memory_space<vmem>>[vector<16xi32>, vector<16xi32>], vector<16xf32>,
            tpu.vector_store_idx %arg8[%parallel_loop3A_147, %add3A_45], %parallel_loop3A_158 : memref<64x128xf32, #tpu.memory_space<vmem>>[vector<16xi32>, vector<16xi32>], vector<16xf32>,
            %parallel_loop3A_159 = tpu.vector_load_idx %arg6[%add3A_24, %parallel_loop3A_151] : memref<64x128xf32, #tpu.memory_space<vmem>>[vector<16xi32>, vector<16xi32>], vector<16xf32>,
            tpu.vector_store_idx %arg8[%parallel_loop3A_147, %add3A_48], %parallel_loop3A_159 : memref<64x128xf32, #tpu.memory_space<vmem>>[vector<16xi32>, vector<16xi32>], vector<16xf32>,
          } {sc.loop_unroll_factor = 4 : i64, sc.parallel_access}
          %mul3A_136 = arith.constant 64 : i32
          %mul3A_137 = arith.muli %add3A_75, %mul3A_136 : i32
          %dma_start3A_138 = arith.constant 0 : i32
          %dma_start3A_139 = tpu.memref_slice %arg4[%mul3A_137, %dma_start3A_138] : memref<500000x128xf32, #tpu.memory_space<hbm>> -> memref<64x128xf32, #tpu.memory_space<hbm>>
          %dma_start3A_140 = arith.constant 0 : i32
          %dma_start3A_141 = tpu.memref_slice %arg4[%mul3A_137, %dma_start3A_140] : memref<500000x128xf32, #tpu.memory_space<hbm>> -> memref<64x128xf32, #tpu.memory_space<hbm>>
          tpu.enqueue_dma source(%arg8 : memref<64x128xf32, #tpu.memory_space<vmem>>) target(%dma_start3A_141 : memref<64x128xf32, #tpu.memory_space<hbm>>) target_semaphore(%arg12 : memref<!tpu.dma_semaphore, #tpu.memory_space<semaphore_mem>>)
        } else {
        }
      } else {
      }
    }
    %scan3A_58 = arith.constant 245 : i32
    %dma_wait3A = arith.constant 0 : i32
    %dma_wait3A_59 = arith.constant 0 : i32
    %dma_wait3A_60 = tpu.memref_slice %arg4[%dma_wait3A, %dma_wait3A_59] : memref<500000x128xf32, #tpu.memory_space<hbm>> -> memref<64x128xf32, #tpu.memory_space<hbm>>
    %dma_wait3A_61 = arith.constant 0 : i32
    %dma_wait3A_62 = arith.constant 0 : i32
    %dma_wait3A_63 = tpu.memref_slice %arg4[%dma_wait3A_61, %dma_wait3A_62] : memref<500000x128xf32, #tpu.memory_space<hbm>> -> memref<64x128xf32, #tpu.memory_space<hbm>>
    tpu.wait_dma2 semaphore(%arg11 : memref<!tpu.dma_semaphore, #tpu.memory_space<semaphore_mem>>) src(%arg7 : memref<64x128xf32, #tpu.memory_space<vmem>>) dst(%dma_wait3A_63 : memref<64x128xf32, #tpu.memory_space<hbm>>)
    %dma_wait3A_64 = arith.constant 0 : i32
    %dma_wait3A_65 = arith.constant 0 : i32
    %dma_wait3A_66 = tpu.memref_slice %arg4[%dma_wait3A_64, %dma_wait3A_65] : memref<500000x128xf32, #tpu.memory_space<hbm>> -> memref<64x128xf32, #tpu.memory_space<hbm>>
    %dma_wait3A_67 = arith.constant 0 : i32
    %dma_wait3A_68 = arith.constant 0 : i32
    %dma_wait3A_69 = tpu.memref_slice %arg4[%dma_wait3A_67, %dma_wait3A_68] : memref<500000x128xf32, #tpu.memory_space<hbm>> -> memref<64x128xf32, #tpu.memory_space<hbm>>
    tpu.wait_dma2 semaphore(%arg12 : memref<!tpu.dma_semaphore, #tpu.memory_space<semaphore_mem>>) src(%arg8 : memref<64x128xf32, #tpu.memory_space<vmem>>) dst(%dma_wait3A_69 : memref<64x128xf32, #tpu.memory_space<hbm>>)
    %eq3A = arith.constant 0 : i32
    %eq3A_70 = arith.cmpi eq, %add3A, %eq3A : i32
    %convert_element_type3A = arith.extui %eq3A_70 : i1 to i32
    %cond3A = arith.constant 0 : i32
    %cond3A_71 = arith.cmpi ne, %convert_element_type3A, %cond3A : i32
    scf.if %cond3A_71 {
      "tpu.region"() ({
        %run_scoped3A = tpu.sem_alloc : memref<!tpu.dma_semaphore, #tpu.memory_space<semaphore_mem>>
        %dma_start3A_72 = arith.constant 0 : i32
        %dma_start3A_73 = arith.constant 0 : i32
        %dma_start3A_74 = tpu.memref_slice %arg7[%dma_start3A_72, %dma_start3A_73] : memref<64x128xf32, #tpu.memory_space<vmem>> -> memref<32x128xf32, #tpu.memory_space<vmem>>
        %dma_start3A_75 = arith.constant 0 : i32
        %dma_start3A_76 = arith.constant 0 : i32
        %dma_start3A_77 = tpu.memref_slice %arg7[%dma_start3A_75, %dma_start3A_76] : memref<64x128xf32, #tpu.memory_space<vmem>> -> memref<32x128xf32, #tpu.memory_space<vmem>>
        tpu.enqueue_dma source(%arg3 : memref<32x128xf32, #tpu.memory_space<hbm>>) target(%dma_start3A_77 : memref<32x128xf32, #tpu.memory_space<vmem>>) target_semaphore(%run_scoped3A : memref<!tpu.dma_semaphore, #tpu.memory_space<semaphore_mem>>)
        %dma_wait3A_78 = arith.constant 0 : i32
        %dma_wait3A_79 = arith.constant 0 : i32
        %dma_wait3A_80 = tpu.memref_slice %arg7[%dma_wait3A_78, %dma_wait3A_79] : memref<64x128xf32, #tpu.memory_space<vmem>> -> memref<32x128xf32, #tpu.memory_space<vmem>>
        %dma_wait3A_81 = arith.constant 0 : i32
        %dma_wait3A_82 = arith.constant 0 : i32
        %dma_wait3A_83 = tpu.memref_slice %arg7[%dma_wait3A_81, %dma_wait3A_82] : memref<64x128xf32, #tpu.memory_space<vmem>> -> memref<32x128xf32, #tpu.memory_space<vmem>>
        tpu.wait_dma2 semaphore(%run_scoped3A : memref<!tpu.dma_semaphore, #tpu.memory_space<semaphore_mem>>) src(%arg3 : memref<32x128xf32, #tpu.memory_space<hbm>>) dst(%dma_wait3A_83 : memref<32x128xf32, #tpu.memory_space<vmem>>)
        tpu.yield
      }) : () -> ()
      "tpu.region"() ({
        %run_scoped3A = tpu.sem_alloc : memref<!tpu.dma_semaphore, #tpu.memory_space<semaphore_mem>>
        %dma_start3A_72 = arith.constant 0 : i32
        %dma_start3A_73 = arith.constant 0 : i32
        %dma_start3A_74 = tpu.memref_slice %arg7[%dma_start3A_72, %dma_start3A_73] : memref<64x128xf32, #tpu.memory_space<vmem>> -> memref<32x128xf32, #tpu.memory_space<vmem>>
        %dma_start3A_75 = arith.constant 499968 : i32
        %dma_start3A_76 = arith.constant 0 : i32
        %dma_start3A_77 = tpu.memref_slice %arg4[%dma_start3A_75, %dma_start3A_76] : memref<500000x128xf32, #tpu.memory_space<hbm>> -> memref<32x128xf32, #tpu.memory_space<hbm>>
        %dma_start3A_78 = arith.constant 499968 : i32
        %dma_start3A_79 = arith.constant 0 : i32
        %dma_start3A_80 = tpu.memref_slice %arg4[%dma_start3A_78, %dma_start3A_79] : memref<500000x128xf32, #tpu.memory_space<hbm>> -> memref<32x128xf32, #tpu.memory_space<hbm>>
        %dma_start3A_81 = arith.constant 0 : i32
        %dma_start3A_82 = arith.constant 0 : i32
        %dma_start3A_83 = tpu.memref_slice %arg7[%dma_start3A_81, %dma_start3A_82] : memref<64x128xf32, #tpu.memory_space<vmem>> -> memref<32x128xf32, #tpu.memory_space<vmem>>
        tpu.enqueue_dma source(%dma_start3A_83 : memref<32x128xf32, #tpu.memory_space<vmem>>) target(%dma_start3A_80 : memref<32x128xf32, #tpu.memory_space<hbm>>) target_semaphore(%run_scoped3A : memref<!tpu.dma_semaphore, #tpu.memory_space<semaphore_mem>>)
        %dma_wait3A_84 = arith.constant 0 : i32
        %dma_wait3A_85 = arith.constant 0 : i32
        %dma_wait3A_86 = tpu.memref_slice %arg7[%dma_wait3A_84, %dma_wait3A_85] : memref<64x128xf32, #tpu.memory_space<vmem>> -> memref<32x128xf32, #tpu.memory_space<vmem>>
        %dma_wait3A_87 = arith.constant 499968 : i32
        %dma_wait3A_88 = arith.constant 0 : i32
        %dma_wait3A_89 = tpu.memref_slice %arg4[%dma_wait3A_87, %dma_wait3A_88] : memref<500000x128xf32, #tpu.memory_space<hbm>> -> memref<32x128xf32, #tpu.memory_space<hbm>>
        %dma_wait3A_90 = arith.constant 499968 : i32
        %dma_wait3A_91 = arith.constant 0 : i32
        %dma_wait3A_92 = tpu.memref_slice %arg4[%dma_wait3A_90, %dma_wait3A_91] : memref<500000x128xf32, #tpu.memory_space<hbm>> -> memref<32x128xf32, #tpu.memory_space<hbm>>
        %dma_wait3A_93 = arith.constant 0 : i32
        %dma_wait3A_94 = arith.constant 0 : i32
        %dma_wait3A_95 = tpu.memref_slice %arg7[%dma_wait3A_93, %dma_wait3A_94] : memref<64x128xf32, #tpu.memory_space<vmem>> -> memref<32x128xf32, #tpu.memory_space<vmem>>
        tpu.wait_dma2 semaphore(%run_scoped3A : memref<!tpu.dma_semaphore, #tpu.memory_space<semaphore_mem>>) src(%dma_wait3A_95 : memref<32x128xf32, #tpu.memory_space<vmem>>) dst(%dma_wait3A_92 : memref<32x128xf32, #tpu.memory_space<hbm>>)
        tpu.yield
      }) : () -> ()
    } else {
    }
    return
  }
}

#map = affine_map<(d0, d1) -> (0)>
#map1 = affine_map<(d0, d1) -> (0, 0)>
#map2 = affine_map<(d0, d1) -> (0, 0, 0)>
module attributes {stable_mosaic.version = 14 : i64} {
  func.func @lookup_kernel(%arg0: i32, %arg1: i32, %arg2: memref<819200xi32, #tpu.memory_space<hbm>>, %arg3: memref<500000x128xf32, #tpu.memory_space<hbm>>, %arg4: memref<200x64x4096xf32, #tpu.memory_space<hbm>>, %arg5: memref<25600xi32, #tpu.memory_space<vmem>>, %arg6: memref<25600xi32, #tpu.memory_space<vmem>>, %arg7: memref<128x128xf32, #tpu.memory_space<vmem>>, %arg8: memref<128x128xf32, #tpu.memory_space<vmem>>, %arg9: memref<128x128xf32, #tpu.memory_space<vmem>>, %arg10: memref<64x128xf32, #tpu.memory_space<vmem>>, %arg11: memref<64x128xf32, #tpu.memory_space<vmem>>, %arg12: memref<!tpu.dma_semaphore, #tpu.memory_space<semaphore_mem>>, %arg13: memref<!tpu.dma_semaphore, #tpu.memory_space<semaphore_mem>>, %arg14: memref<!tpu.dma_semaphore, #tpu.memory_space<semaphore_mem>>, %arg15: memref<!tpu.dma_semaphore, #tpu.memory_space<semaphore_mem>>, %arg16: memref<!tpu.dma_semaphore, #tpu.memory_space<semaphore_mem>>) attributes {dimension_semantics = [#tpu.dimension_semantics<core_parallel>, #tpu.dimension_semantics<subcore_parallel>], iteration_bounds = array<i64: 2, 16>, scalar_prefetch = 0 : i64, scratch_operands = 12 : i64, tpu.core_type = #tpu.core_type<sc_vector_subcore>, window_params = [{transform_indices = #map}, {transform_indices = #map1}, {transform_indices = #map2}]} {
    %mul3A = arith.constant 2 : i32
    %mul3A_0 = arith.muli %arg1, %mul3A : i32
    %add3A = arith.addi %mul3A_0, %arg0 : i32
    %mul3A_1 = arith.constant 25600 : i32
    %mul3A_2 = arith.muli %add3A, %mul3A_1 : i32
    "tpu.region"() ({
      %run_scoped3A = tpu.sem_alloc : memref<!tpu.dma_semaphore, #tpu.memory_space<semaphore_mem>>
      %dma_start3A_140 = tpu.memref_slice %arg2[%mul3A_2] : memref<819200xi32, #tpu.memory_space<hbm>> -> memref<25600xi32, #tpu.memory_space<hbm>>
      %dma_start3A_141 = tpu.memref_slice %arg2[%mul3A_2] : memref<819200xi32, #tpu.memory_space<hbm>> -> memref<25600xi32, #tpu.memory_space<hbm>>
      tpu.enqueue_dma source(%dma_start3A_141 : memref<25600xi32, #tpu.memory_space<hbm>>) target(%arg5 : memref<25600xi32, #tpu.memory_space<vmem>>) target_semaphore(%run_scoped3A : memref<!tpu.dma_semaphore, #tpu.memory_space<semaphore_mem>>)
      %dma_wait3A_142 = tpu.memref_slice %arg2[%mul3A_2] : memref<819200xi32, #tpu.memory_space<hbm>> -> memref<25600xi32, #tpu.memory_space<hbm>>
      %dma_wait3A_143 = tpu.memref_slice %arg2[%mul3A_2] : memref<819200xi32, #tpu.memory_space<hbm>> -> memref<25600xi32, #tpu.memory_space<hbm>>
      tpu.wait_dma2 semaphore(%run_scoped3A : memref<!tpu.dma_semaphore, #tpu.memory_space<semaphore_mem>>) src(%dma_wait3A_143 : memref<25600xi32, #tpu.memory_space<hbm>>) dst(%arg5 : memref<25600xi32, #tpu.memory_space<vmem>>)
      tpu.yield
    }) : () -> ()
    %scan3A = arith.constant 0 : i32
    %scan3A_3 = arith.constant 0 : i32
    %scan3A_4 = arith.constant 1600 : i32
    %scan3A_5 = arith.addi %scan3A_3, %scan3A_4 : i32
    %scan3A_6 = arith.constant 1 : i32
    scf.for %scan3A_140 = %scan3A_3 to %scan3A_5 step %scan3A_6  : i32 {
      %mul3A_141 = arith.constant 16 : i32
      %mul3A_142 = arith.muli %scan3A_140, %mul3A_141 : i32
      %get3A = arith.index_cast %mul3A_142 : i32 to index
      %get3A_143 = tpu.vector_load %arg5[%get3A] {strides = array<i32>} : memref<25600xi32, #tpu.memory_space<vmem>>, vector<16xi32>,
      %shift_right_logical3A = arith.constant 1 : i32
      %shift_right_logical3A_144 = vector.broadcast %shift_right_logical3A : i32 to vector<16xi32>
      %shift_right_logical3A_145 = arith.shrui %get3A_143, %shift_right_logical3A_144 : vector<16xi32>
      %mul3A_146 = arith.constant 16 : i32
      %mul3A_147 = arith.muli %scan3A_140, %mul3A_146 : i32
      %swap3A = arith.index_cast %mul3A_147 : i32 to index
      %swap3A_148 = tpu.vector_load %arg6[%swap3A] {strides = array<i32>} : memref<25600xi32, #tpu.memory_space<vmem>>, vector<16xi32>,
      tpu.vector_store %arg6[%swap3A], %shift_right_logical3A_145 {strides = array<i32>} : memref<25600xi32, #tpu.memory_space<vmem>>, vector<16xi32>,
    }
    %scan3A_7 = arith.constant 1600 : i32
    %dma_start3A = arith.constant 0 : i32
    %dma_start3A_8 = tpu.memref_slice %arg6[%dma_start3A] : memref<25600xi32, #tpu.memory_space<vmem>> -> memref<128xi32, #tpu.memory_space<vmem>>
    %dma_start3A_9 = arith.constant 0 : i32
    %dma_start3A_10 = arith.constant 0 : i32
    %dma_start3A_11 = tpu.memref_slice %arg3[%dma_start3A_9, %dma_start3A_10] : memref<500000x128xf32, #tpu.memory_space<hbm>> -> memref<500000x128xf32, #tpu.memory_space<hbm>>
    tpu.enqueue_indirect_dma source(%dma_start3A_11 : memref<500000x128xf32, #tpu.memory_space<hbm>>) target(%arg7 : memref<128x128xf32, #tpu.memory_space<vmem>>) offsets(%dma_start3A_8 : memref<128xi32, #tpu.memory_space<vmem>>) semaphore(%arg12 : memref<!tpu.dma_semaphore, #tpu.memory_space<semaphore_mem>>)
    %dma_start3A_12 = arith.constant 128 : i32
    %dma_start3A_13 = tpu.memref_slice %arg6[%dma_start3A_12] : memref<25600xi32, #tpu.memory_space<vmem>> -> memref<128xi32, #tpu.memory_space<vmem>>
    %dma_start3A_14 = arith.constant 0 : i32
    %dma_start3A_15 = arith.constant 0 : i32
    %dma_start3A_16 = tpu.memref_slice %arg3[%dma_start3A_14, %dma_start3A_15] : memref<500000x128xf32, #tpu.memory_space<hbm>> -> memref<500000x128xf32, #tpu.memory_space<hbm>>
    tpu.enqueue_indirect_dma source(%dma_start3A_16 : memref<500000x128xf32, #tpu.memory_space<hbm>>) target(%arg8 : memref<128x128xf32, #tpu.memory_space<vmem>>) offsets(%dma_start3A_13 : memref<128xi32, #tpu.memory_space<vmem>>) semaphore(%arg13 : memref<!tpu.dma_semaphore, #tpu.memory_space<semaphore_mem>>)
    %iota3A = tpu.iota {dimensions = array<i32: 0>} : vector<16xi32>
    %add3A_17 = arith.constant 0 : i32
    %add3A_18 = vector.broadcast %add3A_17 : i32 to vector<16xi32>
    %add3A_19 = arith.addi %iota3A, %add3A_18 : vector<16xi32>
    %add3A_20 = arith.constant 16 : i32
    %add3A_21 = vector.broadcast %add3A_20 : i32 to vector<16xi32>
    %add3A_22 = arith.addi %iota3A, %add3A_21 : vector<16xi32>
    %add3A_23 = arith.constant 32 : i32
    %add3A_24 = vector.broadcast %add3A_23 : i32 to vector<16xi32>
    %add3A_25 = arith.addi %iota3A, %add3A_24 : vector<16xi32>
    %add3A_26 = arith.constant 48 : i32
    %add3A_27 = vector.broadcast %add3A_26 : i32 to vector<16xi32>
    %add3A_28 = arith.addi %iota3A, %add3A_27 : vector<16xi32>
    %add3A_29 = arith.constant 64 : i32
    %add3A_30 = vector.broadcast %add3A_29 : i32 to vector<16xi32>
    %add3A_31 = arith.addi %iota3A, %add3A_30 : vector<16xi32>
    %add3A_32 = arith.constant 80 : i32
    %add3A_33 = vector.broadcast %add3A_32 : i32 to vector<16xi32>
    %add3A_34 = arith.addi %iota3A, %add3A_33 : vector<16xi32>
    %add3A_35 = arith.constant 96 : i32
    %add3A_36 = vector.broadcast %add3A_35 : i32 to vector<16xi32>
    %add3A_37 = arith.addi %iota3A, %add3A_36 : vector<16xi32>
    %add3A_38 = arith.constant 112 : i32
    %add3A_39 = vector.broadcast %add3A_38 : i32 to vector<16xi32>
    %add3A_40 = arith.addi %iota3A, %add3A_39 : vector<16xi32>
    %scan3A_41 = arith.constant 0 : i32
    %scan3A_42 = arith.constant 0 : i32
    %scan3A_43 = arith.constant 200 : i32
    %scan3A_44 = arith.addi %scan3A_42, %scan3A_43 : i32
    %scan3A_45 = arith.constant 1 : i32
    scf.for %scan3A_140 = %scan3A_42 to %scan3A_44 step %scan3A_45  : i32 {
      %jit3A_141 = arith.constant 3 : i32
      %eq3A_142 = arith.constant 0 : i32
      %eq3A_143 = arith.cmpi eq, %jit3A_141, %eq3A_142 : i32
      %jit3A_144 = arith.constant 1 : i32
      %select_n3A_145 = arith.select %eq3A_143, %jit3A_144, %jit3A_141 : i32
      %rem3A_146 = arith.remsi %scan3A_140, %select_n3A_145 : i32
      %ne3A_147 = arith.constant 0 : i32
      %ne3A_148 = arith.cmpi ne, %rem3A_146, %ne3A_147 : i32
      %lt3A_149 = arith.constant 0 : i32
      %lt3A_150 = arith.cmpi slt, %rem3A_146, %lt3A_149 : i32
      %lt3A_151 = arith.constant 0 : i32
      %lt3A_152 = arith.cmpi slt, %select_n3A_145, %lt3A_151 : i32
      %ne3A_153 = arith.xori %lt3A_150, %lt3A_152 : i1
      %and3A_154 = arith.andi %ne3A_153, %ne3A_148 : i1
      %add3A_155 = arith.addi %rem3A_146, %select_n3A_145 : i32
      %select_n3A_156 = arith.select %and3A_154, %add3A_155, %rem3A_146 : i32
      %eq3A_157 = arith.constant 0 : i32
      %eq3A_158 = arith.cmpi eq, %select_n3A_156, %eq3A_157 : i32
      %convert_element_type3A = arith.extui %eq3A_158 : i1 to i32
      %cond3A = arith.constant 0 : i32
      %cond3A_159 = arith.cmpi ne, %convert_element_type3A, %cond3A : i32
      scf.if %cond3A_159 {
        %jit3A_202 = arith.constant 2 : i32
        %eq3A_203 = arith.constant 0 : i32
        %eq3A_204 = arith.cmpi eq, %jit3A_202, %eq3A_203 : i32
        %jit3A_205 = arith.constant 1 : i32
        %select_n3A_206 = arith.select %eq3A_204, %jit3A_205, %jit3A_202 : i32
        %rem3A_207 = arith.remsi %scan3A_140, %select_n3A_206 : i32
        %ne3A_208 = arith.constant 0 : i32
        %ne3A_209 = arith.cmpi ne, %rem3A_207, %ne3A_208 : i32
        %lt3A_210 = arith.constant 0 : i32
        %lt3A_211 = arith.cmpi slt, %rem3A_207, %lt3A_210 : i32
        %lt3A_212 = arith.constant 0 : i32
        %lt3A_213 = arith.cmpi slt, %select_n3A_206, %lt3A_212 : i32
        %ne3A_214 = arith.xori %lt3A_211, %lt3A_213 : i1
        %and3A_215 = arith.andi %ne3A_214, %ne3A_209 : i1
        %add3A_216 = arith.addi %rem3A_207, %select_n3A_206 : i32
        %select_n3A_217 = arith.select %and3A_215, %add3A_216, %rem3A_207 : i32
        %eq3A_218 = arith.constant 0 : i32
        %eq3A_219 = arith.cmpi eq, %select_n3A_217, %eq3A_218 : i32
        %convert_element_type3A_220 = arith.extui %eq3A_219 : i1 to i32
        %cond3A_221 = arith.constant 0 : i32
        %cond3A_222 = arith.cmpi ne, %convert_element_type3A_220, %cond3A_221 : i32
        scf.if %cond3A_222 {
          %add3A_244 = arith.constant 2 : i32
          %add3A_245 = arith.addi %scan3A_140, %add3A_244 : i32
          %lt3A_246 = arith.constant 200 : i32
          %lt3A_247 = arith.cmpi slt, %add3A_245, %lt3A_246 : i32
          %convert_element_type3A_248 = arith.extui %lt3A_247 : i1 to i32
          %cond3A_249 = arith.constant 0 : i32
          %cond3A_250 = arith.cmpi ne, %convert_element_type3A_248, %cond3A_249 : i32
          scf.if %cond3A_250 {
            %add3A_408 = arith.constant 2 : i32
            %add3A_409 = arith.addi %scan3A_140, %add3A_408 : i32
            %mul3A_410 = arith.constant 128 : i32
            %mul3A_411 = arith.muli %add3A_409, %mul3A_410 : i32
            %dma_start3A_412 = tpu.memref_slice %arg6[%mul3A_411] : memref<25600xi32, #tpu.memory_space<vmem>> -> memref<128xi32, #tpu.memory_space<vmem>>
            %dma_start3A_413 = arith.constant 0 : i32
            %dma_start3A_414 = arith.constant 0 : i32
            %dma_start3A_415 = tpu.memref_slice %arg3[%dma_start3A_413, %dma_start3A_414] : memref<500000x128xf32, #tpu.memory_space<hbm>> -> memref<500000x128xf32, #tpu.memory_space<hbm>>
            tpu.enqueue_indirect_dma source(%dma_start3A_415 : memref<500000x128xf32, #tpu.memory_space<hbm>>) target(%arg9 : memref<128x128xf32, #tpu.memory_space<vmem>>) offsets(%dma_start3A_412 : memref<128xi32, #tpu.memory_space<vmem>>) semaphore(%arg14 : memref<!tpu.dma_semaphore, #tpu.memory_space<semaphore_mem>>)
          } else {
          }
          %mul3A_251 = arith.constant 128 : i32
          %mul3A_252 = arith.muli %scan3A_140, %mul3A_251 : i32
          %dma_wait3A_253 = tpu.memref_slice %arg6[%mul3A_252] : memref<25600xi32, #tpu.memory_space<vmem>> -> memref<128xi32, #tpu.memory_space<vmem>>
          %dma_wait3A_254 = arith.constant 0 : i32
          %dma_wait3A_255 = arith.constant 0 : i32
          %dma_wait3A_256 = tpu.memref_slice %arg3[%dma_wait3A_254, %dma_wait3A_255] : memref<500000x128xf32, #tpu.memory_space<hbm>> -> memref<500000x128xf32, #tpu.memory_space<hbm>>
          tpu.wait_indirect_dma semaphore(%arg12 : memref<!tpu.dma_semaphore, #tpu.memory_space<semaphore_mem>>) src(%dma_wait3A_256 : memref<500000x128xf32, #tpu.memory_space<hbm>>) dst(%arg7 : memref<128x128xf32, #tpu.memory_space<vmem>>)
          %ge3A = arith.constant 2 : i32
          %ge3A_257 = arith.cmpi sge, %scan3A_140, %ge3A : i32
          %convert_element_type3A_258 = arith.extui %ge3A_257 : i1 to i32
          %cond3A_259 = arith.constant 0 : i32
          %cond3A_260 = arith.cmpi ne, %convert_element_type3A_258, %cond3A_259 : i32
          scf.if %cond3A_260 {
            %mul3A_408 = arith.constant 200 : i32
            %mul3A_409 = arith.muli %add3A, %mul3A_408 : i32
            %add3A_410 = arith.addi %mul3A_409, %scan3A_140 : i32
            %jit3A_411 = arith.constant 32 : i32
            %div3A_412 = arith.divsi %add3A_410, %jit3A_411 : i32
            %sign3A_413 = arith.constant 0 : i32
            %sign3A_414 = arith.cmpi sgt, %add3A_410, %sign3A_413 : i32
            %sign3A_415 = arith.extui %sign3A_414 : i1 to i32
            %sign3A_416 = arith.constant 0 : i32
            %sign3A_417 = arith.cmpi slt, %add3A_410, %sign3A_416 : i32
            %sign3A_418 = arith.extui %sign3A_417 : i1 to i32
            %sign3A_419 = arith.subi %sign3A_415, %sign3A_418 : i32
            %sign3A_420 = arith.constant 0 : i32
            %sign3A_421 = arith.cmpi sgt, %jit3A_411, %sign3A_420 : i32
            %sign3A_422 = arith.extui %sign3A_421 : i1 to i32
            %sign3A_423 = arith.constant 0 : i32
            %sign3A_424 = arith.cmpi slt, %jit3A_411, %sign3A_423 : i32
            %sign3A_425 = arith.extui %sign3A_424 : i1 to i32
            %sign3A_426 = arith.subi %sign3A_422, %sign3A_425 : i32
            %ne3A_427 = arith.cmpi ne, %sign3A_419, %sign3A_426 : i32
            %rem3A_428 = arith.remsi %add3A_410, %jit3A_411 : i32
            %ne3A_429 = arith.constant 0 : i32
            %ne3A_430 = arith.cmpi ne, %rem3A_428, %ne3A_429 : i32
            %and3A_431 = arith.andi %ne3A_427, %ne3A_430 : i1
            %sub3A_432 = arith.constant 1 : i32
            %sub3A_433 = arith.subi %div3A_412, %sub3A_432 : i32
            %select_n3A_434 = arith.select %and3A_431, %sub3A_433, %div3A_412 : i32
            %jit3A_435 = arith.constant 32 : i32
            %eq3A_436 = arith.constant 0 : i32
            %eq3A_437 = arith.cmpi eq, %jit3A_435, %eq3A_436 : i32
            %jit3A_438 = arith.constant 1 : i32
            %select_n3A_439 = arith.select %eq3A_437, %jit3A_438, %jit3A_435 : i32
            %rem3A_440 = arith.remsi %add3A_410, %select_n3A_439 : i32
            %ne3A_441 = arith.constant 0 : i32
            %ne3A_442 = arith.cmpi ne, %rem3A_440, %ne3A_441 : i32
            %lt3A_443 = arith.constant 0 : i32
            %lt3A_444 = arith.cmpi slt, %rem3A_440, %lt3A_443 : i32
            %lt3A_445 = arith.constant 0 : i32
            %lt3A_446 = arith.cmpi slt, %select_n3A_439, %lt3A_445 : i32
            %ne3A_447 = arith.xori %lt3A_444, %lt3A_446 : i1
            %and3A_448 = arith.andi %ne3A_447, %ne3A_442 : i1
            %add3A_449 = arith.addi %rem3A_440, %select_n3A_439 : i32
            %select_n3A_450 = arith.select %and3A_448, %add3A_449, %rem3A_440 : i32
            %mul3A_451 = arith.constant 128 : i32
            %mul3A_452 = arith.muli %select_n3A_450, %mul3A_451 : i32
            %dma_wait3A_453 = arith.constant 0 : i32
            %dma_wait3A_454 = tpu.memref_slice %arg4[%select_n3A_434, %dma_wait3A_453, %mul3A_452] : memref<200x64x4096xf32, #tpu.memory_space<hbm>> -> memref<1x64x128xf32, #tpu.memory_space<hbm>>
            %dma_wait3A_455 = tpu.memref_squeeze %dma_wait3A_454 : memref<1x64x128xf32, #tpu.memory_space<hbm>> -> memref<64x128xf32, #tpu.memory_space<hbm>>
            %dma_wait3A_456 = arith.constant 0 : i32
            %dma_wait3A_457 = tpu.memref_slice %arg4[%select_n3A_434, %dma_wait3A_456, %mul3A_452] : memref<200x64x4096xf32, #tpu.memory_space<hbm>> -> memref<1x64x128xf32, #tpu.memory_space<hbm>>
            %dma_wait3A_458 = tpu.memref_squeeze %dma_wait3A_457 : memref<1x64x128xf32, #tpu.memory_space<hbm>> -> memref<64x128xf32, #tpu.memory_space<hbm>>
            tpu.wait_dma2 semaphore(%arg15 : memref<!tpu.dma_semaphore, #tpu.memory_space<semaphore_mem>>) src(%arg10 : memref<64x128xf32, #tpu.memory_space<vmem>>) dst(%dma_wait3A_458 : memref<64x128xf32, #tpu.memory_space<hbm>>)
          } else {
          }
          %mul3A_261 = arith.constant 128 : i32
          %mul3A_262 = arith.muli %scan3A_140, %mul3A_261 : i32
          %add3A_263 = arith.constant 0 : i32
          %add3A_264 = arith.addi %mul3A_262, %add3A_263 : i32
          %get3A = arith.index_cast %add3A_264 : i32 to index
          %get3A_265 = tpu.vector_load %arg5[%get3A] {strides = array<i32>} : memref<25600xi32, #tpu.memory_space<vmem>>, vector<16xi32>,
          %and3A_266 = arith.constant 1 : i32
          %and3A_267 = vector.broadcast %and3A_266 : i32 to vector<16xi32>
          %and3A_268 = arith.andi %get3A_265, %and3A_267 : vector<16xi32>
          %shift_left3A = arith.constant 6 : i32
          %shift_left3A_269 = vector.broadcast %shift_left3A : i32 to vector<16xi32>
          %shift_left3A_270 = arith.shli %and3A_268, %shift_left3A_269 : vector<16xi32>
          %mul3A_271 = arith.constant 128 : i32
          %mul3A_272 = arith.muli %scan3A_140, %mul3A_271 : i32
          %add3A_273 = arith.constant 16 : i32
          %add3A_274 = arith.addi %mul3A_272, %add3A_273 : i32
          %get3A_275 = arith.index_cast %add3A_274 : i32 to index
          %get3A_276 = tpu.vector_load %arg5[%get3A_275] {strides = array<i32>} : memref<25600xi32, #tpu.memory_space<vmem>>, vector<16xi32>,
          %and3A_277 = arith.constant 1 : i32
          %and3A_278 = vector.broadcast %and3A_277 : i32 to vector<16xi32>
          %and3A_279 = arith.andi %get3A_276, %and3A_278 : vector<16xi32>
          %shift_left3A_280 = arith.constant 6 : i32
          %shift_left3A_281 = vector.broadcast %shift_left3A_280 : i32 to vector<16xi32>
          %shift_left3A_282 = arith.shli %and3A_279, %shift_left3A_281 : vector<16xi32>
          %mul3A_283 = arith.constant 128 : i32
          %mul3A_284 = arith.muli %scan3A_140, %mul3A_283 : i32
          %add3A_285 = arith.constant 32 : i32
          %add3A_286 = arith.addi %mul3A_284, %add3A_285 : i32
          %get3A_287 = arith.index_cast %add3A_286 : i32 to index
          %get3A_288 = tpu.vector_load %arg5[%get3A_287] {strides = array<i32>} : memref<25600xi32, #tpu.memory_space<vmem>>, vector<16xi32>,
          %and3A_289 = arith.constant 1 : i32
          %and3A_290 = vector.broadcast %and3A_289 : i32 to vector<16xi32>
          %and3A_291 = arith.andi %get3A_288, %and3A_290 : vector<16xi32>
          %shift_left3A_292 = arith.constant 6 : i32
          %shift_left3A_293 = vector.broadcast %shift_left3A_292 : i32 to vector<16xi32>
          %shift_left3A_294 = arith.shli %and3A_291, %shift_left3A_293 : vector<16xi32>
          %mul3A_295 = arith.constant 128 : i32
          %mul3A_296 = arith.muli %scan3A_140, %mul3A_295 : i32
          %add3A_297 = arith.constant 48 : i32
          %add3A_298 = arith.addi %mul3A_296, %add3A_297 : i32
          %get3A_299 = arith.index_cast %add3A_298 : i32 to index
          %get3A_300 = tpu.vector_load %arg5[%get3A_299] {strides = array<i32>} : memref<25600xi32, #tpu.memory_space<vmem>>, vector<16xi32>,
          %and3A_301 = arith.constant 1 : i32
          %and3A_302 = vector.broadcast %and3A_301 : i32 to vector<16xi32>
          %and3A_303 = arith.andi %get3A_300, %and3A_302 : vector<16xi32>
          %shift_left3A_304 = arith.constant 6 : i32
          %shift_left3A_305 = vector.broadcast %shift_left3A_304 : i32 to vector<16xi32>
          %shift_left3A_306 = arith.shli %and3A_303, %shift_left3A_305 : vector<16xi32>
          %mul3A_307 = arith.constant 128 : i32
          %mul3A_308 = arith.muli %scan3A_140, %mul3A_307 : i32
          %add3A_309 = arith.constant 64 : i32
          %add3A_310 = arith.addi %mul3A_308, %add3A_309 : i32
          %get3A_311 = arith.index_cast %add3A_310 : i32 to index
          %get3A_312 = tpu.vector_load %arg5[%get3A_311] {strides = array<i32>} : memref<25600xi32, #tpu.memory_space<vmem>>, vector<16xi32>,
          %and3A_313 = arith.constant 1 : i32
          %and3A_314 = vector.broadcast %and3A_313 : i32 to vector<16xi32>
          %and3A_315 = arith.andi %get3A_312, %and3A_314 : vector<16xi32>
          %shift_left3A_316 = arith.constant 6 : i32
          %shift_left3A_317 = vector.broadcast %shift_left3A_316 : i32 to vector<16xi32>
          %shift_left3A_318 = arith.shli %and3A_315, %shift_left3A_317 : vector<16xi32>
          %mul3A_319 = arith.constant 128 : i32
          %mul3A_320 = arith.muli %scan3A_140, %mul3A_319 : i32
          %add3A_321 = arith.constant 80 : i32
          %add3A_322 = arith.addi %mul3A_320, %add3A_321 : i32
          %get3A_323 = arith.index_cast %add3A_322 : i32 to index
          %get3A_324 = tpu.vector_load %arg5[%get3A_323] {strides = array<i32>} : memref<25600xi32, #tpu.memory_space<vmem>>, vector<16xi32>,
          %and3A_325 = arith.constant 1 : i32
          %and3A_326 = vector.broadcast %and3A_325 : i32 to vector<16xi32>
          %and3A_327 = arith.andi %get3A_324, %and3A_326 : vector<16xi32>
          %shift_left3A_328 = arith.constant 6 : i32
          %shift_left3A_329 = vector.broadcast %shift_left3A_328 : i32 to vector<16xi32>
          %shift_left3A_330 = arith.shli %and3A_327, %shift_left3A_329 : vector<16xi32>
          %mul3A_331 = arith.constant 128 : i32
          %mul3A_332 = arith.muli %scan3A_140, %mul3A_331 : i32
          %add3A_333 = arith.constant 96 : i32
          %add3A_334 = arith.addi %mul3A_332, %add3A_333 : i32
          %get3A_335 = arith.index_cast %add3A_334 : i32 to index
          %get3A_336 = tpu.vector_load %arg5[%get3A_335] {strides = array<i32>} : memref<25600xi32, #tpu.memory_space<vmem>>, vector<16xi32>,
          %and3A_337 = arith.constant 1 : i32
          %and3A_338 = vector.broadcast %and3A_337 : i32 to vector<16xi32>
          %and3A_339 = arith.andi %get3A_336, %and3A_338 : vector<16xi32>
          %shift_left3A_340 = arith.constant 6 : i32
          %shift_left3A_341 = vector.broadcast %shift_left3A_340 : i32 to vector<16xi32>
          %shift_left3A_342 = arith.shli %and3A_339, %shift_left3A_341 : vector<16xi32>
          %mul3A_343 = arith.constant 128 : i32
          %mul3A_344 = arith.muli %scan3A_140, %mul3A_343 : i32
          %add3A_345 = arith.constant 112 : i32
          %add3A_346 = arith.addi %mul3A_344, %add3A_345 : i32
          %get3A_347 = arith.index_cast %add3A_346 : i32 to index
          %get3A_348 = tpu.vector_load %arg5[%get3A_347] {strides = array<i32>} : memref<25600xi32, #tpu.memory_space<vmem>>, vector<16xi32>,
          %and3A_349 = arith.constant 1 : i32
          %and3A_350 = vector.broadcast %and3A_349 : i32 to vector<16xi32>
          %and3A_351 = arith.andi %get3A_348, %and3A_350 : vector<16xi32>
          %shift_left3A_352 = arith.constant 6 : i32
          %shift_left3A_353 = vector.broadcast %shift_left3A_352 : i32 to vector<16xi32>
          %shift_left3A_354 = arith.shli %and3A_351, %shift_left3A_353 : vector<16xi32>
          %parallel_loop3A = arith.constant 0 : i32
          %parallel_loop3A_355 = arith.constant 64 : i32
          %parallel_loop3A_356 = arith.constant 1 : i32
          scf.for %parallel_loop3A_408 = %parallel_loop3A to %parallel_loop3A_355 step %parallel_loop3A_356  : i32 {
            %parallel_loop3A_409 = vector.broadcast %parallel_loop3A_408 : i32 to vector<16xi32>
            %parallel_loop3A_410 = arith.addi %parallel_loop3A_409, %iota3A : vector<16xi32>
            %parallel_loop3A_411 = arith.constant 63 : i32
            %parallel_loop3A_412 = vector.broadcast %parallel_loop3A_411 : i32 to vector<16xi32>
            %parallel_loop3A_413 = arith.andi %parallel_loop3A_410, %parallel_loop3A_412 : vector<16xi32>
            %parallel_loop3A_414 = arith.addi %shift_left3A_270, %parallel_loop3A_413 : vector<16xi32>
            %parallel_loop3A_415 = tpu.vector_load_idx %arg7[%add3A_19, %parallel_loop3A_414] : memref<128x128xf32, #tpu.memory_space<vmem>>[vector<16xi32>, vector<16xi32>], vector<16xf32>,
            tpu.vector_store_idx %arg10[%parallel_loop3A_413, %add3A_19], %parallel_loop3A_415 : memref<64x128xf32, #tpu.memory_space<vmem>>[vector<16xi32>, vector<16xi32>], vector<16xf32>,
            %parallel_loop3A_416 = arith.addi %shift_left3A_282, %parallel_loop3A_413 : vector<16xi32>
            %parallel_loop3A_417 = tpu.vector_load_idx %arg7[%add3A_22, %parallel_loop3A_416] : memref<128x128xf32, #tpu.memory_space<vmem>>[vector<16xi32>, vector<16xi32>], vector<16xf32>,
            tpu.vector_store_idx %arg10[%parallel_loop3A_413, %add3A_22], %parallel_loop3A_417 : memref<64x128xf32, #tpu.memory_space<vmem>>[vector<16xi32>, vector<16xi32>], vector<16xf32>,
            %parallel_loop3A_418 = arith.addi %shift_left3A_294, %parallel_loop3A_413 : vector<16xi32>
            %parallel_loop3A_419 = tpu.vector_load_idx %arg7[%add3A_25, %parallel_loop3A_418] : memref<128x128xf32, #tpu.memory_space<vmem>>[vector<16xi32>, vector<16xi32>], vector<16xf32>,
            tpu.vector_store_idx %arg10[%parallel_loop3A_413, %add3A_25], %parallel_loop3A_419 : memref<64x128xf32, #tpu.memory_space<vmem>>[vector<16xi32>, vector<16xi32>], vector<16xf32>,
            %parallel_loop3A_420 = arith.addi %shift_left3A_306, %parallel_loop3A_413 : vector<16xi32>
            %parallel_loop3A_421 = tpu.vector_load_idx %arg7[%add3A_28, %parallel_loop3A_420] : memref<128x128xf32, #tpu.memory_space<vmem>>[vector<16xi32>, vector<16xi32>], vector<16xf32>,
            tpu.vector_store_idx %arg10[%parallel_loop3A_413, %add3A_28], %parallel_loop3A_421 : memref<64x128xf32, #tpu.memory_space<vmem>>[vector<16xi32>, vector<16xi32>], vector<16xf32>,
            %parallel_loop3A_422 = arith.addi %shift_left3A_318, %parallel_loop3A_413 : vector<16xi32>
            %parallel_loop3A_423 = tpu.vector_load_idx %arg7[%add3A_31, %parallel_loop3A_422] : memref<128x128xf32, #tpu.memory_space<vmem>>[vector<16xi32>, vector<16xi32>], vector<16xf32>,
            tpu.vector_store_idx %arg10[%parallel_loop3A_413, %add3A_31], %parallel_loop3A_423 : memref<64x128xf32, #tpu.memory_space<vmem>>[vector<16xi32>, vector<16xi32>], vector<16xf32>,
            %parallel_loop3A_424 = arith.addi %shift_left3A_330, %parallel_loop3A_413 : vector<16xi32>
            %parallel_loop3A_425 = tpu.vector_load_idx %arg7[%add3A_34, %parallel_loop3A_424] : memref<128x128xf32, #tpu.memory_space<vmem>>[vector<16xi32>, vector<16xi32>], vector<16xf32>,
            tpu.vector_store_idx %arg10[%parallel_loop3A_413, %add3A_34], %parallel_loop3A_425 : memref<64x128xf32, #tpu.memory_space<vmem>>[vector<16xi32>, vector<16xi32>], vector<16xf32>,
            %parallel_loop3A_426 = arith.addi %shift_left3A_342, %parallel_loop3A_413 : vector<16xi32>
            %parallel_loop3A_427 = tpu.vector_load_idx %arg7[%add3A_37, %parallel_loop3A_426] : memref<128x128xf32, #tpu.memory_space<vmem>>[vector<16xi32>, vector<16xi32>], vector<16xf32>,
            tpu.vector_store_idx %arg10[%parallel_loop3A_413, %add3A_37], %parallel_loop3A_427 : memref<64x128xf32, #tpu.memory_space<vmem>>[vector<16xi32>, vector<16xi32>], vector<16xf32>,
            %parallel_loop3A_428 = arith.addi %shift_left3A_354, %parallel_loop3A_413 : vector<16xi32>
            %parallel_loop3A_429 = tpu.vector_load_idx %arg7[%add3A_40, %parallel_loop3A_428] : memref<128x128xf32, #tpu.memory_space<vmem>>[vector<16xi32>, vector<16xi32>], vector<16xf32>,
            tpu.vector_store_idx %arg10[%parallel_loop3A_413, %add3A_40], %parallel_loop3A_429 : memref<64x128xf32, #tpu.memory_space<vmem>>[vector<16xi32>, vector<16xi32>], vector<16xf32>,
          } {sc.loop_unroll_factor = 4 : i64, sc.parallel_access}
          %mul3A_357 = arith.constant 200 : i32
          %mul3A_358 = arith.muli %add3A, %mul3A_357 : i32
          %add3A_359 = arith.addi %mul3A_358, %scan3A_140 : i32
          %jit3A_360 = arith.constant 32 : i32
          %div3A_361 = arith.divsi %add3A_359, %jit3A_360 : i32
          %sign3A_362 = arith.constant 0 : i32
          %sign3A_363 = arith.cmpi sgt, %add3A_359, %sign3A_362 : i32
          %sign3A_364 = arith.extui %sign3A_363 : i1 to i32
          %sign3A_365 = arith.constant 0 : i32
          %sign3A_366 = arith.cmpi slt, %add3A_359, %sign3A_365 : i32
          %sign3A_367 = arith.extui %sign3A_366 : i1 to i32
          %sign3A_368 = arith.subi %sign3A_364, %sign3A_367 : i32
          %sign3A_369 = arith.constant 0 : i32
          %sign3A_370 = arith.cmpi sgt, %jit3A_360, %sign3A_369 : i32
          %sign3A_371 = arith.extui %sign3A_370 : i1 to i32
          %sign3A_372 = arith.constant 0 : i32
          %sign3A_373 = arith.cmpi slt, %jit3A_360, %sign3A_372 : i32
          %sign3A_374 = arith.extui %sign3A_373 : i1 to i32
          %sign3A_375 = arith.subi %sign3A_371, %sign3A_374 : i32
          %ne3A_376 = arith.cmpi ne, %sign3A_368, %sign3A_375 : i32
          %rem3A_377 = arith.remsi %add3A_359, %jit3A_360 : i32
          %ne3A_378 = arith.constant 0 : i32
          %ne3A_379 = arith.cmpi ne, %rem3A_377, %ne3A_378 : i32
          %and3A_380 = arith.andi %ne3A_376, %ne3A_379 : i1
          %sub3A_381 = arith.constant 1 : i32
          %sub3A_382 = arith.subi %div3A_361, %sub3A_381 : i32
          %select_n3A_383 = arith.select %and3A_380, %sub3A_382, %div3A_361 : i32
          %jit3A_384 = arith.constant 32 : i32
          %eq3A_385 = arith.constant 0 : i32
          %eq3A_386 = arith.cmpi eq, %jit3A_384, %eq3A_385 : i32
          %jit3A_387 = arith.constant 1 : i32
          %select_n3A_388 = arith.select %eq3A_386, %jit3A_387, %jit3A_384 : i32
          %rem3A_389 = arith.remsi %add3A_359, %select_n3A_388 : i32
          %ne3A_390 = arith.constant 0 : i32
          %ne3A_391 = arith.cmpi ne, %rem3A_389, %ne3A_390 : i32
          %lt3A_392 = arith.constant 0 : i32
          %lt3A_393 = arith.cmpi slt, %rem3A_389, %lt3A_392 : i32
          %lt3A_394 = arith.constant 0 : i32
          %lt3A_395 = arith.cmpi slt, %select_n3A_388, %lt3A_394 : i32
          %ne3A_396 = arith.xori %lt3A_393, %lt3A_395 : i1
          %and3A_397 = arith.andi %ne3A_396, %ne3A_391 : i1
          %add3A_398 = arith.addi %rem3A_389, %select_n3A_388 : i32
          %select_n3A_399 = arith.select %and3A_397, %add3A_398, %rem3A_389 : i32
          %mul3A_400 = arith.constant 128 : i32
          %mul3A_401 = arith.muli %select_n3A_399, %mul3A_400 : i32
          %dma_start3A_402 = arith.constant 0 : i32
          %dma_start3A_403 = tpu.memref_slice %arg4[%select_n3A_383, %dma_start3A_402, %mul3A_401] : memref<200x64x4096xf32, #tpu.memory_space<hbm>> -> memref<1x64x128xf32, #tpu.memory_space<hbm>>
          %dma_start3A_404 = tpu.memref_squeeze %dma_start3A_403 : memref<1x64x128xf32, #tpu.memory_space<hbm>> -> memref<64x128xf32, #tpu.memory_space<hbm>>
          %dma_start3A_405 = arith.constant 0 : i32
          %dma_start3A_406 = tpu.memref_slice %arg4[%select_n3A_383, %dma_start3A_405, %mul3A_401] : memref<200x64x4096xf32, #tpu.memory_space<hbm>> -> memref<1x64x128xf32, #tpu.memory_space<hbm>>
          %dma_start3A_407 = tpu.memref_squeeze %dma_start3A_406 : memref<1x64x128xf32, #tpu.memory_space<hbm>> -> memref<64x128xf32, #tpu.memory_space<hbm>>
          tpu.enqueue_dma source(%arg10 : memref<64x128xf32, #tpu.memory_space<vmem>>) target(%dma_start3A_407 : memref<64x128xf32, #tpu.memory_space<hbm>>) target_semaphore(%arg15 : memref<!tpu.dma_semaphore, #tpu.memory_space<semaphore_mem>>)
        } else {
        }
        %jit3A_223 = arith.constant 2 : i32
        %eq3A_224 = arith.constant 0 : i32
        %eq3A_225 = arith.cmpi eq, %jit3A_223, %eq3A_224 : i32
        %jit3A_226 = arith.constant 1 : i32
        %select_n3A_227 = arith.select %eq3A_225, %jit3A_226, %jit3A_223 : i32
        %rem3A_228 = arith.remsi %scan3A_140, %select_n3A_227 : i32
        %ne3A_229 = arith.constant 0 : i32
        %ne3A_230 = arith.cmpi ne, %rem3A_228, %ne3A_229 : i32
        %lt3A_231 = arith.constant 0 : i32
        %lt3A_232 = arith.cmpi slt, %rem3A_228, %lt3A_231 : i32
        %lt3A_233 = arith.constant 0 : i32
        %lt3A_234 = arith.cmpi slt, %select_n3A_227, %lt3A_233 : i32
        %ne3A_235 = arith.xori %lt3A_232, %lt3A_234 : i1
        %and3A_236 = arith.andi %ne3A_235, %ne3A_230 : i1
        %add3A_237 = arith.addi %rem3A_228, %select_n3A_227 : i32
        %select_n3A_238 = arith.select %and3A_236, %add3A_237, %rem3A_228 : i32
        %eq3A_239 = arith.constant 1 : i32
        %eq3A_240 = arith.cmpi eq, %select_n3A_238, %eq3A_239 : i32
        %convert_element_type3A_241 = arith.extui %eq3A_240 : i1 to i32
        %cond3A_242 = arith.constant 0 : i32
        %cond3A_243 = arith.cmpi ne, %convert_element_type3A_241, %cond3A_242 : i32
        scf.if %cond3A_243 {
          %add3A_244 = arith.constant 2 : i32
          %add3A_245 = arith.addi %scan3A_140, %add3A_244 : i32
          %lt3A_246 = arith.constant 200 : i32
          %lt3A_247 = arith.cmpi slt, %add3A_245, %lt3A_246 : i32
          %convert_element_type3A_248 = arith.extui %lt3A_247 : i1 to i32
          %cond3A_249 = arith.constant 0 : i32
          %cond3A_250 = arith.cmpi ne, %convert_element_type3A_248, %cond3A_249 : i32
          scf.if %cond3A_250 {
            %add3A_408 = arith.constant 2 : i32
            %add3A_409 = arith.addi %scan3A_140, %add3A_408 : i32
            %mul3A_410 = arith.constant 128 : i32
            %mul3A_411 = arith.muli %add3A_409, %mul3A_410 : i32
            %dma_start3A_412 = tpu.memref_slice %arg6[%mul3A_411] : memref<25600xi32, #tpu.memory_space<vmem>> -> memref<128xi32, #tpu.memory_space<vmem>>
            %dma_start3A_413 = arith.constant 0 : i32
            %dma_start3A_414 = arith.constant 0 : i32
            %dma_start3A_415 = tpu.memref_slice %arg3[%dma_start3A_413, %dma_start3A_414] : memref<500000x128xf32, #tpu.memory_space<hbm>> -> memref<500000x128xf32, #tpu.memory_space<hbm>>
            tpu.enqueue_indirect_dma source(%dma_start3A_415 : memref<500000x128xf32, #tpu.memory_space<hbm>>) target(%arg9 : memref<128x128xf32, #tpu.memory_space<vmem>>) offsets(%dma_start3A_412 : memref<128xi32, #tpu.memory_space<vmem>>) semaphore(%arg14 : memref<!tpu.dma_semaphore, #tpu.memory_space<semaphore_mem>>)
          } else {
          }
          %mul3A_251 = arith.constant 128 : i32
          %mul3A_252 = arith.muli %scan3A_140, %mul3A_251 : i32
          %dma_wait3A_253 = tpu.memref_slice %arg6[%mul3A_252] : memref<25600xi32, #tpu.memory_space<vmem>> -> memref<128xi32, #tpu.memory_space<vmem>>
          %dma_wait3A_254 = arith.constant 0 : i32
          %dma_wait3A_255 = arith.constant 0 : i32
          %dma_wait3A_256 = tpu.memref_slice %arg3[%dma_wait3A_254, %dma_wait3A_255] : memref<500000x128xf32, #tpu.memory_space<hbm>> -> memref<500000x128xf32, #tpu.memory_space<hbm>>
          tpu.wait_indirect_dma semaphore(%arg12 : memref<!tpu.dma_semaphore, #tpu.memory_space<semaphore_mem>>) src(%dma_wait3A_256 : memref<500000x128xf32, #tpu.memory_space<hbm>>) dst(%arg7 : memref<128x128xf32, #tpu.memory_space<vmem>>)
          %ge3A = arith.constant 2 : i32
          %ge3A_257 = arith.cmpi sge, %scan3A_140, %ge3A : i32
          %convert_element_type3A_258 = arith.extui %ge3A_257 : i1 to i32
          %cond3A_259 = arith.constant 0 : i32
          %cond3A_260 = arith.cmpi ne, %convert_element_type3A_258, %cond3A_259 : i32
          scf.if %cond3A_260 {
            %mul3A_408 = arith.constant 200 : i32
            %mul3A_409 = arith.muli %add3A, %mul3A_408 : i32
            %add3A_410 = arith.addi %mul3A_409, %scan3A_140 : i32
            %jit3A_411 = arith.constant 32 : i32
            %div3A_412 = arith.divsi %add3A_410, %jit3A_411 : i32
            %sign3A_413 = arith.constant 0 : i32
            %sign3A_414 = arith.cmpi sgt, %add3A_410, %sign3A_413 : i32
            %sign3A_415 = arith.extui %sign3A_414 : i1 to i32
            %sign3A_416 = arith.constant 0 : i32
            %sign3A_417 = arith.cmpi slt, %add3A_410, %sign3A_416 : i32
            %sign3A_418 = arith.extui %sign3A_417 : i1 to i32
            %sign3A_419 = arith.subi %sign3A_415, %sign3A_418 : i32
            %sign3A_420 = arith.constant 0 : i32
            %sign3A_421 = arith.cmpi sgt, %jit3A_411, %sign3A_420 : i32
            %sign3A_422 = arith.extui %sign3A_421 : i1 to i32
            %sign3A_423 = arith.constant 0 : i32
            %sign3A_424 = arith.cmpi slt, %jit3A_411, %sign3A_423 : i32
            %sign3A_425 = arith.extui %sign3A_424 : i1 to i32
            %sign3A_426 = arith.subi %sign3A_422, %sign3A_425 : i32
            %ne3A_427 = arith.cmpi ne, %sign3A_419, %sign3A_426 : i32
            %rem3A_428 = arith.remsi %add3A_410, %jit3A_411 : i32
            %ne3A_429 = arith.constant 0 : i32
            %ne3A_430 = arith.cmpi ne, %rem3A_428, %ne3A_429 : i32
            %and3A_431 = arith.andi %ne3A_427, %ne3A_430 : i1
            %sub3A_432 = arith.constant 1 : i32
            %sub3A_433 = arith.subi %div3A_412, %sub3A_432 : i32
            %select_n3A_434 = arith.select %and3A_431, %sub3A_433, %div3A_412 : i32
            %jit3A_435 = arith.constant 32 : i32
            %eq3A_436 = arith.constant 0 : i32
            %eq3A_437 = arith.cmpi eq, %jit3A_435, %eq3A_436 : i32
            %jit3A_438 = arith.constant 1 : i32
            %select_n3A_439 = arith.select %eq3A_437, %jit3A_438, %jit3A_435 : i32
            %rem3A_440 = arith.remsi %add3A_410, %select_n3A_439 : i32
            %ne3A_441 = arith.constant 0 : i32
            %ne3A_442 = arith.cmpi ne, %rem3A_440, %ne3A_441 : i32
            %lt3A_443 = arith.constant 0 : i32
            %lt3A_444 = arith.cmpi slt, %rem3A_440, %lt3A_443 : i32
            %lt3A_445 = arith.constant 0 : i32
            %lt3A_446 = arith.cmpi slt, %select_n3A_439, %lt3A_445 : i32
            %ne3A_447 = arith.xori %lt3A_444, %lt3A_446 : i1
            %and3A_448 = arith.andi %ne3A_447, %ne3A_442 : i1
            %add3A_449 = arith.addi %rem3A_440, %select_n3A_439 : i32
            %select_n3A_450 = arith.select %and3A_448, %add3A_449, %rem3A_440 : i32
            %mul3A_451 = arith.constant 128 : i32
            %mul3A_452 = arith.muli %select_n3A_450, %mul3A_451 : i32
            %dma_wait3A_453 = arith.constant 0 : i32
            %dma_wait3A_454 = tpu.memref_slice %arg4[%select_n3A_434, %dma_wait3A_453, %mul3A_452] : memref<200x64x4096xf32, #tpu.memory_space<hbm>> -> memref<1x64x128xf32, #tpu.memory_space<hbm>>
            %dma_wait3A_455 = tpu.memref_squeeze %dma_wait3A_454 : memref<1x64x128xf32, #tpu.memory_space<hbm>> -> memref<64x128xf32, #tpu.memory_space<hbm>>
            %dma_wait3A_456 = arith.constant 0 : i32
            %dma_wait3A_457 = tpu.memref_slice %arg4[%select_n3A_434, %dma_wait3A_456, %mul3A_452] : memref<200x64x4096xf32, #tpu.memory_space<hbm>> -> memref<1x64x128xf32, #tpu.memory_space<hbm>>
            %dma_wait3A_458 = tpu.memref_squeeze %dma_wait3A_457 : memref<1x64x128xf32, #tpu.memory_space<hbm>> -> memref<64x128xf32, #tpu.memory_space<hbm>>
            tpu.wait_dma2 semaphore(%arg16 : memref<!tpu.dma_semaphore, #tpu.memory_space<semaphore_mem>>) src(%arg11 : memref<64x128xf32, #tpu.memory_space<vmem>>) dst(%dma_wait3A_458 : memref<64x128xf32, #tpu.memory_space<hbm>>)
          } else {
          }
          %mul3A_261 = arith.constant 128 : i32
          %mul3A_262 = arith.muli %scan3A_140, %mul3A_261 : i32
          %add3A_263 = arith.constant 0 : i32
          %add3A_264 = arith.addi %mul3A_262, %add3A_263 : i32
          %get3A = arith.index_cast %add3A_264 : i32 to index
          %get3A_265 = tpu.vector_load %arg5[%get3A] {strides = array<i32>} : memref<25600xi32, #tpu.memory_space<vmem>>, vector<16xi32>,
          %and3A_266 = arith.constant 1 : i32
          %and3A_267 = vector.broadcast %and3A_266 : i32 to vector<16xi32>
          %and3A_268 = arith.andi %get3A_265, %and3A_267 : vector<16xi32>
          %shift_left3A = arith.constant 6 : i32
          %shift_left3A_269 = vector.broadcast %shift_left3A : i32 to vector<16xi32>
          %shift_left3A_270 = arith.shli %and3A_268, %shift_left3A_269 : vector<16xi32>
          %mul3A_271 = arith.constant 128 : i32
          %mul3A_272 = arith.muli %scan3A_140, %mul3A_271 : i32
          %add3A_273 = arith.constant 16 : i32
          %add3A_274 = arith.addi %mul3A_272, %add3A_273 : i32
          %get3A_275 = arith.index_cast %add3A_274 : i32 to index
          %get3A_276 = tpu.vector_load %arg5[%get3A_275] {strides = array<i32>} : memref<25600xi32, #tpu.memory_space<vmem>>, vector<16xi32>,
          %and3A_277 = arith.constant 1 : i32
          %and3A_278 = vector.broadcast %and3A_277 : i32 to vector<16xi32>
          %and3A_279 = arith.andi %get3A_276, %and3A_278 : vector<16xi32>
          %shift_left3A_280 = arith.constant 6 : i32
          %shift_left3A_281 = vector.broadcast %shift_left3A_280 : i32 to vector<16xi32>
          %shift_left3A_282 = arith.shli %and3A_279, %shift_left3A_281 : vector<16xi32>
          %mul3A_283 = arith.constant 128 : i32
          %mul3A_284 = arith.muli %scan3A_140, %mul3A_283 : i32
          %add3A_285 = arith.constant 32 : i32
          %add3A_286 = arith.addi %mul3A_284, %add3A_285 : i32
          %get3A_287 = arith.index_cast %add3A_286 : i32 to index
          %get3A_288 = tpu.vector_load %arg5[%get3A_287] {strides = array<i32>} : memref<25600xi32, #tpu.memory_space<vmem>>, vector<16xi32>,
          %and3A_289 = arith.constant 1 : i32
          %and3A_290 = vector.broadcast %and3A_289 : i32 to vector<16xi32>
          %and3A_291 = arith.andi %get3A_288, %and3A_290 : vector<16xi32>
          %shift_left3A_292 = arith.constant 6 : i32
          %shift_left3A_293 = vector.broadcast %shift_left3A_292 : i32 to vector<16xi32>
          %shift_left3A_294 = arith.shli %and3A_291, %shift_left3A_293 : vector<16xi32>
          %mul3A_295 = arith.constant 128 : i32
          %mul3A_296 = arith.muli %scan3A_140, %mul3A_295 : i32
          %add3A_297 = arith.constant 48 : i32
          %add3A_298 = arith.addi %mul3A_296, %add3A_297 : i32
          %get3A_299 = arith.index_cast %add3A_298 : i32 to index
          %get3A_300 = tpu.vector_load %arg5[%get3A_299] {strides = array<i32>} : memref<25600xi32, #tpu.memory_space<vmem>>, vector<16xi32>,
          %and3A_301 = arith.constant 1 : i32
          %and3A_302 = vector.broadcast %and3A_301 : i32 to vector<16xi32>
          %and3A_303 = arith.andi %get3A_300, %and3A_302 : vector<16xi32>
          %shift_left3A_304 = arith.constant 6 : i32
          %shift_left3A_305 = vector.broadcast %shift_left3A_304 : i32 to vector<16xi32>
          %shift_left3A_306 = arith.shli %and3A_303, %shift_left3A_305 : vector<16xi32>
          %mul3A_307 = arith.constant 128 : i32
          %mul3A_308 = arith.muli %scan3A_140, %mul3A_307 : i32
          %add3A_309 = arith.constant 64 : i32
          %add3A_310 = arith.addi %mul3A_308, %add3A_309 : i32
          %get3A_311 = arith.index_cast %add3A_310 : i32 to index
          %get3A_312 = tpu.vector_load %arg5[%get3A_311] {strides = array<i32>} : memref<25600xi32, #tpu.memory_space<vmem>>, vector<16xi32>,
          %and3A_313 = arith.constant 1 : i32
          %and3A_314 = vector.broadcast %and3A_313 : i32 to vector<16xi32>
          %and3A_315 = arith.andi %get3A_312, %and3A_314 : vector<16xi32>
          %shift_left3A_316 = arith.constant 6 : i32
          %shift_left3A_317 = vector.broadcast %shift_left3A_316 : i32 to vector<16xi32>
          %shift_left3A_318 = arith.shli %and3A_315, %shift_left3A_317 : vector<16xi32>
          %mul3A_319 = arith.constant 128 : i32
          %mul3A_320 = arith.muli %scan3A_140, %mul3A_319 : i32
          %add3A_321 = arith.constant 80 : i32
          %add3A_322 = arith.addi %mul3A_320, %add3A_321 : i32
          %get3A_323 = arith.index_cast %add3A_322 : i32 to index
          %get3A_324 = tpu.vector_load %arg5[%get3A_323] {strides = array<i32>} : memref<25600xi32, #tpu.memory_space<vmem>>, vector<16xi32>,
          %and3A_325 = arith.constant 1 : i32
          %and3A_326 = vector.broadcast %and3A_325 : i32 to vector<16xi32>
          %and3A_327 = arith.andi %get3A_324, %and3A_326 : vector<16xi32>
          %shift_left3A_328 = arith.constant 6 : i32
          %shift_left3A_329 = vector.broadcast %shift_left3A_328 : i32 to vector<16xi32>
          %shift_left3A_330 = arith.shli %and3A_327, %shift_left3A_329 : vector<16xi32>
          %mul3A_331 = arith.constant 128 : i32
          %mul3A_332 = arith.muli %scan3A_140, %mul3A_331 : i32
          %add3A_333 = arith.constant 96 : i32
          %add3A_334 = arith.addi %mul3A_332, %add3A_333 : i32
          %get3A_335 = arith.index_cast %add3A_334 : i32 to index
          %get3A_336 = tpu.vector_load %arg5[%get3A_335] {strides = array<i32>} : memref<25600xi32, #tpu.memory_space<vmem>>, vector<16xi32>,
          %and3A_337 = arith.constant 1 : i32
          %and3A_338 = vector.broadcast %and3A_337 : i32 to vector<16xi32>
          %and3A_339 = arith.andi %get3A_336, %and3A_338 : vector<16xi32>
          %shift_left3A_340 = arith.constant 6 : i32
          %shift_left3A_341 = vector.broadcast %shift_left3A_340 : i32 to vector<16xi32>
          %shift_left3A_342 = arith.shli %and3A_339, %shift_left3A_341 : vector<16xi32>
          %mul3A_343 = arith.constant 128 : i32
          %mul3A_344 = arith.muli %scan3A_140, %mul3A_343 : i32
          %add3A_345 = arith.constant 112 : i32
          %add3A_346 = arith.addi %mul3A_344, %add3A_345 : i32
          %get3A_347 = arith.index_cast %add3A_346 : i32 to index
          %get3A_348 = tpu.vector_load %arg5[%get3A_347] {strides = array<i32>} : memref<25600xi32, #tpu.memory_space<vmem>>, vector<16xi32>,
          %and3A_349 = arith.constant 1 : i32
          %and3A_350 = vector.broadcast %and3A_349 : i32 to vector<16xi32>
          %and3A_351 = arith.andi %get3A_348, %and3A_350 : vector<16xi32>
          %shift_left3A_352 = arith.constant 6 : i32
          %shift_left3A_353 = vector.broadcast %shift_left3A_352 : i32 to vector<16xi32>
          %shift_left3A_354 = arith.shli %and3A_351, %shift_left3A_353 : vector<16xi32>
          %parallel_loop3A = arith.constant 0 : i32
          %parallel_loop3A_355 = arith.constant 64 : i32
          %parallel_loop3A_356 = arith.constant 1 : i32
          scf.for %parallel_loop3A_408 = %parallel_loop3A to %parallel_loop3A_355 step %parallel_loop3A_356  : i32 {
            %parallel_loop3A_409 = vector.broadcast %parallel_loop3A_408 : i32 to vector<16xi32>
            %parallel_loop3A_410 = arith.addi %parallel_loop3A_409, %iota3A : vector<16xi32>
            %parallel_loop3A_411 = arith.constant 63 : i32
            %parallel_loop3A_412 = vector.broadcast %parallel_loop3A_411 : i32 to vector<16xi32>
            %parallel_loop3A_413 = arith.andi %parallel_loop3A_410, %parallel_loop3A_412 : vector<16xi32>
            %parallel_loop3A_414 = arith.addi %shift_left3A_270, %parallel_loop3A_413 : vector<16xi32>
            %parallel_loop3A_415 = tpu.vector_load_idx %arg7[%add3A_19, %parallel_loop3A_414] : memref<128x128xf32, #tpu.memory_space<vmem>>[vector<16xi32>, vector<16xi32>], vector<16xf32>,
            tpu.vector_store_idx %arg11[%parallel_loop3A_413, %add3A_19], %parallel_loop3A_415 : memref<64x128xf32, #tpu.memory_space<vmem>>[vector<16xi32>, vector<16xi32>], vector<16xf32>,
            %parallel_loop3A_416 = arith.addi %shift_left3A_282, %parallel_loop3A_413 : vector<16xi32>
            %parallel_loop3A_417 = tpu.vector_load_idx %arg7[%add3A_22, %parallel_loop3A_416] : memref<128x128xf32, #tpu.memory_space<vmem>>[vector<16xi32>, vector<16xi32>], vector<16xf32>,
            tpu.vector_store_idx %arg11[%parallel_loop3A_413, %add3A_22], %parallel_loop3A_417 : memref<64x128xf32, #tpu.memory_space<vmem>>[vector<16xi32>, vector<16xi32>], vector<16xf32>,
            %parallel_loop3A_418 = arith.addi %shift_left3A_294, %parallel_loop3A_413 : vector<16xi32>
            %parallel_loop3A_419 = tpu.vector_load_idx %arg7[%add3A_25, %parallel_loop3A_418] : memref<128x128xf32, #tpu.memory_space<vmem>>[vector<16xi32>, vector<16xi32>], vector<16xf32>,
            tpu.vector_store_idx %arg11[%parallel_loop3A_413, %add3A_25], %parallel_loop3A_419 : memref<64x128xf32, #tpu.memory_space<vmem>>[vector<16xi32>, vector<16xi32>], vector<16xf32>,
            %parallel_loop3A_420 = arith.addi %shift_left3A_306, %parallel_loop3A_413 : vector<16xi32>
            %parallel_loop3A_421 = tpu.vector_load_idx %arg7[%add3A_28, %parallel_loop3A_420] : memref<128x128xf32, #tpu.memory_space<vmem>>[vector<16xi32>, vector<16xi32>], vector<16xf32>,
            tpu.vector_store_idx %arg11[%parallel_loop3A_413, %add3A_28], %parallel_loop3A_421 : memref<64x128xf32, #tpu.memory_space<vmem>>[vector<16xi32>, vector<16xi32>], vector<16xf32>,
            %parallel_loop3A_422 = arith.addi %shift_left3A_318, %parallel_loop3A_413 : vector<16xi32>
            %parallel_loop3A_423 = tpu.vector_load_idx %arg7[%add3A_31, %parallel_loop3A_422] : memref<128x128xf32, #tpu.memory_space<vmem>>[vector<16xi32>, vector<16xi32>], vector<16xf32>,
            tpu.vector_store_idx %arg11[%parallel_loop3A_413, %add3A_31], %parallel_loop3A_423 : memref<64x128xf32, #tpu.memory_space<vmem>>[vector<16xi32>, vector<16xi32>], vector<16xf32>,
            %parallel_loop3A_424 = arith.addi %shift_left3A_330, %parallel_loop3A_413 : vector<16xi32>
            %parallel_loop3A_425 = tpu.vector_load_idx %arg7[%add3A_34, %parallel_loop3A_424] : memref<128x128xf32, #tpu.memory_space<vmem>>[vector<16xi32>, vector<16xi32>], vector<16xf32>,
            tpu.vector_store_idx %arg11[%parallel_loop3A_413, %add3A_34], %parallel_loop3A_425 : memref<64x128xf32, #tpu.memory_space<vmem>>[vector<16xi32>, vector<16xi32>], vector<16xf32>,
            %parallel_loop3A_426 = arith.addi %shift_left3A_342, %parallel_loop3A_413 : vector<16xi32>
            %parallel_loop3A_427 = tpu.vector_load_idx %arg7[%add3A_37, %parallel_loop3A_426] : memref<128x128xf32, #tpu.memory_space<vmem>>[vector<16xi32>, vector<16xi32>], vector<16xf32>,
            tpu.vector_store_idx %arg11[%parallel_loop3A_413, %add3A_37], %parallel_loop3A_427 : memref<64x128xf32, #tpu.memory_space<vmem>>[vector<16xi32>, vector<16xi32>], vector<16xf32>,
            %parallel_loop3A_428 = arith.addi %shift_left3A_354, %parallel_loop3A_413 : vector<16xi32>
            %parallel_loop3A_429 = tpu.vector_load_idx %arg7[%add3A_40, %parallel_loop3A_428] : memref<128x128xf32, #tpu.memory_space<vmem>>[vector<16xi32>, vector<16xi32>], vector<16xf32>,
            tpu.vector_store_idx %arg11[%parallel_loop3A_413, %add3A_40], %parallel_loop3A_429 : memref<64x128xf32, #tpu.memory_space<vmem>>[vector<16xi32>, vector<16xi32>], vector<16xf32>,
          } {sc.loop_unroll_factor = 4 : i64, sc.parallel_access}
          %mul3A_357 = arith.constant 200 : i32
          %mul3A_358 = arith.muli %add3A, %mul3A_357 : i32
          %add3A_359 = arith.addi %mul3A_358, %scan3A_140 : i32
          %jit3A_360 = arith.constant 32 : i32
          %div3A_361 = arith.divsi %add3A_359, %jit3A_360 : i32
          %sign3A_362 = arith.constant 0 : i32
          %sign3A_363 = arith.cmpi sgt, %add3A_359, %sign3A_362 : i32
          %sign3A_364 = arith.extui %sign3A_363 : i1 to i32
          %sign3A_365 = arith.constant 0 : i32
          %sign3A_366 = arith.cmpi slt, %add3A_359, %sign3A_365 : i32
          %sign3A_367 = arith.extui %sign3A_366 : i1 to i32
          %sign3A_368 = arith.subi %sign3A_364, %sign3A_367 : i32
          %sign3A_369 = arith.constant 0 : i32
          %sign3A_370 = arith.cmpi sgt, %jit3A_360, %sign3A_369 : i32
          %sign3A_371 = arith.extui %sign3A_370 : i1 to i32
          %sign3A_372 = arith.constant 0 : i32
          %sign3A_373 = arith.cmpi slt, %jit3A_360, %sign3A_372 : i32
          %sign3A_374 = arith.extui %sign3A_373 : i1 to i32
          %sign3A_375 = arith.subi %sign3A_371, %sign3A_374 : i32
          %ne3A_376 = arith.cmpi ne, %sign3A_368, %sign3A_375 : i32
          %rem3A_377 = arith.remsi %add3A_359, %jit3A_360 : i32
          %ne3A_378 = arith.constant 0 : i32
          %ne3A_379 = arith.cmpi ne, %rem3A_377, %ne3A_378 : i32
          %and3A_380 = arith.andi %ne3A_376, %ne3A_379 : i1
          %sub3A_381 = arith.constant 1 : i32
          %sub3A_382 = arith.subi %div3A_361, %sub3A_381 : i32
          %select_n3A_383 = arith.select %and3A_380, %sub3A_382, %div3A_361 : i32
          %jit3A_384 = arith.constant 32 : i32
          %eq3A_385 = arith.constant 0 : i32
          %eq3A_386 = arith.cmpi eq, %jit3A_384, %eq3A_385 : i32
          %jit3A_387 = arith.constant 1 : i32
          %select_n3A_388 = arith.select %eq3A_386, %jit3A_387, %jit3A_384 : i32
          %rem3A_389 = arith.remsi %add3A_359, %select_n3A_388 : i32
          %ne3A_390 = arith.constant 0 : i32
          %ne3A_391 = arith.cmpi ne, %rem3A_389, %ne3A_390 : i32
          %lt3A_392 = arith.constant 0 : i32
          %lt3A_393 = arith.cmpi slt, %rem3A_389, %lt3A_392 : i32
          %lt3A_394 = arith.constant 0 : i32
          %lt3A_395 = arith.cmpi slt, %select_n3A_388, %lt3A_394 : i32
          %ne3A_396 = arith.xori %lt3A_393, %lt3A_395 : i1
          %and3A_397 = arith.andi %ne3A_396, %ne3A_391 : i1
          %add3A_398 = arith.addi %rem3A_389, %select_n3A_388 : i32
          %select_n3A_399 = arith.select %and3A_397, %add3A_398, %rem3A_389 : i32
          %mul3A_400 = arith.constant 128 : i32
          %mul3A_401 = arith.muli %select_n3A_399, %mul3A_400 : i32
          %dma_start3A_402 = arith.constant 0 : i32
          %dma_start3A_403 = tpu.memref_slice %arg4[%select_n3A_383, %dma_start3A_402, %mul3A_401] : memref<200x64x4096xf32, #tpu.memory_space<hbm>> -> memref<1x64x128xf32, #tpu.memory_space<hbm>>
          %dma_start3A_404 = tpu.memref_squeeze %dma_start3A_403 : memref<1x64x128xf32, #tpu.memory_space<hbm>> -> memref<64x128xf32, #tpu.memory_space<hbm>>
          %dma_start3A_405 = arith.constant 0 : i32
          %dma_start3A_406 = tpu.memref_slice %arg4[%select_n3A_383, %dma_start3A_405, %mul3A_401] : memref<200x64x4096xf32, #tpu.memory_space<hbm>> -> memref<1x64x128xf32, #tpu.memory_space<hbm>>
          %dma_start3A_407 = tpu.memref_squeeze %dma_start3A_406 : memref<1x64x128xf32, #tpu.memory_space<hbm>> -> memref<64x128xf32, #tpu.memory_space<hbm>>
          tpu.enqueue_dma source(%arg11 : memref<64x128xf32, #tpu.memory_space<vmem>>) target(%dma_start3A_407 : memref<64x128xf32, #tpu.memory_space<hbm>>) target_semaphore(%arg16 : memref<!tpu.dma_semaphore, #tpu.memory_space<semaphore_mem>>)
        } else {
        }
      } else {
      }
      %jit3A_160 = arith.constant 3 : i32
      %eq3A_161 = arith.constant 0 : i32
      %eq3A_162 = arith.cmpi eq, %jit3A_160, %eq3A_161 : i32
      %jit3A_163 = arith.constant 1 : i32
      %select_n3A_164 = arith.select %eq3A_162, %jit3A_163, %jit3A_160 : i32
      %rem3A_165 = arith.remsi %scan3A_140, %select_n3A_164 : i32
      %ne3A_166 = arith.constant 0 : i32
      %ne3A_167 = arith.cmpi ne, %rem3A_165, %ne3A_166 : i32
      %lt3A_168 = arith.constant 0 : i32
      %lt3A_169 = arith.cmpi slt, %rem3A_165, %lt3A_168 : i32
      %lt3A_170 = arith.constant 0 : i32
      %lt3A_171 = arith.cmpi slt, %select_n3A_164, %lt3A_170 : i32
      %ne3A_172 = arith.xori %lt3A_169, %lt3A_171 : i1
      %and3A_173 = arith.andi %ne3A_172, %ne3A_167 : i1
      %add3A_174 = arith.addi %rem3A_165, %select_n3A_164 : i32
      %select_n3A_175 = arith.select %and3A_173, %add3A_174, %rem3A_165 : i32
      %eq3A_176 = arith.constant 1 : i32
      %eq3A_177 = arith.cmpi eq, %select_n3A_175, %eq3A_176 : i32
      %convert_element_type3A_178 = arith.extui %eq3A_177 : i1 to i32
      %cond3A_179 = arith.constant 0 : i32
      %cond3A_180 = arith.cmpi ne, %convert_element_type3A_178, %cond3A_179 : i32
      scf.if %cond3A_180 {
        %jit3A_202 = arith.constant 2 : i32
        %eq3A_203 = arith.constant 0 : i32
        %eq3A_204 = arith.cmpi eq, %jit3A_202, %eq3A_203 : i32
        %jit3A_205 = arith.constant 1 : i32
        %select_n3A_206 = arith.select %eq3A_204, %jit3A_205, %jit3A_202 : i32
        %rem3A_207 = arith.remsi %scan3A_140, %select_n3A_206 : i32
        %ne3A_208 = arith.constant 0 : i32
        %ne3A_209 = arith.cmpi ne, %rem3A_207, %ne3A_208 : i32
        %lt3A_210 = arith.constant 0 : i32
        %lt3A_211 = arith.cmpi slt, %rem3A_207, %lt3A_210 : i32
        %lt3A_212 = arith.constant 0 : i32
        %lt3A_213 = arith.cmpi slt, %select_n3A_206, %lt3A_212 : i32
        %ne3A_214 = arith.xori %lt3A_211, %lt3A_213 : i1
        %and3A_215 = arith.andi %ne3A_214, %ne3A_209 : i1
        %add3A_216 = arith.addi %rem3A_207, %select_n3A_206 : i32
        %select_n3A_217 = arith.select %and3A_215, %add3A_216, %rem3A_207 : i32
        %eq3A_218 = arith.constant 0 : i32
        %eq3A_219 = arith.cmpi eq, %select_n3A_217, %eq3A_218 : i32
        %convert_element_type3A_220 = arith.extui %eq3A_219 : i1 to i32
        %cond3A_221 = arith.constant 0 : i32
        %cond3A_222 = arith.cmpi ne, %convert_element_type3A_220, %cond3A_221 : i32
        scf.if %cond3A_222 {
          %add3A_244 = arith.constant 2 : i32
          %add3A_245 = arith.addi %scan3A_140, %add3A_244 : i32
          %lt3A_246 = arith.constant 200 : i32
          %lt3A_247 = arith.cmpi slt, %add3A_245, %lt3A_246 : i32
          %convert_element_type3A_248 = arith.extui %lt3A_247 : i1 to i32
          %cond3A_249 = arith.constant 0 : i32
          %cond3A_250 = arith.cmpi ne, %convert_element_type3A_248, %cond3A_249 : i32
          scf.if %cond3A_250 {
            %add3A_408 = arith.constant 2 : i32
            %add3A_409 = arith.addi %scan3A_140, %add3A_408 : i32
            %mul3A_410 = arith.constant 128 : i32
            %mul3A_411 = arith.muli %add3A_409, %mul3A_410 : i32
            %dma_start3A_412 = tpu.memref_slice %arg6[%mul3A_411] : memref<25600xi32, #tpu.memory_space<vmem>> -> memref<128xi32, #tpu.memory_space<vmem>>
            %dma_start3A_413 = arith.constant 0 : i32
            %dma_start3A_414 = arith.constant 0 : i32
            %dma_start3A_415 = tpu.memref_slice %arg3[%dma_start3A_413, %dma_start3A_414] : memref<500000x128xf32, #tpu.memory_space<hbm>> -> memref<500000x128xf32, #tpu.memory_space<hbm>>
            tpu.enqueue_indirect_dma source(%dma_start3A_415 : memref<500000x128xf32, #tpu.memory_space<hbm>>) target(%arg7 : memref<128x128xf32, #tpu.memory_space<vmem>>) offsets(%dma_start3A_412 : memref<128xi32, #tpu.memory_space<vmem>>) semaphore(%arg12 : memref<!tpu.dma_semaphore, #tpu.memory_space<semaphore_mem>>)
          } else {
          }
          %mul3A_251 = arith.constant 128 : i32
          %mul3A_252 = arith.muli %scan3A_140, %mul3A_251 : i32
          %dma_wait3A_253 = tpu.memref_slice %arg6[%mul3A_252] : memref<25600xi32, #tpu.memory_space<vmem>> -> memref<128xi32, #tpu.memory_space<vmem>>
          %dma_wait3A_254 = arith.constant 0 : i32
          %dma_wait3A_255 = arith.constant 0 : i32
          %dma_wait3A_256 = tpu.memref_slice %arg3[%dma_wait3A_254, %dma_wait3A_255] : memref<500000x128xf32, #tpu.memory_space<hbm>> -> memref<500000x128xf32, #tpu.memory_space<hbm>>
          tpu.wait_indirect_dma semaphore(%arg13 : memref<!tpu.dma_semaphore, #tpu.memory_space<semaphore_mem>>) src(%dma_wait3A_256 : memref<500000x128xf32, #tpu.memory_space<hbm>>) dst(%arg8 : memref<128x128xf32, #tpu.memory_space<vmem>>)
          %ge3A = arith.constant 2 : i32
          %ge3A_257 = arith.cmpi sge, %scan3A_140, %ge3A : i32
          %convert_element_type3A_258 = arith.extui %ge3A_257 : i1 to i32
          %cond3A_259 = arith.constant 0 : i32
          %cond3A_260 = arith.cmpi ne, %convert_element_type3A_258, %cond3A_259 : i32
          scf.if %cond3A_260 {
            %mul3A_408 = arith.constant 200 : i32
            %mul3A_409 = arith.muli %add3A, %mul3A_408 : i32
            %add3A_410 = arith.addi %mul3A_409, %scan3A_140 : i32
            %jit3A_411 = arith.constant 32 : i32
            %div3A_412 = arith.divsi %add3A_410, %jit3A_411 : i32
            %sign3A_413 = arith.constant 0 : i32
            %sign3A_414 = arith.cmpi sgt, %add3A_410, %sign3A_413 : i32
            %sign3A_415 = arith.extui %sign3A_414 : i1 to i32
            %sign3A_416 = arith.constant 0 : i32
            %sign3A_417 = arith.cmpi slt, %add3A_410, %sign3A_416 : i32
            %sign3A_418 = arith.extui %sign3A_417 : i1 to i32
            %sign3A_419 = arith.subi %sign3A_415, %sign3A_418 : i32
            %sign3A_420 = arith.constant 0 : i32
            %sign3A_421 = arith.cmpi sgt, %jit3A_411, %sign3A_420 : i32
            %sign3A_422 = arith.extui %sign3A_421 : i1 to i32
            %sign3A_423 = arith.constant 0 : i32
            %sign3A_424 = arith.cmpi slt, %jit3A_411, %sign3A_423 : i32
            %sign3A_425 = arith.extui %sign3A_424 : i1 to i32
            %sign3A_426 = arith.subi %sign3A_422, %sign3A_425 : i32
            %ne3A_427 = arith.cmpi ne, %sign3A_419, %sign3A_426 : i32
            %rem3A_428 = arith.remsi %add3A_410, %jit3A_411 : i32
            %ne3A_429 = arith.constant 0 : i32
            %ne3A_430 = arith.cmpi ne, %rem3A_428, %ne3A_429 : i32
            %and3A_431 = arith.andi %ne3A_427, %ne3A_430 : i1
            %sub3A_432 = arith.constant 1 : i32
            %sub3A_433 = arith.subi %div3A_412, %sub3A_432 : i32
            %select_n3A_434 = arith.select %and3A_431, %sub3A_433, %div3A_412 : i32
            %jit3A_435 = arith.constant 32 : i32
            %eq3A_436 = arith.constant 0 : i32
            %eq3A_437 = arith.cmpi eq, %jit3A_435, %eq3A_436 : i32
            %jit3A_438 = arith.constant 1 : i32
            %select_n3A_439 = arith.select %eq3A_437, %jit3A_438, %jit3A_435 : i32
            %rem3A_440 = arith.remsi %add3A_410, %select_n3A_439 : i32
            %ne3A_441 = arith.constant 0 : i32
            %ne3A_442 = arith.cmpi ne, %rem3A_440, %ne3A_441 : i32
            %lt3A_443 = arith.constant 0 : i32
            %lt3A_444 = arith.cmpi slt, %rem3A_440, %lt3A_443 : i32
            %lt3A_445 = arith.constant 0 : i32
            %lt3A_446 = arith.cmpi slt, %select_n3A_439, %lt3A_445 : i32
            %ne3A_447 = arith.xori %lt3A_444, %lt3A_446 : i1
            %and3A_448 = arith.andi %ne3A_447, %ne3A_442 : i1
            %add3A_449 = arith.addi %rem3A_440, %select_n3A_439 : i32
            %select_n3A_450 = arith.select %and3A_448, %add3A_449, %rem3A_440 : i32
            %mul3A_451 = arith.constant 128 : i32
            %mul3A_452 = arith.muli %select_n3A_450, %mul3A_451 : i32
            %dma_wait3A_453 = arith.constant 0 : i32
            %dma_wait3A_454 = tpu.memref_slice %arg4[%select_n3A_434, %dma_wait3A_453, %mul3A_452] : memref<200x64x4096xf32, #tpu.memory_space<hbm>> -> memref<1x64x128xf32, #tpu.memory_space<hbm>>
            %dma_wait3A_455 = tpu.memref_squeeze %dma_wait3A_454 : memref<1x64x128xf32, #tpu.memory_space<hbm>> -> memref<64x128xf32, #tpu.memory_space<hbm>>
            %dma_wait3A_456 = arith.constant 0 : i32
            %dma_wait3A_457 = tpu.memref_slice %arg4[%select_n3A_434, %dma_wait3A_456, %mul3A_452] : memref<200x64x4096xf32, #tpu.memory_space<hbm>> -> memref<1x64x128xf32, #tpu.memory_space<hbm>>
            %dma_wait3A_458 = tpu.memref_squeeze %dma_wait3A_457 : memref<1x64x128xf32, #tpu.memory_space<hbm>> -> memref<64x128xf32, #tpu.memory_space<hbm>>
            tpu.wait_dma2 semaphore(%arg15 : memref<!tpu.dma_semaphore, #tpu.memory_space<semaphore_mem>>) src(%arg10 : memref<64x128xf32, #tpu.memory_space<vmem>>) dst(%dma_wait3A_458 : memref<64x128xf32, #tpu.memory_space<hbm>>)
          } else {
          }
          %mul3A_261 = arith.constant 128 : i32
          %mul3A_262 = arith.muli %scan3A_140, %mul3A_261 : i32
          %add3A_263 = arith.constant 0 : i32
          %add3A_264 = arith.addi %mul3A_262, %add3A_263 : i32
          %get3A = arith.index_cast %add3A_264 : i32 to index
          %get3A_265 = tpu.vector_load %arg5[%get3A] {strides = array<i32>} : memref<25600xi32, #tpu.memory_space<vmem>>, vector<16xi32>,
          %and3A_266 = arith.constant 1 : i32
          %and3A_267 = vector.broadcast %and3A_266 : i32 to vector<16xi32>
          %and3A_268 = arith.andi %get3A_265, %and3A_267 : vector<16xi32>
          %shift_left3A = arith.constant 6 : i32
          %shift_left3A_269 = vector.broadcast %shift_left3A : i32 to vector<16xi32>
          %shift_left3A_270 = arith.shli %and3A_268, %shift_left3A_269 : vector<16xi32>
          %mul3A_271 = arith.constant 128 : i32
          %mul3A_272 = arith.muli %scan3A_140, %mul3A_271 : i32
          %add3A_273 = arith.constant 16 : i32
          %add3A_274 = arith.addi %mul3A_272, %add3A_273 : i32
          %get3A_275 = arith.index_cast %add3A_274 : i32 to index
          %get3A_276 = tpu.vector_load %arg5[%get3A_275] {strides = array<i32>} : memref<25600xi32, #tpu.memory_space<vmem>>, vector<16xi32>,
          %and3A_277 = arith.constant 1 : i32
          %and3A_278 = vector.broadcast %and3A_277 : i32 to vector<16xi32>
          %and3A_279 = arith.andi %get3A_276, %and3A_278 : vector<16xi32>
          %shift_left3A_280 = arith.constant 6 : i32
          %shift_left3A_281 = vector.broadcast %shift_left3A_280 : i32 to vector<16xi32>
          %shift_left3A_282 = arith.shli %and3A_279, %shift_left3A_281 : vector<16xi32>
          %mul3A_283 = arith.constant 128 : i32
          %mul3A_284 = arith.muli %scan3A_140, %mul3A_283 : i32
          %add3A_285 = arith.constant 32 : i32
          %add3A_286 = arith.addi %mul3A_284, %add3A_285 : i32
          %get3A_287 = arith.index_cast %add3A_286 : i32 to index
          %get3A_288 = tpu.vector_load %arg5[%get3A_287] {strides = array<i32>} : memref<25600xi32, #tpu.memory_space<vmem>>, vector<16xi32>,
          %and3A_289 = arith.constant 1 : i32
          %and3A_290 = vector.broadcast %and3A_289 : i32 to vector<16xi32>
          %and3A_291 = arith.andi %get3A_288, %and3A_290 : vector<16xi32>
          %shift_left3A_292 = arith.constant 6 : i32
          %shift_left3A_293 = vector.broadcast %shift_left3A_292 : i32 to vector<16xi32>
          %shift_left3A_294 = arith.shli %and3A_291, %shift_left3A_293 : vector<16xi32>
          %mul3A_295 = arith.constant 128 : i32
          %mul3A_296 = arith.muli %scan3A_140, %mul3A_295 : i32
          %add3A_297 = arith.constant 48 : i32
          %add3A_298 = arith.addi %mul3A_296, %add3A_297 : i32
          %get3A_299 = arith.index_cast %add3A_298 : i32 to index
          %get3A_300 = tpu.vector_load %arg5[%get3A_299] {strides = array<i32>} : memref<25600xi32, #tpu.memory_space<vmem>>, vector<16xi32>,
          %and3A_301 = arith.constant 1 : i32
          %and3A_302 = vector.broadcast %and3A_301 : i32 to vector<16xi32>
          %and3A_303 = arith.andi %get3A_300, %and3A_302 : vector<16xi32>
          %shift_left3A_304 = arith.constant 6 : i32
          %shift_left3A_305 = vector.broadcast %shift_left3A_304 : i32 to vector<16xi32>
          %shift_left3A_306 = arith.shli %and3A_303, %shift_left3A_305 : vector<16xi32>
          %mul3A_307 = arith.constant 128 : i32
          %mul3A_308 = arith.muli %scan3A_140, %mul3A_307 : i32
          %add3A_309 = arith.constant 64 : i32
          %add3A_310 = arith.addi %mul3A_308, %add3A_309 : i32
          %get3A_311 = arith.index_cast %add3A_310 : i32 to index
          %get3A_312 = tpu.vector_load %arg5[%get3A_311] {strides = array<i32>} : memref<25600xi32, #tpu.memory_space<vmem>>, vector<16xi32>,
          %and3A_313 = arith.constant 1 : i32
          %and3A_314 = vector.broadcast %and3A_313 : i32 to vector<16xi32>
          %and3A_315 = arith.andi %get3A_312, %and3A_314 : vector<16xi32>
          %shift_left3A_316 = arith.constant 6 : i32
          %shift_left3A_317 = vector.broadcast %shift_left3A_316 : i32 to vector<16xi32>
          %shift_left3A_318 = arith.shli %and3A_315, %shift_left3A_317 : vector<16xi32>
          %mul3A_319 = arith.constant 128 : i32
          %mul3A_320 = arith.muli %scan3A_140, %mul3A_319 : i32
          %add3A_321 = arith.constant 80 : i32
          %add3A_322 = arith.addi %mul3A_320, %add3A_321 : i32
          %get3A_323 = arith.index_cast %add3A_322 : i32 to index
          %get3A_324 = tpu.vector_load %arg5[%get3A_323] {strides = array<i32>} : memref<25600xi32, #tpu.memory_space<vmem>>, vector<16xi32>,
          %and3A_325 = arith.constant 1 : i32
          %and3A_326 = vector.broadcast %and3A_325 : i32 to vector<16xi32>
          %and3A_327 = arith.andi %get3A_324, %and3A_326 : vector<16xi32>
          %shift_left3A_328 = arith.constant 6 : i32
          %shift_left3A_329 = vector.broadcast %shift_left3A_328 : i32 to vector<16xi32>
          %shift_left3A_330 = arith.shli %and3A_327, %shift_left3A_329 : vector<16xi32>
          %mul3A_331 = arith.constant 128 : i32
          %mul3A_332 = arith.muli %scan3A_140, %mul3A_331 : i32
          %add3A_333 = arith.constant 96 : i32
          %add3A_334 = arith.addi %mul3A_332, %add3A_333 : i32
          %get3A_335 = arith.index_cast %add3A_334 : i32 to index
          %get3A_336 = tpu.vector_load %arg5[%get3A_335] {strides = array<i32>} : memref<25600xi32, #tpu.memory_space<vmem>>, vector<16xi32>,
          %and3A_337 = arith.constant 1 : i32
          %and3A_338 = vector.broadcast %and3A_337 : i32 to vector<16xi32>
          %and3A_339 = arith.andi %get3A_336, %and3A_338 : vector<16xi32>
          %shift_left3A_340 = arith.constant 6 : i32
          %shift_left3A_341 = vector.broadcast %shift_left3A_340 : i32 to vector<16xi32>
          %shift_left3A_342 = arith.shli %and3A_339, %shift_left3A_341 : vector<16xi32>
          %mul3A_343 = arith.constant 128 : i32
          %mul3A_344 = arith.muli %scan3A_140, %mul3A_343 : i32
          %add3A_345 = arith.constant 112 : i32
          %add3A_346 = arith.addi %mul3A_344, %add3A_345 : i32
          %get3A_347 = arith.index_cast %add3A_346 : i32 to index
          %get3A_348 = tpu.vector_load %arg5[%get3A_347] {strides = array<i32>} : memref<25600xi32, #tpu.memory_space<vmem>>, vector<16xi32>,
          %and3A_349 = arith.constant 1 : i32
          %and3A_350 = vector.broadcast %and3A_349 : i32 to vector<16xi32>
          %and3A_351 = arith.andi %get3A_348, %and3A_350 : vector<16xi32>
          %shift_left3A_352 = arith.constant 6 : i32
          %shift_left3A_353 = vector.broadcast %shift_left3A_352 : i32 to vector<16xi32>
          %shift_left3A_354 = arith.shli %and3A_351, %shift_left3A_353 : vector<16xi32>
          %parallel_loop3A = arith.constant 0 : i32
          %parallel_loop3A_355 = arith.constant 64 : i32
          %parallel_loop3A_356 = arith.constant 1 : i32
          scf.for %parallel_loop3A_408 = %parallel_loop3A to %parallel_loop3A_355 step %parallel_loop3A_356  : i32 {
            %parallel_loop3A_409 = vector.broadcast %parallel_loop3A_408 : i32 to vector<16xi32>
            %parallel_loop3A_410 = arith.addi %parallel_loop3A_409, %iota3A : vector<16xi32>
            %parallel_loop3A_411 = arith.constant 63 : i32
            %parallel_loop3A_412 = vector.broadcast %parallel_loop3A_411 : i32 to vector<16xi32>
            %parallel_loop3A_413 = arith.andi %parallel_loop3A_410, %parallel_loop3A_412 : vector<16xi32>
            %parallel_loop3A_414 = arith.addi %shift_left3A_270, %parallel_loop3A_413 : vector<16xi32>
            %parallel_loop3A_415 = tpu.vector_load_idx %arg8[%add3A_19, %parallel_loop3A_414] : memref<128x128xf32, #tpu.memory_space<vmem>>[vector<16xi32>, vector<16xi32>], vector<16xf32>,
            tpu.vector_store_idx %arg10[%parallel_loop3A_413, %add3A_19], %parallel_loop3A_415 : memref<64x128xf32, #tpu.memory_space<vmem>>[vector<16xi32>, vector<16xi32>], vector<16xf32>,
            %parallel_loop3A_416 = arith.addi %shift_left3A_282, %parallel_loop3A_413 : vector<16xi32>
            %parallel_loop3A_417 = tpu.vector_load_idx %arg8[%add3A_22, %parallel_loop3A_416] : memref<128x128xf32, #tpu.memory_space<vmem>>[vector<16xi32>, vector<16xi32>], vector<16xf32>,
            tpu.vector_store_idx %arg10[%parallel_loop3A_413, %add3A_22], %parallel_loop3A_417 : memref<64x128xf32, #tpu.memory_space<vmem>>[vector<16xi32>, vector<16xi32>], vector<16xf32>,
            %parallel_loop3A_418 = arith.addi %shift_left3A_294, %parallel_loop3A_413 : vector<16xi32>
            %parallel_loop3A_419 = tpu.vector_load_idx %arg8[%add3A_25, %parallel_loop3A_418] : memref<128x128xf32, #tpu.memory_space<vmem>>[vector<16xi32>, vector<16xi32>], vector<16xf32>,
            tpu.vector_store_idx %arg10[%parallel_loop3A_413, %add3A_25], %parallel_loop3A_419 : memref<64x128xf32, #tpu.memory_space<vmem>>[vector<16xi32>, vector<16xi32>], vector<16xf32>,
            %parallel_loop3A_420 = arith.addi %shift_left3A_306, %parallel_loop3A_413 : vector<16xi32>
            %parallel_loop3A_421 = tpu.vector_load_idx %arg8[%add3A_28, %parallel_loop3A_420] : memref<128x128xf32, #tpu.memory_space<vmem>>[vector<16xi32>, vector<16xi32>], vector<16xf32>,
            tpu.vector_store_idx %arg10[%parallel_loop3A_413, %add3A_28], %parallel_loop3A_421 : memref<64x128xf32, #tpu.memory_space<vmem>>[vector<16xi32>, vector<16xi32>], vector<16xf32>,
            %parallel_loop3A_422 = arith.addi %shift_left3A_318, %parallel_loop3A_413 : vector<16xi32>
            %parallel_loop3A_423 = tpu.vector_load_idx %arg8[%add3A_31, %parallel_loop3A_422] : memref<128x128xf32, #tpu.memory_space<vmem>>[vector<16xi32>, vector<16xi32>], vector<16xf32>,
            tpu.vector_store_idx %arg10[%parallel_loop3A_413, %add3A_31], %parallel_loop3A_423 : memref<64x128xf32, #tpu.memory_space<vmem>>[vector<16xi32>, vector<16xi32>], vector<16xf32>,
            %parallel_loop3A_424 = arith.addi %shift_left3A_330, %parallel_loop3A_413 : vector<16xi32>
            %parallel_loop3A_425 = tpu.vector_load_idx %arg8[%add3A_34, %parallel_loop3A_424] : memref<128x128xf32, #tpu.memory_space<vmem>>[vector<16xi32>, vector<16xi32>], vector<16xf32>,
            tpu.vector_store_idx %arg10[%parallel_loop3A_413, %add3A_34], %parallel_loop3A_425 : memref<64x128xf32, #tpu.memory_space<vmem>>[vector<16xi32>, vector<16xi32>], vector<16xf32>,
            %parallel_loop3A_426 = arith.addi %shift_left3A_342, %parallel_loop3A_413 : vector<16xi32>
            %parallel_loop3A_427 = tpu.vector_load_idx %arg8[%add3A_37, %parallel_loop3A_426] : memref<128x128xf32, #tpu.memory_space<vmem>>[vector<16xi32>, vector<16xi32>], vector<16xf32>,
            tpu.vector_store_idx %arg10[%parallel_loop3A_413, %add3A_37], %parallel_loop3A_427 : memref<64x128xf32, #tpu.memory_space<vmem>>[vector<16xi32>, vector<16xi32>], vector<16xf32>,
            %parallel_loop3A_428 = arith.addi %shift_left3A_354, %parallel_loop3A_413 : vector<16xi32>
            %parallel_loop3A_429 = tpu.vector_load_idx %arg8[%add3A_40, %parallel_loop3A_428] : memref<128x128xf32, #tpu.memory_space<vmem>>[vector<16xi32>, vector<16xi32>], vector<16xf32>,
            tpu.vector_store_idx %arg10[%parallel_loop3A_413, %add3A_40], %parallel_loop3A_429 : memref<64x128xf32, #tpu.memory_space<vmem>>[vector<16xi32>, vector<16xi32>], vector<16xf32>,
          } {sc.loop_unroll_factor = 4 : i64, sc.parallel_access}
          %mul3A_357 = arith.constant 200 : i32
          %mul3A_358 = arith.muli %add3A, %mul3A_357 : i32
          %add3A_359 = arith.addi %mul3A_358, %scan3A_140 : i32
          %jit3A_360 = arith.constant 32 : i32
          %div3A_361 = arith.divsi %add3A_359, %jit3A_360 : i32
          %sign3A_362 = arith.constant 0 : i32
          %sign3A_363 = arith.cmpi sgt, %add3A_359, %sign3A_362 : i32
          %sign3A_364 = arith.extui %sign3A_363 : i1 to i32
          %sign3A_365 = arith.constant 0 : i32
          %sign3A_366 = arith.cmpi slt, %add3A_359, %sign3A_365 : i32
          %sign3A_367 = arith.extui %sign3A_366 : i1 to i32
          %sign3A_368 = arith.subi %sign3A_364, %sign3A_367 : i32
          %sign3A_369 = arith.constant 0 : i32
          %sign3A_370 = arith.cmpi sgt, %jit3A_360, %sign3A_369 : i32
          %sign3A_371 = arith.extui %sign3A_370 : i1 to i32
          %sign3A_372 = arith.constant 0 : i32
          %sign3A_373 = arith.cmpi slt, %jit3A_360, %sign3A_372 : i32
          %sign3A_374 = arith.extui %sign3A_373 : i1 to i32
          %sign3A_375 = arith.subi %sign3A_371, %sign3A_374 : i32
          %ne3A_376 = arith.cmpi ne, %sign3A_368, %sign3A_375 : i32
          %rem3A_377 = arith.remsi %add3A_359, %jit3A_360 : i32
          %ne3A_378 = arith.constant 0 : i32
          %ne3A_379 = arith.cmpi ne, %rem3A_377, %ne3A_378 : i32
          %and3A_380 = arith.andi %ne3A_376, %ne3A_379 : i1
          %sub3A_381 = arith.constant 1 : i32
          %sub3A_382 = arith.subi %div3A_361, %sub3A_381 : i32
          %select_n3A_383 = arith.select %and3A_380, %sub3A_382, %div3A_361 : i32
          %jit3A_384 = arith.constant 32 : i32
          %eq3A_385 = arith.constant 0 : i32
          %eq3A_386 = arith.cmpi eq, %jit3A_384, %eq3A_385 : i32
          %jit3A_387 = arith.constant 1 : i32
          %select_n3A_388 = arith.select %eq3A_386, %jit3A_387, %jit3A_384 : i32
          %rem3A_389 = arith.remsi %add3A_359, %select_n3A_388 : i32
          %ne3A_390 = arith.constant 0 : i32
          %ne3A_391 = arith.cmpi ne, %rem3A_389, %ne3A_390 : i32
          %lt3A_392 = arith.constant 0 : i32
          %lt3A_393 = arith.cmpi slt, %rem3A_389, %lt3A_392 : i32
          %lt3A_394 = arith.constant 0 : i32
          %lt3A_395 = arith.cmpi slt, %select_n3A_388, %lt3A_394 : i32
          %ne3A_396 = arith.xori %lt3A_393, %lt3A_395 : i1
          %and3A_397 = arith.andi %ne3A_396, %ne3A_391 : i1
          %add3A_398 = arith.addi %rem3A_389, %select_n3A_388 : i32
          %select_n3A_399 = arith.select %and3A_397, %add3A_398, %rem3A_389 : i32
          %mul3A_400 = arith.constant 128 : i32
          %mul3A_401 = arith.muli %select_n3A_399, %mul3A_400 : i32
          %dma_start3A_402 = arith.constant 0 : i32
          %dma_start3A_403 = tpu.memref_slice %arg4[%select_n3A_383, %dma_start3A_402, %mul3A_401] : memref<200x64x4096xf32, #tpu.memory_space<hbm>> -> memref<1x64x128xf32, #tpu.memory_space<hbm>>
          %dma_start3A_404 = tpu.memref_squeeze %dma_start3A_403 : memref<1x64x128xf32, #tpu.memory_space<hbm>> -> memref<64x128xf32, #tpu.memory_space<hbm>>
          %dma_start3A_405 = arith.constant 0 : i32
          %dma_start3A_406 = tpu.memref_slice %arg4[%select_n3A_383, %dma_start3A_405, %mul3A_401] : memref<200x64x4096xf32, #tpu.memory_space<hbm>> -> memref<1x64x128xf32, #tpu.memory_space<hbm>>
          %dma_start3A_407 = tpu.memref_squeeze %dma_start3A_406 : memref<1x64x128xf32, #tpu.memory_space<hbm>> -> memref<64x128xf32, #tpu.memory_space<hbm>>
          tpu.enqueue_dma source(%arg10 : memref<64x128xf32, #tpu.memory_space<vmem>>) target(%dma_start3A_407 : memref<64x128xf32, #tpu.memory_space<hbm>>) target_semaphore(%arg15 : memref<!tpu.dma_semaphore, #tpu.memory_space<semaphore_mem>>)
        } else {
        }
        %jit3A_223 = arith.constant 2 : i32
        %eq3A_224 = arith.constant 0 : i32
        %eq3A_225 = arith.cmpi eq, %jit3A_223, %eq3A_224 : i32
        %jit3A_226 = arith.constant 1 : i32
        %select_n3A_227 = arith.select %eq3A_225, %jit3A_226, %jit3A_223 : i32
        %rem3A_228 = arith.remsi %scan3A_140, %select_n3A_227 : i32
        %ne3A_229 = arith.constant 0 : i32
        %ne3A_230 = arith.cmpi ne, %rem3A_228, %ne3A_229 : i32
        %lt3A_231 = arith.constant 0 : i32
        %lt3A_232 = arith.cmpi slt, %rem3A_228, %lt3A_231 : i32
        %lt3A_233 = arith.constant 0 : i32
        %lt3A_234 = arith.cmpi slt, %select_n3A_227, %lt3A_233 : i32
        %ne3A_235 = arith.xori %lt3A_232, %lt3A_234 : i1
        %and3A_236 = arith.andi %ne3A_235, %ne3A_230 : i1
        %add3A_237 = arith.addi %rem3A_228, %select_n3A_227 : i32
        %select_n3A_238 = arith.select %and3A_236, %add3A_237, %rem3A_228 : i32
        %eq3A_239 = arith.constant 1 : i32
        %eq3A_240 = arith.cmpi eq, %select_n3A_238, %eq3A_239 : i32
        %convert_element_type3A_241 = arith.extui %eq3A_240 : i1 to i32
        %cond3A_242 = arith.constant 0 : i32
        %cond3A_243 = arith.cmpi ne, %convert_element_type3A_241, %cond3A_242 : i32
        scf.if %cond3A_243 {
          %add3A_244 = arith.constant 2 : i32
          %add3A_245 = arith.addi %scan3A_140, %add3A_244 : i32
          %lt3A_246 = arith.constant 200 : i32
          %lt3A_247 = arith.cmpi slt, %add3A_245, %lt3A_246 : i32
          %convert_element_type3A_248 = arith.extui %lt3A_247 : i1 to i32
          %cond3A_249 = arith.constant 0 : i32
          %cond3A_250 = arith.cmpi ne, %convert_element_type3A_248, %cond3A_249 : i32
          scf.if %cond3A_250 {
            %add3A_408 = arith.constant 2 : i32
            %add3A_409 = arith.addi %scan3A_140, %add3A_408 : i32
            %mul3A_410 = arith.constant 128 : i32
            %mul3A_411 = arith.muli %add3A_409, %mul3A_410 : i32
            %dma_start3A_412 = tpu.memref_slice %arg6[%mul3A_411] : memref<25600xi32, #tpu.memory_space<vmem>> -> memref<128xi32, #tpu.memory_space<vmem>>
            %dma_start3A_413 = arith.constant 0 : i32
            %dma_start3A_414 = arith.constant 0 : i32
            %dma_start3A_415 = tpu.memref_slice %arg3[%dma_start3A_413, %dma_start3A_414] : memref<500000x128xf32, #tpu.memory_space<hbm>> -> memref<500000x128xf32, #tpu.memory_space<hbm>>
            tpu.enqueue_indirect_dma source(%dma_start3A_415 : memref<500000x128xf32, #tpu.memory_space<hbm>>) target(%arg7 : memref<128x128xf32, #tpu.memory_space<vmem>>) offsets(%dma_start3A_412 : memref<128xi32, #tpu.memory_space<vmem>>) semaphore(%arg12 : memref<!tpu.dma_semaphore, #tpu.memory_space<semaphore_mem>>)
          } else {
          }
          %mul3A_251 = arith.constant 128 : i32
          %mul3A_252 = arith.muli %scan3A_140, %mul3A_251 : i32
          %dma_wait3A_253 = tpu.memref_slice %arg6[%mul3A_252] : memref<25600xi32, #tpu.memory_space<vmem>> -> memref<128xi32, #tpu.memory_space<vmem>>
          %dma_wait3A_254 = arith.constant 0 : i32
          %dma_wait3A_255 = arith.constant 0 : i32
          %dma_wait3A_256 = tpu.memref_slice %arg3[%dma_wait3A_254, %dma_wait3A_255] : memref<500000x128xf32, #tpu.memory_space<hbm>> -> memref<500000x128xf32, #tpu.memory_space<hbm>>
          tpu.wait_indirect_dma semaphore(%arg13 : memref<!tpu.dma_semaphore, #tpu.memory_space<semaphore_mem>>) src(%dma_wait3A_256 : memref<500000x128xf32, #tpu.memory_space<hbm>>) dst(%arg8 : memref<128x128xf32, #tpu.memory_space<vmem>>)
          %ge3A = arith.constant 2 : i32
          %ge3A_257 = arith.cmpi sge, %scan3A_140, %ge3A : i32
          %convert_element_type3A_258 = arith.extui %ge3A_257 : i1 to i32
          %cond3A_259 = arith.constant 0 : i32
          %cond3A_260 = arith.cmpi ne, %convert_element_type3A_258, %cond3A_259 : i32
          scf.if %cond3A_260 {
            %mul3A_408 = arith.constant 200 : i32
            %mul3A_409 = arith.muli %add3A, %mul3A_408 : i32
            %add3A_410 = arith.addi %mul3A_409, %scan3A_140 : i32
            %jit3A_411 = arith.constant 32 : i32
            %div3A_412 = arith.divsi %add3A_410, %jit3A_411 : i32
            %sign3A_413 = arith.constant 0 : i32
            %sign3A_414 = arith.cmpi sgt, %add3A_410, %sign3A_413 : i32
            %sign3A_415 = arith.extui %sign3A_414 : i1 to i32
            %sign3A_416 = arith.constant 0 : i32
            %sign3A_417 = arith.cmpi slt, %add3A_410, %sign3A_416 : i32
            %sign3A_418 = arith.extui %sign3A_417 : i1 to i32
            %sign3A_419 = arith.subi %sign3A_415, %sign3A_418 : i32
            %sign3A_420 = arith.constant 0 : i32
            %sign3A_421 = arith.cmpi sgt, %jit3A_411, %sign3A_420 : i32
            %sign3A_422 = arith.extui %sign3A_421 : i1 to i32
            %sign3A_423 = arith.constant 0 : i32
            %sign3A_424 = arith.cmpi slt, %jit3A_411, %sign3A_423 : i32
            %sign3A_425 = arith.extui %sign3A_424 : i1 to i32
            %sign3A_426 = arith.subi %sign3A_422, %sign3A_425 : i32
            %ne3A_427 = arith.cmpi ne, %sign3A_419, %sign3A_426 : i32
            %rem3A_428 = arith.remsi %add3A_410, %jit3A_411 : i32
            %ne3A_429 = arith.constant 0 : i32
            %ne3A_430 = arith.cmpi ne, %rem3A_428, %ne3A_429 : i32
            %and3A_431 = arith.andi %ne3A_427, %ne3A_430 : i1
            %sub3A_432 = arith.constant 1 : i32
            %sub3A_433 = arith.subi %div3A_412, %sub3A_432 : i32
            %select_n3A_434 = arith.select %and3A_431, %sub3A_433, %div3A_412 : i32
            %jit3A_435 = arith.constant 32 : i32
            %eq3A_436 = arith.constant 0 : i32
            %eq3A_437 = arith.cmpi eq, %jit3A_435, %eq3A_436 : i32
            %jit3A_438 = arith.constant 1 : i32
            %select_n3A_439 = arith.select %eq3A_437, %jit3A_438, %jit3A_435 : i32
            %rem3A_440 = arith.remsi %add3A_410, %select_n3A_439 : i32
            %ne3A_441 = arith.constant 0 : i32
            %ne3A_442 = arith.cmpi ne, %rem3A_440, %ne3A_441 : i32
            %lt3A_443 = arith.constant 0 : i32
            %lt3A_444 = arith.cmpi slt, %rem3A_440, %lt3A_443 : i32
            %lt3A_445 = arith.constant 0 : i32
            %lt3A_446 = arith.cmpi slt, %select_n3A_439, %lt3A_445 : i32
            %ne3A_447 = arith.xori %lt3A_444, %lt3A_446 : i1
            %and3A_448 = arith.andi %ne3A_447, %ne3A_442 : i1
            %add3A_449 = arith.addi %rem3A_440, %select_n3A_439 : i32
            %select_n3A_450 = arith.select %and3A_448, %add3A_449, %rem3A_440 : i32
            %mul3A_451 = arith.constant 128 : i32
            %mul3A_452 = arith.muli %select_n3A_450, %mul3A_451 : i32
            %dma_wait3A_453 = arith.constant 0 : i32
            %dma_wait3A_454 = tpu.memref_slice %arg4[%select_n3A_434, %dma_wait3A_453, %mul3A_452] : memref<200x64x4096xf32, #tpu.memory_space<hbm>> -> memref<1x64x128xf32, #tpu.memory_space<hbm>>
            %dma_wait3A_455 = tpu.memref_squeeze %dma_wait3A_454 : memref<1x64x128xf32, #tpu.memory_space<hbm>> -> memref<64x128xf32, #tpu.memory_space<hbm>>
            %dma_wait3A_456 = arith.constant 0 : i32
            %dma_wait3A_457 = tpu.memref_slice %arg4[%select_n3A_434, %dma_wait3A_456, %mul3A_452] : memref<200x64x4096xf32, #tpu.memory_space<hbm>> -> memref<1x64x128xf32, #tpu.memory_space<hbm>>
            %dma_wait3A_458 = tpu.memref_squeeze %dma_wait3A_457 : memref<1x64x128xf32, #tpu.memory_space<hbm>> -> memref<64x128xf32, #tpu.memory_space<hbm>>
            tpu.wait_dma2 semaphore(%arg16 : memref<!tpu.dma_semaphore, #tpu.memory_space<semaphore_mem>>) src(%arg11 : memref<64x128xf32, #tpu.memory_space<vmem>>) dst(%dma_wait3A_458 : memref<64x128xf32, #tpu.memory_space<hbm>>)
          } else {
          }
          %mul3A_261 = arith.constant 128 : i32
          %mul3A_262 = arith.muli %scan3A_140, %mul3A_261 : i32
          %add3A_263 = arith.constant 0 : i32
          %add3A_264 = arith.addi %mul3A_262, %add3A_263 : i32
          %get3A = arith.index_cast %add3A_264 : i32 to index
          %get3A_265 = tpu.vector_load %arg5[%get3A] {strides = array<i32>} : memref<25600xi32, #tpu.memory_space<vmem>>, vector<16xi32>,
          %and3A_266 = arith.constant 1 : i32
          %and3A_267 = vector.broadcast %and3A_266 : i32 to vector<16xi32>
          %and3A_268 = arith.andi %get3A_265, %and3A_267 : vector<16xi32>
          %shift_left3A = arith.constant 6 : i32
          %shift_left3A_269 = vector.broadcast %shift_left3A : i32 to vector<16xi32>
          %shift_left3A_270 = arith.shli %and3A_268, %shift_left3A_269 : vector<16xi32>
          %mul3A_271 = arith.constant 128 : i32
          %mul3A_272 = arith.muli %scan3A_140, %mul3A_271 : i32
          %add3A_273 = arith.constant 16 : i32
          %add3A_274 = arith.addi %mul3A_272, %add3A_273 : i32
          %get3A_275 = arith.index_cast %add3A_274 : i32 to index
          %get3A_276 = tpu.vector_load %arg5[%get3A_275] {strides = array<i32>} : memref<25600xi32, #tpu.memory_space<vmem>>, vector<16xi32>,
          %and3A_277 = arith.constant 1 : i32
          %and3A_278 = vector.broadcast %and3A_277 : i32 to vector<16xi32>
          %and3A_279 = arith.andi %get3A_276, %and3A_278 : vector<16xi32>
          %shift_left3A_280 = arith.constant 6 : i32
          %shift_left3A_281 = vector.broadcast %shift_left3A_280 : i32 to vector<16xi32>
          %shift_left3A_282 = arith.shli %and3A_279, %shift_left3A_281 : vector<16xi32>
          %mul3A_283 = arith.constant 128 : i32
          %mul3A_284 = arith.muli %scan3A_140, %mul3A_283 : i32
          %add3A_285 = arith.constant 32 : i32
          %add3A_286 = arith.addi %mul3A_284, %add3A_285 : i32
          %get3A_287 = arith.index_cast %add3A_286 : i32 to index
          %get3A_288 = tpu.vector_load %arg5[%get3A_287] {strides = array<i32>} : memref<25600xi32, #tpu.memory_space<vmem>>, vector<16xi32>,
          %and3A_289 = arith.constant 1 : i32
          %and3A_290 = vector.broadcast %and3A_289 : i32 to vector<16xi32>
          %and3A_291 = arith.andi %get3A_288, %and3A_290 : vector<16xi32>
          %shift_left3A_292 = arith.constant 6 : i32
          %shift_left3A_293 = vector.broadcast %shift_left3A_292 : i32 to vector<16xi32>
          %shift_left3A_294 = arith.shli %and3A_291, %shift_left3A_293 : vector<16xi32>
          %mul3A_295 = arith.constant 128 : i32
          %mul3A_296 = arith.muli %scan3A_140, %mul3A_295 : i32
          %add3A_297 = arith.constant 48 : i32
          %add3A_298 = arith.addi %mul3A_296, %add3A_297 : i32
          %get3A_299 = arith.index_cast %add3A_298 : i32 to index
          %get3A_300 = tpu.vector_load %arg5[%get3A_299] {strides = array<i32>} : memref<25600xi32, #tpu.memory_space<vmem>>, vector<16xi32>,
          %and3A_301 = arith.constant 1 : i32
          %and3A_302 = vector.broadcast %and3A_301 : i32 to vector<16xi32>
          %and3A_303 = arith.andi %get3A_300, %and3A_302 : vector<16xi32>
          %shift_left3A_304 = arith.constant 6 : i32
          %shift_left3A_305 = vector.broadcast %shift_left3A_304 : i32 to vector<16xi32>
          %shift_left3A_306 = arith.shli %and3A_303, %shift_left3A_305 : vector<16xi32>
          %mul3A_307 = arith.constant 128 : i32
          %mul3A_308 = arith.muli %scan3A_140, %mul3A_307 : i32
          %add3A_309 = arith.constant 64 : i32
          %add3A_310 = arith.addi %mul3A_308, %add3A_309 : i32
          %get3A_311 = arith.index_cast %add3A_310 : i32 to index
          %get3A_312 = tpu.vector_load %arg5[%get3A_311] {strides = array<i32>} : memref<25600xi32, #tpu.memory_space<vmem>>, vector<16xi32>,
          %and3A_313 = arith.constant 1 : i32
          %and3A_314 = vector.broadcast %and3A_313 : i32 to vector<16xi32>
          %and3A_315 = arith.andi %get3A_312, %and3A_314 : vector<16xi32>
          %shift_left3A_316 = arith.constant 6 : i32
          %shift_left3A_317 = vector.broadcast %shift_left3A_316 : i32 to vector<16xi32>
          %shift_left3A_318 = arith.shli %and3A_315, %shift_left3A_317 : vector<16xi32>
          %mul3A_319 = arith.constant 128 : i32
          %mul3A_320 = arith.muli %scan3A_140, %mul3A_319 : i32
          %add3A_321 = arith.constant 80 : i32
          %add3A_322 = arith.addi %mul3A_320, %add3A_321 : i32
          %get3A_323 = arith.index_cast %add3A_322 : i32 to index
          %get3A_324 = tpu.vector_load %arg5[%get3A_323] {strides = array<i32>} : memref<25600xi32, #tpu.memory_space<vmem>>, vector<16xi32>,
          %and3A_325 = arith.constant 1 : i32
          %and3A_326 = vector.broadcast %and3A_325 : i32 to vector<16xi32>
          %and3A_327 = arith.andi %get3A_324, %and3A_326 : vector<16xi32>
          %shift_left3A_328 = arith.constant 6 : i32
          %shift_left3A_329 = vector.broadcast %shift_left3A_328 : i32 to vector<16xi32>
          %shift_left3A_330 = arith.shli %and3A_327, %shift_left3A_329 : vector<16xi32>
          %mul3A_331 = arith.constant 128 : i32
          %mul3A_332 = arith.muli %scan3A_140, %mul3A_331 : i32
          %add3A_333 = arith.constant 96 : i32
          %add3A_334 = arith.addi %mul3A_332, %add3A_333 : i32
          %get3A_335 = arith.index_cast %add3A_334 : i32 to index
          %get3A_336 = tpu.vector_load %arg5[%get3A_335] {strides = array<i32>} : memref<25600xi32, #tpu.memory_space<vmem>>, vector<16xi32>,
          %and3A_337 = arith.constant 1 : i32
          %and3A_338 = vector.broadcast %and3A_337 : i32 to vector<16xi32>
          %and3A_339 = arith.andi %get3A_336, %and3A_338 : vector<16xi32>
          %shift_left3A_340 = arith.constant 6 : i32
          %shift_left3A_341 = vector.broadcast %shift_left3A_340 : i32 to vector<16xi32>
          %shift_left3A_342 = arith.shli %and3A_339, %shift_left3A_341 : vector<16xi32>
          %mul3A_343 = arith.constant 128 : i32
          %mul3A_344 = arith.muli %scan3A_140, %mul3A_343 : i32
          %add3A_345 = arith.constant 112 : i32
          %add3A_346 = arith.addi %mul3A_344, %add3A_345 : i32
          %get3A_347 = arith.index_cast %add3A_346 : i32 to index
          %get3A_348 = tpu.vector_load %arg5[%get3A_347] {strides = array<i32>} : memref<25600xi32, #tpu.memory_space<vmem>>, vector<16xi32>,
          %and3A_349 = arith.constant 1 : i32
          %and3A_350 = vector.broadcast %and3A_349 : i32 to vector<16xi32>
          %and3A_351 = arith.andi %get3A_348, %and3A_350 : vector<16xi32>
          %shift_left3A_352 = arith.constant 6 : i32
          %shift_left3A_353 = vector.broadcast %shift_left3A_352 : i32 to vector<16xi32>
          %shift_left3A_354 = arith.shli %and3A_351, %shift_left3A_353 : vector<16xi32>
          %parallel_loop3A = arith.constant 0 : i32
          %parallel_loop3A_355 = arith.constant 64 : i32
          %parallel_loop3A_356 = arith.constant 1 : i32
          scf.for %parallel_loop3A_408 = %parallel_loop3A to %parallel_loop3A_355 step %parallel_loop3A_356  : i32 {
            %parallel_loop3A_409 = vector.broadcast %parallel_loop3A_408 : i32 to vector<16xi32>
            %parallel_loop3A_410 = arith.addi %parallel_loop3A_409, %iota3A : vector<16xi32>
            %parallel_loop3A_411 = arith.constant 63 : i32
            %parallel_loop3A_412 = vector.broadcast %parallel_loop3A_411 : i32 to vector<16xi32>
            %parallel_loop3A_413 = arith.andi %parallel_loop3A_410, %parallel_loop3A_412 : vector<16xi32>
            %parallel_loop3A_414 = arith.addi %shift_left3A_270, %parallel_loop3A_413 : vector<16xi32>
            %parallel_loop3A_415 = tpu.vector_load_idx %arg8[%add3A_19, %parallel_loop3A_414] : memref<128x128xf32, #tpu.memory_space<vmem>>[vector<16xi32>, vector<16xi32>], vector<16xf32>,
            tpu.vector_store_idx %arg11[%parallel_loop3A_413, %add3A_19], %parallel_loop3A_415 : memref<64x128xf32, #tpu.memory_space<vmem>>[vector<16xi32>, vector<16xi32>], vector<16xf32>,
            %parallel_loop3A_416 = arith.addi %shift_left3A_282, %parallel_loop3A_413 : vector<16xi32>
            %parallel_loop3A_417 = tpu.vector_load_idx %arg8[%add3A_22, %parallel_loop3A_416] : memref<128x128xf32, #tpu.memory_space<vmem>>[vector<16xi32>, vector<16xi32>], vector<16xf32>,
            tpu.vector_store_idx %arg11[%parallel_loop3A_413, %add3A_22], %parallel_loop3A_417 : memref<64x128xf32, #tpu.memory_space<vmem>>[vector<16xi32>, vector<16xi32>], vector<16xf32>,
            %parallel_loop3A_418 = arith.addi %shift_left3A_294, %parallel_loop3A_413 : vector<16xi32>
            %parallel_loop3A_419 = tpu.vector_load_idx %arg8[%add3A_25, %parallel_loop3A_418] : memref<128x128xf32, #tpu.memory_space<vmem>>[vector<16xi32>, vector<16xi32>], vector<16xf32>,
            tpu.vector_store_idx %arg11[%parallel_loop3A_413, %add3A_25], %parallel_loop3A_419 : memref<64x128xf32, #tpu.memory_space<vmem>>[vector<16xi32>, vector<16xi32>], vector<16xf32>,
            %parallel_loop3A_420 = arith.addi %shift_left3A_306, %parallel_loop3A_413 : vector<16xi32>
            %parallel_loop3A_421 = tpu.vector_load_idx %arg8[%add3A_28, %parallel_loop3A_420] : memref<128x128xf32, #tpu.memory_space<vmem>>[vector<16xi32>, vector<16xi32>], vector<16xf32>,
            tpu.vector_store_idx %arg11[%parallel_loop3A_413, %add3A_28], %parallel_loop3A_421 : memref<64x128xf32, #tpu.memory_space<vmem>>[vector<16xi32>, vector<16xi32>], vector<16xf32>,
            %parallel_loop3A_422 = arith.addi %shift_left3A_318, %parallel_loop3A_413 : vector<16xi32>
            %parallel_loop3A_423 = tpu.vector_load_idx %arg8[%add3A_31, %parallel_loop3A_422] : memref<128x128xf32, #tpu.memory_space<vmem>>[vector<16xi32>, vector<16xi32>], vector<16xf32>,
            tpu.vector_store_idx %arg11[%parallel_loop3A_413, %add3A_31], %parallel_loop3A_423 : memref<64x128xf32, #tpu.memory_space<vmem>>[vector<16xi32>, vector<16xi32>], vector<16xf32>,
            %parallel_loop3A_424 = arith.addi %shift_left3A_330, %parallel_loop3A_413 : vector<16xi32>
            %parallel_loop3A_425 = tpu.vector_load_idx %arg8[%add3A_34, %parallel_loop3A_424] : memref<128x128xf32, #tpu.memory_space<vmem>>[vector<16xi32>, vector<16xi32>], vector<16xf32>,
            tpu.vector_store_idx %arg11[%parallel_loop3A_413, %add3A_34], %parallel_loop3A_425 : memref<64x128xf32, #tpu.memory_space<vmem>>[vector<16xi32>, vector<16xi32>], vector<16xf32>,
            %parallel_loop3A_426 = arith.addi %shift_left3A_342, %parallel_loop3A_413 : vector<16xi32>
            %parallel_loop3A_427 = tpu.vector_load_idx %arg8[%add3A_37, %parallel_loop3A_426] : memref<128x128xf32, #tpu.memory_space<vmem>>[vector<16xi32>, vector<16xi32>], vector<16xf32>,
            tpu.vector_store_idx %arg11[%parallel_loop3A_413, %add3A_37], %parallel_loop3A_427 : memref<64x128xf32, #tpu.memory_space<vmem>>[vector<16xi32>, vector<16xi32>], vector<16xf32>,
            %parallel_loop3A_428 = arith.addi %shift_left3A_354, %parallel_loop3A_413 : vector<16xi32>
            %parallel_loop3A_429 = tpu.vector_load_idx %arg8[%add3A_40, %parallel_loop3A_428] : memref<128x128xf32, #tpu.memory_space<vmem>>[vector<16xi32>, vector<16xi32>], vector<16xf32>,
            tpu.vector_store_idx %arg11[%parallel_loop3A_413, %add3A_40], %parallel_loop3A_429 : memref<64x128xf32, #tpu.memory_space<vmem>>[vector<16xi32>, vector<16xi32>], vector<16xf32>,
          } {sc.loop_unroll_factor = 4 : i64, sc.parallel_access}
          %mul3A_357 = arith.constant 200 : i32
          %mul3A_358 = arith.muli %add3A, %mul3A_357 : i32
          %add3A_359 = arith.addi %mul3A_358, %scan3A_140 : i32
          %jit3A_360 = arith.constant 32 : i32
          %div3A_361 = arith.divsi %add3A_359, %jit3A_360 : i32
          %sign3A_362 = arith.constant 0 : i32
          %sign3A_363 = arith.cmpi sgt, %add3A_359, %sign3A_362 : i32
          %sign3A_364 = arith.extui %sign3A_363 : i1 to i32
          %sign3A_365 = arith.constant 0 : i32
          %sign3A_366 = arith.cmpi slt, %add3A_359, %sign3A_365 : i32
          %sign3A_367 = arith.extui %sign3A_366 : i1 to i32
          %sign3A_368 = arith.subi %sign3A_364, %sign3A_367 : i32
          %sign3A_369 = arith.constant 0 : i32
          %sign3A_370 = arith.cmpi sgt, %jit3A_360, %sign3A_369 : i32
          %sign3A_371 = arith.extui %sign3A_370 : i1 to i32
          %sign3A_372 = arith.constant 0 : i32
          %sign3A_373 = arith.cmpi slt, %jit3A_360, %sign3A_372 : i32
          %sign3A_374 = arith.extui %sign3A_373 : i1 to i32
          %sign3A_375 = arith.subi %sign3A_371, %sign3A_374 : i32
          %ne3A_376 = arith.cmpi ne, %sign3A_368, %sign3A_375 : i32
          %rem3A_377 = arith.remsi %add3A_359, %jit3A_360 : i32
          %ne3A_378 = arith.constant 0 : i32
          %ne3A_379 = arith.cmpi ne, %rem3A_377, %ne3A_378 : i32
          %and3A_380 = arith.andi %ne3A_376, %ne3A_379 : i1
          %sub3A_381 = arith.constant 1 : i32
          %sub3A_382 = arith.subi %div3A_361, %sub3A_381 : i32
          %select_n3A_383 = arith.select %and3A_380, %sub3A_382, %div3A_361 : i32
          %jit3A_384 = arith.constant 32 : i32
          %eq3A_385 = arith.constant 0 : i32
          %eq3A_386 = arith.cmpi eq, %jit3A_384, %eq3A_385 : i32
          %jit3A_387 = arith.constant 1 : i32
          %select_n3A_388 = arith.select %eq3A_386, %jit3A_387, %jit3A_384 : i32
          %rem3A_389 = arith.remsi %add3A_359, %select_n3A_388 : i32
          %ne3A_390 = arith.constant 0 : i32
          %ne3A_391 = arith.cmpi ne, %rem3A_389, %ne3A_390 : i32
          %lt3A_392 = arith.constant 0 : i32
          %lt3A_393 = arith.cmpi slt, %rem3A_389, %lt3A_392 : i32
          %lt3A_394 = arith.constant 0 : i32
          %lt3A_395 = arith.cmpi slt, %select_n3A_388, %lt3A_394 : i32
          %ne3A_396 = arith.xori %lt3A_393, %lt3A_395 : i1
          %and3A_397 = arith.andi %ne3A_396, %ne3A_391 : i1
          %add3A_398 = arith.addi %rem3A_389, %select_n3A_388 : i32
          %select_n3A_399 = arith.select %and3A_397, %add3A_398, %rem3A_389 : i32
          %mul3A_400 = arith.constant 128 : i32
          %mul3A_401 = arith.muli %select_n3A_399, %mul3A_400 : i32
          %dma_start3A_402 = arith.constant 0 : i32
          %dma_start3A_403 = tpu.memref_slice %arg4[%select_n3A_383, %dma_start3A_402, %mul3A_401] : memref<200x64x4096xf32, #tpu.memory_space<hbm>> -> memref<1x64x128xf32, #tpu.memory_space<hbm>>
          %dma_start3A_404 = tpu.memref_squeeze %dma_start3A_403 : memref<1x64x128xf32, #tpu.memory_space<hbm>> -> memref<64x128xf32, #tpu.memory_space<hbm>>
          %dma_start3A_405 = arith.constant 0 : i32
          %dma_start3A_406 = tpu.memref_slice %arg4[%select_n3A_383, %dma_start3A_405, %mul3A_401] : memref<200x64x4096xf32, #tpu.memory_space<hbm>> -> memref<1x64x128xf32, #tpu.memory_space<hbm>>
          %dma_start3A_407 = tpu.memref_squeeze %dma_start3A_406 : memref<1x64x128xf32, #tpu.memory_space<hbm>> -> memref<64x128xf32, #tpu.memory_space<hbm>>
          tpu.enqueue_dma source(%arg11 : memref<64x128xf32, #tpu.memory_space<vmem>>) target(%dma_start3A_407 : memref<64x128xf32, #tpu.memory_space<hbm>>) target_semaphore(%arg16 : memref<!tpu.dma_semaphore, #tpu.memory_space<semaphore_mem>>)
        } else {
        }
      } else {
      }
      %jit3A_181 = arith.constant 3 : i32
      %eq3A_182 = arith.constant 0 : i32
      %eq3A_183 = arith.cmpi eq, %jit3A_181, %eq3A_182 : i32
      %jit3A_184 = arith.constant 1 : i32
      %select_n3A_185 = arith.select %eq3A_183, %jit3A_184, %jit3A_181 : i32
      %rem3A_186 = arith.remsi %scan3A_140, %select_n3A_185 : i32
      %ne3A_187 = arith.constant 0 : i32
      %ne3A_188 = arith.cmpi ne, %rem3A_186, %ne3A_187 : i32
      %lt3A_189 = arith.constant 0 : i32
      %lt3A_190 = arith.cmpi slt, %rem3A_186, %lt3A_189 : i32
      %lt3A_191 = arith.constant 0 : i32
      %lt3A_192 = arith.cmpi slt, %select_n3A_185, %lt3A_191 : i32
      %ne3A_193 = arith.xori %lt3A_190, %lt3A_192 : i1
      %and3A_194 = arith.andi %ne3A_193, %ne3A_188 : i1
      %add3A_195 = arith.addi %rem3A_186, %select_n3A_185 : i32
      %select_n3A_196 = arith.select %and3A_194, %add3A_195, %rem3A_186 : i32
      %eq3A_197 = arith.constant 2 : i32
      %eq3A_198 = arith.cmpi eq, %select_n3A_196, %eq3A_197 : i32
      %convert_element_type3A_199 = arith.extui %eq3A_198 : i1 to i32
      %cond3A_200 = arith.constant 0 : i32
      %cond3A_201 = arith.cmpi ne, %convert_element_type3A_199, %cond3A_200 : i32
      scf.if %cond3A_201 {
        %jit3A_202 = arith.constant 2 : i32
        %eq3A_203 = arith.constant 0 : i32
        %eq3A_204 = arith.cmpi eq, %jit3A_202, %eq3A_203 : i32
        %jit3A_205 = arith.constant 1 : i32
        %select_n3A_206 = arith.select %eq3A_204, %jit3A_205, %jit3A_202 : i32
        %rem3A_207 = arith.remsi %scan3A_140, %select_n3A_206 : i32
        %ne3A_208 = arith.constant 0 : i32
        %ne3A_209 = arith.cmpi ne, %rem3A_207, %ne3A_208 : i32
        %lt3A_210 = arith.constant 0 : i32
        %lt3A_211 = arith.cmpi slt, %rem3A_207, %lt3A_210 : i32
        %lt3A_212 = arith.constant 0 : i32
        %lt3A_213 = arith.cmpi slt, %select_n3A_206, %lt3A_212 : i32
        %ne3A_214 = arith.xori %lt3A_211, %lt3A_213 : i1
        %and3A_215 = arith.andi %ne3A_214, %ne3A_209 : i1
        %add3A_216 = arith.addi %rem3A_207, %select_n3A_206 : i32
        %select_n3A_217 = arith.select %and3A_215, %add3A_216, %rem3A_207 : i32
        %eq3A_218 = arith.constant 0 : i32
        %eq3A_219 = arith.cmpi eq, %select_n3A_217, %eq3A_218 : i32
        %convert_element_type3A_220 = arith.extui %eq3A_219 : i1 to i32
        %cond3A_221 = arith.constant 0 : i32
        %cond3A_222 = arith.cmpi ne, %convert_element_type3A_220, %cond3A_221 : i32
        scf.if %cond3A_222 {
          %add3A_244 = arith.constant 2 : i32
          %add3A_245 = arith.addi %scan3A_140, %add3A_244 : i32
          %lt3A_246 = arith.constant 200 : i32
          %lt3A_247 = arith.cmpi slt, %add3A_245, %lt3A_246 : i32
          %convert_element_type3A_248 = arith.extui %lt3A_247 : i1 to i32
          %cond3A_249 = arith.constant 0 : i32
          %cond3A_250 = arith.cmpi ne, %convert_element_type3A_248, %cond3A_249 : i32
          scf.if %cond3A_250 {
            %add3A_408 = arith.constant 2 : i32
            %add3A_409 = arith.addi %scan3A_140, %add3A_408 : i32
            %mul3A_410 = arith.constant 128 : i32
            %mul3A_411 = arith.muli %add3A_409, %mul3A_410 : i32
            %dma_start3A_412 = tpu.memref_slice %arg6[%mul3A_411] : memref<25600xi32, #tpu.memory_space<vmem>> -> memref<128xi32, #tpu.memory_space<vmem>>
            %dma_start3A_413 = arith.constant 0 : i32
            %dma_start3A_414 = arith.constant 0 : i32
            %dma_start3A_415 = tpu.memref_slice %arg3[%dma_start3A_413, %dma_start3A_414] : memref<500000x128xf32, #tpu.memory_space<hbm>> -> memref<500000x128xf32, #tpu.memory_space<hbm>>
            tpu.enqueue_indirect_dma source(%dma_start3A_415 : memref<500000x128xf32, #tpu.memory_space<hbm>>) target(%arg8 : memref<128x128xf32, #tpu.memory_space<vmem>>) offsets(%dma_start3A_412 : memref<128xi32, #tpu.memory_space<vmem>>) semaphore(%arg13 : memref<!tpu.dma_semaphore, #tpu.memory_space<semaphore_mem>>)
          } else {
          }
          %mul3A_251 = arith.constant 128 : i32
          %mul3A_252 = arith.muli %scan3A_140, %mul3A_251 : i32
          %dma_wait3A_253 = tpu.memref_slice %arg6[%mul3A_252] : memref<25600xi32, #tpu.memory_space<vmem>> -> memref<128xi32, #tpu.memory_space<vmem>>
          %dma_wait3A_254 = arith.constant 0 : i32
          %dma_wait3A_255 = arith.constant 0 : i32
          %dma_wait3A_256 = tpu.memref_slice %arg3[%dma_wait3A_254, %dma_wait3A_255] : memref<500000x128xf32, #tpu.memory_space<hbm>> -> memref<500000x128xf32, #tpu.memory_space<hbm>>
          tpu.wait_indirect_dma semaphore(%arg14 : memref<!tpu.dma_semaphore, #tpu.memory_space<semaphore_mem>>) src(%dma_wait3A_256 : memref<500000x128xf32, #tpu.memory_space<hbm>>) dst(%arg9 : memref<128x128xf32, #tpu.memory_space<vmem>>)
          %ge3A = arith.constant 2 : i32
          %ge3A_257 = arith.cmpi sge, %scan3A_140, %ge3A : i32
          %convert_element_type3A_258 = arith.extui %ge3A_257 : i1 to i32
          %cond3A_259 = arith.constant 0 : i32
          %cond3A_260 = arith.cmpi ne, %convert_element_type3A_258, %cond3A_259 : i32
          scf.if %cond3A_260 {
            %mul3A_408 = arith.constant 200 : i32
            %mul3A_409 = arith.muli %add3A, %mul3A_408 : i32
            %add3A_410 = arith.addi %mul3A_409, %scan3A_140 : i32
            %jit3A_411 = arith.constant 32 : i32
            %div3A_412 = arith.divsi %add3A_410, %jit3A_411 : i32
            %sign3A_413 = arith.constant 0 : i32
            %sign3A_414 = arith.cmpi sgt, %add3A_410, %sign3A_413 : i32
            %sign3A_415 = arith.extui %sign3A_414 : i1 to i32
            %sign3A_416 = arith.constant 0 : i32
            %sign3A_417 = arith.cmpi slt, %add3A_410, %sign3A_416 : i32
            %sign3A_418 = arith.extui %sign3A_417 : i1 to i32
            %sign3A_419 = arith.subi %sign3A_415, %sign3A_418 : i32
            %sign3A_420 = arith.constant 0 : i32
            %sign3A_421 = arith.cmpi sgt, %jit3A_411, %sign3A_420 : i32
            %sign3A_422 = arith.extui %sign3A_421 : i1 to i32
            %sign3A_423 = arith.constant 0 : i32
            %sign3A_424 = arith.cmpi slt, %jit3A_411, %sign3A_423 : i32
            %sign3A_425 = arith.extui %sign3A_424 : i1 to i32
            %sign3A_426 = arith.subi %sign3A_422, %sign3A_425 : i32
            %ne3A_427 = arith.cmpi ne, %sign3A_419, %sign3A_426 : i32
            %rem3A_428 = arith.remsi %add3A_410, %jit3A_411 : i32
            %ne3A_429 = arith.constant 0 : i32
            %ne3A_430 = arith.cmpi ne, %rem3A_428, %ne3A_429 : i32
            %and3A_431 = arith.andi %ne3A_427, %ne3A_430 : i1
            %sub3A_432 = arith.constant 1 : i32
            %sub3A_433 = arith.subi %div3A_412, %sub3A_432 : i32
            %select_n3A_434 = arith.select %and3A_431, %sub3A_433, %div3A_412 : i32
            %jit3A_435 = arith.constant 32 : i32
            %eq3A_436 = arith.constant 0 : i32
            %eq3A_437 = arith.cmpi eq, %jit3A_435, %eq3A_436 : i32
            %jit3A_438 = arith.constant 1 : i32
            %select_n3A_439 = arith.select %eq3A_437, %jit3A_438, %jit3A_435 : i32
            %rem3A_440 = arith.remsi %add3A_410, %select_n3A_439 : i32
            %ne3A_441 = arith.constant 0 : i32
            %ne3A_442 = arith.cmpi ne, %rem3A_440, %ne3A_441 : i32
            %lt3A_443 = arith.constant 0 : i32
            %lt3A_444 = arith.cmpi slt, %rem3A_440, %lt3A_443 : i32
            %lt3A_445 = arith.constant 0 : i32
            %lt3A_446 = arith.cmpi slt, %select_n3A_439, %lt3A_445 : i32
            %ne3A_447 = arith.xori %lt3A_444, %lt3A_446 : i1
            %and3A_448 = arith.andi %ne3A_447, %ne3A_442 : i1
            %add3A_449 = arith.addi %rem3A_440, %select_n3A_439 : i32
            %select_n3A_450 = arith.select %and3A_448, %add3A_449, %rem3A_440 : i32
            %mul3A_451 = arith.constant 128 : i32
            %mul3A_452 = arith.muli %select_n3A_450, %mul3A_451 : i32
            %dma_wait3A_453 = arith.constant 0 : i32
            %dma_wait3A_454 = tpu.memref_slice %arg4[%select_n3A_434, %dma_wait3A_453, %mul3A_452] : memref<200x64x4096xf32, #tpu.memory_space<hbm>> -> memref<1x64x128xf32, #tpu.memory_space<hbm>>
            %dma_wait3A_455 = tpu.memref_squeeze %dma_wait3A_454 : memref<1x64x128xf32, #tpu.memory_space<hbm>> -> memref<64x128xf32, #tpu.memory_space<hbm>>
            %dma_wait3A_456 = arith.constant 0 : i32
            %dma_wait3A_457 = tpu.memref_slice %arg4[%select_n3A_434, %dma_wait3A_456, %mul3A_452] : memref<200x64x4096xf32, #tpu.memory_space<hbm>> -> memref<1x64x128xf32, #tpu.memory_space<hbm>>
            %dma_wait3A_458 = tpu.memref_squeeze %dma_wait3A_457 : memref<1x64x128xf32, #tpu.memory_space<hbm>> -> memref<64x128xf32, #tpu.memory_space<hbm>>
            tpu.wait_dma2 semaphore(%arg15 : memref<!tpu.dma_semaphore, #tpu.memory_space<semaphore_mem>>) src(%arg10 : memref<64x128xf32, #tpu.memory_space<vmem>>) dst(%dma_wait3A_458 : memref<64x128xf32, #tpu.memory_space<hbm>>)
          } else {
          }
          %mul3A_261 = arith.constant 128 : i32
          %mul3A_262 = arith.muli %scan3A_140, %mul3A_261 : i32
          %add3A_263 = arith.constant 0 : i32
          %add3A_264 = arith.addi %mul3A_262, %add3A_263 : i32
          %get3A = arith.index_cast %add3A_264 : i32 to index
          %get3A_265 = tpu.vector_load %arg5[%get3A] {strides = array<i32>} : memref<25600xi32, #tpu.memory_space<vmem>>, vector<16xi32>,
          %and3A_266 = arith.constant 1 : i32
          %and3A_267 = vector.broadcast %and3A_266 : i32 to vector<16xi32>
          %and3A_268 = arith.andi %get3A_265, %and3A_267 : vector<16xi32>
          %shift_left3A = arith.constant 6 : i32
          %shift_left3A_269 = vector.broadcast %shift_left3A : i32 to vector<16xi32>
          %shift_left3A_270 = arith.shli %and3A_268, %shift_left3A_269 : vector<16xi32>
          %mul3A_271 = arith.constant 128 : i32
          %mul3A_272 = arith.muli %scan3A_140, %mul3A_271 : i32
          %add3A_273 = arith.constant 16 : i32
          %add3A_274 = arith.addi %mul3A_272, %add3A_273 : i32
          %get3A_275 = arith.index_cast %add3A_274 : i32 to index
          %get3A_276 = tpu.vector_load %arg5[%get3A_275] {strides = array<i32>} : memref<25600xi32, #tpu.memory_space<vmem>>, vector<16xi32>,
          %and3A_277 = arith.constant 1 : i32
          %and3A_278 = vector.broadcast %and3A_277 : i32 to vector<16xi32>
          %and3A_279 = arith.andi %get3A_276, %and3A_278 : vector<16xi32>
          %shift_left3A_280 = arith.constant 6 : i32
          %shift_left3A_281 = vector.broadcast %shift_left3A_280 : i32 to vector<16xi32>
          %shift_left3A_282 = arith.shli %and3A_279, %shift_left3A_281 : vector<16xi32>
          %mul3A_283 = arith.constant 128 : i32
          %mul3A_284 = arith.muli %scan3A_140, %mul3A_283 : i32
          %add3A_285 = arith.constant 32 : i32
          %add3A_286 = arith.addi %mul3A_284, %add3A_285 : i32
          %get3A_287 = arith.index_cast %add3A_286 : i32 to index
          %get3A_288 = tpu.vector_load %arg5[%get3A_287] {strides = array<i32>} : memref<25600xi32, #tpu.memory_space<vmem>>, vector<16xi32>,
          %and3A_289 = arith.constant 1 : i32
          %and3A_290 = vector.broadcast %and3A_289 : i32 to vector<16xi32>
          %and3A_291 = arith.andi %get3A_288, %and3A_290 : vector<16xi32>
          %shift_left3A_292 = arith.constant 6 : i32
          %shift_left3A_293 = vector.broadcast %shift_left3A_292 : i32 to vector<16xi32>
          %shift_left3A_294 = arith.shli %and3A_291, %shift_left3A_293 : vector<16xi32>
          %mul3A_295 = arith.constant 128 : i32
          %mul3A_296 = arith.muli %scan3A_140, %mul3A_295 : i32
          %add3A_297 = arith.constant 48 : i32
          %add3A_298 = arith.addi %mul3A_296, %add3A_297 : i32
          %get3A_299 = arith.index_cast %add3A_298 : i32 to index
          %get3A_300 = tpu.vector_load %arg5[%get3A_299] {strides = array<i32>} : memref<25600xi32, #tpu.memory_space<vmem>>, vector<16xi32>,
          %and3A_301 = arith.constant 1 : i32
          %and3A_302 = vector.broadcast %and3A_301 : i32 to vector<16xi32>
          %and3A_303 = arith.andi %get3A_300, %and3A_302 : vector<16xi32>
          %shift_left3A_304 = arith.constant 6 : i32
          %shift_left3A_305 = vector.broadcast %shift_left3A_304 : i32 to vector<16xi32>
          %shift_left3A_306 = arith.shli %and3A_303, %shift_left3A_305 : vector<16xi32>
          %mul3A_307 = arith.constant 128 : i32
          %mul3A_308 = arith.muli %scan3A_140, %mul3A_307 : i32
          %add3A_309 = arith.constant 64 : i32
          %add3A_310 = arith.addi %mul3A_308, %add3A_309 : i32
          %get3A_311 = arith.index_cast %add3A_310 : i32 to index
          %get3A_312 = tpu.vector_load %arg5[%get3A_311] {strides = array<i32>} : memref<25600xi32, #tpu.memory_space<vmem>>, vector<16xi32>,
          %and3A_313 = arith.constant 1 : i32
          %and3A_314 = vector.broadcast %and3A_313 : i32 to vector<16xi32>
          %and3A_315 = arith.andi %get3A_312, %and3A_314 : vector<16xi32>
          %shift_left3A_316 = arith.constant 6 : i32
          %shift_left3A_317 = vector.broadcast %shift_left3A_316 : i32 to vector<16xi32>
          %shift_left3A_318 = arith.shli %and3A_315, %shift_left3A_317 : vector<16xi32>
          %mul3A_319 = arith.constant 128 : i32
          %mul3A_320 = arith.muli %scan3A_140, %mul3A_319 : i32
          %add3A_321 = arith.constant 80 : i32
          %add3A_322 = arith.addi %mul3A_320, %add3A_321 : i32
          %get3A_323 = arith.index_cast %add3A_322 : i32 to index
          %get3A_324 = tpu.vector_load %arg5[%get3A_323] {strides = array<i32>} : memref<25600xi32, #tpu.memory_space<vmem>>, vector<16xi32>,
          %and3A_325 = arith.constant 1 : i32
          %and3A_326 = vector.broadcast %and3A_325 : i32 to vector<16xi32>
          %and3A_327 = arith.andi %get3A_324, %and3A_326 : vector<16xi32>
          %shift_left3A_328 = arith.constant 6 : i32
          %shift_left3A_329 = vector.broadcast %shift_left3A_328 : i32 to vector<16xi32>
          %shift_left3A_330 = arith.shli %and3A_327, %shift_left3A_329 : vector<16xi32>
          %mul3A_331 = arith.constant 128 : i32
          %mul3A_332 = arith.muli %scan3A_140, %mul3A_331 : i32
          %add3A_333 = arith.constant 96 : i32
          %add3A_334 = arith.addi %mul3A_332, %add3A_333 : i32
          %get3A_335 = arith.index_cast %add3A_334 : i32 to index
          %get3A_336 = tpu.vector_load %arg5[%get3A_335] {strides = array<i32>} : memref<25600xi32, #tpu.memory_space<vmem>>, vector<16xi32>,
          %and3A_337 = arith.constant 1 : i32
          %and3A_338 = vector.broadcast %and3A_337 : i32 to vector<16xi32>
          %and3A_339 = arith.andi %get3A_336, %and3A_338 : vector<16xi32>
          %shift_left3A_340 = arith.constant 6 : i32
          %shift_left3A_341 = vector.broadcast %shift_left3A_340 : i32 to vector<16xi32>
          %shift_left3A_342 = arith.shli %and3A_339, %shift_left3A_341 : vector<16xi32>
          %mul3A_343 = arith.constant 128 : i32
          %mul3A_344 = arith.muli %scan3A_140, %mul3A_343 : i32
          %add3A_345 = arith.constant 112 : i32
          %add3A_346 = arith.addi %mul3A_344, %add3A_345 : i32
          %get3A_347 = arith.index_cast %add3A_346 : i32 to index
          %get3A_348 = tpu.vector_load %arg5[%get3A_347] {strides = array<i32>} : memref<25600xi32, #tpu.memory_space<vmem>>, vector<16xi32>,
          %and3A_349 = arith.constant 1 : i32
          %and3A_350 = vector.broadcast %and3A_349 : i32 to vector<16xi32>
          %and3A_351 = arith.andi %get3A_348, %and3A_350 : vector<16xi32>
          %shift_left3A_352 = arith.constant 6 : i32
          %shift_left3A_353 = vector.broadcast %shift_left3A_352 : i32 to vector<16xi32>
          %shift_left3A_354 = arith.shli %and3A_351, %shift_left3A_353 : vector<16xi32>
          %parallel_loop3A = arith.constant 0 : i32
          %parallel_loop3A_355 = arith.constant 64 : i32
          %parallel_loop3A_356 = arith.constant 1 : i32
          scf.for %parallel_loop3A_408 = %parallel_loop3A to %parallel_loop3A_355 step %parallel_loop3A_356  : i32 {
            %parallel_loop3A_409 = vector.broadcast %parallel_loop3A_408 : i32 to vector<16xi32>
            %parallel_loop3A_410 = arith.addi %parallel_loop3A_409, %iota3A : vector<16xi32>
            %parallel_loop3A_411 = arith.constant 63 : i32
            %parallel_loop3A_412 = vector.broadcast %parallel_loop3A_411 : i32 to vector<16xi32>
            %parallel_loop3A_413 = arith.andi %parallel_loop3A_410, %parallel_loop3A_412 : vector<16xi32>
            %parallel_loop3A_414 = arith.addi %shift_left3A_270, %parallel_loop3A_413 : vector<16xi32>
            %parallel_loop3A_415 = tpu.vector_load_idx %arg9[%add3A_19, %parallel_loop3A_414] : memref<128x128xf32, #tpu.memory_space<vmem>>[vector<16xi32>, vector<16xi32>], vector<16xf32>,
            tpu.vector_store_idx %arg10[%parallel_loop3A_413, %add3A_19], %parallel_loop3A_415 : memref<64x128xf32, #tpu.memory_space<vmem>>[vector<16xi32>, vector<16xi32>], vector<16xf32>,
            %parallel_loop3A_416 = arith.addi %shift_left3A_282, %parallel_loop3A_413 : vector<16xi32>
            %parallel_loop3A_417 = tpu.vector_load_idx %arg9[%add3A_22, %parallel_loop3A_416] : memref<128x128xf32, #tpu.memory_space<vmem>>[vector<16xi32>, vector<16xi32>], vector<16xf32>,
            tpu.vector_store_idx %arg10[%parallel_loop3A_413, %add3A_22], %parallel_loop3A_417 : memref<64x128xf32, #tpu.memory_space<vmem>>[vector<16xi32>, vector<16xi32>], vector<16xf32>,
            %parallel_loop3A_418 = arith.addi %shift_left3A_294, %parallel_loop3A_413 : vector<16xi32>
            %parallel_loop3A_419 = tpu.vector_load_idx %arg9[%add3A_25, %parallel_loop3A_418] : memref<128x128xf32, #tpu.memory_space<vmem>>[vector<16xi32>, vector<16xi32>], vector<16xf32>,
            tpu.vector_store_idx %arg10[%parallel_loop3A_413, %add3A_25], %parallel_loop3A_419 : memref<64x128xf32, #tpu.memory_space<vmem>>[vector<16xi32>, vector<16xi32>], vector<16xf32>,
            %parallel_loop3A_420 = arith.addi %shift_left3A_306, %parallel_loop3A_413 : vector<16xi32>
            %parallel_loop3A_421 = tpu.vector_load_idx %arg9[%add3A_28, %parallel_loop3A_420] : memref<128x128xf32, #tpu.memory_space<vmem>>[vector<16xi32>, vector<16xi32>], vector<16xf32>,
            tpu.vector_store_idx %arg10[%parallel_loop3A_413, %add3A_28], %parallel_loop3A_421 : memref<64x128xf32, #tpu.memory_space<vmem>>[vector<16xi32>, vector<16xi32>], vector<16xf32>,
            %parallel_loop3A_422 = arith.addi %shift_left3A_318, %parallel_loop3A_413 : vector<16xi32>
            %parallel_loop3A_423 = tpu.vector_load_idx %arg9[%add3A_31, %parallel_loop3A_422] : memref<128x128xf32, #tpu.memory_space<vmem>>[vector<16xi32>, vector<16xi32>], vector<16xf32>,
            tpu.vector_store_idx %arg10[%parallel_loop3A_413, %add3A_31], %parallel_loop3A_423 : memref<64x128xf32, #tpu.memory_space<vmem>>[vector<16xi32>, vector<16xi32>], vector<16xf32>,
            %parallel_loop3A_424 = arith.addi %shift_left3A_330, %parallel_loop3A_413 : vector<16xi32>
            %parallel_loop3A_425 = tpu.vector_load_idx %arg9[%add3A_34, %parallel_loop3A_424] : memref<128x128xf32, #tpu.memory_space<vmem>>[vector<16xi32>, vector<16xi32>], vector<16xf32>,
            tpu.vector_store_idx %arg10[%parallel_loop3A_413, %add3A_34], %parallel_loop3A_425 : memref<64x128xf32, #tpu.memory_space<vmem>>[vector<16xi32>, vector<16xi32>], vector<16xf32>,
            %parallel_loop3A_426 = arith.addi %shift_left3A_342, %parallel_loop3A_413 : vector<16xi32>
            %parallel_loop3A_427 = tpu.vector_load_idx %arg9[%add3A_37, %parallel_loop3A_426] : memref<128x128xf32, #tpu.memory_space<vmem>>[vector<16xi32>, vector<16xi32>], vector<16xf32>,
            tpu.vector_store_idx %arg10[%parallel_loop3A_413, %add3A_37], %parallel_loop3A_427 : memref<64x128xf32, #tpu.memory_space<vmem>>[vector<16xi32>, vector<16xi32>], vector<16xf32>,
            %parallel_loop3A_428 = arith.addi %shift_left3A_354, %parallel_loop3A_413 : vector<16xi32>
            %parallel_loop3A_429 = tpu.vector_load_idx %arg9[%add3A_40, %parallel_loop3A_428] : memref<128x128xf32, #tpu.memory_space<vmem>>[vector<16xi32>, vector<16xi32>], vector<16xf32>,
            tpu.vector_store_idx %arg10[%parallel_loop3A_413, %add3A_40], %parallel_loop3A_429 : memref<64x128xf32, #tpu.memory_space<vmem>>[vector<16xi32>, vector<16xi32>], vector<16xf32>,
          } {sc.loop_unroll_factor = 4 : i64, sc.parallel_access}
          %mul3A_357 = arith.constant 200 : i32
          %mul3A_358 = arith.muli %add3A, %mul3A_357 : i32
          %add3A_359 = arith.addi %mul3A_358, %scan3A_140 : i32
          %jit3A_360 = arith.constant 32 : i32
          %div3A_361 = arith.divsi %add3A_359, %jit3A_360 : i32
          %sign3A_362 = arith.constant 0 : i32
          %sign3A_363 = arith.cmpi sgt, %add3A_359, %sign3A_362 : i32
          %sign3A_364 = arith.extui %sign3A_363 : i1 to i32
          %sign3A_365 = arith.constant 0 : i32
          %sign3A_366 = arith.cmpi slt, %add3A_359, %sign3A_365 : i32
          %sign3A_367 = arith.extui %sign3A_366 : i1 to i32
          %sign3A_368 = arith.subi %sign3A_364, %sign3A_367 : i32
          %sign3A_369 = arith.constant 0 : i32
          %sign3A_370 = arith.cmpi sgt, %jit3A_360, %sign3A_369 : i32
          %sign3A_371 = arith.extui %sign3A_370 : i1 to i32
          %sign3A_372 = arith.constant 0 : i32
          %sign3A_373 = arith.cmpi slt, %jit3A_360, %sign3A_372 : i32
          %sign3A_374 = arith.extui %sign3A_373 : i1 to i32
          %sign3A_375 = arith.subi %sign3A_371, %sign3A_374 : i32
          %ne3A_376 = arith.cmpi ne, %sign3A_368, %sign3A_375 : i32
          %rem3A_377 = arith.remsi %add3A_359, %jit3A_360 : i32
          %ne3A_378 = arith.constant 0 : i32
          %ne3A_379 = arith.cmpi ne, %rem3A_377, %ne3A_378 : i32
          %and3A_380 = arith.andi %ne3A_376, %ne3A_379 : i1
          %sub3A_381 = arith.constant 1 : i32
          %sub3A_382 = arith.subi %div3A_361, %sub3A_381 : i32
          %select_n3A_383 = arith.select %and3A_380, %sub3A_382, %div3A_361 : i32
          %jit3A_384 = arith.constant 32 : i32
          %eq3A_385 = arith.constant 0 : i32
          %eq3A_386 = arith.cmpi eq, %jit3A_384, %eq3A_385 : i32
          %jit3A_387 = arith.constant 1 : i32
          %select_n3A_388 = arith.select %eq3A_386, %jit3A_387, %jit3A_384 : i32
          %rem3A_389 = arith.remsi %add3A_359, %select_n3A_388 : i32
          %ne3A_390 = arith.constant 0 : i32
          %ne3A_391 = arith.cmpi ne, %rem3A_389, %ne3A_390 : i32
          %lt3A_392 = arith.constant 0 : i32
          %lt3A_393 = arith.cmpi slt, %rem3A_389, %lt3A_392 : i32
          %lt3A_394 = arith.constant 0 : i32
          %lt3A_395 = arith.cmpi slt, %select_n3A_388, %lt3A_394 : i32
          %ne3A_396 = arith.xori %lt3A_393, %lt3A_395 : i1
          %and3A_397 = arith.andi %ne3A_396, %ne3A_391 : i1
          %add3A_398 = arith.addi %rem3A_389, %select_n3A_388 : i32
          %select_n3A_399 = arith.select %and3A_397, %add3A_398, %rem3A_389 : i32
          %mul3A_400 = arith.constant 128 : i32
          %mul3A_401 = arith.muli %select_n3A_399, %mul3A_400 : i32
          %dma_start3A_402 = arith.constant 0 : i32
          %dma_start3A_403 = tpu.memref_slice %arg4[%select_n3A_383, %dma_start3A_402, %mul3A_401] : memref<200x64x4096xf32, #tpu.memory_space<hbm>> -> memref<1x64x128xf32, #tpu.memory_space<hbm>>
          %dma_start3A_404 = tpu.memref_squeeze %dma_start3A_403 : memref<1x64x128xf32, #tpu.memory_space<hbm>> -> memref<64x128xf32, #tpu.memory_space<hbm>>
          %dma_start3A_405 = arith.constant 0 : i32
          %dma_start3A_406 = tpu.memref_slice %arg4[%select_n3A_383, %dma_start3A_405, %mul3A_401] : memref<200x64x4096xf32, #tpu.memory_space<hbm>> -> memref<1x64x128xf32, #tpu.memory_space<hbm>>
          %dma_start3A_407 = tpu.memref_squeeze %dma_start3A_406 : memref<1x64x128xf32, #tpu.memory_space<hbm>> -> memref<64x128xf32, #tpu.memory_space<hbm>>
          tpu.enqueue_dma source(%arg10 : memref<64x128xf32, #tpu.memory_space<vmem>>) target(%dma_start3A_407 : memref<64x128xf32, #tpu.memory_space<hbm>>) target_semaphore(%arg15 : memref<!tpu.dma_semaphore, #tpu.memory_space<semaphore_mem>>)
        } else {
        }
        %jit3A_223 = arith.constant 2 : i32
        %eq3A_224 = arith.constant 0 : i32
        %eq3A_225 = arith.cmpi eq, %jit3A_223, %eq3A_224 : i32
        %jit3A_226 = arith.constant 1 : i32
        %select_n3A_227 = arith.select %eq3A_225, %jit3A_226, %jit3A_223 : i32
        %rem3A_228 = arith.remsi %scan3A_140, %select_n3A_227 : i32
        %ne3A_229 = arith.constant 0 : i32
        %ne3A_230 = arith.cmpi ne, %rem3A_228, %ne3A_229 : i32
        %lt3A_231 = arith.constant 0 : i32
        %lt3A_232 = arith.cmpi slt, %rem3A_228, %lt3A_231 : i32
        %lt3A_233 = arith.constant 0 : i32
        %lt3A_234 = arith.cmpi slt, %select_n3A_227, %lt3A_233 : i32
        %ne3A_235 = arith.xori %lt3A_232, %lt3A_234 : i1
        %and3A_236 = arith.andi %ne3A_235, %ne3A_230 : i1
        %add3A_237 = arith.addi %rem3A_228, %select_n3A_227 : i32
        %select_n3A_238 = arith.select %and3A_236, %add3A_237, %rem3A_228 : i32
        %eq3A_239 = arith.constant 1 : i32
        %eq3A_240 = arith.cmpi eq, %select_n3A_238, %eq3A_239 : i32
        %convert_element_type3A_241 = arith.extui %eq3A_240 : i1 to i32
        %cond3A_242 = arith.constant 0 : i32
        %cond3A_243 = arith.cmpi ne, %convert_element_type3A_241, %cond3A_242 : i32
        scf.if %cond3A_243 {
          %add3A_244 = arith.constant 2 : i32
          %add3A_245 = arith.addi %scan3A_140, %add3A_244 : i32
          %lt3A_246 = arith.constant 200 : i32
          %lt3A_247 = arith.cmpi slt, %add3A_245, %lt3A_246 : i32
          %convert_element_type3A_248 = arith.extui %lt3A_247 : i1 to i32
          %cond3A_249 = arith.constant 0 : i32
          %cond3A_250 = arith.cmpi ne, %convert_element_type3A_248, %cond3A_249 : i32
          scf.if %cond3A_250 {
            %add3A_408 = arith.constant 2 : i32
            %add3A_409 = arith.addi %scan3A_140, %add3A_408 : i32
            %mul3A_410 = arith.constant 128 : i32
            %mul3A_411 = arith.muli %add3A_409, %mul3A_410 : i32
            %dma_start3A_412 = tpu.memref_slice %arg6[%mul3A_411] : memref<25600xi32, #tpu.memory_space<vmem>> -> memref<128xi32, #tpu.memory_space<vmem>>
            %dma_start3A_413 = arith.constant 0 : i32
            %dma_start3A_414 = arith.constant 0 : i32
            %dma_start3A_415 = tpu.memref_slice %arg3[%dma_start3A_413, %dma_start3A_414] : memref<500000x128xf32, #tpu.memory_space<hbm>> -> memref<500000x128xf32, #tpu.memory_space<hbm>>
            tpu.enqueue_indirect_dma source(%dma_start3A_415 : memref<500000x128xf32, #tpu.memory_space<hbm>>) target(%arg8 : memref<128x128xf32, #tpu.memory_space<vmem>>) offsets(%dma_start3A_412 : memref<128xi32, #tpu.memory_space<vmem>>) semaphore(%arg13 : memref<!tpu.dma_semaphore, #tpu.memory_space<semaphore_mem>>)
          } else {
          }
          %mul3A_251 = arith.constant 128 : i32
          %mul3A_252 = arith.muli %scan3A_140, %mul3A_251 : i32
          %dma_wait3A_253 = tpu.memref_slice %arg6[%mul3A_252] : memref<25600xi32, #tpu.memory_space<vmem>> -> memref<128xi32, #tpu.memory_space<vmem>>
          %dma_wait3A_254 = arith.constant 0 : i32
          %dma_wait3A_255 = arith.constant 0 : i32
          %dma_wait3A_256 = tpu.memref_slice %arg3[%dma_wait3A_254, %dma_wait3A_255] : memref<500000x128xf32, #tpu.memory_space<hbm>> -> memref<500000x128xf32, #tpu.memory_space<hbm>>
          tpu.wait_indirect_dma semaphore(%arg14 : memref<!tpu.dma_semaphore, #tpu.memory_space<semaphore_mem>>) src(%dma_wait3A_256 : memref<500000x128xf32, #tpu.memory_space<hbm>>) dst(%arg9 : memref<128x128xf32, #tpu.memory_space<vmem>>)
          %ge3A = arith.constant 2 : i32
          %ge3A_257 = arith.cmpi sge, %scan3A_140, %ge3A : i32
          %convert_element_type3A_258 = arith.extui %ge3A_257 : i1 to i32
          %cond3A_259 = arith.constant 0 : i32
          %cond3A_260 = arith.cmpi ne, %convert_element_type3A_258, %cond3A_259 : i32
          scf.if %cond3A_260 {
            %mul3A_408 = arith.constant 200 : i32
            %mul3A_409 = arith.muli %add3A, %mul3A_408 : i32
            %add3A_410 = arith.addi %mul3A_409, %scan3A_140 : i32
            %jit3A_411 = arith.constant 32 : i32
            %div3A_412 = arith.divsi %add3A_410, %jit3A_411 : i32
            %sign3A_413 = arith.constant 0 : i32
            %sign3A_414 = arith.cmpi sgt, %add3A_410, %sign3A_413 : i32
            %sign3A_415 = arith.extui %sign3A_414 : i1 to i32
            %sign3A_416 = arith.constant 0 : i32
            %sign3A_417 = arith.cmpi slt, %add3A_410, %sign3A_416 : i32
            %sign3A_418 = arith.extui %sign3A_417 : i1 to i32
            %sign3A_419 = arith.subi %sign3A_415, %sign3A_418 : i32
            %sign3A_420 = arith.constant 0 : i32
            %sign3A_421 = arith.cmpi sgt, %jit3A_411, %sign3A_420 : i32
            %sign3A_422 = arith.extui %sign3A_421 : i1 to i32
            %sign3A_423 = arith.constant 0 : i32
            %sign3A_424 = arith.cmpi slt, %jit3A_411, %sign3A_423 : i32
            %sign3A_425 = arith.extui %sign3A_424 : i1 to i32
            %sign3A_426 = arith.subi %sign3A_422, %sign3A_425 : i32
            %ne3A_427 = arith.cmpi ne, %sign3A_419, %sign3A_426 : i32
            %rem3A_428 = arith.remsi %add3A_410, %jit3A_411 : i32
            %ne3A_429 = arith.constant 0 : i32
            %ne3A_430 = arith.cmpi ne, %rem3A_428, %ne3A_429 : i32
            %and3A_431 = arith.andi %ne3A_427, %ne3A_430 : i1
            %sub3A_432 = arith.constant 1 : i32
            %sub3A_433 = arith.subi %div3A_412, %sub3A_432 : i32
            %select_n3A_434 = arith.select %and3A_431, %sub3A_433, %div3A_412 : i32
            %jit3A_435 = arith.constant 32 : i32
            %eq3A_436 = arith.constant 0 : i32
            %eq3A_437 = arith.cmpi eq, %jit3A_435, %eq3A_436 : i32
            %jit3A_438 = arith.constant 1 : i32
            %select_n3A_439 = arith.select %eq3A_437, %jit3A_438, %jit3A_435 : i32
            %rem3A_440 = arith.remsi %add3A_410, %select_n3A_439 : i32
            %ne3A_441 = arith.constant 0 : i32
            %ne3A_442 = arith.cmpi ne, %rem3A_440, %ne3A_441 : i32
            %lt3A_443 = arith.constant 0 : i32
            %lt3A_444 = arith.cmpi slt, %rem3A_440, %lt3A_443 : i32
            %lt3A_445 = arith.constant 0 : i32
            %lt3A_446 = arith.cmpi slt, %select_n3A_439, %lt3A_445 : i32
            %ne3A_447 = arith.xori %lt3A_444, %lt3A_446 : i1
            %and3A_448 = arith.andi %ne3A_447, %ne3A_442 : i1
            %add3A_449 = arith.addi %rem3A_440, %select_n3A_439 : i32
            %select_n3A_450 = arith.select %and3A_448, %add3A_449, %rem3A_440 : i32
            %mul3A_451 = arith.constant 128 : i32
            %mul3A_452 = arith.muli %select_n3A_450, %mul3A_451 : i32
            %dma_wait3A_453 = arith.constant 0 : i32
            %dma_wait3A_454 = tpu.memref_slice %arg4[%select_n3A_434, %dma_wait3A_453, %mul3A_452] : memref<200x64x4096xf32, #tpu.memory_space<hbm>> -> memref<1x64x128xf32, #tpu.memory_space<hbm>>
            %dma_wait3A_455 = tpu.memref_squeeze %dma_wait3A_454 : memref<1x64x128xf32, #tpu.memory_space<hbm>> -> memref<64x128xf32, #tpu.memory_space<hbm>>
            %dma_wait3A_456 = arith.constant 0 : i32
            %dma_wait3A_457 = tpu.memref_slice %arg4[%select_n3A_434, %dma_wait3A_456, %mul3A_452] : memref<200x64x4096xf32, #tpu.memory_space<hbm>> -> memref<1x64x128xf32, #tpu.memory_space<hbm>>
            %dma_wait3A_458 = tpu.memref_squeeze %dma_wait3A_457 : memref<1x64x128xf32, #tpu.memory_space<hbm>> -> memref<64x128xf32, #tpu.memory_space<hbm>>
            tpu.wait_dma2 semaphore(%arg16 : memref<!tpu.dma_semaphore, #tpu.memory_space<semaphore_mem>>) src(%arg11 : memref<64x128xf32, #tpu.memory_space<vmem>>) dst(%dma_wait3A_458 : memref<64x128xf32, #tpu.memory_space<hbm>>)
          } else {
          }
          %mul3A_261 = arith.constant 128 : i32
          %mul3A_262 = arith.muli %scan3A_140, %mul3A_261 : i32
          %add3A_263 = arith.constant 0 : i32
          %add3A_264 = arith.addi %mul3A_262, %add3A_263 : i32
          %get3A = arith.index_cast %add3A_264 : i32 to index
          %get3A_265 = tpu.vector_load %arg5[%get3A] {strides = array<i32>} : memref<25600xi32, #tpu.memory_space<vmem>>, vector<16xi32>,
          %and3A_266 = arith.constant 1 : i32
          %and3A_267 = vector.broadcast %and3A_266 : i32 to vector<16xi32>
          %and3A_268 = arith.andi %get3A_265, %and3A_267 : vector<16xi32>
          %shift_left3A = arith.constant 6 : i32
          %shift_left3A_269 = vector.broadcast %shift_left3A : i32 to vector<16xi32>
          %shift_left3A_270 = arith.shli %and3A_268, %shift_left3A_269 : vector<16xi32>
          %mul3A_271 = arith.constant 128 : i32
          %mul3A_272 = arith.muli %scan3A_140, %mul3A_271 : i32
          %add3A_273 = arith.constant 16 : i32
          %add3A_274 = arith.addi %mul3A_272, %add3A_273 : i32
          %get3A_275 = arith.index_cast %add3A_274 : i32 to index
          %get3A_276 = tpu.vector_load %arg5[%get3A_275] {strides = array<i32>} : memref<25600xi32, #tpu.memory_space<vmem>>, vector<16xi32>,
          %and3A_277 = arith.constant 1 : i32
          %and3A_278 = vector.broadcast %and3A_277 : i32 to vector<16xi32>
          %and3A_279 = arith.andi %get3A_276, %and3A_278 : vector<16xi32>
          %shift_left3A_280 = arith.constant 6 : i32
          %shift_left3A_281 = vector.broadcast %shift_left3A_280 : i32 to vector<16xi32>
          %shift_left3A_282 = arith.shli %and3A_279, %shift_left3A_281 : vector<16xi32>
          %mul3A_283 = arith.constant 128 : i32
          %mul3A_284 = arith.muli %scan3A_140, %mul3A_283 : i32
          %add3A_285 = arith.constant 32 : i32
          %add3A_286 = arith.addi %mul3A_284, %add3A_285 : i32
          %get3A_287 = arith.index_cast %add3A_286 : i32 to index
          %get3A_288 = tpu.vector_load %arg5[%get3A_287] {strides = array<i32>} : memref<25600xi32, #tpu.memory_space<vmem>>, vector<16xi32>,
          %and3A_289 = arith.constant 1 : i32
          %and3A_290 = vector.broadcast %and3A_289 : i32 to vector<16xi32>
          %and3A_291 = arith.andi %get3A_288, %and3A_290 : vector<16xi32>
          %shift_left3A_292 = arith.constant 6 : i32
          %shift_left3A_293 = vector.broadcast %shift_left3A_292 : i32 to vector<16xi32>
          %shift_left3A_294 = arith.shli %and3A_291, %shift_left3A_293 : vector<16xi32>
          %mul3A_295 = arith.constant 128 : i32
          %mul3A_296 = arith.muli %scan3A_140, %mul3A_295 : i32
          %add3A_297 = arith.constant 48 : i32
          %add3A_298 = arith.addi %mul3A_296, %add3A_297 : i32
          %get3A_299 = arith.index_cast %add3A_298 : i32 to index
          %get3A_300 = tpu.vector_load %arg5[%get3A_299] {strides = array<i32>} : memref<25600xi32, #tpu.memory_space<vmem>>, vector<16xi32>,
          %and3A_301 = arith.constant 1 : i32
          %and3A_302 = vector.broadcast %and3A_301 : i32 to vector<16xi32>
          %and3A_303 = arith.andi %get3A_300, %and3A_302 : vector<16xi32>
          %shift_left3A_304 = arith.constant 6 : i32
          %shift_left3A_305 = vector.broadcast %shift_left3A_304 : i32 to vector<16xi32>
          %shift_left3A_306 = arith.shli %and3A_303, %shift_left3A_305 : vector<16xi32>
          %mul3A_307 = arith.constant 128 : i32
          %mul3A_308 = arith.muli %scan3A_140, %mul3A_307 : i32
          %add3A_309 = arith.constant 64 : i32
          %add3A_310 = arith.addi %mul3A_308, %add3A_309 : i32
          %get3A_311 = arith.index_cast %add3A_310 : i32 to index
          %get3A_312 = tpu.vector_load %arg5[%get3A_311] {strides = array<i32>} : memref<25600xi32, #tpu.memory_space<vmem>>, vector<16xi32>,
          %and3A_313 = arith.constant 1 : i32
          %and3A_314 = vector.broadcast %and3A_313 : i32 to vector<16xi32>
          %and3A_315 = arith.andi %get3A_312, %and3A_314 : vector<16xi32>
          %shift_left3A_316 = arith.constant 6 : i32
          %shift_left3A_317 = vector.broadcast %shift_left3A_316 : i32 to vector<16xi32>
          %shift_left3A_318 = arith.shli %and3A_315, %shift_left3A_317 : vector<16xi32>
          %mul3A_319 = arith.constant 128 : i32
          %mul3A_320 = arith.muli %scan3A_140, %mul3A_319 : i32
          %add3A_321 = arith.constant 80 : i32
          %add3A_322 = arith.addi %mul3A_320, %add3A_321 : i32
          %get3A_323 = arith.index_cast %add3A_322 : i32 to index
          %get3A_324 = tpu.vector_load %arg5[%get3A_323] {strides = array<i32>} : memref<25600xi32, #tpu.memory_space<vmem>>, vector<16xi32>,
          %and3A_325 = arith.constant 1 : i32
          %and3A_326 = vector.broadcast %and3A_325 : i32 to vector<16xi32>
          %and3A_327 = arith.andi %get3A_324, %and3A_326 : vector<16xi32>
          %shift_left3A_328 = arith.constant 6 : i32
          %shift_left3A_329 = vector.broadcast %shift_left3A_328 : i32 to vector<16xi32>
          %shift_left3A_330 = arith.shli %and3A_327, %shift_left3A_329 : vector<16xi32>
          %mul3A_331 = arith.constant 128 : i32
          %mul3A_332 = arith.muli %scan3A_140, %mul3A_331 : i32
          %add3A_333 = arith.constant 96 : i32
          %add3A_334 = arith.addi %mul3A_332, %add3A_333 : i32
          %get3A_335 = arith.index_cast %add3A_334 : i32 to index
          %get3A_336 = tpu.vector_load %arg5[%get3A_335] {strides = array<i32>} : memref<25600xi32, #tpu.memory_space<vmem>>, vector<16xi32>,
          %and3A_337 = arith.constant 1 : i32
          %and3A_338 = vector.broadcast %and3A_337 : i32 to vector<16xi32>
          %and3A_339 = arith.andi %get3A_336, %and3A_338 : vector<16xi32>
          %shift_left3A_340 = arith.constant 6 : i32
          %shift_left3A_341 = vector.broadcast %shift_left3A_340 : i32 to vector<16xi32>
          %shift_left3A_342 = arith.shli %and3A_339, %shift_left3A_341 : vector<16xi32>
          %mul3A_343 = arith.constant 128 : i32
          %mul3A_344 = arith.muli %scan3A_140, %mul3A_343 : i32
          %add3A_345 = arith.constant 112 : i32
          %add3A_346 = arith.addi %mul3A_344, %add3A_345 : i32
          %get3A_347 = arith.index_cast %add3A_346 : i32 to index
          %get3A_348 = tpu.vector_load %arg5[%get3A_347] {strides = array<i32>} : memref<25600xi32, #tpu.memory_space<vmem>>, vector<16xi32>,
          %and3A_349 = arith.constant 1 : i32
          %and3A_350 = vector.broadcast %and3A_349 : i32 to vector<16xi32>
          %and3A_351 = arith.andi %get3A_348, %and3A_350 : vector<16xi32>
          %shift_left3A_352 = arith.constant 6 : i32
          %shift_left3A_353 = vector.broadcast %shift_left3A_352 : i32 to vector<16xi32>
          %shift_left3A_354 = arith.shli %and3A_351, %shift_left3A_353 : vector<16xi32>
          %parallel_loop3A = arith.constant 0 : i32
          %parallel_loop3A_355 = arith.constant 64 : i32
          %parallel_loop3A_356 = arith.constant 1 : i32
          scf.for %parallel_loop3A_408 = %parallel_loop3A to %parallel_loop3A_355 step %parallel_loop3A_356  : i32 {
            %parallel_loop3A_409 = vector.broadcast %parallel_loop3A_408 : i32 to vector<16xi32>
            %parallel_loop3A_410 = arith.addi %parallel_loop3A_409, %iota3A : vector<16xi32>
            %parallel_loop3A_411 = arith.constant 63 : i32
            %parallel_loop3A_412 = vector.broadcast %parallel_loop3A_411 : i32 to vector<16xi32>
            %parallel_loop3A_413 = arith.andi %parallel_loop3A_410, %parallel_loop3A_412 : vector<16xi32>
            %parallel_loop3A_414 = arith.addi %shift_left3A_270, %parallel_loop3A_413 : vector<16xi32>
            %parallel_loop3A_415 = tpu.vector_load_idx %arg9[%add3A_19, %parallel_loop3A_414] : memref<128x128xf32, #tpu.memory_space<vmem>>[vector<16xi32>, vector<16xi32>], vector<16xf32>,
            tpu.vector_store_idx %arg11[%parallel_loop3A_413, %add3A_19], %parallel_loop3A_415 : memref<64x128xf32, #tpu.memory_space<vmem>>[vector<16xi32>, vector<16xi32>], vector<16xf32>,
            %parallel_loop3A_416 = arith.addi %shift_left3A_282, %parallel_loop3A_413 : vector<16xi32>
            %parallel_loop3A_417 = tpu.vector_load_idx %arg9[%add3A_22, %parallel_loop3A_416] : memref<128x128xf32, #tpu.memory_space<vmem>>[vector<16xi32>, vector<16xi32>], vector<16xf32>,
            tpu.vector_store_idx %arg11[%parallel_loop3A_413, %add3A_22], %parallel_loop3A_417 : memref<64x128xf32, #tpu.memory_space<vmem>>[vector<16xi32>, vector<16xi32>], vector<16xf32>,
            %parallel_loop3A_418 = arith.addi %shift_left3A_294, %parallel_loop3A_413 : vector<16xi32>
            %parallel_loop3A_419 = tpu.vector_load_idx %arg9[%add3A_25, %parallel_loop3A_418] : memref<128x128xf32, #tpu.memory_space<vmem>>[vector<16xi32>, vector<16xi32>], vector<16xf32>,
            tpu.vector_store_idx %arg11[%parallel_loop3A_413, %add3A_25], %parallel_loop3A_419 : memref<64x128xf32, #tpu.memory_space<vmem>>[vector<16xi32>, vector<16xi32>], vector<16xf32>,
            %parallel_loop3A_420 = arith.addi %shift_left3A_306, %parallel_loop3A_413 : vector<16xi32>
            %parallel_loop3A_421 = tpu.vector_load_idx %arg9[%add3A_28, %parallel_loop3A_420] : memref<128x128xf32, #tpu.memory_space<vmem>>[vector<16xi32>, vector<16xi32>], vector<16xf32>,
            tpu.vector_store_idx %arg11[%parallel_loop3A_413, %add3A_28], %parallel_loop3A_421 : memref<64x128xf32, #tpu.memory_space<vmem>>[vector<16xi32>, vector<16xi32>], vector<16xf32>,
            %parallel_loop3A_422 = arith.addi %shift_left3A_318, %parallel_loop3A_413 : vector<16xi32>
            %parallel_loop3A_423 = tpu.vector_load_idx %arg9[%add3A_31, %parallel_loop3A_422] : memref<128x128xf32, #tpu.memory_space<vmem>>[vector<16xi32>, vector<16xi32>], vector<16xf32>,
            tpu.vector_store_idx %arg11[%parallel_loop3A_413, %add3A_31], %parallel_loop3A_423 : memref<64x128xf32, #tpu.memory_space<vmem>>[vector<16xi32>, vector<16xi32>], vector<16xf32>,
            %parallel_loop3A_424 = arith.addi %shift_left3A_330, %parallel_loop3A_413 : vector<16xi32>
            %parallel_loop3A_425 = tpu.vector_load_idx %arg9[%add3A_34, %parallel_loop3A_424] : memref<128x128xf32, #tpu.memory_space<vmem>>[vector<16xi32>, vector<16xi32>], vector<16xf32>,
            tpu.vector_store_idx %arg11[%parallel_loop3A_413, %add3A_34], %parallel_loop3A_425 : memref<64x128xf32, #tpu.memory_space<vmem>>[vector<16xi32>, vector<16xi32>], vector<16xf32>,
            %parallel_loop3A_426 = arith.addi %shift_left3A_342, %parallel_loop3A_413 : vector<16xi32>
            %parallel_loop3A_427 = tpu.vector_load_idx %arg9[%add3A_37, %parallel_loop3A_426] : memref<128x128xf32, #tpu.memory_space<vmem>>[vector<16xi32>, vector<16xi32>], vector<16xf32>,
            tpu.vector_store_idx %arg11[%parallel_loop3A_413, %add3A_37], %parallel_loop3A_427 : memref<64x128xf32, #tpu.memory_space<vmem>>[vector<16xi32>, vector<16xi32>], vector<16xf32>,
            %parallel_loop3A_428 = arith.addi %shift_left3A_354, %parallel_loop3A_413 : vector<16xi32>
            %parallel_loop3A_429 = tpu.vector_load_idx %arg9[%add3A_40, %parallel_loop3A_428] : memref<128x128xf32, #tpu.memory_space<vmem>>[vector<16xi32>, vector<16xi32>], vector<16xf32>,
            tpu.vector_store_idx %arg11[%parallel_loop3A_413, %add3A_40], %parallel_loop3A_429 : memref<64x128xf32, #tpu.memory_space<vmem>>[vector<16xi32>, vector<16xi32>], vector<16xf32>,
          } {sc.loop_unroll_factor = 4 : i64, sc.parallel_access}
          %mul3A_357 = arith.constant 200 : i32
          %mul3A_358 = arith.muli %add3A, %mul3A_357 : i32
          %add3A_359 = arith.addi %mul3A_358, %scan3A_140 : i32
          %jit3A_360 = arith.constant 32 : i32
          %div3A_361 = arith.divsi %add3A_359, %jit3A_360 : i32
          %sign3A_362 = arith.constant 0 : i32
          %sign3A_363 = arith.cmpi sgt, %add3A_359, %sign3A_362 : i32
          %sign3A_364 = arith.extui %sign3A_363 : i1 to i32
          %sign3A_365 = arith.constant 0 : i32
          %sign3A_366 = arith.cmpi slt, %add3A_359, %sign3A_365 : i32
          %sign3A_367 = arith.extui %sign3A_366 : i1 to i32
          %sign3A_368 = arith.subi %sign3A_364, %sign3A_367 : i32
          %sign3A_369 = arith.constant 0 : i32
          %sign3A_370 = arith.cmpi sgt, %jit3A_360, %sign3A_369 : i32
          %sign3A_371 = arith.extui %sign3A_370 : i1 to i32
          %sign3A_372 = arith.constant 0 : i32
          %sign3A_373 = arith.cmpi slt, %jit3A_360, %sign3A_372 : i32
          %sign3A_374 = arith.extui %sign3A_373 : i1 to i32
          %sign3A_375 = arith.subi %sign3A_371, %sign3A_374 : i32
          %ne3A_376 = arith.cmpi ne, %sign3A_368, %sign3A_375 : i32
          %rem3A_377 = arith.remsi %add3A_359, %jit3A_360 : i32
          %ne3A_378 = arith.constant 0 : i32
          %ne3A_379 = arith.cmpi ne, %rem3A_377, %ne3A_378 : i32
          %and3A_380 = arith.andi %ne3A_376, %ne3A_379 : i1
          %sub3A_381 = arith.constant 1 : i32
          %sub3A_382 = arith.subi %div3A_361, %sub3A_381 : i32
          %select_n3A_383 = arith.select %and3A_380, %sub3A_382, %div3A_361 : i32
          %jit3A_384 = arith.constant 32 : i32
          %eq3A_385 = arith.constant 0 : i32
          %eq3A_386 = arith.cmpi eq, %jit3A_384, %eq3A_385 : i32
          %jit3A_387 = arith.constant 1 : i32
          %select_n3A_388 = arith.select %eq3A_386, %jit3A_387, %jit3A_384 : i32
          %rem3A_389 = arith.remsi %add3A_359, %select_n3A_388 : i32
          %ne3A_390 = arith.constant 0 : i32
          %ne3A_391 = arith.cmpi ne, %rem3A_389, %ne3A_390 : i32
          %lt3A_392 = arith.constant 0 : i32
          %lt3A_393 = arith.cmpi slt, %rem3A_389, %lt3A_392 : i32
          %lt3A_394 = arith.constant 0 : i32
          %lt3A_395 = arith.cmpi slt, %select_n3A_388, %lt3A_394 : i32
          %ne3A_396 = arith.xori %lt3A_393, %lt3A_395 : i1
          %and3A_397 = arith.andi %ne3A_396, %ne3A_391 : i1
          %add3A_398 = arith.addi %rem3A_389, %select_n3A_388 : i32
          %select_n3A_399 = arith.select %and3A_397, %add3A_398, %rem3A_389 : i32
          %mul3A_400 = arith.constant 128 : i32
          %mul3A_401 = arith.muli %select_n3A_399, %mul3A_400 : i32
          %dma_start3A_402 = arith.constant 0 : i32
          %dma_start3A_403 = tpu.memref_slice %arg4[%select_n3A_383, %dma_start3A_402, %mul3A_401] : memref<200x64x4096xf32, #tpu.memory_space<hbm>> -> memref<1x64x128xf32, #tpu.memory_space<hbm>>
          %dma_start3A_404 = tpu.memref_squeeze %dma_start3A_403 : memref<1x64x128xf32, #tpu.memory_space<hbm>> -> memref<64x128xf32, #tpu.memory_space<hbm>>
          %dma_start3A_405 = arith.constant 0 : i32
          %dma_start3A_406 = tpu.memref_slice %arg4[%select_n3A_383, %dma_start3A_405, %mul3A_401] : memref<200x64x4096xf32, #tpu.memory_space<hbm>> -> memref<1x64x128xf32, #tpu.memory_space<hbm>>
          %dma_start3A_407 = tpu.memref_squeeze %dma_start3A_406 : memref<1x64x128xf32, #tpu.memory_space<hbm>> -> memref<64x128xf32, #tpu.memory_space<hbm>>
          tpu.enqueue_dma source(%arg11 : memref<64x128xf32, #tpu.memory_space<vmem>>) target(%dma_start3A_407 : memref<64x128xf32, #tpu.memory_space<hbm>>) target_semaphore(%arg16 : memref<!tpu.dma_semaphore, #tpu.memory_space<semaphore_mem>>)
        } else {
        }
      } else {
      }
    }
    %scan3A_46 = arith.constant 200 : i32
    %mul3A_47 = arith.constant 200 : i32
    %mul3A_48 = arith.muli %add3A, %mul3A_47 : i32
    %add3A_49 = arith.constant 198 : i32
    %add3A_50 = arith.addi %mul3A_48, %add3A_49 : i32
    %jit3A = arith.constant 32 : i32
    %div3A = arith.divsi %add3A_50, %jit3A : i32
    %sign3A = arith.constant 0 : i32
    %sign3A_51 = arith.cmpi sgt, %add3A_50, %sign3A : i32
    %sign3A_52 = arith.extui %sign3A_51 : i1 to i32
    %sign3A_53 = arith.constant 0 : i32
    %sign3A_54 = arith.cmpi slt, %add3A_50, %sign3A_53 : i32
    %sign3A_55 = arith.extui %sign3A_54 : i1 to i32
    %sign3A_56 = arith.subi %sign3A_52, %sign3A_55 : i32
    %sign3A_57 = arith.constant 0 : i32
    %sign3A_58 = arith.cmpi sgt, %jit3A, %sign3A_57 : i32
    %sign3A_59 = arith.extui %sign3A_58 : i1 to i32
    %sign3A_60 = arith.constant 0 : i32
    %sign3A_61 = arith.cmpi slt, %jit3A, %sign3A_60 : i32
    %sign3A_62 = arith.extui %sign3A_61 : i1 to i32
    %sign3A_63 = arith.subi %sign3A_59, %sign3A_62 : i32
    %ne3A = arith.cmpi ne, %sign3A_56, %sign3A_63 : i32
    %rem3A = arith.remsi %add3A_50, %jit3A : i32
    %ne3A_64 = arith.constant 0 : i32
    %ne3A_65 = arith.cmpi ne, %rem3A, %ne3A_64 : i32
    %and3A = arith.andi %ne3A, %ne3A_65 : i1
    %sub3A = arith.constant 1 : i32
    %sub3A_66 = arith.subi %div3A, %sub3A : i32
    %select_n3A = arith.select %and3A, %sub3A_66, %div3A : i32
    %jit3A_67 = arith.constant 32 : i32
    %eq3A = arith.constant 0 : i32
    %eq3A_68 = arith.cmpi eq, %jit3A_67, %eq3A : i32
    %jit3A_69 = arith.constant 1 : i32
    %select_n3A_70 = arith.select %eq3A_68, %jit3A_69, %jit3A_67 : i32
    %rem3A_71 = arith.remsi %add3A_50, %select_n3A_70 : i32
    %ne3A_72 = arith.constant 0 : i32
    %ne3A_73 = arith.cmpi ne, %rem3A_71, %ne3A_72 : i32
    %lt3A = arith.constant 0 : i32
    %lt3A_74 = arith.cmpi slt, %rem3A_71, %lt3A : i32
    %lt3A_75 = arith.constant 0 : i32
    %lt3A_76 = arith.cmpi slt, %select_n3A_70, %lt3A_75 : i32
    %ne3A_77 = arith.xori %lt3A_74, %lt3A_76 : i1
    %and3A_78 = arith.andi %ne3A_77, %ne3A_73 : i1
    %add3A_79 = arith.addi %rem3A_71, %select_n3A_70 : i32
    %select_n3A_80 = arith.select %and3A_78, %add3A_79, %rem3A_71 : i32
    %mul3A_81 = arith.constant 128 : i32
    %mul3A_82 = arith.muli %select_n3A_80, %mul3A_81 : i32
    %dma_wait3A = arith.constant 0 : i32
    %dma_wait3A_83 = tpu.memref_slice %arg4[%select_n3A, %dma_wait3A, %mul3A_82] : memref<200x64x4096xf32, #tpu.memory_space<hbm>> -> memref<1x64x128xf32, #tpu.memory_space<hbm>>
    %dma_wait3A_84 = tpu.memref_squeeze %dma_wait3A_83 : memref<1x64x128xf32, #tpu.memory_space<hbm>> -> memref<64x128xf32, #tpu.memory_space<hbm>>
    %dma_wait3A_85 = arith.constant 0 : i32
    %dma_wait3A_86 = tpu.memref_slice %arg4[%select_n3A, %dma_wait3A_85, %mul3A_82] : memref<200x64x4096xf32, #tpu.memory_space<hbm>> -> memref<1x64x128xf32, #tpu.memory_space<hbm>>
    %dma_wait3A_87 = tpu.memref_squeeze %dma_wait3A_86 : memref<1x64x128xf32, #tpu.memory_space<hbm>> -> memref<64x128xf32, #tpu.memory_space<hbm>>
    tpu.wait_dma2 semaphore(%arg15 : memref<!tpu.dma_semaphore, #tpu.memory_space<semaphore_mem>>) src(%arg10 : memref<64x128xf32, #tpu.memory_space<vmem>>) dst(%dma_wait3A_87 : memref<64x128xf32, #tpu.memory_space<hbm>>)
    %mul3A_88 = arith.constant 200 : i32
    %mul3A_89 = arith.muli %add3A, %mul3A_88 : i32
    %add3A_90 = arith.constant 199 : i32
    %add3A_91 = arith.addi %mul3A_89, %add3A_90 : i32
    %jit3A_92 = arith.constant 32 : i32
    %div3A_93 = arith.divsi %add3A_91, %jit3A_92 : i32
    %sign3A_94 = arith.constant 0 : i32
    %sign3A_95 = arith.cmpi sgt, %add3A_91, %sign3A_94 : i32
    %sign3A_96 = arith.extui %sign3A_95 : i1 to i32
    %sign3A_97 = arith.constant 0 : i32
    %sign3A_98 = arith.cmpi slt, %add3A_91, %sign3A_97 : i32
    %sign3A_99 = arith.extui %sign3A_98 : i1 to i32
    %sign3A_100 = arith.subi %sign3A_96, %sign3A_99 : i32
    %sign3A_101 = arith.constant 0 : i32
    %sign3A_102 = arith.cmpi sgt, %jit3A_92, %sign3A_101 : i32
    %sign3A_103 = arith.extui %sign3A_102 : i1 to i32
    %sign3A_104 = arith.constant 0 : i32
    %sign3A_105 = arith.cmpi slt, %jit3A_92, %sign3A_104 : i32
    %sign3A_106 = arith.extui %sign3A_105 : i1 to i32
    %sign3A_107 = arith.subi %sign3A_103, %sign3A_106 : i32
    %ne3A_108 = arith.cmpi ne, %sign3A_100, %sign3A_107 : i32
    %rem3A_109 = arith.remsi %add3A_91, %jit3A_92 : i32
    %ne3A_110 = arith.constant 0 : i32
    %ne3A_111 = arith.cmpi ne, %rem3A_109, %ne3A_110 : i32
    %and3A_112 = arith.andi %ne3A_108, %ne3A_111 : i1
    %sub3A_113 = arith.constant 1 : i32
    %sub3A_114 = arith.subi %div3A_93, %sub3A_113 : i32
    %select_n3A_115 = arith.select %and3A_112, %sub3A_114, %div3A_93 : i32
    %jit3A_116 = arith.constant 32 : i32
    %eq3A_117 = arith.constant 0 : i32
    %eq3A_118 = arith.cmpi eq, %jit3A_116, %eq3A_117 : i32
    %jit3A_119 = arith.constant 1 : i32
    %select_n3A_120 = arith.select %eq3A_118, %jit3A_119, %jit3A_116 : i32
    %rem3A_121 = arith.remsi %add3A_91, %select_n3A_120 : i32
    %ne3A_122 = arith.constant 0 : i32
    %ne3A_123 = arith.cmpi ne, %rem3A_121, %ne3A_122 : i32
    %lt3A_124 = arith.constant 0 : i32
    %lt3A_125 = arith.cmpi slt, %rem3A_121, %lt3A_124 : i32
    %lt3A_126 = arith.constant 0 : i32
    %lt3A_127 = arith.cmpi slt, %select_n3A_120, %lt3A_126 : i32
    %ne3A_128 = arith.xori %lt3A_125, %lt3A_127 : i1
    %and3A_129 = arith.andi %ne3A_128, %ne3A_123 : i1
    %add3A_130 = arith.addi %rem3A_121, %select_n3A_120 : i32
    %select_n3A_131 = arith.select %and3A_129, %add3A_130, %rem3A_121 : i32
    %mul3A_132 = arith.constant 128 : i32
    %mul3A_133 = arith.muli %select_n3A_131, %mul3A_132 : i32
    %dma_wait3A_134 = arith.constant 0 : i32
    %dma_wait3A_135 = tpu.memref_slice %arg4[%select_n3A_115, %dma_wait3A_134, %mul3A_133] : memref<200x64x4096xf32, #tpu.memory_space<hbm>> -> memref<1x64x128xf32, #tpu.memory_space<hbm>>
    %dma_wait3A_136 = tpu.memref_squeeze %dma_wait3A_135 : memref<1x64x128xf32, #tpu.memory_space<hbm>> -> memref<64x128xf32, #tpu.memory_space<hbm>>
    %dma_wait3A_137 = arith.constant 0 : i32
    %dma_wait3A_138 = tpu.memref_slice %arg4[%select_n3A_115, %dma_wait3A_137, %mul3A_133] : memref<200x64x4096xf32, #tpu.memory_space<hbm>> -> memref<1x64x128xf32, #tpu.memory_space<hbm>>
    %dma_wait3A_139 = tpu.memref_squeeze %dma_wait3A_138 : memref<1x64x128xf32, #tpu.memory_space<hbm>> -> memref<64x128xf32, #tpu.memory_space<hbm>>
    tpu.wait_dma2 semaphore(%arg16 : memref<!tpu.dma_semaphore, #tpu.memory_space<semaphore_mem>>) src(%arg11 : memref<64x128xf32, #tpu.memory_space<vmem>>) dst(%dma_wait3A_139 : memref<64x128xf32, #tpu.memory_space<hbm>>)
    return
  }
}

</mosaic_0001>

<sc_bundles>
// kernel: kernel.4.cloned.1.call-start
scs
__scs_entry_jumppad:
0x0: {  	(pc) =	sbr.rel $0x88, $3  }
0x1: {  	(tag) =	ssettag $0x0;
	lr =	simm.s32 $0x1  }
0x2: {  	[smem:$0x3F9F] =	sst lr;
	_ =	strace $0xD0000000  }
0x3: {  	_ = 	snop  }
0x4: {  	_ = 	snop  }
0x5: {  	_ = 	snop  }
0x6: {  	_ = 	snop  }
0x7: {  	_ = 	snop  }
__scs_overlays_trampoline_lowered:
0x8: {  	[smem:$0x3FAE] =	sst s0  }
0x9: {  	[smem:$0x3FAF] =	sst s1  }
0xa: {  	[smem:$0x3FB0] =	sst s2  }
0xb: {  	[smem:$0x3FB1] =	sst s3  }
0xc: {  	[smem:$0x3FB2] =	sst s4  }
0xd: {  	[smem:$0x3FB3] =	sst s5  }
0xe: {  	[smem:$0x3FB4] =	sst s6  }
0xf: {  	[smem:$0x3FB5] =	sst s7  }
0x10: {  	[smem:$0x3FB6] =	sst s8  }
0x11: {  	[smem:$0x3FB7] =	sst s9;
	s0 =	simm.s32 @!p0 $0x0  }
0x12: {  	s1 =	sld [smem:$0x3F9D];
	s0 =	simm.s32 @p0 $0x1  }
0x13: {  	[smem:$0x3FB8] =	sst s0;
	s0 =	simm.s32 @!p1 $0x0  }
0x14: {  	s2 =	sld [smem:$0x3F9C];
	s0 =	simm.s32 @p1 $0x1  }
0x15: {  	[smem:$0x3FB9] =	sst s0;
	s0 =	simm.s32 @!p2 $0x0  }
0x16: {  	s3 =	sld [smem:$0x3FDB];
	s0 =	simm.s32 @p2 $0x1  }
0x17: {  	s4 =	simm.s32 $0x1BF5;
	[smem:$0x3FBB] =	sst s0  }
0x18: {  	s0 =	sld [smem:$0x3F9E];
	_ =	swait.ge [sflag:s4], $0x0  }
0x19: {  	s7 =	sld [smem:$0x3F9F]  }
0x1a: {  	s8 =	sadd.s32 $0xFFFFE003, lr  }
0x1b: {  	s9 =	sadd.s32 $0xFFFFFEF7, lr;
	s5 =	simm.s32 $0xFFFFFFFF;
	p2 =	slt.u32 s8, $0xFFFFF086  }
0x1c: {  	p1 =	slt.u32 s9, $0xF7A;
	s5 =	simm.s32 @!p2 $0x0  }
0x1d: {  	s5 =	simm.s32 @p1 $0x1;
	p0 =	seq.s32 s7, s2  }
0x1e: {  	s7 =	smul.u32 @!p0 $0xF7A, s2;
	p2 =	seq.s32 @!p0 s5, $0x0  }
0x1f: {  	s9 =	smul.u32 $0xF7A, s1;
	s8 =	simm.s32 @!p0 $0x1BF5;
	p2 =	por !p2, p0  }
0x20: {  	[sflag:s8] =	ssyncset.s32 @!p0 $0xFFFFF086;
	s6 =	sadd.s32 @!p0 s3, s7;
	s7 =	simm.s32 @!p0 $0x108  }
0x21: {  	s3 =	sadd.s32 s3, s9;
	s6 =	sadd.s32 @!p0 $0x88, s6;
	s7 =	simm.s32 @p2 $0x1082  }
0x22: {  	[simem:s7], [sflag:s8] =	dma.local @!p0 [hbm:s6], $0xF7A  }
0x23: {  	s9 =	sor.u32 $0xD0000000, s2;
	s6 =	simm.s32 $0x108;
	_ =	swait.ge @!p0 [sflag:s8], $0x0  }
0x24: {  	s3 =	sadd.s32 $0x88, s3;
	s6 =	simm.s32 @!p1 $0x1082;
	[sflag:s4] =	ssyncset.s32 $0xFFFFF086  }
0x25: {  	[simem:s6], [sflag:s4] =	dma.local [hbm:s3], $0xF7A  }
0x26: {  	[smem:$0x3F9F] =	sst s1;
	(tag) =	ssettag s2;
	_ =	strace s9  }
0x27: {  	s1 =	sld [smem:$0x3FAF]  }
0x28: {  	s2 =	sld [smem:$0x3FB0]  }
0x29: {  	s4 =	sld [smem:$0x3FB2]  }
0x2a: {  	p0 =	seq.s32 s5, $0x0;
	s5 =	sld [smem:$0x3FB3]  }
0x2b: {  	s6 =	sld [smem:$0x3FB4]  }
0x2c: {  	s7 =	sld [smem:$0x3FB5]  }
0x2d: {  	s3 =	simm.s32 $0x108;
	s8 =	sld [smem:$0x3FB6]  }
0x2e: {  	s3 =	simm.s32 @!p0 $0x1082;
	s9 =	sld [smem:$0x3FB7]  }
0x2f: {  	lr =	sadd.s32 s0, s3;
	s0 =	sld [smem:$0x3FAE]  }
0x30: {  	s3 =	sld [smem:$0x3FB1]  }
0x31: {  	[smem:$0x3FBA] =	sst s10  }
0x32: {  	s10 =	sld [smem:$0x3FB8];
	_ =	sdelay $0x3  }
0x33: {  	p0 =	seq.s32 s10, $0x1;
	s10 =	sld [smem:$0x3FBA];
	_ =	sdelay $0x3  }
0x34: {  	[smem:$0x3FBA] =	sst s10  }
0x35: {  	s10 =	sld [smem:$0x3FB9];
	_ =	sdelay $0x3  }
0x36: {  	p1 =	seq.s32 s10, $0x1;
	s10 =	sld [smem:$0x3FBA];
	_ =	sdelay $0x3  }
0x37: {  	[smem:$0x3FBA] =	sst s10  }
0x38: {  	s10 =	sld [smem:$0x3FBB]  }
0x39: {  	_ = 	snop;
	(pc) =	sbr.ind lr, $3  }
0x3a: {  	_ = 	snop  }
0x3b: {  	_ = 	snop  }
0x3c: {  	p2 =	seq.s32 s10, $0x1;
	s10 =	sld [smem:$0x3FBA]  }
0x3d: {  	_ =	shalt  }
0x3e: {  	_ =	shalt  }
0x3f: {  	_ =	shalt  }
0x40: {  	_ =	shalt  }
0x41: {  	_ =	shalt  }
0x42: {  	_ =	shalt  }
0x43: {  	_ =	shalt  }
0x44: {  	_ =	shalt  }
0x45: {  	_ =	shalt  }
0x46: {  	_ =	shalt  }
0x47: {  	_ =	shalt  }
0x48: {  	_ =	shalt  }
0x49: {  	_ =	shalt  }
0x4a: {  	_ =	shalt  }
0x4b: {  	_ =	shalt  }
0x4c: {  	_ =	shalt  }
0x4d: {  	_ =	shalt  }
0x4e: {  	_ =	shalt  }
0x4f: {  	_ =	shalt  }
0x50: {  	_ =	shalt  }
0x51: {  	_ =	shalt  }
0x52: {  	_ =	shalt  }
0x53: {  	_ =	shalt  }
0x54: {  	_ =	shalt  }
0x55: {  	_ =	shalt  }
0x56: {  	_ =	shalt  }
0x57: {  	_ =	shalt  }
0x58: {  	_ =	shalt  }
0x59: {  	_ =	shalt  }
0x5a: {  	_ =	shalt  }
0x5b: {  	_ =	shalt  }
0x5c: {  	_ =	shalt  }
0x5d: {  	_ =	shalt  }
0x5e: {  	_ =	shalt  }
0x5f: {  	_ =	shalt  }
0x60: {  	_ =	shalt  }
0x61: {  	_ =	shalt  }
0x62: {  	_ =	shalt  }
0x63: {  	_ =	shalt  }
0x64: {  	_ =	shalt  }
0x65: {  	_ =	shalt  }
0x66: {  	_ =	shalt  }
0x67: {  	_ =	shalt  }
0x68: {  	_ =	shalt  }
0x69: {  	_ =	shalt  }
0x6a: {  	_ =	shalt  }
0x6b: {  	_ =	shalt  }
0x6c: {  	_ =	shalt  }
0x6d: {  	_ =	shalt  }
0x6e: {  	_ =	shalt  }
0x6f: {  	_ =	shalt  }
0x70: {  	_ =	shalt  }
0x71: {  	_ =	shalt  }
0x72: {  	_ =	shalt  }
0x73: {  	_ =	shalt  }
0x74: {  	_ =	shalt  }
0x75: {  	_ =	shalt  }
0x76: {  	_ =	shalt  }
0x77: {  	_ =	shalt  }
0x78: {  	_ =	shalt  }
0x79: {  	_ =	shalt  }
0x7a: {  	_ =	shalt  }
0x7b: {  	_ =	shalt  }
0x7c: {  	_ =	shalt  }
0x7d: {  	_ =	shalt  }
0x7e: {  	_ =	shalt  }
0x7f: {  	_ =	shalt  }
0x80: {  	_ =	shalt  }
0x81: {  	_ =	shalt  }
0x82: {  	_ =	shalt  }
0x83: {  	_ =	shalt  }
0x84: {  	_ =	shalt  }
0x85: {  	_ =	shalt  }
0x86: {  	_ =	shalt  }
0x87: {  	_ =	shalt  }
.Lfunc_end0:
.L_simem_size_0:
called_computation_lowered:
.L_overlay_start_0:
0x88: {  	s2 =	sld [smem:$0x3FD9]  }
0x89: {  	s3 =	sld [smem:$0x3FFE];
	_ =	sdelay $0x1  }
0x8a: {  	s1 =	srdreg.scid  }
0x8b: {  	s0 =	sand.u32 $0x1, s1  }
0x8c: {  	s17 =	sshll.u32 s0, $0xA;
	s2 =	sadd.s32 s3, s2  }
0x8d: {  	s2 =	sadd.s32 s2, s17  }
0x8e: {  	[smem:$0x3FC6] =	sst s2  }
0x8f: {  	_ = 	snop  }
0x90: {  	s2 =	sld [smem:$0x3FC8]  }
0x91: {  	s18 =	sld [smem:$0x3FD0];
	(tm) =	ssettm $0x1  }
0x92: {  	s4 =	sld [smem:$0x3FFB];
	_ =	sdelay $0x3  }
0x93: {  	_ =	strace s4  }
0x94: {  	s4 =	sld [smem:$0x3FFC];
	_ =	sdelay $0x3  }
0x95: {  	_ =	strace s4  }
0x96: {  	s4 =	sld [smem:$0x3FFD];
	_ =	sdelay $0x3  }
0x97: {  	_ =	strace s4  }
0x98: {  	_ =	strace $0x8FFFFFFF  }
0x99: {  	s19 =	sld [smem:$0x3FDB];
	_ =	sdelay $0x1  }
0x9a: {  	s5 =	simm.s32 $_scs_section_size  }
0x9b: {  	s6 =	simm.s32 $_size__tile_overlayer_lowered;
	s7 =	simm.s32 $_tile_overlayer_lowered  }
0x9c: {  	s22 =	simm.s32 $0x1BFF;
	s21 =	sshll.u32 s7, $0x1;
	s4 =	sadd.s32 s5, s19  }
0x9d: {  	s8 =	simm.s32 $0x0;
	s20 =	sshll.u32 s6, $0x1;
	s6 =	sadd.s32 s21, s4  }
0x9e: {  	[timem:s8], [sflag:s22] =	dma.local [hbm:s6], s20  }
0x9f: {  	_ =	swait.ge [sflag:s22], s20  }
0xa0: {  	s5 =	ssub.s32 $0x0, s20;
	[sflag:s22] =	ssyncset.done $0x0  }
0xa1: {  	[sflag:s22] =	ssyncadd.s32 s5;
	_ =	sdelay $0x1  }
0xa2: {  	s23 =	simm.s32 $0x1B8B  }
0xa3: {  	_ =	swait.ge [sflag:s23], $0x1  }
0xa4: {  	[sflag:s23] =	ssyncset.done $0x0  }
0xa5: {  	s25 =	simm.s32 $0x1B8E;
	s24 =	sld [smem:$0x3FFE];
	[sflag:s23] =	ssyncadd.s32 $0xFFFFFFFF  }
0xa6: {  	s26 =	simm.s32 $execute0_lowered;
	[smem:$0x3FD2] =	sst s25  }
0xa7: {  	s6 =	sshll.u32 s26, $0x1;
	_ =	strace $0x80000046;
	[dreg:$0x1] =	wrdreg $0xFFFFFFFF  }
0xa8: {  	s28 =	simm.s32 $_size_execute0_lowered;
	s4 =	sadd.s32 s4, s6;
	[dreg:$0x0] =	wrdreg $0x0  }
0xa9: {  	s6 =	sshll.u32 s28, $0x1;
	[dreg:$0x2] =	wrdreg s4  }
0xaa: {  	[dreg:$0x3] =	wrdreg s6  }
0xab: {  	[dreg:$0x4] =	wrdreg $0xC0  }
0xac: {  	_ =	task [dreg:s8], $0x5FFFF  }
0xad: {  	[dreg:$0x1] =	wrdreg $0xFFFFFFFF  }
0xae: {  	[dreg:$0x0] =	wrdreg $0x60  }
0xaf: {  	[dreg:$0x2] =	wrdreg s2  }
0xb0: {  	[dreg:$0x3] =	wrdreg s18  }
0xb1: {  	[dreg:$0x4] =	wrdreg s24  }
0xb2: {  	[dreg:$0x5] =	wrdreg $0x9  }
0xb3: {  	_ =	task.clear_ibuf [dreg:s8], $0x6FFFF;
	_ =	strace $0x90000046  }
0xb4: {  	s29 =	simm.s32 $0x9;
	_ =	strace $0x80000048  }
0xb5: {  	_ =	swait.ge [sflag:s29], $0x1  }
0xb6: {  	[sflag:s29] =	ssyncadd.s32 $0xFFFFFFFF  }
0xb7: {  	_ =	strace $0x90000048  }
0xb8: {  	_ =	sfence  }
0xb9: {  	s30 =	sld [smem:$0x0];
	_ =	sdelay $0x2  }
0xba: {  	s31 =	sshll.u32 s1, $0xD;
	s1 =	sshrl.u32 s1, $0x2  }
0xbb: {  	s3 =	sand.u32 $0x4000, s31;
	s1 =	sadd.s32 s1, s30  }
0xbc: {  	s0 =	sor.u32 s3, s0;
	s1 =	sshll.u32 s1, $0x11  }
0xbd: {  	s0 =	sor.u32 s1, s0  }
0xbe: {  	s0 =	sadd.s32 $0x8F2B, s0  }
0xbf: {  	[sflag:s0] =	ssyncadd.remote.s32 $0x1  }
0xc0: {  	_ =	sfence.sel $0xFFFF  }
0xc1: {  	[dreg:$0x0] =	wrdreg $0xFFFFFFFF;
	(pc) =	sbr.abs _section_cstart, $3  }
0xc2: {  	[dreg:$0x1] =	wrdreg $0xFFFFFFFF  }
0xc3: {  	_ =	task.clear_ibuf [dreg:s8], $0x2FFFF;
	_ =	strace $0x9FFFFFFF  }
0xc4: {  	(tm) =	ssettm $0x7FFFFFFF  }
0xc5: {  	_ =	shalt  }
tec
execute0_lowered:
.L_overlay_start_1:
0x0: {  	(tag) =	ssettag $0x1  }
0x1: {  	s7 =	rddreg [dreg:$0x0]  }
0x2: {  	s1 =	rddreg [dreg:$0x1]  }
0x3: {  	s8 =	rddreg [dreg:$0x2]  }
0x4: {  	s0 =	rddreg [dreg:$0x3];
	s4 =	srdreg.scid;
	s3 =	simm.s32 $0x0  }
0x5: {  	s2 =	stileid.u32;
	s10 =	simm.s32 $0x400;
	s11 =	simm.s32 $0x7A1400  }
0x6: {  	s12 =	simm.s32 $0x2;
	s13 =	simm.s32 $0x2000;
	s14 =	simm.s32 $0x6000  }
0x7: {  	s15 =	simm.s32 $0x1;
	s16 =	simm.s32 $0x4000;
	s17 =	simm.s32 $0x3  }
0x8: {  	v0 =	vlaneseq.u32;
	s18 =	simm.s32 $0x4;
	s19 =	simm.s32 $0x0;
	s4 =	sand.u32 $0x1, s4  }
.Ltmp0:
0x9: {  	[smem:$0x7FF] =	sst s3;
	s5 =	sshll.u32 s2, $0x1;
	v1 =	vmul.u32 $0x80, v0;
	v3 =	vor.u32 $0x10, v0;
	v5 =	vor.u32 $0x20, v0;
	(pc) =	sbr.rel .LBB2_1-.Ltmp0, $4  }
0xa: {  	v7 =	vor.u32 $0x30, v0;
	v9 =	vor.u32 $0x40, v0;
	v11 =	vor.u32 $0x50, v0;
	s6 =	ssub.s32 $0x2, s4;
	_ =	strace $0x80000047;
	s4 =	sor.u32 s4, s5  }
0xb: {  	v13 =	vor.u32 $0x60, v0;
	v15 =	vor.u32 $0x70, v0;
	s5 =	sadd.s32 $0xA00, s8;
	s8 =	sadd.s32 $0x7A1A00, s8;
	s9 =	sshrl.u32 s6, $0x1;
	v2 =	vor.u32 $0x800, v1  }
0xc: {  	s31 =	sshll.u32 s4, $0x7;
	v4 =	vor.u32 $0x1000, v1;
	v6 =	vor.u32 $0x1800, v1;
	v8 =	vor.u32 $0x1, v1;
	p0 =	sne.s32 s4, $0x0;
	s9 =	ssub.s32 s6, s9  }
0xd: {  	v10 =	vor.u32 $0x801, v1;
	v12 =	vor.u32 $0x1001, v1;
	v14 =	vor.u32 $0x1801, v1;
	s6 =	sadd.s32 s7, s31;
	s7 =	sadd.s32 $0x1000, s7;
	s9 =	smax.u32 s9, $0x1  }
.LBB2_11:
0xe: {  	_ =	swait.ge [sflag:s17], $0x2000  }
0xf: {  	[sflag:s17] =	ssyncset.done $0x0  }
0x10: {  	[sflag:s17] =	ssyncadd.s32 $0xFFFFE000  }
0x11: {  	_ =	swait.ge [sflag:s18], $0x2000  }
0x12: {  	s20 =	simm.s32 @!p0 $0x0;
	[sflag:s18] =	ssyncset.done $0x0  }
0x13: {  	s21 =	simm.s32 @!p0 $0x4000;
	s22 =	simm.s32 @!p0 $0x5;
	[sflag:s18] =	ssyncadd.s32 $0xFFFFE000  }
0x14: {  	[tilespmem:s21], [sflag:$0x5] =	stream.linear.gather @!p0 [hbm4b:s1+s20], $0x1000, $0x38;
	[tilespmem:$0x8000] =	vst v63  }
0x15: {  	s19 =	sadd.s32 $0x1, s19;
	_ =	swait.ge @!p0 [sflag:s22], $0x1000  }
0x16: {  	p1 =	sne.s32 s19, s9;
	[sflag:s22] =	ssyncset.done @!p0 $0x0  }
.Ltmp1:
0x17: {  	[sflag:s22] =	ssyncadd.s32 @!p0 $0xFFFFF000;
	(pc) =	sbr.rel @!p1 .LBB2_12-.Ltmp1, $4  }
0x18: {  	[hbm4b:s8+s20] =	stream.linear.scatter @!p0 [tilespmem:s21], [sflag:$0x5], $0x1000, $0x38;
	[tilespmem:$0x8000] =	vst v63  }
0x19: {  	_ =	swait.ge @!p0 [sflag:s22], $0x1000  }
0x1a: {  	[sflag:s22] =	ssyncset.done @!p0 $0x0  }
0x1b: {  	[sflag:s22] =	ssyncadd.s32 @!p0 $0xFFFFF000  }
.LBB2_1:
.Ltmp2:
0x1c: {  	(pc) =	sbr.rel .LBB2_2-.Ltmp2, $3  }
0x1d: {  	_ =	sdelay $0x1  }
0x1e: {  	[tilespmem:s3], [sflag:$0x1] =	stream.strided.gather [hbm4b:s6+s10], $0x2000, s11, s10, $0x38;
	[tilespmem:$0x8000] =	vst v63  }
0x1f: {  	s20 =	simm.s32 $0x0  }
.LBB2_10:
0x20: {  	s20 =	sadd.s32 $0x1, s20  }
0x21: {  	p1 =	sne.s32 s20, $0xF5  }
.Ltmp3:
0x22: {  	_ = 	snop;
	(pc) =	sbr.rel @!p1 .LBB2_11-.Ltmp3, $1  }
0x23: {  	_ =	sdelay $0x3  }
.LBB2_2:
0x24: {  	s21 =	sshll.u32 s20, $0x5  }
0x25: {  	s21 =	sor.u32 s4, s21  }
0x26: {  	p1 =	sgt.u32 s21, $0x1E83  }
.Ltmp4:
0x27: {  	_ = 	snop;
	(pc) =	sbr.rel @p1 .LBB2_10-.Ltmp4, $1  }
0x28: {  	_ =	sdelay $0x3  }
0x29: {  	s22 =	sand.u32 $0x1, s20  }
0x2a: {  	p1 =	seq.s32 s22, $0x1  }
.Ltmp5:
0x2b: {  	_ = 	snop;
	(pc) =	sbr.rel @p1 .LBB2_7-.Ltmp5, $1  }
0x2c: {  	_ =	sdelay $0x3  }
0x2d: {  	p1 =	sgt.u32 s21, $0x1E63;
	s29 =	simm.s32 $0x2  }
0x2e: {  	s31 =	simm.s32 $0x3;
	s23 =	sshll.u32 @!p1 s21, $0x7;
	s24 =	simm.s32 @!p1 $0x400  }
0x2f: {  	s25 =	simm.s32 @!p1 $0x7A1400;
	s26 =	simm.s32 @!p1 $0x2000;
	s23 =	sadd.s32 @!p1 s23, s7  }
0x30: {  	v16 =	vadd.s32 s29, v0;
	[tilespmem:s26], [sflag:$0x2] =	stream.strided.gather @!p1 [hbm4b:s23+s24], $0x2000, s25, s24, $0x38;
	[tilespmem:$0x8000] =	vst v63  }
0x31: {  	v18 =	vadd.s32 s31, v0;
	v19 =	vand.u32 $0x3F, v16;
	s26 =	simm.s32 $0x1  }
0x32: {  	v18 =	vand.u32 $0x3F, v18;
	v34 =	vshll.u32 v19, $0x1;
	_ =	swait.ge [sflag:s15], $0x2000;
	v16 =	vadd.s32 s26, v0  }
0x33: {  	s30 =	simm.s32 $0x0;
	p1 =	slt.u32 s20, $0x2;
	v21 =	vor.u32 v1, v34;
	[sflag:s15] =	ssyncset.done $0x0;
	v20 =	vand.u32 $0x3F, v16;
	v16 =	vshll.u32 v18, $0x1  }
0x34: {  	v17 =	vadd.s32 s30, v0;
	s23 =	simm.s32 @!p1 $0x3;
	[sflag:s15] =	ssyncadd.s32 $0xFFFFE000;
	v32 =	vshll.u32 v20, $0x1;
	v22 =	vor.u32 v1, v16  }
0x35: {  	v17 =	vand.u32 $0x3F, v17;
	_ =	swait.ge @!p1 [sflag:s23], $0x2000;
	v23 =	vor.u32 v1, v32  }
0x36: {  	v31 =	vshll.u32 v17, $0x1;
	[sflag:s23] =	ssyncset.done @!p1 $0x0  }
0x37: {  	v25 =	vshll.u32 v19, $0x7;
	v24 =	vor.u32 v1, v31;
	[sflag:s23] =	ssyncadd.s32 @!p1 $0xFFFFE000  }
0x38: {  	v36 =	vshll.u32 v18, $0x7;
	v19 =	vor.u32 v0, v25;
	v18 =	vld.idx.msk [tilespmem:v21+s3+$0x0], $0xffff  }
0x39: {  	v35 =	vshll.u32 v20, $0x7;
	v20 =	vor.u32 v0, v36;
	v21 =	vor.u32 v2, v34;
	v22 =	vld.idx.msk [tilespmem:v22+s3+$0x0], $0xffff  }
0x3a: {  	v33 =	vshll.u32 v17, $0x7;
	v17 =	vor.u32 v0, v35;
	v23 =	vld.idx.msk [tilespmem:v23+s3+$0x0], $0xffff  }
0x3b: {  	v26 =	vor.u32 v2, v16  }
0x3c: {  	v27 =	vor.u32 v0, v33;
	v28 =	vor.u32 v2, v32;
	v24 =	vld.idx.msk [tilespmem:v24+s3+$0x0], $0xffff  }
0x3d: {  	v29 =	vor.u32 v2, v31;
	[tilespmem:v19+s16+$0x0] =	vst.idx.msk $0xffff, v18  }
0x3e: {  	v19 =	vor.u32 v3, v25;
	v18 =	vld.idx.msk [tilespmem:v21+s3+$0x0], $0xffff;
	[tilespmem:v20+s16+$0x0] =	vst.idx.msk $0xffff, v22  }
0x3f: {  	[tilespmem:v17+s16+$0x0] =	vst.idx.msk $0xffff, v23;
	v17 =	vor.u32 v4, v34  }
0x40: {  	v21 =	vor.u32 v3, v36;
	v20 =	vld.idx.msk [tilespmem:v26+s3+$0x0], $0xffff  }
0x41: {  	[tilespmem:v27+s16+$0x0] =	vst.idx.msk $0xffff, v24;
	v24 =	vor.u32 v4, v16;
	v23 =	vor.u32 v3, v35;
	v22 =	vld.idx.msk [tilespmem:v28+s3+$0x0], $0xffff  }
0x42: {  	v27 =	vor.u32 v3, v33;
	v26 =	vld.idx.msk [tilespmem:v29+s3+$0x0], $0xffff;
	v28 =	vor.u32 v4, v32  }
0x43: {  	v29 =	vor.u32 v4, v31;
	[tilespmem:v19+s16+$0x0] =	vst.idx.msk $0xffff, v18  }
0x44: {  	v30 =	vor.u32 v8, v31;
	v37 =	vor.u32 v7, v33;
	v18 =	vor.u32 v5, v25;
	v17 =	vld.idx.msk [tilespmem:v17+s3+$0x0], $0xffff  }
0x45: {  	v39 =	vor.u32 v9, v25;
	v19 =	vor.u32 v6, v34;
	[tilespmem:v21+s16+$0x0] =	vst.idx.msk $0xffff, v20  }
0x46: {  	v41 =	vor.u32 v7, v36;
	v21 =	vor.u32 v5, v36;
	[tilespmem:v23+s16+$0x0] =	vst.idx.msk $0xffff, v22;
	v20 =	vld.idx.msk [tilespmem:v24+s3+$0x0], $0xffff  }
0x47: {  	[tilespmem:v27+s16+$0x0] =	vst.idx.msk $0xffff, v26;
	v22 =	vor.u32 v6, v16;
	v24 =	vor.u32 v5, v35;
	v23 =	vld.idx.msk [tilespmem:v28+s3+$0x0], $0xffff  }
0x48: {  	v61 =	vor.u32 v9, v36;
	v58 =	vor.u32 v9, v33;
	v27 =	vor.u32 v5, v33;
	v28 =	vld.idx.msk [tilespmem:v29+s3+$0x0], $0xffff  }
0x49: {  	v49 =	vor.u32 v10, v34;
	v29 =	vor.u32 v6, v32;
	[tilespmem:v18+s16+$0x0] =	vst.idx.msk $0xffff, v17  }
0x4a: {  	s28 =	simm.s32 $0x6;
	v54 =	vor.u32 v11, v36;
	v55 =	vor.u32 v12, v31;
	v17 =	vor.u32 v6, v31;
	v18 =	vld.idx.msk [tilespmem:v19+s3+$0x0], $0xffff  }
0x4b: {  	s29 =	simm.s32 $0x5;
	v19 =	vor.u32 v7, v25;
	[tilespmem:v21+s16+$0x0] =	vst.idx.msk $0xffff, v20;
	v20 =	vor.u32 v8, v34;
	v21 =	vadd.s32 s28, v0  }
0x4c: {  	s30 =	simm.s32 $0x4;
	v40 =	vld.idx.msk [tilespmem:v22+s3+$0x0], $0xffff;
	[tilespmem:v24+s16+$0x0] =	vst.idx.msk $0xffff, v23;
	v24 =	vor.u32 v8, v16;
	v22 =	vadd.s32 s29, v0;
	v42 =	vand.u32 $0x3F, v21  }
0x4d: {  	v21 =	vadd.s32 s30, v0;
	[tilespmem:v27+s16+$0x0] =	vst.idx.msk $0xffff, v28;
	v27 =	vand.u32 $0x3F, v22;
	v22 =	vshll.u32 v42, $0x1  }
0x4e: {  	v38 =	vor.u32 v7, v35;
	v28 =	vld.idx.msk [tilespmem:v29+s3+$0x0], $0xffff;
	v43 =	vand.u32 $0x3F, v21;
	v45 =	vor.u32 v1, v22  }
0x4f: {  	s31 =	simm.s32 $0x7;
	v50 =	vor.u32 v9, v35;
	v26 =	vor.u32 v8, v32;
	v21 =	vshll.u32 v43, $0x1  }
0x50: {  	v23 =	vshll.u32 v27, $0x1;
	v44 =	vld.idx.msk [tilespmem:v17+s3+$0x0], $0xffff;
	v17 =	vadd.s32 s31, v0;
	v48 =	vor.u32 v1, v21;
	[tilespmem:v19+s16+$0x0] =	vst.idx.msk $0xffff, v18  }
0x51: {  	v46 =	vor.u32 v1, v23;
	v17 =	vand.u32 $0x3F, v17;
	v47 =	vld.idx.msk [tilespmem:v20+s3+$0x0], $0xffff;
	[tilespmem:v41+s16+$0x0] =	vst.idx.msk $0xffff, v40  }
0x52: {  	v19 =	vshll.u32 v27, $0x7;
	v20 =	vshll.u32 v17, $0x1;
	v27 =	vld.idx.msk [tilespmem:v24+s3+$0x0], $0xffff;
	v24 =	vshll.u32 v42, $0x7  }
0x53: {  	v62 =	vor.u32 v1, v20;
	[tilespmem:v38+s16+$0x0] =	vst.idx.msk $0xffff, v28;
	v63 =	vld.idx.msk [tilespmem:v45+s3+$0x0], $0xffff;
	v42 =	vor.u32 v0, v24  }
0x54: {  	v18 =	vshll.u32 v17, $0x7;
	v17 =	vshll.u32 v43, $0x7;
	v28 =	vor.u32 v10, v16;
	v59 =	vld.idx.msk [tilespmem:v26+s3+$0x0], $0xffff  }
0x55: {  	v56 =	vor.u32 v12, v34;
	v52 =	vor.u32 v0, v17;
	[tilespmem:v37+s16+$0x0] =	vst.idx.msk $0xffff, v44;
	v48 =	vld.idx.msk [tilespmem:v48+s3+$0x0], $0xffff  }
0x56: {  	v51 =	vor.u32 v0, v19;
	v38 =	vor.u32 v10, v32;
	v46 =	vld.idx.msk [tilespmem:v46+s3+$0x0], $0xffff;
	[tilespmem:v39+s16+$0x0] =	vst.idx.msk $0xffff, v47  }
0x57: {  	v29 =	vor.u32 v6, v22;
	v60 =	vor.u32 v2, v22;
	v57 =	vld.idx.msk [tilespmem:v30+s3+$0x0], $0xffff;
	[tilespmem:v61+s16+$0x0] =	vst.idx.msk $0xffff, v27  }
0x58: {  	v37 =	vor.u32 v10, v31;
	v44 =	vor.u32 v0, v18;
	v41 =	vld.idx.msk [tilespmem:v62+s3+$0x0], $0xffff;
	[tilespmem:v42+s16+$0x0] =	vst.idx.msk $0xffff, v63  }
0x59: {  	v43 =	vor.u32 v3, v17;
	v62 =	vor.u32 v2, v20;
	v53 =	vld.idx.msk [tilespmem:v28+s3+$0x0], $0xffff;
	[tilespmem:v50+s16+$0x0] =	vst.idx.msk $0xffff, v59  }
0x5a: {  	v26 =	vor.u32 v15, v33;
	v45 =	vld.idx.msk [tilespmem:v49+s3+$0x0], $0xffff;
	v63 =	vor.u32 v2, v23;
	[tilespmem:v52+s16+$0x0] =	vst.idx.msk $0xffff, v48  }
0x5b: {  	v47 =	vor.u32 v11, v25;
	v61 =	vor.u32 v12, v16;
	v38 =	vld.idx.msk [tilespmem:v38+s3+$0x0], $0xffff;
	[tilespmem:v51+s16+$0x0] =	vst.idx.msk $0xffff, v46  }
0x5c: {  	v39 =	vor.u32 v11, v35;
	v48 =	vor.u32 v2, v21;
	v52 =	vld.idx.msk [tilespmem:v60+s3+$0x0], $0xffff;
	[tilespmem:v58+s16+$0x0] =	vst.idx.msk $0xffff, v57  }
0x5d: {  	v31 =	vor.u32 v14, v31;
	v50 =	vor.u32 v11, v33;
	v37 =	vld.idx.msk [tilespmem:v37+s3+$0x0], $0xffff;
	[tilespmem:v44+s16+$0x0] =	vst.idx.msk $0xffff, v41  }
0x5e: {  	v60 =	vor.u32 v12, v32;
	[tilespmem:v54+s16+$0x0] =	vst.idx.msk $0xffff, v53;
	v53 =	vor.u32 v3, v24;
	v62 =	vld.idx.msk [tilespmem:v62+s3+$0x0], $0xffff  }
0x5f: {  	v30 =	vor.u32 v14, v34;
	v34 =	vor.u32 v13, v35;
	v41 =	vld.idx.msk [tilespmem:v63+s3+$0x0], $0xffff;
	v63 =	vor.u32 v3, v18  }
0x60: {  	v58 =	vor.u32 v13, v36;
	[tilespmem:v47+s16+$0x0] =	vst.idx.msk $0xffff, v45;
	v57 =	vld.idx.msk [tilespmem:v61+s3+$0x0], $0xffff;
	v61 =	vor.u32 v4, v22  }
0x61: {  	v46 =	vor.u32 v3, v19;
	v45 =	vor.u32 v4, v20;
	v40 =	vld.idx.msk [tilespmem:v48+s3+$0x0], $0xffff;
	[tilespmem:v39+s16+$0x0] =	vst.idx.msk $0xffff, v38  }
0x62: {  	v27 =	vor.u32 v15, v36;
	v47 =	vor.u32 v4, v23;
	v38 =	vld.idx.msk [tilespmem:v56+s3+$0x0], $0xffff;
	[tilespmem:v50+s16+$0x0] =	vst.idx.msk $0xffff, v37  }
0x63: {  	v44 =	vor.u32 v4, v21;
	v39 =	vor.u32 v13, v25;
	v36 =	vld.idx.msk [tilespmem:v60+s3+$0x0], $0xffff;
	[tilespmem:v53+s16+$0x0] =	vst.idx.msk $0xffff, v52  }
0x64: {  	v28 =	vor.u32 v15, v35;
	v33 =	vor.u32 v13, v33;
	v37 =	vld.idx.msk [tilespmem:v55+s3+$0x0], $0xffff;
	[tilespmem:v63+s16+$0x0] =	vst.idx.msk $0xffff, v62  }
0x65: {  	s23 =	simm.s32 $0x8;
	v35 =	vor.u32 v14, v32;
	v48 =	vor.u32 v5, v24;
	v42 =	vld.idx.msk [tilespmem:v61+s3+$0x0], $0xffff;
	[tilespmem:v58+s16+$0x0] =	vst.idx.msk $0xffff, v57  }
.LBB2_5:
0x66: {  	p1 =	slt.u32 s23, $0x3C;
	[tilespmem:v46+s16+$0x0] =	vst.idx.msk $0xffff, v41;
	v32 =	vld.idx.msk [tilespmem:v45+s3+$0x0], $0xffff;
	v25 =	vor.u32 v15, v25;
	v16 =	vor.u32 v14, v16;
	s24 =	smov.u32 s23;
	s23 =	sadd.s32 $0x4, s23  }
0x67: {  	v41 =	vor.u32 v8, v23;
	[tilespmem:v43+s16+$0x0] =	vst.idx.msk $0xffff, v40;
	v40 =	vld.idx.msk [tilespmem:v47+s3+$0x0], $0xffff;
	v43 =	vor.u32 v5, v18  }
0x68: {  	v45 =	vor.u32 v5, v19;
	v46 =	vor.u32 v6, v20;
	v44 =	vld.idx.msk [tilespmem:v44+s3+$0x0], $0xffff;
	[tilespmem:v39+s16+$0x0] =	vst.idx.msk $0xffff, v38  }
0x69: {  	v38 =	vor.u32 v5, v17;
	v39 =	vor.u32 v8, v21;
	[tilespmem:v34+s16+$0x0] =	vst.idx.msk $0xffff, v36;
	v30 =	vld.idx.msk [tilespmem:v30+s3+$0x0], $0xffff  }
0x6a: {  	v34 =	vor.u32 v7, v17;
	v36 =	vor.u32 v7, v19;
	[tilespmem:v48+s16+$0x0] =	vst.idx.msk $0xffff, v42;
	v35 =	vld.idx.msk [tilespmem:v35+s3+$0x0], $0xffff  }
0x6b: {  	v47 =	vor.u32 v9, v24;
	v42 =	vor.u32 v6, v23;
	v29 =	vld.idx.msk [tilespmem:v29+s3+$0x0], $0xffff;
	[tilespmem:v33+s16+$0x0] =	vst.idx.msk $0xffff, v37  }
0x6c: {  	v33 =	vor.u32 v6, v21;
	v37 =	vor.u32 v7, v24;
	[tilespmem:v43+s16+$0x0] =	vst.idx.msk $0xffff, v32;
	v43 =	vld.idx.msk [tilespmem:v31+s3+$0x0], $0xffff  }
0x6d: {  	[tilespmem:v45+s16+$0x0] =	vst.idx.msk $0xffff, v40;
	v40 =	vor.u32 v8, v22;
	v45 =	vld.idx.msk [tilespmem:v46+s3+$0x0], $0xffff;
	v46 =	vor.u32 v8, v20  }
0x6e: {  	s25 =	sadd.s32 $0x1, s24;
	s26 =	sadd.s32 $0x2, s24;
	v48 =	vadd.s32 s24, v0;
	s24 =	sadd.s32 $0x3, s24;
	v31 =	vmov v23;
	[tilespmem:v38+s16+$0x0] =	vst.idx.msk $0xffff, v44;
	v38 =	vor.u32 v7, v18;
	v44 =	vld.idx.msk [tilespmem:v16+s3+$0x0], $0xffff  }
0x6f: {  	v50 =	vmovc v22;
	v49 =	vadd.s32 s24, v0;
	v23 =	vadd.s32 s26, v0;
	v32 =	vmovc v21;
	v16 =	vadd.s32 s25, v0;
	[tilespmem:v25+s16+$0x0] =	vst.idx.msk $0xffff, v30  }
0x70: {  	v16 =	vand.u32 $0x3F, v16;
	v30 =	vand.u32 $0x3F, v23;
	v25 =	vand.u32 $0x3F, v49;
	v42 =	vld.idx.msk [tilespmem:v42+s3+$0x0], $0xffff;
	[tilespmem:v28+s16+$0x0] =	vst.idx.msk $0xffff, v35;
	v35 =	vmovc v19  }
0x71: {  	v28 =	vand.u32 $0x3F, v48;
	v23 =	vshll.u32 v16, $0x1;
	v22 =	vshll.u32 v30, $0x1;
	v33 =	vld.idx.msk [tilespmem:v33+s3+$0x0], $0xffff;
	[tilespmem:v37+s16+$0x0] =	vst.idx.msk $0xffff, v29;
	v37 =	vmovc v18  }
0x72: {  	v51 =	vmovc v17;
	v21 =	vshll.u32 v28, $0x1;
	v48 =	vor.u32 v1, v23;
	v49 =	vor.u32 v1, v22;
	v40 =	vld.idx.msk [tilespmem:v40+s3+$0x0], $0xffff  }
0x73: {  	v19 =	vshll.u32 v16, $0x7;
	v18 =	vshll.u32 v25, $0x7;
	v52 =	vor.u32 v1, v21;
	v16 =	vmovc v20;
	[tilespmem:v38+s16+$0x0] =	vst.idx.msk $0xffff, v45  }
0x74: {  	v17 =	vshll.u32 v28, $0x7;
	v29 =	vor.u32 v6, v22;
	v20 =	vshll.u32 v25, $0x1;
	v28 =	vld.idx.msk [tilespmem:v46+s3+$0x0], $0xffff;
	[tilespmem:v27+s16+$0x0] =	vst.idx.msk $0xffff, v44  }
0x75: {  	v25 =	vmov v24;
	v38 =	vor.u32 v1, v20;
	v27 =	vor.u32 v9, v37;
	[tilespmem:v26+s16+$0x0] =	vst.idx.msk $0xffff, v43  }
0x76: {  	v26 =	vor.u32 v10, v16;
	[tilespmem:v36+s16+$0x0] =	vst.idx.msk $0xffff, v42;
	v36 =	vor.u32 v10, v31  }
0x77: {  	v24 =	vshll.u32 v30, $0x7;
	v42 =	vld.idx.msk [tilespmem:v49+s3+$0x0], $0xffff;
	[tilespmem:v34+s16+$0x0] =	vst.idx.msk $0xffff, v33;
	v33 =	vor.u32 v10, v32  }
0x78: {  	v30 =	vor.u32 v0, v24;
	v34 =	vor.u32 v0, v18;
	v39 =	vld.idx.msk [tilespmem:v39+s3+$0x0], $0xffff;
	[tilespmem:v47+s16+$0x0] =	vst.idx.msk $0xffff, v40  }
0x79: {  	v44 =	vor.u32 v10, v50;
	v43 =	vor.u32 v9, v35;
	v40 =	vor.u32 v9, v51;
	v41 =	vld.idx.msk [tilespmem:v41+s3+$0x0], $0xffff  }
0x7a: {  	v46 =	vor.u32 v0, v19;
	v47 =	vor.u32 v2, v22;
	v45 =	vld.idx.msk [tilespmem:v52+s3+$0x0], $0xffff;
	[tilespmem:v27+s16+$0x0] =	vst.idx.msk $0xffff, v28  }
0x7b: {  	v49 =	vor.u32 v0, v17;
	v27 =	vor.u32 v15, v37;
	v52 =	vld.idx.msk [tilespmem:v26+s3+$0x0], $0xffff  }
0x7c: {  	v53 =	vor.u32 v11, v37;
	v28 =	vor.u32 v15, v35;
	v26 =	vor.u32 v15, v51;
	v38 =	vld.idx.msk [tilespmem:v38+s3+$0x0], $0xffff  }
0x7d: {  	v48 =	vld.idx.msk [tilespmem:v48+s3+$0x0], $0xffff;
	[tilespmem:v30+s16+$0x0] =	vst.idx.msk $0xffff, v42;
	v30 =	vor.u32 v14, v50;
	v42 =	vor.u32 v12, v16  }
0x7e: {  	v54 =	vor.u32 v2, v20;
	[tilespmem:v40+s16+$0x0] =	vst.idx.msk $0xffff, v39;
	v39 =	vor.u32 v11, v35;
	v40 =	vld.idx.msk [tilespmem:v44+s3+$0x0], $0xffff  }
0x7f: {  	v44 =	vor.u32 v2, v23;
	v33 =	vld.idx.msk [tilespmem:v33+s3+$0x0], $0xffff;
	[tilespmem:v43+s16+$0x0] =	vst.idx.msk $0xffff, v41;
	v43 =	vor.u32 v11, v25  }
0x80: {  	[tilespmem:v49+s16+$0x0] =	vst.idx.msk $0xffff, v45;
	v45 =	vor.u32 v2, v21;
	v49 =	vor.u32 v11, v51;
	v36 =	vld.idx.msk [tilespmem:v36+s3+$0x0], $0xffff  }
0x81: {  	v56 =	vor.u32 v12, v32;
	v50 =	vor.u32 v12, v50;
	v55 =	vld.idx.msk [tilespmem:v47+s3+$0x0], $0xffff;
	[tilespmem:v53+s16+$0x0] =	vst.idx.msk $0xffff, v52  }
0x82: {  	v52 =	vor.u32 v3, v24;
	v53 =	vor.u32 v12, v31;
	[tilespmem:v34+s16+$0x0] =	vst.idx.msk $0xffff, v38;
	v57 =	vld.idx.msk [tilespmem:v42+s3+$0x0], $0xffff  }
0x83: {  	v37 =	vor.u32 v13, v37;
	v42 =	vor.u32 v4, v22;
	[tilespmem:v46+s16+$0x0] =	vst.idx.msk $0xffff, v48;
	v54 =	vld.idx.msk [tilespmem:v54+s3+$0x0], $0xffff  }
0x84: {  	v58 =	vor.u32 v3, v18;
	v34 =	vor.u32 v13, v35;
	v41 =	vld.idx.msk [tilespmem:v44+s3+$0x0], $0xffff;
	[tilespmem:v43+s16+$0x0] =	vst.idx.msk $0xffff, v40  }
.Ltmp6:
0x85: {  	v46 =	vor.u32 v3, v19;
	v40 =	vld.idx.msk [tilespmem:v45+s3+$0x0], $0xffff;
	v45 =	vor.u32 v4, v20;
	[tilespmem:v49+s16+$0x0] =	vst.idx.msk $0xffff, v33;
	(pc) =	sbr.rel @p1 .LBB2_5-.Ltmp6, $4  }
0x86: {  	v47 =	vor.u32 v4, v23;
	v43 =	vor.u32 v3, v17;
	[tilespmem:v39+s16+$0x0] =	vst.idx.msk $0xffff, v36;
	v38 =	vld.idx.msk [tilespmem:v50+s3+$0x0], $0xffff  }
0x87: {  	v44 =	vor.u32 v4, v21;
	v39 =	vor.u32 v13, v25;
	[tilespmem:v52+s16+$0x0] =	vst.idx.msk $0xffff, v55;
	v36 =	vld.idx.msk [tilespmem:v53+s3+$0x0], $0xffff  }
0x88: {  	v35 =	vor.u32 v14, v31;
	v33 =	vor.u32 v13, v51;
	v42 =	vld.idx.msk [tilespmem:v42+s3+$0x0], $0xffff;
	[tilespmem:v37+s16+$0x0] =	vst.idx.msk $0xffff, v57  }
0x89: {  	v31 =	vor.u32 v14, v32;
	v48 =	vor.u32 v5, v24;
	[tilespmem:v58+s16+$0x0] =	vst.idx.msk $0xffff, v54;
	v37 =	vld.idx.msk [tilespmem:v56+s3+$0x0], $0xffff  }
0x8a: {  	_ =	sdelay $0x3  }
0x8b: {  	[tilespmem:v46+s16+$0x0] =	vst.idx.msk $0xffff, v41;
	v45 =	vld.idx.msk [tilespmem:v45+s3+$0x0], $0xffff;
	v58 =	vor.u32 v5, v18  }
0x8c: {  	v57 =	vor.u32 v5, v19;
	[tilespmem:v43+s16+$0x0] =	vst.idx.msk $0xffff, v40;
	v60 =	vor.u32 v6, v20;
	v32 =	vld.idx.msk [tilespmem:v47+s3+$0x0], $0xffff  }
0x8d: {  	v59 =	vor.u32 v6, v23;
	v61 =	vor.u32 v5, v17;
	v44 =	vld.idx.msk [tilespmem:v44+s3+$0x0], $0xffff  }
0x8e: {  	v49 =	vor.u32 v6, v21  }
0x8f: {  	[tilespmem:v48+s16+$0x0] =	vst.idx.msk $0xffff, v42  }
0x90: {  	v62 =	vor.u32 v7, v24;
	v29 =	vld.idx.msk [tilespmem:v29+s3+$0x0], $0xffff;
	[tilespmem:v58+s16+$0x0] =	vst.idx.msk $0xffff, v45  }
0x91: {  	v52 =	vor.u32 v8, v22;
	v54 =	vor.u32 v7, v18;
	[tilespmem:v57+s16+$0x0] =	vst.idx.msk $0xffff, v32;
	v45 =	vld.idx.msk [tilespmem:v60+s3+$0x0], $0xffff  }
0x92: {  	v63 =	vor.u32 v7, v19;
	v56 =	vor.u32 v8, v20;
	[tilespmem:v61+s16+$0x0] =	vst.idx.msk $0xffff, v44;
	v41 =	vld.idx.msk [tilespmem:v59+s3+$0x0], $0xffff  }
0x93: {  	v53 =	vor.u32 v8, v23;
	v55 =	vor.u32 v7, v17;
	v57 =	vld.idx.msk [tilespmem:v49+s3+$0x0], $0xffff  }
0x94: {  	v58 =	vor.u32 v8, v21  }
0x95: {  	[tilespmem:v62+s16+$0x0] =	vst.idx.msk $0xffff, v29  }
0x96: {  	v59 =	vor.u32 v9, v24;
	v40 =	vld.idx.msk [tilespmem:v52+s3+$0x0], $0xffff;
	[tilespmem:v54+s16+$0x0] =	vst.idx.msk $0xffff, v45  }
0x97: {  	v61 =	vor.u32 v10, v22;
	[tilespmem:v63+s16+$0x0] =	vst.idx.msk $0xffff, v41;
	v62 =	vld.idx.msk [tilespmem:v56+s3+$0x0], $0xffff;
	v63 =	vor.u32 v9, v18  }
0x98: {  	v60 =	vor.u32 v9, v19;
	[tilespmem:v55+s16+$0x0] =	vst.idx.msk $0xffff, v57;
	v32 =	vld.idx.msk [tilespmem:v53+s3+$0x0], $0xffff;
	v53 =	vor.u32 v10, v20  }
0x99: {  	v52 =	vor.u32 v10, v23;
	v55 =	vor.u32 v9, v17;
	v54 =	vld.idx.msk [tilespmem:v58+s3+$0x0], $0xffff  }
0x9a: {  	[tilespmem:v39+s16+$0x0] =	vst.idx.msk $0xffff, v38;
	v56 =	vor.u32 v10, v21  }
0x9b: {  	[tilespmem:v59+s16+$0x0] =	vst.idx.msk $0xffff, v40  }
0x9c: {  	v57 =	vor.u32 v11, v24;
	v29 =	vld.idx.msk [tilespmem:v61+s3+$0x0], $0xffff;
	[tilespmem:v63+s16+$0x0] =	vst.idx.msk $0xffff, v62  }
0x9d: {  	v62 =	vor.u32 v11, v18;
	[tilespmem:v60+s16+$0x0] =	vst.idx.msk $0xffff, v32;
	v60 =	vor.u32 v12, v22;
	v61 =	vld.idx.msk [tilespmem:v53+s3+$0x0], $0xffff  }
0x9e: {  	v47 =	vor.u32 v12, v20;
	v58 =	vor.u32 v11, v19;
	[tilespmem:v55+s16+$0x0] =	vst.idx.msk $0xffff, v54;
	v59 =	vld.idx.msk [tilespmem:v52+s3+$0x0], $0xffff  }
0x9f: {  	[tilespmem:v34+s16+$0x0] =	vst.idx.msk $0xffff, v36;
	v49 =	vor.u32 v11, v17;
	v63 =	vor.u32 v12, v23;
	v48 =	vld.idx.msk [tilespmem:v56+s3+$0x0], $0xffff  }
0xa0: {  	v25 =	vor.u32 v15, v25;
	v50 =	vor.u32 v12, v21;
	v30 =	vld.idx.msk [tilespmem:v30+s3+$0x0], $0xffff;
	[tilespmem:v33+s16+$0x0] =	vst.idx.msk $0xffff, v37  }
0xa1: {  	v16 =	vor.u32 v14, v16;
	v35 =	vld.idx.msk [tilespmem:v35+s3+$0x0], $0xffff;
	[tilespmem:v57+s16+$0x0] =	vst.idx.msk $0xffff, v29  }
0xa2: {  	v51 =	vor.u32 v13, v24;
	v29 =	vld.idx.msk [tilespmem:v60+s3+$0x0], $0xffff;
	[tilespmem:v62+s16+$0x0] =	vst.idx.msk $0xffff, v61  }
0xa3: {  	v54 =	vor.u32 v13, v18;
	v52 =	vor.u32 v14, v22;
	[tilespmem:v58+s16+$0x0] =	vst.idx.msk $0xffff, v59;
	v34 =	vld.idx.msk [tilespmem:v47+s3+$0x0], $0xffff  }
0xa4: {  	v53 =	vor.u32 v13, v19;
	[tilespmem:v49+s16+$0x0] =	vst.idx.msk $0xffff, v48;
	v58 =	vor.u32 v14, v20;
	v39 =	vld.idx.msk [tilespmem:v63+s3+$0x0], $0xffff  }
0xa5: {  	[tilespmem:v25+s16+$0x0] =	vst.idx.msk $0xffff, v30;
	v55 =	vor.u32 v14, v23;
	v56 =	vor.u32 v13, v17;
	v57 =	vld.idx.msk [tilespmem:v50+s3+$0x0], $0xffff  }
0xa6: {  	v16 =	vld.idx.msk [tilespmem:v16+s3+$0x0], $0xffff;
	[tilespmem:v28+s16+$0x0] =	vst.idx.msk $0xffff, v35;
	v59 =	vor.u32 v14, v21  }
0xa7: {  	v60 =	vld.idx.msk [tilespmem:v31+s3+$0x0], $0xffff;
	[tilespmem:v51+s16+$0x0] =	vst.idx.msk $0xffff, v29  }
0xa8: {  	v61 =	vor.u32 v15, v24;
	v22 =	vld.idx.msk [tilespmem:v52+s3+$0x0], $0xffff;
	[tilespmem:v54+s16+$0x0] =	vst.idx.msk $0xffff, v34  }
0xa9: {  	v63 =	vor.u32 v15, v18;
	[tilespmem:v53+s16+$0x0] =	vst.idx.msk $0xffff, v39;
	v20 =	vld.idx.msk [tilespmem:v58+s3+$0x0], $0xffff  }
0xaa: {  	v62 =	vor.u32 v15, v19;
	[tilespmem:v56+s16+$0x0] =	vst.idx.msk $0xffff, v57;
	v23 =	vld.idx.msk [tilespmem:v55+s3+$0x0], $0xffff  }
0xab: {  	[tilespmem:v27+s16+$0x0] =	vst.idx.msk $0xffff, v16;
	v16 =	vor.u32 v15, v17;
	v17 =	vld.idx.msk [tilespmem:v59+s3+$0x0], $0xffff  }
0xac: {  	p1 =	seq.s32 s22, $0x0;
	[tilespmem:v26+s16+$0x0] =	vst.idx.msk $0xffff, v60  }
.Ltmp7:
0xad: {  	[tilespmem:v61+s16+$0x0] =	vst.idx.msk $0xffff, v22;
	(pc) =	sbr.rel @p1 .LBB2_10-.Ltmp7, $4  }
0xae: {  	[tilespmem:v63+s16+$0x0] =	vst.idx.msk $0xffff, v20  }
0xaf: {  	s23 =	sshll.u32 s21, $0xA;
	[tilespmem:v62+s16+$0x0] =	vst.idx.msk $0xffff, v23  }
0xb0: {  	s23 =	sadd.s32 s5, s23;
	[tilespmem:v16+s16+$0x0] =	vst.idx.msk $0xffff, v17  }
0xb1: {  	[hbm4b:s23+s3] =	stream.linear.scatter [tilespmem:s16], [sflag:$0x3], $0x2000, $0x38;
	[tilespmem:$0x8000] =	vst v63  }
.LBB2_7:
0xb2: {  	p1 =	sgt.u32 s21, $0x1E63  }
0xb3: {  	s22 =	sshll.u32 @!p1 s21, $0x7;
	s23 =	simm.s32 @!p1 $0x400  }
0xb4: {  	s24 =	simm.s32 @!p1 $0x7A1400;
	s25 =	simm.s32 @!p1 $0x0;
	s22 =	sadd.s32 @!p1 s22, s7  }
0xb5: {  	[tilespmem:s25], [sflag:$0x1] =	stream.strided.gather @!p1 [hbm4b:s22+s23], $0x2000, s24, s23, $0x38;
	[tilespmem:$0x8000] =	vst v63  }
0xb6: {  	s23 =	simm.s32 $0x2  }
0xb7: {  	s24 =	simm.s32 $0x0;
	s25 =	simm.s32 $0x3;
	v16 =	vadd.s32 s23, v0  }
0xb8: {  	s26 =	simm.s32 $0x1;
	v17 =	vadd.s32 s24, v0;
	v18 =	vadd.s32 s25, v0;
	v19 =	vand.u32 $0x3F, v16  }
0xb9: {  	_ =	swait.ge [sflag:s12], $0x2000;
	v16 =	vadd.s32 s26, v0;
	v18 =	vand.u32 $0x3F, v18;
	v34 =	vshll.u32 v19, $0x1  }
0xba: {  	p1 =	slt.u32 s20, $0x2;
	[sflag:s12] =	ssyncset.done $0x0;
	v20 =	vand.u32 $0x3F, v16;
	v16 =	vshll.u32 v18, $0x1;
	v21 =	vor.u32 v1, v34  }
0xbb: {  	s22 =	simm.s32 @!p1 $0x4;
	v17 =	vand.u32 $0x3F, v17;
	[sflag:s12] =	ssyncadd.s32 $0xFFFFE000;
	v32 =	vshll.u32 v20, $0x1;
	v22 =	vor.u32 v1, v16  }
0xbc: {  	v31 =	vshll.u32 v17, $0x1;
	_ =	swait.ge @!p1 [sflag:s22], $0x2000;
	v23 =	vor.u32 v1, v32  }
0xbd: {  	v24 =	vor.u32 v1, v31;
	[sflag:s22] =	ssyncset.done @!p1 $0x0  }
0xbe: {  	v25 =	vshll.u32 v19, $0x7;
	[sflag:s22] =	ssyncadd.s32 @!p1 $0xFFFFE000  }
0xbf: {  	v36 =	vshll.u32 v18, $0x7;
	v19 =	vor.u32 v0, v25;
	v18 =	vld.idx.msk [tilespmem:v21+s13+$0x0], $0xffff  }
0xc0: {  	v35 =	vshll.u32 v20, $0x7;
	v20 =	vor.u32 v0, v36;
	v21 =	vor.u32 v2, v34;
	v22 =	vld.idx.msk [tilespmem:v22+s13+$0x0], $0xffff  }
0xc1: {  	v33 =	vshll.u32 v17, $0x7;
	v26 =	vor.u32 v2, v16;
	v17 =	vor.u32 v0, v35;
	v23 =	vld.idx.msk [tilespmem:v23+s13+$0x0], $0xffff  }
0xc2: {  	v27 =	vor.u32 v0, v33;
	v24 =	vld.idx.msk [tilespmem:v24+s13+$0x0], $0xffff  }
0xc3: {  	v28 =	vor.u32 v2, v32  }
0xc4: {  	v29 =	vor.u32 v2, v31;
	[tilespmem:v19+s14+$0x0] =	vst.idx.msk $0xffff, v18  }
0xc5: {  	v19 =	vor.u32 v3, v25;
	[tilespmem:v20+s14+$0x0] =	vst.idx.msk $0xffff, v22;
	v18 =	vld.idx.msk [tilespmem:v21+s13+$0x0], $0xffff  }
0xc6: {  	[tilespmem:v17+s14+$0x0] =	vst.idx.msk $0xffff, v23;
	v17 =	vor.u32 v4, v34;
	v20 =	vld.idx.msk [tilespmem:v26+s13+$0x0], $0xffff;
	v21 =	vor.u32 v3, v36  }
0xc7: {  	[tilespmem:v27+s14+$0x0] =	vst.idx.msk $0xffff, v24;
	v24 =	vor.u32 v4, v16  }
0xc8: {  	v23 =	vor.u32 v3, v35;
	v22 =	vld.idx.msk [tilespmem:v28+s13+$0x0], $0xffff  }
0xc9: {  	v27 =	vor.u32 v3, v33;
	v26 =	vld.idx.msk [tilespmem:v29+s13+$0x0], $0xffff;
	v28 =	vor.u32 v4, v32  }
0xca: {  	v30 =	vor.u32 v8, v31;
	v29 =	vor.u32 v4, v31;
	[tilespmem:v19+s14+$0x0] =	vst.idx.msk $0xffff, v18  }
0xcb: {  	v37 =	vor.u32 v7, v33;
	v18 =	vor.u32 v5, v25;
	[tilespmem:v21+s14+$0x0] =	vst.idx.msk $0xffff, v20;
	v17 =	vld.idx.msk [tilespmem:v17+s13+$0x0], $0xffff  }
0xcc: {  	v39 =	vor.u32 v9, v25;
	v41 =	vor.u32 v7, v36;
	v21 =	vor.u32 v5, v36;
	v20 =	vld.idx.msk [tilespmem:v24+s13+$0x0], $0xffff  }
0xcd: {  	v61 =	vor.u32 v9, v36;
	v19 =	vor.u32 v6, v34;
	[tilespmem:v23+s14+$0x0] =	vst.idx.msk $0xffff, v22  }
0xce: {  	[tilespmem:v27+s14+$0x0] =	vst.idx.msk $0xffff, v26;
	v22 =	vor.u32 v6, v16;
	v24 =	vor.u32 v5, v35;
	v23 =	vld.idx.msk [tilespmem:v28+s13+$0x0], $0xffff  }
0xcf: {  	v58 =	vor.u32 v9, v33;
	v49 =	vor.u32 v10, v34;
	v27 =	vor.u32 v5, v33;
	v28 =	vld.idx.msk [tilespmem:v29+s13+$0x0], $0xffff  }
0xd0: {  	v54 =	vor.u32 v11, v36;
	v29 =	vor.u32 v6, v32;
	[tilespmem:v18+s14+$0x0] =	vst.idx.msk $0xffff, v17  }
0xd1: {  	s28 =	simm.s32 $0x6;
	v55 =	vor.u32 v12, v31;
	v17 =	vor.u32 v6, v31;
	[tilespmem:v21+s14+$0x0] =	vst.idx.msk $0xffff, v20  }
0xd2: {  	s29 =	simm.s32 $0x5;
	v20 =	vor.u32 v8, v34;
	v21 =	vadd.s32 s28, v0;
	v18 =	vld.idx.msk [tilespmem:v19+s13+$0x0], $0xffff;
	v19 =	vor.u32 v7, v25  }
0xd3: {  	s30 =	simm.s32 $0x4;
	v40 =	vld.idx.msk [tilespmem:v22+s13+$0x0], $0xffff;
	[tilespmem:v24+s14+$0x0] =	vst.idx.msk $0xffff, v23;
	v24 =	vor.u32 v8, v16;
	v22 =	vadd.s32 s29, v0;
	v42 =	vand.u32 $0x3F, v21  }
0xd4: {  	v21 =	vadd.s32 s30, v0;
	[tilespmem:v27+s14+$0x0] =	vst.idx.msk $0xffff, v28;
	v27 =	vand.u32 $0x3F, v22;
	v22 =	vshll.u32 v42, $0x1  }
0xd5: {  	v38 =	vor.u32 v7, v35;
	v28 =	vld.idx.msk [tilespmem:v29+s13+$0x0], $0xffff;
	v43 =	vand.u32 $0x3F, v21;
	v45 =	vor.u32 v1, v22  }
0xd6: {  	s31 =	simm.s32 $0x7;
	v50 =	vor.u32 v9, v35;
	v26 =	vor.u32 v8, v32;
	v21 =	vshll.u32 v43, $0x1  }
0xd7: {  	v23 =	vshll.u32 v27, $0x1;
	v48 =	vor.u32 v1, v21;
	v44 =	vld.idx.msk [tilespmem:v17+s13+$0x0], $0xffff;
	v17 =	vadd.s32 s31, v0;
	[tilespmem:v19+s14+$0x0] =	vst.idx.msk $0xffff, v18  }
0xd8: {  	v46 =	vor.u32 v1, v23;
	v17 =	vand.u32 $0x3F, v17;
	[tilespmem:v41+s14+$0x0] =	vst.idx.msk $0xffff, v40;
	v47 =	vld.idx.msk [tilespmem:v20+s13+$0x0], $0xffff  }
0xd9: {  	v19 =	vshll.u32 v27, $0x7;
	v20 =	vshll.u32 v17, $0x1;
	v27 =	vld.idx.msk [tilespmem:v24+s13+$0x0], $0xffff;
	v24 =	vshll.u32 v42, $0x7  }
0xda: {  	[tilespmem:v38+s14+$0x0] =	vst.idx.msk $0xffff, v28;
	v28 =	vor.u32 v10, v16;
	v63 =	vld.idx.msk [tilespmem:v45+s13+$0x0], $0xffff;
	v42 =	vor.u32 v0, v24  }
0xdb: {  	v18 =	vshll.u32 v17, $0x7;
	v17 =	vshll.u32 v43, $0x7;
	v62 =	vor.u32 v1, v20;
	v59 =	vld.idx.msk [tilespmem:v26+s13+$0x0], $0xffff  }
0xdc: {  	v56 =	vor.u32 v12, v34;
	v52 =	vor.u32 v0, v17;
	v48 =	vld.idx.msk [tilespmem:v48+s13+$0x0], $0xffff;
	[tilespmem:v37+s14+$0x0] =	vst.idx.msk $0xffff, v44  }
0xdd: {  	v38 =	vor.u32 v10, v32;
	v51 =	vor.u32 v0, v19;
	v46 =	vld.idx.msk [tilespmem:v46+s13+$0x0], $0xffff;
	[tilespmem:v39+s14+$0x0] =	vst.idx.msk $0xffff, v47  }
0xde: {  	v29 =	vor.u32 v6, v22;
	v60 =	vor.u32 v2, v22;
	v57 =	vld.idx.msk [tilespmem:v30+s13+$0x0], $0xffff;
	[tilespmem:v61+s14+$0x0] =	vst.idx.msk $0xffff, v27  }
0xdf: {  	v26 =	vor.u32 v15, v33;
	v37 =	vor.u32 v10, v31;
	v53 =	vld.idx.msk [tilespmem:v28+s13+$0x0], $0xffff;
	[tilespmem:v42+s14+$0x0] =	vst.idx.msk $0xffff, v63  }
0xe0: {  	v44 =	vor.u32 v0, v18;
	v41 =	vld.idx.msk [tilespmem:v62+s13+$0x0], $0xffff;
	v63 =	vor.u32 v2, v23;
	[tilespmem:v50+s14+$0x0] =	vst.idx.msk $0xffff, v59  }
0xe1: {  	v43 =	vor.u32 v3, v17;
	v61 =	vor.u32 v12, v16;
	v45 =	vld.idx.msk [tilespmem:v49+s13+$0x0], $0xffff;
	[tilespmem:v52+s14+$0x0] =	vst.idx.msk $0xffff, v48  }
0xe2: {  	v47 =	vor.u32 v11, v25;
	v62 =	vor.u32 v2, v20;
	v38 =	vld.idx.msk [tilespmem:v38+s13+$0x0], $0xffff;
	[tilespmem:v51+s14+$0x0] =	vst.idx.msk $0xffff, v46  }
0xe3: {  	v39 =	vor.u32 v11, v35;
	v48 =	vor.u32 v2, v21;
	v52 =	vld.idx.msk [tilespmem:v60+s13+$0x0], $0xffff;
	[tilespmem:v58+s14+$0x0] =	vst.idx.msk $0xffff, v57  }
0xe4: {  	v31 =	vor.u32 v14, v31;
	v50 =	vor.u32 v11, v33;
	v37 =	vld.idx.msk [tilespmem:v37+s13+$0x0], $0xffff;
	[tilespmem:v54+s14+$0x0] =	vst.idx.msk $0xffff, v53  }
0xe5: {  	v60 =	vor.u32 v12, v32;
	v53 =	vor.u32 v3, v24;
	[tilespmem:v44+s14+$0x0] =	vst.idx.msk $0xffff, v41;
	v41 =	vld.idx.msk [tilespmem:v63+s13+$0x0], $0xffff  }
0xe6: {  	v30 =	vor.u32 v14, v34;
	v34 =	vor.u32 v13, v35;
	v58 =	vor.u32 v13, v36;
	v57 =	vld.idx.msk [tilespmem:v61+s13+$0x0], $0xffff  }
0xe7: {  	v63 =	vor.u32 v3, v18;
	[tilespmem:v47+s14+$0x0] =	vst.idx.msk $0xffff, v45;
	v61 =	vor.u32 v4, v22;
	v62 =	vld.idx.msk [tilespmem:v62+s13+$0x0], $0xffff  }
0xe8: {  	v46 =	vor.u32 v3, v19;
	v45 =	vor.u32 v4, v20;
	v40 =	vld.idx.msk [tilespmem:v48+s13+$0x0], $0xffff;
	[tilespmem:v39+s14+$0x0] =	vst.idx.msk $0xffff, v38  }
0xe9: {  	v27 =	vor.u32 v15, v36;
	v47 =	vor.u32 v4, v23;
	v38 =	vld.idx.msk [tilespmem:v56+s13+$0x0], $0xffff;
	[tilespmem:v50+s14+$0x0] =	vst.idx.msk $0xffff, v37  }
0xea: {  	v44 =	vor.u32 v4, v21;
	v39 =	vor.u32 v13, v25;
	v36 =	vld.idx.msk [tilespmem:v60+s13+$0x0], $0xffff;
	[tilespmem:v53+s14+$0x0] =	vst.idx.msk $0xffff, v52  }
0xeb: {  	v28 =	vor.u32 v15, v35;
	v33 =	vor.u32 v13, v33;
	v37 =	vld.idx.msk [tilespmem:v55+s13+$0x0], $0xffff;
	[tilespmem:v58+s14+$0x0] =	vst.idx.msk $0xffff, v57  }
0xec: {  	s22 =	simm.s32 $0x8;
	v35 =	vor.u32 v14, v32;
	v48 =	vor.u32 v5, v24;
	v42 =	vld.idx.msk [tilespmem:v61+s13+$0x0], $0xffff;
	[tilespmem:v63+s14+$0x0] =	vst.idx.msk $0xffff, v62  }
.LBB2_8:
0xed: {  	p1 =	slt.u32 s22, $0x3C;
	[tilespmem:v46+s14+$0x0] =	vst.idx.msk $0xffff, v41;
	v32 =	vld.idx.msk [tilespmem:v45+s13+$0x0], $0xffff;
	v25 =	vor.u32 v15, v25;
	v16 =	vor.u32 v14, v16;
	s23 =	smov.u32 s22;
	s22 =	sadd.s32 $0x4, s22  }
0xee: {  	v41 =	vor.u32 v8, v23;
	[tilespmem:v43+s14+$0x0] =	vst.idx.msk $0xffff, v40;
	v40 =	vld.idx.msk [tilespmem:v47+s13+$0x0], $0xffff;
	v43 =	vor.u32 v5, v18  }
0xef: {  	v45 =	vor.u32 v5, v19;
	v46 =	vor.u32 v6, v20;
	v44 =	vld.idx.msk [tilespmem:v44+s13+$0x0], $0xffff;
	[tilespmem:v39+s14+$0x0] =	vst.idx.msk $0xffff, v38  }
0xf0: {  	v38 =	vor.u32 v5, v17;
	v39 =	vor.u32 v8, v21;
	[tilespmem:v34+s14+$0x0] =	vst.idx.msk $0xffff, v36;
	v30 =	vld.idx.msk [tilespmem:v30+s13+$0x0], $0xffff  }
0xf1: {  	v34 =	vor.u32 v7, v17;
	v36 =	vor.u32 v7, v19;
	[tilespmem:v48+s14+$0x0] =	vst.idx.msk $0xffff, v42;
	v35 =	vld.idx.msk [tilespmem:v35+s13+$0x0], $0xffff  }
0xf2: {  	v47 =	vor.u32 v9, v24;
	v42 =	vor.u32 v6, v23;
	v29 =	vld.idx.msk [tilespmem:v29+s13+$0x0], $0xffff;
	[tilespmem:v33+s14+$0x0] =	vst.idx.msk $0xffff, v37  }
0xf3: {  	v33 =	vor.u32 v6, v21;
	v37 =	vor.u32 v7, v24;
	[tilespmem:v43+s14+$0x0] =	vst.idx.msk $0xffff, v32;
	v43 =	vld.idx.msk [tilespmem:v31+s13+$0x0], $0xffff  }
0xf4: {  	[tilespmem:v45+s14+$0x0] =	vst.idx.msk $0xffff, v40;
	v40 =	vor.u32 v8, v22;
	v45 =	vld.idx.msk [tilespmem:v46+s13+$0x0], $0xffff;
	v46 =	vor.u32 v8, v20  }
0xf5: {  	s24 =	sadd.s32 $0x1, s23;
	s25 =	sadd.s32 $0x2, s23;
	v48 =	vadd.s32 s23, v0;
	s23 =	sadd.s32 $0x3, s23;
	v31 =	vmov v23;
	[tilespmem:v38+s14+$0x0] =	vst.idx.msk $0xffff, v44;
	v38 =	vor.u32 v7, v18;
	v44 =	vld.idx.msk [tilespmem:v16+s13+$0x0], $0xffff  }
0xf6: {  	v50 =	vmovc v22;
	v49 =	vadd.s32 s23, v0;
	v23 =	vadd.s32 s25, v0;
	v32 =	vmovc v21;
	v16 =	vadd.s32 s24, v0;
	[tilespmem:v25+s14+$0x0] =	vst.idx.msk $0xffff, v30  }
0xf7: {  	v16 =	vand.u32 $0x3F, v16;
	v30 =	vand.u32 $0x3F, v23;
	v25 =	vand.u32 $0x3F, v49;
	v42 =	vld.idx.msk [tilespmem:v42+s13+$0x0], $0xffff;
	[tilespmem:v28+s14+$0x0] =	vst.idx.msk $0xffff, v35;
	v35 =	vmovc v19  }
0xf8: {  	v28 =	vand.u32 $0x3F, v48;
	v23 =	vshll.u32 v16, $0x1;
	v22 =	vshll.u32 v30, $0x1;
	v33 =	vld.idx.msk [tilespmem:v33+s13+$0x0], $0xffff;
	[tilespmem:v37+s14+$0x0] =	vst.idx.msk $0xffff, v29;
	v37 =	vmovc v18  }
0xf9: {  	v51 =	vmovc v17;
	v21 =	vshll.u32 v28, $0x1;
	v48 =	vor.u32 v1, v23;
	v49 =	vor.u32 v1, v22;
	v40 =	vld.idx.msk [tilespmem:v40+s13+$0x0], $0xffff  }
0xfa: {  	v19 =	vshll.u32 v16, $0x7;
	v18 =	vshll.u32 v25, $0x7;
	v52 =	vor.u32 v1, v21;
	v16 =	vmovc v20;
	[tilespmem:v38+s14+$0x0] =	vst.idx.msk $0xffff, v45  }
0xfb: {  	v17 =	vshll.u32 v28, $0x7;
	v29 =	vor.u32 v6, v22;
	v20 =	vshll.u32 v25, $0x1;
	v28 =	vld.idx.msk [tilespmem:v46+s13+$0x0], $0xffff;
	[tilespmem:v27+s14+$0x0] =	vst.idx.msk $0xffff, v44  }
0xfc: {  	v25 =	vmov v24;
	v38 =	vor.u32 v1, v20;
	v27 =	vor.u32 v9, v37;
	[tilespmem:v26+s14+$0x0] =	vst.idx.msk $0xffff, v43  }
0xfd: {  	v26 =	vor.u32 v10, v16;
	[tilespmem:v36+s14+$0x0] =	vst.idx.msk $0xffff, v42;
	v36 =	vor.u32 v10, v31  }
0xfe: {  	v24 =	vshll.u32 v30, $0x7;
	v42 =	vld.idx.msk [tilespmem:v49+s13+$0x0], $0xffff;
	[tilespmem:v34+s14+$0x0] =	vst.idx.msk $0xffff, v33;
	v33 =	vor.u32 v10, v32  }
0xff: {  	v30 =	vor.u32 v0, v24;
	v34 =	vor.u32 v0, v18;
	v39 =	vld.idx.msk [tilespmem:v39+s13+$0x0], $0xffff;
	[tilespmem:v47+s14+$0x0] =	vst.idx.msk $0xffff, v40  }
0x100: {  	v44 =	vor.u32 v10, v50;
	v43 =	vor.u32 v9, v35;
	v40 =	vor.u32 v9, v51;
	v41 =	vld.idx.msk [tilespmem:v41+s13+$0x0], $0xffff  }
0x101: {  	v46 =	vor.u32 v0, v19;
	v47 =	vor.u32 v2, v22;
	v45 =	vld.idx.msk [tilespmem:v52+s13+$0x0], $0xffff;
	[tilespmem:v27+s14+$0x0] =	vst.idx.msk $0xffff, v28  }
0x102: {  	v49 =	vor.u32 v0, v17;
	v27 =	vor.u32 v15, v37;
	v52 =	vld.idx.msk [tilespmem:v26+s13+$0x0], $0xffff  }
0x103: {  	v53 =	vor.u32 v11, v37;
	v28 =	vor.u32 v15, v35;
	v26 =	vor.u32 v15, v51;
	v38 =	vld.idx.msk [tilespmem:v38+s13+$0x0], $0xffff  }
0x104: {  	v48 =	vld.idx.msk [tilespmem:v48+s13+$0x0], $0xffff;
	[tilespmem:v30+s14+$0x0] =	vst.idx.msk $0xffff, v42;
	v30 =	vor.u32 v14, v50;
	v42 =	vor.u32 v12, v16  }
0x105: {  	v54 =	vor.u32 v2, v20;
	[tilespmem:v40+s14+$0x0] =	vst.idx.msk $0xffff, v39;
	v39 =	vor.u32 v11, v35;
	v40 =	vld.idx.msk [tilespmem:v44+s13+$0x0], $0xffff  }
0x106: {  	v44 =	vor.u32 v2, v23;
	v33 =	vld.idx.msk [tilespmem:v33+s13+$0x0], $0xffff;
	[tilespmem:v43+s14+$0x0] =	vst.idx.msk $0xffff, v41;
	v43 =	vor.u32 v11, v25  }
0x107: {  	[tilespmem:v49+s14+$0x0] =	vst.idx.msk $0xffff, v45;
	v45 =	vor.u32 v2, v21;
	v49 =	vor.u32 v11, v51;
	v36 =	vld.idx.msk [tilespmem:v36+s13+$0x0], $0xffff  }
0x108: {  	v56 =	vor.u32 v12, v32;
	v50 =	vor.u32 v12, v50;
	v55 =	vld.idx.msk [tilespmem:v47+s13+$0x0], $0xffff;
	[tilespmem:v53+s14+$0x0] =	vst.idx.msk $0xffff, v52  }
0x109: {  	v52 =	vor.u32 v3, v24;
	v53 =	vor.u32 v12, v31;
	[tilespmem:v34+s14+$0x0] =	vst.idx.msk $0xffff, v38;
	v57 =	vld.idx.msk [tilespmem:v42+s13+$0x0], $0xffff  }
0x10a: {  	v37 =	vor.u32 v13, v37;
	v42 =	vor.u32 v4, v22;
	[tilespmem:v46+s14+$0x0] =	vst.idx.msk $0xffff, v48;
	v54 =	vld.idx.msk [tilespmem:v54+s13+$0x0], $0xffff  }
0x10b: {  	v58 =	vor.u32 v3, v18;
	v34 =	vor.u32 v13, v35;
	v41 =	vld.idx.msk [tilespmem:v44+s13+$0x0], $0xffff;
	[tilespmem:v43+s14+$0x0] =	vst.idx.msk $0xffff, v40  }
.Ltmp8:
0x10c: {  	v46 =	vor.u32 v3, v19;
	v40 =	vld.idx.msk [tilespmem:v45+s13+$0x0], $0xffff;
	v45 =	vor.u32 v4, v20;
	[tilespmem:v49+s14+$0x0] =	vst.idx.msk $0xffff, v33;
	(pc) =	sbr.rel @p1 .LBB2_8-.Ltmp8, $4  }
0x10d: {  	v47 =	vor.u32 v4, v23;
	v43 =	vor.u32 v3, v17;
	[tilespmem:v39+s14+$0x0] =	vst.idx.msk $0xffff, v36;
	v38 =	vld.idx.msk [tilespmem:v50+s13+$0x0], $0xffff  }
0x10e: {  	v44 =	vor.u32 v4, v21;
	v39 =	vor.u32 v13, v25;
	[tilespmem:v52+s14+$0x0] =	vst.idx.msk $0xffff, v55;
	v36 =	vld.idx.msk [tilespmem:v53+s13+$0x0], $0xffff  }
0x10f: {  	v35 =	vor.u32 v14, v31;
	v33 =	vor.u32 v13, v51;
	v42 =	vld.idx.msk [tilespmem:v42+s13+$0x0], $0xffff;
	[tilespmem:v37+s14+$0x0] =	vst.idx.msk $0xffff, v57  }
0x110: {  	v31 =	vor.u32 v14, v32;
	v48 =	vor.u32 v5, v24;
	[tilespmem:v58+s14+$0x0] =	vst.idx.msk $0xffff, v54;
	v37 =	vld.idx.msk [tilespmem:v56+s13+$0x0], $0xffff  }
0x111: {  	_ =	sdelay $0x3  }
0x112: {  	[tilespmem:v46+s14+$0x0] =	vst.idx.msk $0xffff, v41;
	v45 =	vld.idx.msk [tilespmem:v45+s13+$0x0], $0xffff;
	v58 =	vor.u32 v5, v18  }
0x113: {  	v57 =	vor.u32 v5, v19;
	[tilespmem:v43+s14+$0x0] =	vst.idx.msk $0xffff, v40;
	v60 =	vor.u32 v6, v20;
	v32 =	vld.idx.msk [tilespmem:v47+s13+$0x0], $0xffff  }
0x114: {  	v59 =	vor.u32 v6, v23;
	v61 =	vor.u32 v5, v17;
	v44 =	vld.idx.msk [tilespmem:v44+s13+$0x0], $0xffff  }
0x115: {  	v49 =	vor.u32 v6, v21  }
0x116: {  	[tilespmem:v48+s14+$0x0] =	vst.idx.msk $0xffff, v42  }
0x117: {  	v62 =	vor.u32 v7, v24;
	v29 =	vld.idx.msk [tilespmem:v29+s13+$0x0], $0xffff;
	[tilespmem:v58+s14+$0x0] =	vst.idx.msk $0xffff, v45  }
0x118: {  	v52 =	vor.u32 v8, v22;
	v54 =	vor.u32 v7, v18;
	[tilespmem:v57+s14+$0x0] =	vst.idx.msk $0xffff, v32;
	v45 =	vld.idx.msk [tilespmem:v60+s13+$0x0], $0xffff  }
0x119: {  	v63 =	vor.u32 v7, v19;
	v56 =	vor.u32 v8, v20;
	[tilespmem:v61+s14+$0x0] =	vst.idx.msk $0xffff, v44;
	v41 =	vld.idx.msk [tilespmem:v59+s13+$0x0], $0xffff  }
0x11a: {  	v53 =	vor.u32 v8, v23;
	v55 =	vor.u32 v7, v17;
	v57 =	vld.idx.msk [tilespmem:v49+s13+$0x0], $0xffff  }
0x11b: {  	v58 =	vor.u32 v8, v21  }
0x11c: {  	[tilespmem:v62+s14+$0x0] =	vst.idx.msk $0xffff, v29  }
0x11d: {  	v59 =	vor.u32 v9, v24;
	v40 =	vld.idx.msk [tilespmem:v52+s13+$0x0], $0xffff;
	[tilespmem:v54+s14+$0x0] =	vst.idx.msk $0xffff, v45  }
0x11e: {  	v61 =	vor.u32 v10, v22;
	[tilespmem:v63+s14+$0x0] =	vst.idx.msk $0xffff, v41;
	v62 =	vld.idx.msk [tilespmem:v56+s13+$0x0], $0xffff;
	v63 =	vor.u32 v9, v18  }
0x11f: {  	v60 =	vor.u32 v9, v19;
	[tilespmem:v55+s14+$0x0] =	vst.idx.msk $0xffff, v57;
	v32 =	vld.idx.msk [tilespmem:v53+s13+$0x0], $0xffff;
	v53 =	vor.u32 v10, v20  }
0x120: {  	v52 =	vor.u32 v10, v23;
	v55 =	vor.u32 v9, v17;
	v54 =	vld.idx.msk [tilespmem:v58+s13+$0x0], $0xffff  }
0x121: {  	[tilespmem:v39+s14+$0x0] =	vst.idx.msk $0xffff, v38;
	v56 =	vor.u32 v10, v21  }
0x122: {  	[tilespmem:v59+s14+$0x0] =	vst.idx.msk $0xffff, v40  }
0x123: {  	v57 =	vor.u32 v11, v24;
	v29 =	vld.idx.msk [tilespmem:v61+s13+$0x0], $0xffff;
	[tilespmem:v63+s14+$0x0] =	vst.idx.msk $0xffff, v62  }
0x124: {  	v62 =	vor.u32 v11, v18;
	[tilespmem:v60+s14+$0x0] =	vst.idx.msk $0xffff, v32;
	v60 =	vor.u32 v12, v22;
	v61 =	vld.idx.msk [tilespmem:v53+s13+$0x0], $0xffff  }
0x125: {  	v47 =	vor.u32 v12, v20;
	v58 =	vor.u32 v11, v19;
	[tilespmem:v55+s14+$0x0] =	vst.idx.msk $0xffff, v54;
	v59 =	vld.idx.msk [tilespmem:v52+s13+$0x0], $0xffff  }
0x126: {  	[tilespmem:v34+s14+$0x0] =	vst.idx.msk $0xffff, v36;
	v49 =	vor.u32 v11, v17;
	v63 =	vor.u32 v12, v23;
	v48 =	vld.idx.msk [tilespmem:v56+s13+$0x0], $0xffff  }
0x127: {  	v25 =	vor.u32 v15, v25;
	v50 =	vor.u32 v12, v21;
	v30 =	vld.idx.msk [tilespmem:v30+s13+$0x0], $0xffff;
	[tilespmem:v33+s14+$0x0] =	vst.idx.msk $0xffff, v37  }
0x128: {  	v16 =	vor.u32 v14, v16;
	v35 =	vld.idx.msk [tilespmem:v35+s13+$0x0], $0xffff;
	[tilespmem:v57+s14+$0x0] =	vst.idx.msk $0xffff, v29  }
0x129: {  	v51 =	vor.u32 v13, v24;
	v29 =	vld.idx.msk [tilespmem:v60+s13+$0x0], $0xffff;
	[tilespmem:v62+s14+$0x0] =	vst.idx.msk $0xffff, v61  }
0x12a: {  	v54 =	vor.u32 v13, v18;
	v52 =	vor.u32 v14, v22;
	[tilespmem:v58+s14+$0x0] =	vst.idx.msk $0xffff, v59;
	v34 =	vld.idx.msk [tilespmem:v47+s13+$0x0], $0xffff  }
0x12b: {  	v53 =	vor.u32 v13, v19;
	[tilespmem:v49+s14+$0x0] =	vst.idx.msk $0xffff, v48;
	v58 =	vor.u32 v14, v20;
	v39 =	vld.idx.msk [tilespmem:v63+s13+$0x0], $0xffff  }
0x12c: {  	[tilespmem:v25+s14+$0x0] =	vst.idx.msk $0xffff, v30;
	v55 =	vor.u32 v14, v23;
	v56 =	vor.u32 v13, v17;
	v57 =	vld.idx.msk [tilespmem:v50+s13+$0x0], $0xffff  }
0x12d: {  	v16 =	vld.idx.msk [tilespmem:v16+s13+$0x0], $0xffff;
	[tilespmem:v28+s14+$0x0] =	vst.idx.msk $0xffff, v35;
	v59 =	vor.u32 v14, v21  }
0x12e: {  	v60 =	vld.idx.msk [tilespmem:v31+s13+$0x0], $0xffff;
	[tilespmem:v51+s14+$0x0] =	vst.idx.msk $0xffff, v29  }
0x12f: {  	v61 =	vor.u32 v15, v24;
	v22 =	vld.idx.msk [tilespmem:v52+s13+$0x0], $0xffff;
	[tilespmem:v54+s14+$0x0] =	vst.idx.msk $0xffff, v34  }
0x130: {  	v63 =	vor.u32 v15, v18;
	[tilespmem:v53+s14+$0x0] =	vst.idx.msk $0xffff, v39;
	v20 =	vld.idx.msk [tilespmem:v58+s13+$0x0], $0xffff  }
0x131: {  	v62 =	vor.u32 v15, v19;
	[tilespmem:v56+s14+$0x0] =	vst.idx.msk $0xffff, v57;
	v23 =	vld.idx.msk [tilespmem:v55+s13+$0x0], $0xffff  }
0x132: {  	[tilespmem:v27+s14+$0x0] =	vst.idx.msk $0xffff, v16;
	v16 =	vor.u32 v15, v17;
	v17 =	vld.idx.msk [tilespmem:v59+s13+$0x0], $0xffff  }
0x133: {  	[tilespmem:v26+s14+$0x0] =	vst.idx.msk $0xffff, v60  }
.Ltmp9:
0x134: {  	[tilespmem:v61+s14+$0x0] =	vst.idx.msk $0xffff, v22;
	(pc) =	sbr.rel .LBB2_10-.Ltmp9, $4  }
0x135: {  	[tilespmem:v63+s14+$0x0] =	vst.idx.msk $0xffff, v20  }
0x136: {  	s21 =	sshll.u32 s21, $0xA;
	[tilespmem:v62+s14+$0x0] =	vst.idx.msk $0xffff, v23  }
0x137: {  	s21 =	sadd.s32 s5, s21;
	[tilespmem:v16+s14+$0x0] =	vst.idx.msk $0xffff, v17  }
0x138: {  	[hbm4b:s21+s3] =	stream.linear.scatter [tilespmem:s14], [sflag:$0x4], $0x2000, $0x38;
	[tilespmem:$0x8000] =	vst v63  }
.LBB2_12:
0x139: {  	_ =	sfence.sel $0x180000  }
0x13a: {  	[bflag:$0x0] =	sbarrier.arrive $0xFFFF  }
0x13b: {  	p0 =	sne.s32 s2, $0x0;
	_ =	strace $0x90000047  }
0x13c: {  	s0 =	sadd.s32 @!p0 $0x100000, s0;
	[bflag:$0x2] =	sbarrier.arrive $0xFFFF  }
0x13d: {  	[sflag:s0] =	ssyncadd.tile.s32 @!p0 $0x1;
	_ =	shalt  }
.Lfunc_end2:
_tile_overlayer_lowered:
.L_overlay_start_2:
0x13e: {  	(tag) =	ssettag $0x2  }
0x13f: {  	s0 =	rddreg [dreg:$0x0];
	s2 =	stileid.u32  }
0x140: {  	s1 =	rddreg [dreg:$0x1];
	p0 =	sne.s32 s2, $0x0  }
0x141: {  	s3 =	rddreg [dreg:$0x2];
	[bflag:$0x3] =	sbarrier.arrive $0xFFFF;
	s2 =	simm.s32 @!p0 $0x1C05  }
0x142: {  	[timem:s3], [sflag:s2] =	dma.local @!p0 [hbm:s0], s1  }
0x143: {  	s0 =	simm.s32 @!p0 $0x5  }
0x144: {  	_ =	swait.ge @!p0 [sflag:s0], s1  }
0x145: {  	s1 =	ssub.s32 @!p0 $0x0, s1;
	[sflag:s0] =	ssyncset.done @!p0 $0x0  }
0x146: {  	[sflag:s0] =	ssyncadd.s32 @!p0 s1  }
0x147: {  	[bflag:$0x3] =	sbarrier.arrive $0xFFFF  }
0x148: {  	_ =	shalt  }

// kernel: kernel.7.cloned.1.call-start
scs
__scs_entry_jumppad:
0x0: {  	(pc) =	sbr.rel $0x88, $3  }
0x1: {  	(tag) =	ssettag $0x0;
	lr =	simm.s32 $0x1  }
0x2: {  	[smem:$0x3F9F] =	sst lr;
	_ =	strace $0xD0000000  }
0x3: {  	_ = 	snop  }
0x4: {  	_ = 	snop  }
0x5: {  	_ = 	snop  }
0x6: {  	_ = 	snop  }
0x7: {  	_ = 	snop  }
__scs_overlays_trampoline_lowered:
0x8: {  	[smem:$0x3FAE] =	sst s0  }
0x9: {  	[smem:$0x3FAF] =	sst s1  }
0xa: {  	[smem:$0x3FB0] =	sst s2  }
0xb: {  	[smem:$0x3FB1] =	sst s3  }
0xc: {  	[smem:$0x3FB2] =	sst s4  }
0xd: {  	[smem:$0x3FB3] =	sst s5  }
0xe: {  	[smem:$0x3FB4] =	sst s6  }
0xf: {  	[smem:$0x3FB5] =	sst s7  }
0x10: {  	[smem:$0x3FB6] =	sst s8  }
0x11: {  	[smem:$0x3FB7] =	sst s9;
	s0 =	simm.s32 @!p0 $0x0  }
0x12: {  	s1 =	sld [smem:$0x3F9D];
	s0 =	simm.s32 @p0 $0x1  }
0x13: {  	[smem:$0x3FB8] =	sst s0;
	s0 =	simm.s32 @!p1 $0x0  }
0x14: {  	s2 =	sld [smem:$0x3F9C];
	s0 =	simm.s32 @p1 $0x1  }
0x15: {  	[smem:$0x3FB9] =	sst s0;
	s0 =	simm.s32 @!p2 $0x0  }
0x16: {  	s3 =	sld [smem:$0x3FDB];
	s0 =	simm.s32 @p2 $0x1  }
0x17: {  	s4 =	simm.s32 $0x1BF5;
	[smem:$0x3FBB] =	sst s0  }
0x18: {  	s0 =	sld [smem:$0x3F9E];
	_ =	swait.ge [sflag:s4], $0x0  }
0x19: {  	s7 =	sld [smem:$0x3F9F]  }
0x1a: {  	s8 =	sadd.s32 $0xFFFFE003, lr  }
0x1b: {  	s9 =	sadd.s32 $0xFFFFFEF7, lr;
	s5 =	simm.s32 $0xFFFFFFFF;
	p2 =	slt.u32 s8, $0xFFFFF086  }
0x1c: {  	p1 =	slt.u32 s9, $0xF7A;
	s5 =	simm.s32 @!p2 $0x0  }
0x1d: {  	s5 =	simm.s32 @p1 $0x1;
	p0 =	seq.s32 s7, s2  }
0x1e: {  	s7 =	smul.u32 @!p0 $0xF7A, s2;
	p2 =	seq.s32 @!p0 s5, $0x0  }
0x1f: {  	s9 =	smul.u32 $0xF7A, s1;
	s8 =	simm.s32 @!p0 $0x1BF5;
	p2 =	por !p2, p0  }
0x20: {  	[sflag:s8] =	ssyncset.s32 @!p0 $0xFFFFF086;
	s6 =	sadd.s32 @!p0 s3, s7;
	s7 =	simm.s32 @!p0 $0x108  }
0x21: {  	s3 =	sadd.s32 s3, s9;
	s6 =	sadd.s32 @!p0 $0x88, s6;
	s7 =	simm.s32 @p2 $0x1082  }
0x22: {  	[simem:s7], [sflag:s8] =	dma.local @!p0 [hbm:s6], $0xF7A  }
0x23: {  	s9 =	sor.u32 $0xD0000000, s2;
	s6 =	simm.s32 $0x108;
	_ =	swait.ge @!p0 [sflag:s8], $0x0  }
0x24: {  	s3 =	sadd.s32 $0x88, s3;
	s6 =	simm.s32 @!p1 $0x1082;
	[sflag:s4] =	ssyncset.s32 $0xFFFFF086  }
0x25: {  	[simem:s6], [sflag:s4] =	dma.local [hbm:s3], $0xF7A  }
0x26: {  	[smem:$0x3F9F] =	sst s1;
	(tag) =	ssettag s2;
	_ =	strace s9  }
0x27: {  	s1 =	sld [smem:$0x3FAF]  }
0x28: {  	s2 =	sld [smem:$0x3FB0]  }
0x29: {  	s4 =	sld [smem:$0x3FB2]  }
0x2a: {  	p0 =	seq.s32 s5, $0x0;
	s5 =	sld [smem:$0x3FB3]  }
0x2b: {  	s6 =	sld [smem:$0x3FB4]  }
0x2c: {  	s7 =	sld [smem:$0x3FB5]  }
0x2d: {  	s3 =	simm.s32 $0x108;
	s8 =	sld [smem:$0x3FB6]  }
0x2e: {  	s3 =	simm.s32 @!p0 $0x1082;
	s9 =	sld [smem:$0x3FB7]  }
0x2f: {  	lr =	sadd.s32 s0, s3;
	s0 =	sld [smem:$0x3FAE]  }
0x30: {  	s3 =	sld [smem:$0x3FB1]  }
0x31: {  	[smem:$0x3FBA] =	sst s10  }
0x32: {  	s10 =	sld [smem:$0x3FB8];
	_ =	sdelay $0x3  }
0x33: {  	p0 =	seq.s32 s10, $0x1;
	s10 =	sld [smem:$0x3FBA];
	_ =	sdelay $0x3  }
0x34: {  	[smem:$0x3FBA] =	sst s10  }
0x35: {  	s10 =	sld [smem:$0x3FB9];
	_ =	sdelay $0x3  }
0x36: {  	p1 =	seq.s32 s10, $0x1;
	s10 =	sld [smem:$0x3FBA];
	_ =	sdelay $0x3  }
0x37: {  	[smem:$0x3FBA] =	sst s10  }
0x38: {  	s10 =	sld [smem:$0x3FBB]  }
0x39: {  	_ = 	snop;
	(pc) =	sbr.ind lr, $3  }
0x3a: {  	_ = 	snop  }
0x3b: {  	_ = 	snop  }
0x3c: {  	p2 =	seq.s32 s10, $0x1;
	s10 =	sld [smem:$0x3FBA]  }
0x3d: {  	_ =	shalt  }
0x3e: {  	_ =	shalt  }
0x3f: {  	_ =	shalt  }
0x40: {  	_ =	shalt  }
0x41: {  	_ =	shalt  }
0x42: {  	_ =	shalt  }
0x43: {  	_ =	shalt  }
0x44: {  	_ =	shalt  }
0x45: {  	_ =	shalt  }
0x46: {  	_ =	shalt  }
0x47: {  	_ =	shalt  }
0x48: {  	_ =	shalt  }
0x49: {  	_ =	shalt  }
0x4a: {  	_ =	shalt  }
0x4b: {  	_ =	shalt  }
0x4c: {  	_ =	shalt  }
0x4d: {  	_ =	shalt  }
0x4e: {  	_ =	shalt  }
0x4f: {  	_ =	shalt  }
0x50: {  	_ =	shalt  }
0x51: {  	_ =	shalt  }
0x52: {  	_ =	shalt  }
0x53: {  	_ =	shalt  }
0x54: {  	_ =	shalt  }
0x55: {  	_ =	shalt  }
0x56: {  	_ =	shalt  }
0x57: {  	_ =	shalt  }
0x58: {  	_ =	shalt  }
0x59: {  	_ =	shalt  }
0x5a: {  	_ =	shalt  }
0x5b: {  	_ =	shalt  }
0x5c: {  	_ =	shalt  }
0x5d: {  	_ =	shalt  }
0x5e: {  	_ =	shalt  }
0x5f: {  	_ =	shalt  }
0x60: {  	_ =	shalt  }
0x61: {  	_ =	shalt  }
0x62: {  	_ =	shalt  }
0x63: {  	_ =	shalt  }
0x64: {  	_ =	shalt  }
0x65: {  	_ =	shalt  }
0x66: {  	_ =	shalt  }
0x67: {  	_ =	shalt  }
0x68: {  	_ =	shalt  }
0x69: {  	_ =	shalt  }
0x6a: {  	_ =	shalt  }
0x6b: {  	_ =	shalt  }
0x6c: {  	_ =	shalt  }
0x6d: {  	_ =	shalt  }
0x6e: {  	_ =	shalt  }
0x6f: {  	_ =	shalt  }
0x70: {  	_ =	shalt  }
0x71: {  	_ =	shalt  }
0x72: {  	_ =	shalt  }
0x73: {  	_ =	shalt  }
0x74: {  	_ =	shalt  }
0x75: {  	_ =	shalt  }
0x76: {  	_ =	shalt  }
0x77: {  	_ =	shalt  }
0x78: {  	_ =	shalt  }
0x79: {  	_ =	shalt  }
0x7a: {  	_ =	shalt  }
0x7b: {  	_ =	shalt  }
0x7c: {  	_ =	shalt  }
0x7d: {  	_ =	shalt  }
0x7e: {  	_ =	shalt  }
0x7f: {  	_ =	shalt  }
0x80: {  	_ =	shalt  }
0x81: {  	_ =	shalt  }
0x82: {  	_ =	shalt  }
0x83: {  	_ =	shalt  }
0x84: {  	_ =	shalt  }
0x85: {  	_ =	shalt  }
0x86: {  	_ =	shalt  }
0x87: {  	_ =	shalt  }
.Lfunc_end0:
.L_simem_size_0:
called_computation.1_lowered:
.L_overlay_start_0:
0x88: {  	s2 =	sld [smem:$0x3FD9]  }
0x89: {  	s3 =	sld [smem:$0x3FFE];
	_ =	sdelay $0x1  }
0x8a: {  	s1 =	srdreg.scid  }
0x8b: {  	s0 =	sand.u32 $0x1, s1  }
0x8c: {  	s17 =	sshll.u32 s0, $0xA;
	s2 =	sadd.s32 s3, s2  }
0x8d: {  	s2 =	sadd.s32 s2, s17  }
0x8e: {  	[smem:$0x3FC6] =	sst s2  }
0x8f: {  	_ = 	snop  }
0x90: {  	s2 =	sld [smem:$0x3FD0];
	(tm) =	ssettm $0x1  }
0x91: {  	s18 =	sld [smem:$0x3FFB];
	_ =	sdelay $0x3  }
0x92: {  	_ =	strace s18  }
0x93: {  	s3 =	sld [smem:$0x3FFC];
	_ =	sdelay $0x3  }
0x94: {  	_ =	strace s3  }
0x95: {  	s3 =	sld [smem:$0x3FFD];
	_ =	sdelay $0x3  }
0x96: {  	_ =	strace s3  }
0x97: {  	_ =	strace $0x8FFFFFFF  }
0x98: {  	s19 =	sld [smem:$0x3FDB];
	_ =	sdelay $0x1  }
0x99: {  	s4 =	simm.s32 $_scs_section_size  }
0x9a: {  	s5 =	simm.s32 $_size__tile_overlayer_lowered;
	s6 =	simm.s32 $_tile_overlayer_lowered  }
0x9b: {  	s22 =	simm.s32 $0x1BFF;
	s21 =	sshll.u32 s6, $0x1;
	s3 =	sadd.s32 s4, s19  }
0x9c: {  	s7 =	simm.s32 $0x0;
	s20 =	sshll.u32 s5, $0x1;
	s5 =	sadd.s32 s21, s3  }
0x9d: {  	[timem:s7], [sflag:s22] =	dma.local [hbm:s5], s20  }
0x9e: {  	_ =	swait.ge [sflag:s22], s20  }
0x9f: {  	s4 =	ssub.s32 $0x0, s20;
	[sflag:s22] =	ssyncset.done $0x0  }
0xa0: {  	[sflag:s22] =	ssyncadd.s32 s4;
	_ =	sdelay $0x1  }
0xa1: {  	s23 =	simm.s32 $0x1B8B  }
0xa2: {  	_ =	swait.ge [sflag:s23], $0x1  }
0xa3: {  	[sflag:s23] =	ssyncset.done $0x0  }
0xa4: {  	s25 =	simm.s32 $0x1B8E;
	s24 =	sld [smem:$0x3FFE];
	[sflag:s23] =	ssyncadd.s32 $0xFFFFFFFF  }
0xa5: {  	s26 =	simm.s32 $execute0_lowered;
	[smem:$0x3FD2] =	sst s25  }
0xa6: {  	s5 =	sshll.u32 s26, $0x1;
	_ =	strace $0x80000049;
	[dreg:$0x1] =	wrdreg $0xFFFFFFFF  }
0xa7: {  	s28 =	simm.s32 $_size_execute0_lowered;
	s3 =	sadd.s32 s3, s5;
	[dreg:$0x0] =	wrdreg $0x0  }
0xa8: {  	s5 =	sshll.u32 s28, $0x1;
	[dreg:$0x2] =	wrdreg s3  }
0xa9: {  	[dreg:$0x3] =	wrdreg s5  }
0xaa: {  	[dreg:$0x4] =	wrdreg $0xC0  }
0xab: {  	_ =	task [dreg:s7], $0x5FFFF  }
0xac: {  	[dreg:$0x1] =	wrdreg $0xFFFFFFFF  }
0xad: {  	[dreg:$0x0] =	wrdreg $0x60  }
0xae: {  	[dreg:$0x2] =	wrdreg s24  }
0xaf: {  	[dreg:$0x3] =	wrdreg s2  }
0xb0: {  	[dreg:$0x4] =	wrdreg $0x9  }
0xb1: {  	_ =	task.clear_ibuf [dreg:s7], $0x5FFFF;
	_ =	strace $0x90000049  }
0xb2: {  	s29 =	simm.s32 $0x9;
	_ =	strace $0x8000004B  }
0xb3: {  	_ =	swait.ge [sflag:s29], $0x1  }
0xb4: {  	[sflag:s29] =	ssyncadd.s32 $0xFFFFFFFF  }
0xb5: {  	_ =	strace $0x9000004B  }
0xb6: {  	_ =	sfence  }
0xb7: {  	s30 =	sld [smem:$0x0];
	_ =	sdelay $0x2  }
0xb8: {  	s31 =	sshll.u32 s1, $0xD;
	s1 =	sshrl.u32 s1, $0x2  }
0xb9: {  	s3 =	sand.u32 $0x4000, s31;
	s1 =	sadd.s32 s1, s30  }
0xba: {  	s0 =	sor.u32 s3, s0;
	s1 =	sshll.u32 s1, $0x11  }
0xbb: {  	s0 =	sor.u32 s1, s0  }
0xbc: {  	s0 =	sadd.s32 $0x8F2B, s0  }
0xbd: {  	[sflag:s0] =	ssyncadd.remote.s32 $0x1  }
0xbe: {  	_ =	sfence.sel $0xFFFF  }
0xbf: {  	[dreg:$0x0] =	wrdreg $0xFFFFFFFF;
	(pc) =	sbr.abs _section_cstart, $3  }
0xc0: {  	[dreg:$0x1] =	wrdreg $0xFFFFFFFF  }
0xc1: {  	_ =	task.clear_ibuf [dreg:s7], $0x2FFFF;
	_ =	strace $0x9FFFFFFF  }
0xc2: {  	(tm) =	ssettm $0x7FFFFFFF  }
0xc3: {  	_ =	shalt  }
tec
execute0_lowered:
.L_overlay_start_1:
0x0: {  	(tag) =	ssettag $0x1  }
0x1: {  	s4 =	rddreg [dreg:$0x0];
	s1 =	srdreg.scid  }
0x2: {  	s0 =	stileid.u32;
	s2 =	rddreg [dreg:$0x1];
	s3 =	simm.s32 $0x0  }
0x3: {  	s9 =	simm.s32 $0x80;
	s10 =	simm.s32 $0x6400;
	s11 =	simm.s32 $0xC800  }
0x4: {  	s12 =	simm.s32 $0x6480;
	s13 =	simm.s32 $0x10800;
	s14 =	simm.s32 $0x3  }
0x5: {  	s15 =	simm.s32 $0x14800;
	s16 =	simm.s32 $0x1A800;
	s17 =	simm.s32 $0x18800  }
0x6: {  	s18 =	simm.s32 $0x400;
	s19 =	simm.s32 $0x8000;
	s20 =	simm.s32 $0x4  }
0x7: {  	s21 =	simm.s32 $0x5;
	s22 =	simm.s32 $0x2;
	s23 =	simm.s32 $0x1  }
0x8: {  	v0 =	vlaneseq.u32;
	s24 =	simm.s32 $0x0;
	s5 =	sand.u32 $0x1, s1;
	s6 =	sshll.u32 s0, $0x1  }
.Ltmp0:
0x9: {  	s1 =	rddreg [dreg:$0x2];
	v1 =	vmul.u32 $0x80, v0;
	v9 =	vor.u32 $0x10, v0;
	v10 =	vor.u32 $0x20, v0;
	s6 =	sor.u32 s5, s6;
	(pc) =	sbr.rel .LBB2_1-.Ltmp0, $4  }
0xa: {  	[smem:$0x7FF] =	sst s3;
	v11 =	vor.u32 $0x30, v0;
	v12 =	vor.u32 $0x40, v0;
	v13 =	vor.u32 $0x50, v0;
	s5 =	ssub.s32 $0x2, s5;
	s7 =	smul.u32 $0xC80, s6  }
0xb: {  	v14 =	vor.u32 $0x60, v0;
	v15 =	vor.u32 $0x70, v0;
	_ =	strace $0x8000004A;
	s8 =	sshrl.u32 s5, $0x1;
	s6 =	smul.u32 $0xC8, s6;
	v2 =	vor.u32 $0x800, v1  }
0xc: {  	v3 =	vor.u32 $0x1000, v1;
	v4 =	vor.u32 $0x1800, v1;
	v5 =	vor.u32 $0x2000, v1;
	s8 =	ssub.s32 s5, s8;
	s7 =	sadd.s32 s7, s4;
	s4 =	sadd.s32 $0xA00, s4  }
0xd: {  	v6 =	vor.u32 $0x2800, v1;
	v7 =	vor.u32 $0x3000, v1;
	v8 =	vor.u32 $0x3800, v1;
	s5 =	sadd.s32 $0x7A1C00, s7;
	s7 =	smax.u32 s8, $0x1;
	s8 =	simm.s32 $0x6  }
.LBB2_29:
0xe: {  	s24 =	sadd.s32 $0x1, s24  }
0xf: {  	_ =	swait.ge [sflag:s20], $0x2000;
	p0 =	sne.s32 s24, s7  }
.Ltmp1:
0x10: {  	[sflag:s20] =	ssyncset.done $0x0;
	(pc) =	sbr.rel @!p0 .LBB2_30-.Ltmp1, $4  }
0x11: {  	[sflag:s20] =	ssyncadd.s32 $0xFFFFE000  }
0x12: {  	_ =	swait.ge [sflag:s21], $0x2000  }
0x13: {  	[sflag:s21] =	ssyncset.done $0x0  }
0x14: {  	[sflag:s21] =	ssyncadd.s32 $0xFFFFE000  }
.LBB2_1:
0x15: {  	[tilespmem:s3], [sflag:$0x6] =	stream.linear.gather [hbm4b:s5+s3], $0x6400, $0x38;
	[tilespmem:$0x1C800] =	vst v63  }
0x16: {  	_ =	swait.ge [sflag:s8], $0x6400  }
0x17: {  	[sflag:s8] =	ssyncset.done $0x0  }
0x18: {  	s25 =	simm.s32 $0x0;
	[sflag:s8] =	ssyncadd.s32 $0xFFFF9C00  }
0x19: {  	s26 =	simm.s32 $0x40;
	v16 =	vld [tilespmem:s25+$0x0]  }
.LBB2_2:
0x1a: {  	p0 =	sne.s32 s26, $0x18FC0  }
.Ltmp2:
0x1b: {  	_ = 	snop;
	(pc) =	sbr.rel @p0 .LBB2_2-.Ltmp2, $3  }
0x1c: {  	_ =	sdelay $0x1  }
0x1d: {  	s28 =	sshra.s32 s26, $0x2;
	s26 =	sadd.s32 $0x40, s26;
	v17 =	vshrl.u32 v16, $0x1  }
0x1e: {  	v16 =	vld [tilespmem:s28+$0x0];
	[tilespmem:s25+$0x6400] =	vst v17;
	s25 =	smov.u32 s28  }
0x1f: {  	_ =	sdelay $0x3  }
.Ltmp3:
0x20: {  	v16 =	vshrl.u32 v16, $0x1;
	(pc) =	sbr.rel .LBB2_4-.Ltmp3, $4  }
0x21: {  	[tilespmem:s25+$0x6400] =	vst v16  }
0x22: {  	[tilespmem:s11], [sflag:$0x1] =	stream.indirect.gather [hbm4b:s4+s9], $0x80, s10, s9, $0xb8;
	[tilespmem:$0x1C800] =	vst v63  }
0x23: {  	s25 =	simm.s32 $0x0  }
0x24: {  	[tilespmem:s13], [sflag:$0x2] =	stream.indirect.gather [hbm4b:s4+s9], $0x80, s12, s9, $0xb8;
	[tilespmem:$0x1C800] =	vst v63  }
.LBB2_27:
0x25: {  	s26 =	sadd.s32 s6, s25  }
0x26: {  	s28 =	sshll.u32 s26, $0x7  }
0x27: {  	s26 =	sshll.u32 s26, $0xA;
	s28 =	sand.u32 $0xF80, s28  }
0x28: {  	s26 =	sand.u32 $0xFFF8000, s26;
	s28 =	sadd.s32 s2, s28  }
0x29: {  	s26 =	sadd.s32 s26, s28  }
0x2a: {  	[hbm4b:s26+s18] =	stream.strided.scatter [tilespmem:s16], [sflag:$0x5], $0x2000, s19, s18, $0x38;
	[tilespmem:$0x1C800] =	vst v63  }
.LBB2_28:
0x2b: {  	s25 =	sadd.s32 $0x1, s25  }
0x2c: {  	p0 =	sne.s32 s25, $0xC8  }
.Ltmp4:
0x2d: {  	_ = 	snop;
	(pc) =	sbr.rel @!p0 .LBB2_29-.Ltmp4, $1  }
0x2e: {  	_ =	sdelay $0x3  }
.LBB2_4:
0x2f: {  	s26 =	smul.u32 $0xAB, s25;
	_ =	sdelay $0x1  }
0x30: {  	s26 =	sshrl.u32 s26, $0x9  }
0x31: {  	s26 =	sand.u32 $0x7F, s26  }
0x32: {  	s26 =	smul.u32 $0x3, s26;
	_ =	sdelay $0x1  }
0x33: {  	s26 =	ssub.s32 s25, s26  }
0x34: {  	s28 =	sand.u32 $0xFF, s26  }
0x35: {  	p1 =	seq.s32 s28, $0x2  }
.Ltmp5:
0x36: {  	_ = 	snop;
	(pc) =	sbr.rel @p1 .LBB2_20-.Ltmp5, $3  }
0x37: {  	_ =	sdelay $0x1  }
0x38: {  	s26 =	sand.u32 $0x1, s25  }
0x39: {  	p0 =	seq.s32 s26, $0x1  }
0x3a: {  	p1 =	seq.s32 s28, $0x1  }
.Ltmp6:
0x3b: {  	_ = 	snop;
	(pc) =	sbr.rel @!p1 .LBB2_6-.Ltmp6, $1  }
0x3c: {  	_ =	sdelay $0x3  }
.Ltmp7:
0x3d: {  	(pc) =	sbr.rel @p0 .LBB2_17-.Ltmp7, $1  }
0x3e: {  	_ =	sdelay $0x3  }
0x3f: {  	p0 =	sgt.u32 s25, $0xC5  }
0x40: {  	s28 =	sshll.u32 @!p0 s25, $0x7  }
0x41: {  	s28 =	sand.u32 @!p0 $0x3FFFFF80, s28  }
0x42: {  	s29 =	simm.s32 @!p0 $0x80;
	s30 =	simm.s32 @!p0 $0xC800;
	s28 =	sadd.s32 @!p0 $0x6500, s28  }
0x43: {  	[tilespmem:s30], [sflag:$0x1] =	stream.indirect.gather @!p0 [hbm4b:s4+s29], $0x80, s28, s29, $0xb8;
	[tilespmem:$0x1C800] =	vst v63  }
0x44: {  	_ =	swait.ge [sflag:s22], $0x4000  }
0x45: {  	p0 =	slt.u32 s25, $0x2;
	[sflag:s22] =	ssyncset.done $0x0  }
0x46: {  	s28 =	simm.s32 @!p0 $0x4;
	[sflag:s22] =	ssyncadd.s32 $0xFFFFC000  }
0x47: {  	_ =	swait.ge @!p0 [sflag:s28], $0x2000  }
0x48: {  	s31 =	sshll.u32 s25, $0x7;
	[sflag:s28] =	ssyncset.done @!p0 $0x0  }
0x49: {  	[sflag:s28] =	ssyncadd.s32 @!p0 $0xFFFFE000;
	s28 =	sand.u32 $0x3FFFFF80, s31  }
0x4a: {  	v16 =	vld [tilespmem:s28+$0x0];
	_ =	sdelay $0x4  }
0x4b: {  	s30 =	simm.s32 $0x0;
	v16 =	vshll.u32 v16, $0x6  }
0x4c: {  	v18 =	vadd.s32 s30, v0;
	s31 =	simm.s32 $0x2;
	v17 =	vld [tilespmem:s28+$0x10];
	v16 =	vand.u32 $0x40, v16  }
0x4d: {  	v39 =	vand.u32 $0x3F, v18;
	v18 =	vadd.s32 s31, v0;
	v16 =	vor.u32 v1, v16  }
0x4e: {  	s30 =	simm.s32 $0x1;
	v38 =	vand.u32 $0x3F, v18;
	v20 =	vor.u32 v39, v16  }
0x4f: {  	v21 =	vadd.s32 s30, v0;
	v19 =	vld [tilespmem:s28+$0x20];
	s31 =	simm.s32 $0x3;
	v22 =	vor.u32 v38, v16  }
0x50: {  	v41 =	vand.u32 $0x3F, v21;
	v23 =	vld [tilespmem:s28+$0x40];
	v21 =	vadd.s32 s31, v0  }
0x51: {  	v24 =	vld [tilespmem:s28+$0x50];
	v36 =	vand.u32 $0x3F, v21;
	v17 =	vshll.u32 v17, $0x6;
	v25 =	vor.u32 v41, v16  }
0x52: {  	v35 =	vshll.u32 v39, $0x7;
	v30 =	vld [tilespmem:s28+$0x70];
	v17 =	vand.u32 $0x40, v17;
	v26 =	vor.u32 v36, v16  }
0x53: {  	v27 =	vor.u32 v0, v35;
	v34 =	vshll.u32 v38, $0x7;
	v17 =	vor.u32 v2, v17;
	v20 =	vld.idx.msk [tilespmem:v20+s13+$0x0], $0xffff  }
0x54: {  	v29 =	vor.u32 v0, v34;
	v28 =	vor.u32 v39, v17;
	v22 =	vld.idx.msk [tilespmem:v22+s13+$0x0], $0xffff  }
0x55: {  	v40 =	vshll.u32 v41, $0x7;
	v18 =	vld [tilespmem:s28+$0x30];
	v31 =	vor.u32 v38, v17  }
0x56: {  	v32 =	vor.u32 v0, v40;
	v37 =	vshll.u32 v36, $0x7;
	v25 =	vld.idx.msk [tilespmem:v25+s13+$0x0], $0xffff  }
0x57: {  	v42 =	vor.u32 v0, v37;
	v19 =	vshll.u32 v19, $0x6;
	v33 =	vor.u32 v41, v17;
	v26 =	vld.idx.msk [tilespmem:v26+s13+$0x0], $0xffff  }
0x58: {  	v21 =	vld [tilespmem:s28+$0x60];
	v19 =	vand.u32 $0x40, v19;
	[tilespmem:v27+s17+$0x0] =	vst.idx.msk $0xffff, v20;
	v20 =	vor.u32 v36, v17  }
0x59: {  	v19 =	vor.u32 v3, v19;
	[tilespmem:v29+s17+$0x0] =	vst.idx.msk $0xffff, v22;
	v27 =	vld.idx.msk [tilespmem:v28+s13+$0x0], $0xffff;
	v28 =	vor.u32 v9, v35  }
0x5a: {  	v43 =	vor.u32 v9, v34;
	v29 =	vor.u32 v39, v19;
	v31 =	vld.idx.msk [tilespmem:v31+s13+$0x0], $0xffff  }
0x5b: {  	[tilespmem:v32+s17+$0x0] =	vst.idx.msk $0xffff, v25;
	v25 =	vor.u32 v38, v19  }
0x5c: {  	v52 =	vor.u32 v9, v40;
	v18 =	vshll.u32 v18, $0x6;
	[tilespmem:v42+s17+$0x0] =	vst.idx.msk $0xffff, v26;
	v32 =	vld.idx.msk [tilespmem:v33+s13+$0x0], $0xffff  }
0x5d: {  	v22 =	vshll.u32 v23, $0x6;
	v23 =	vor.u32 v41, v19;
	v26 =	vor.u32 v9, v37;
	v20 =	vld.idx.msk [tilespmem:v20+s13+$0x0], $0xffff  }
0x5e: {  	v18 =	vand.u32 $0x40, v18;
	v53 =	vand.u32 $0x40, v22;
	[tilespmem:v28+s17+$0x0] =	vst.idx.msk $0xffff, v27;
	v27 =	vor.u32 v36, v19  }
0x5f: {  	v22 =	vor.u32 v4, v18;
	v28 =	vor.u32 v10, v35;
	[tilespmem:v43+s17+$0x0] =	vst.idx.msk $0xffff, v31;
	v18 =	vld.idx.msk [tilespmem:v29+s13+$0x0], $0xffff  }
0x60: {  	v61 =	vor.u32 v12, v35;
	v44 =	vor.u32 v10, v40;
	v31 =	vor.u32 v10, v34;
	v25 =	vld.idx.msk [tilespmem:v25+s13+$0x0], $0xffff  }
0x61: {  	v48 =	vor.u32 v11, v40;
	v55 =	vor.u32 v38, v22;
	[tilespmem:v52+s17+$0x0] =	vst.idx.msk $0xffff, v32  }
0x62: {  	v24 =	vshll.u32 v24, $0x6;
	v29 =	vor.u32 v39, v22;
	v23 =	vld.idx.msk [tilespmem:v23+s13+$0x0], $0xffff;
	[tilespmem:v26+s17+$0x0] =	vst.idx.msk $0xffff, v20  }
0x63: {  	v30 =	vshll.u32 v30, $0x6;
	v54 =	vand.u32 $0x40, v24;
	v26 =	vld.idx.msk [tilespmem:v27+s13+$0x0], $0xffff;
	v27 =	vor.u32 v10, v37  }
0x64: {  	v30 =	vand.u32 $0x40, v30;
	v24 =	vor.u32 v5, v53;
	[tilespmem:v28+s17+$0x0] =	vst.idx.msk $0xffff, v18;
	v28 =	vor.u32 v36, v22  }
0x65: {  	v18 =	vor.u32 v8, v30;
	v30 =	vor.u32 v41, v22;
	[tilespmem:v31+s17+$0x0] =	vst.idx.msk $0xffff, v25  }
0x66: {  	s28 =	simm.s32 $0x4;
	v58 =	vor.u32 v11, v34;
	v57 =	vor.u32 v11, v37;
	v31 =	vor.u32 v38, v24;
	v32 =	vld.idx.msk [tilespmem:v55+s13+$0x0], $0xffff  }
0x67: {  	v21 =	vshll.u32 v21, $0x6;
	[tilespmem:v44+s17+$0x0] =	vst.idx.msk $0xffff, v23;
	v23 =	vor.u32 v11, v35;
	v25 =	vadd.s32 s28, v0;
	s28 =	simm.s32 $0x5;
	v29 =	vld.idx.msk [tilespmem:v29+s13+$0x0], $0xffff  }
0x68: {  	v59 =	vor.u32 v39, v24;
	v25 =	vand.u32 $0x3F, v25;
	[tilespmem:v27+s17+$0x0] =	vst.idx.msk $0xffff, v26;
	v26 =	vadd.s32 s28, v0  }
0x69: {  	v56 =	vand.u32 $0x40, v21;
	v47 =	vor.u32 v25, v16;
	v45 =	vld.idx.msk [tilespmem:v28+s13+$0x0], $0xffff;
	v28 =	vand.u32 $0x3F, v26  }
0x6a: {  	v21 =	vor.u32 v6, v54;
	v53 =	vor.u32 v12, v34;
	s28 =	simm.s32 $0x6;
	v49 =	vld.idx.msk [tilespmem:v30+s13+$0x0], $0xffff;
	v50 =	vor.u32 v28, v16  }
0x6b: {  	v46 =	vor.u32 v36, v24;
	v51 =	vor.u32 v41, v24;
	v26 =	vadd.s32 s28, v0;
	[tilespmem:v58+s17+$0x0] =	vst.idx.msk $0xffff, v32  }
0x6c: {  	v43 =	vor.u32 v38, v21;
	s28 =	simm.s32 $0x7;
	v30 =	vand.u32 $0x3F, v26;
	[tilespmem:v23+s17+$0x0] =	vst.idx.msk $0xffff, v29;
	v52 =	vld.idx.msk [tilespmem:v31+s13+$0x0], $0xffff  }
0x6d: {  	v20 =	vor.u32 v7, v56;
	v26 =	vadd.s32 s28, v0;
	v42 =	vor.u32 v30, v16;
	v44 =	vld.idx.msk [tilespmem:v59+s13+$0x0], $0xffff  }
0x6e: {  	v23 =	vshll.u32 v25, $0x7;
	v27 =	vshll.u32 v28, $0x7;
	v29 =	vand.u32 $0x3F, v26;
	v60 =	vld.idx.msk [tilespmem:v47+s13+$0x0], $0xffff  }
0x6f: {  	v55 =	vor.u32 v0, v23;
	v54 =	vor.u32 v29, v16;
	[tilespmem:v48+s17+$0x0] =	vst.idx.msk $0xffff, v49;
	v50 =	vld.idx.msk [tilespmem:v50+s13+$0x0], $0xffff  }
0x70: {  	v62 =	vor.u32 v25, v17;
	v63 =	vor.u32 v0, v27;
	[tilespmem:v57+s17+$0x0] =	vst.idx.msk $0xffff, v45;
	v51 =	vld.idx.msk [tilespmem:v51+s13+$0x0], $0xffff  }
0x71: {  	v56 =	vor.u32 v28, v17;
	v26 =	vshll.u32 v30, $0x7;
	v57 =	vor.u32 v12, v40;
	v46 =	vld.idx.msk [tilespmem:v46+s13+$0x0], $0xffff  }
0x72: {  	v59 =	vor.u32 v39, v21;
	v47 =	vor.u32 v12, v37;
	v42 =	vld.idx.msk [tilespmem:v42+s13+$0x0], $0xffff;
	[tilespmem:v53+s17+$0x0] =	vst.idx.msk $0xffff, v52  }
0x73: {  	v31 =	vshll.u32 v29, $0x7;
	v58 =	vor.u32 v0, v26;
	[tilespmem:v61+s17+$0x0] =	vst.idx.msk $0xffff, v44;
	v43 =	vld.idx.msk [tilespmem:v43+s13+$0x0], $0xffff  }
0x74: {  	v44 =	vor.u32 v41, v21;
	[tilespmem:v55+s17+$0x0] =	vst.idx.msk $0xffff, v60;
	v52 =	vor.u32 v13, v34;
	v45 =	vld.idx.msk [tilespmem:v54+s13+$0x0], $0xffff  }
0x75: {  	v53 =	vor.u32 v36, v21;
	v48 =	vld.idx.msk [tilespmem:v62+s13+$0x0], $0xffff;
	v54 =	vor.u32 v9, v23;
	[tilespmem:v63+s17+$0x0] =	vst.idx.msk $0xffff, v50  }
0x76: {  	v49 =	vor.u32 v30, v17;
	v50 =	vor.u32 v0, v31;
	[tilespmem:v57+s17+$0x0] =	vst.idx.msk $0xffff, v51  }
0x77: {  	v60 =	vor.u32 v25, v19;
	v61 =	vor.u32 v9, v27;
	[tilespmem:v47+s17+$0x0] =	vst.idx.msk $0xffff, v46;
	v55 =	vld.idx.msk [tilespmem:v56+s13+$0x0], $0xffff  }
0x78: {  	v63 =	vor.u32 v13, v35;
	v56 =	vor.u32 v29, v17;
	[tilespmem:v58+s17+$0x0] =	vst.idx.msk $0xffff, v42;
	v42 =	vld.idx.msk [tilespmem:v59+s13+$0x0], $0xffff  }
0x79: {  	v62 =	vor.u32 v28, v19;
	v46 =	vor.u32 v13, v40;
	v44 =	vld.idx.msk [tilespmem:v44+s13+$0x0], $0xffff;
	[tilespmem:v52+s17+$0x0] =	vst.idx.msk $0xffff, v43  }
0x7a: {  	v32 =	vor.u32 v30, v24;
	v47 =	vor.u32 v39, v20;
	v43 =	vld.idx.msk [tilespmem:v53+s13+$0x0], $0xffff;
	[tilespmem:v54+s17+$0x0] =	vst.idx.msk $0xffff, v48  }
0x7b: {  	v49 =	vld.idx.msk [tilespmem:v49+s13+$0x0], $0xffff;
	v48 =	vor.u32 v9, v26;
	v53 =	vor.u32 v38, v20;
	[tilespmem:v50+s17+$0x0] =	vst.idx.msk $0xffff, v45  }
0x7c: {  	v54 =	vor.u32 v30, v19;
	v51 =	vld.idx.msk [tilespmem:v60+s13+$0x0], $0xffff;
	v60 =	vor.u32 v10, v23;
	[tilespmem:v61+s17+$0x0] =	vst.idx.msk $0xffff, v55  }
0x7d: {  	v45 =	vor.u32 v41, v20;
	v50 =	vor.u32 v13, v37;
	v52 =	vld.idx.msk [tilespmem:v56+s13+$0x0], $0xffff;
	[tilespmem:v63+s17+$0x0] =	vst.idx.msk $0xffff, v42  }
0x7e: {  	v55 =	vor.u32 v9, v31;
	[tilespmem:v46+s17+$0x0] =	vst.idx.msk $0xffff, v44;
	v44 =	vor.u32 v36, v20;
	v57 =	vld.idx.msk [tilespmem:v62+s13+$0x0], $0xffff  }
0x7f: {  	v33 =	vor.u32 v11, v31;
	v61 =	vor.u32 v29, v19;
	v63 =	vor.u32 v10, v27;
	v47 =	vld.idx.msk [tilespmem:v47+s13+$0x0], $0xffff  }
0x80: {  	v46 =	vor.u32 v14, v35;
	v62 =	vor.u32 v25, v22;
	[tilespmem:v48+s17+$0x0] =	vst.idx.msk $0xffff, v49;
	v53 =	vld.idx.msk [tilespmem:v53+s13+$0x0], $0xffff  }
0x81: {  	v48 =	vor.u32 v39, v18;
	v54 =	vld.idx.msk [tilespmem:v54+s13+$0x0], $0xffff;
	[tilespmem:v60+s17+$0x0] =	vst.idx.msk $0xffff, v51;
	v51 =	vor.u32 v10, v26  }
0x82: {  	v42 =	vor.u32 v30, v22;
	v45 =	vld.idx.msk [tilespmem:v45+s13+$0x0], $0xffff;
	[tilespmem:v50+s17+$0x0] =	vst.idx.msk $0xffff, v43;
	v50 =	vor.u32 v14, v40  }
0x83: {  	v41 =	vor.u32 v41, v18;
	[tilespmem:v55+s17+$0x0] =	vst.idx.msk $0xffff, v52;
	v52 =	vor.u32 v14, v34;
	v39 =	vld.idx.msk [tilespmem:v44+s13+$0x0], $0xffff  }
0x84: {  	v55 =	vor.u32 v38, v18;
	v56 =	vld.idx.msk [tilespmem:v61+s13+$0x0], $0xffff;
	[tilespmem:v63+s17+$0x0] =	vst.idx.msk $0xffff, v57;
	v57 =	vor.u32 v10, v31  }
0x85: {  	v59 =	vor.u32 v11, v23;
	v60 =	vor.u32 v29, v22;
	v58 =	vld.idx.msk [tilespmem:v62+s13+$0x0], $0xffff;
	[tilespmem:v46+s17+$0x0] =	vst.idx.msk $0xffff, v47  }
0x86: {  	v49 =	vor.u32 v14, v37;
	v43 =	vor.u32 v36, v18;
	v48 =	vld.idx.msk [tilespmem:v48+s13+$0x0], $0xffff;
	[tilespmem:v51+s17+$0x0] =	vst.idx.msk $0xffff, v54  }
0x87: {  	v44 =	vor.u32 v15, v40;
	v38 =	vor.u32 v15, v35;
	v51 =	vld.idx.msk [tilespmem:v42+s13+$0x0], $0xffff;
	[tilespmem:v50+s17+$0x0] =	vst.idx.msk $0xffff, v45  }
0x88: {  	v40 =	vor.u32 v28, v22;
	v46 =	vor.u32 v15, v34;
	v47 =	vld.idx.msk [tilespmem:v41+s13+$0x0], $0xffff;
	[tilespmem:v52+s17+$0x0] =	vst.idx.msk $0xffff, v53  }
0x89: {  	v42 =	vor.u32 v15, v37;
	v45 =	vor.u32 v30, v21;
	v41 =	vld.idx.msk [tilespmem:v55+s13+$0x0], $0xffff;
	[tilespmem:v57+s17+$0x0] =	vst.idx.msk $0xffff, v56  }
0x8a: {  	s28 =	simm.s32 $0x8;
	v50 =	vor.u32 v29, v24;
	v53 =	vor.u32 v11, v26;
	[tilespmem:v59+s17+$0x0] =	vst.idx.msk $0xffff, v58;
	v52 =	vld.idx.msk [tilespmem:v60+s13+$0x0], $0xffff  }
.LBB2_15:
0x8b: {  	s29 =	sadd.s32 $0x1, s28;
	v54 =	vor.u32 v25, v24;
	v55 =	vor.u32 v28, v24  }
0x8c: {  	v37 =	vadd.s32 s28, v0;
	p0 =	slt.u32 s28, $0x3C;
	[tilespmem:v49+s17+$0x0] =	vst.idx.msk $0xffff, v39;
	v39 =	vmovc v29;
	v36 =	vmovc v27;
	v35 =	vmov v26;
	v34 =	vmov v31;
	s30 =	smov.u32 s28;
	s28 =	sadd.s32 $0x4, s28  }
0x8d: {  	v37 =	vand.u32 $0x3F, v37;
	v26 =	vadd.s32 s29, v0;
	s29 =	sadd.s32 $0x2, s30;
	v49 =	vor.u32 v11, v36;
	[tilespmem:v38+s17+$0x0] =	vst.idx.msk $0xffff, v48;
	v43 =	vld.idx.msk [tilespmem:v43+s13+$0x0], $0xffff  }
0x8e: {  	v48 =	vor.u32 v37, v16;
	v38 =	vand.u32 $0x3F, v26;
	v26 =	vadd.s32 s29, v0;
	s29 =	sadd.s32 $0x3, s30;
	v56 =	vld.idx.msk [tilespmem:v40+s13+$0x0], $0xffff;
	[tilespmem:v44+s17+$0x0] =	vst.idx.msk $0xffff, v47  }
0x8f: {  	v44 =	vor.u32 v38, v16;
	v40 =	vand.u32 $0x3F, v26;
	v26 =	vadd.s32 s29, v0;
	[tilespmem:v46+s17+$0x0] =	vst.idx.msk $0xffff, v41  }
0x90: {  	v41 =	vshll.u32 v37, $0x7;
	v46 =	vor.u32 v40, v16;
	v29 =	vand.u32 $0x3F, v26;
	[tilespmem:v53+s17+$0x0] =	vst.idx.msk $0xffff, v51  }
0x91: {  	v27 =	vshll.u32 v38, $0x7;
	v26 =	vshll.u32 v40, $0x7;
	v47 =	vor.u32 v29, v16;
	v51 =	vld.idx.msk [tilespmem:v32+s13+$0x0], $0xffff;
	[tilespmem:v33+s17+$0x0] =	vst.idx.msk $0xffff, v52  }
0x92: {  	v53 =	vor.u32 v12, v35;
	v32 =	vor.u32 v40, v24;
	v31 =	vshll.u32 v29, $0x7;
	v52 =	vld.idx.msk [tilespmem:v54+s13+$0x0], $0xffff  }
0x93: {  	v33 =	vor.u32 v11, v31;
	v54 =	vor.u32 v12, v23;
	v48 =	vld.idx.msk [tilespmem:v48+s13+$0x0], $0xffff;
	[tilespmem:v42+s17+$0x0] =	vst.idx.msk $0xffff, v43  }
0x94: {  	v42 =	vor.u32 v0, v41;
	v43 =	vld.idx.msk [tilespmem:v44+s13+$0x0], $0xffff;
	[tilespmem:v49+s17+$0x0] =	vst.idx.msk $0xffff, v56  }
0x95: {  	v44 =	vor.u32 v37, v17;
	v49 =	vor.u32 v0, v27;
	v56 =	vor.u32 v39, v20;
	v55 =	vld.idx.msk [tilespmem:v55+s13+$0x0], $0xffff  }
0x96: {  	v58 =	vor.u32 v12, v36;
	v59 =	vor.u32 v13, v36;
	v57 =	vor.u32 v38, v17;
	v46 =	vld.idx.msk [tilespmem:v46+s13+$0x0], $0xffff  }
0x97: {  	v61 =	vor.u32 v25, v21;
	v60 =	vor.u32 v0, v26;
	[tilespmem:v53+s17+$0x0] =	vst.idx.msk $0xffff, v51;
	v50 =	vld.idx.msk [tilespmem:v50+s13+$0x0], $0xffff  }
0x98: {  	v51 =	vor.u32 v28, v21;
	[tilespmem:v54+s17+$0x0] =	vst.idx.msk $0xffff, v52;
	v45 =	vld.idx.msk [tilespmem:v45+s13+$0x0], $0xffff;
	v52 =	vor.u32 v12, v34  }
0x99: {  	[tilespmem:v42+s17+$0x0] =	vst.idx.msk $0xffff, v48;
	v42 =	vld.idx.msk [tilespmem:v47+s13+$0x0], $0xffff;
	v47 =	vor.u32 v13, v35;
	v48 =	vor.u32 v39, v21  }
0x9a: {  	v44 =	vld.idx.msk [tilespmem:v44+s13+$0x0], $0xffff;
	[tilespmem:v49+s17+$0x0] =	vst.idx.msk $0xffff, v43;
	v43 =	vor.u32 v40, v17;
	v49 =	vor.u32 v0, v31  }
0x9b: {  	v53 =	vor.u32 v9, v41;
	v54 =	vld.idx.msk [tilespmem:v57+s13+$0x0], $0xffff;
	v57 =	vor.u32 v29, v17;
	[tilespmem:v58+s17+$0x0] =	vst.idx.msk $0xffff, v55  }
0x9c: {  	v55 =	vor.u32 v37, v19;
	v58 =	vor.u32 v9, v27;
	[tilespmem:v60+s17+$0x0] =	vst.idx.msk $0xffff, v46;
	v46 =	vld.idx.msk [tilespmem:v61+s13+$0x0], $0xffff  }
0x9d: {  	v60 =	vor.u32 v38, v19;
	v61 =	vor.u32 v13, v23;
	v51 =	vld.idx.msk [tilespmem:v51+s13+$0x0], $0xffff;
	[tilespmem:v52+s17+$0x0] =	vst.idx.msk $0xffff, v50  }
0x9e: {  	v50 =	vor.u32 v25, v20;
	v52 =	vor.u32 v14, v36;
	[tilespmem:v47+s17+$0x0] =	vst.idx.msk $0xffff, v45;
	v45 =	vld.idx.msk [tilespmem:v48+s13+$0x0], $0xffff  }
0x9f: {  	v47 =	vor.u32 v13, v34;
	v43 =	vld.idx.msk [tilespmem:v43+s13+$0x0], $0xffff;
	[tilespmem:v49+s17+$0x0] =	vst.idx.msk $0xffff, v42;
	v42 =	vor.u32 v28, v20  }
0xa0: {  	v49 =	vor.u32 v30, v20;
	[tilespmem:v53+s17+$0x0] =	vst.idx.msk $0xffff, v44;
	v44 =	vor.u32 v9, v26;
	v48 =	vld.idx.msk [tilespmem:v57+s13+$0x0], $0xffff  }
0xa1: {  	v53 =	vld.idx.msk [tilespmem:v55+s13+$0x0], $0xffff;
	[tilespmem:v58+s17+$0x0] =	vst.idx.msk $0xffff, v54;
	v54 =	vor.u32 v40, v19;
	v55 =	vor.u32 v9, v31  }
0xa2: {  	v57 =	vor.u32 v10, v41;
	v58 =	vld.idx.msk [tilespmem:v60+s13+$0x0], $0xffff;
	v60 =	vor.u32 v29, v19;
	[tilespmem:v61+s17+$0x0] =	vst.idx.msk $0xffff, v46  }
0xa3: {  	v46 =	vor.u32 v37, v22;
	v61 =	vor.u32 v10, v27;
	v50 =	vld.idx.msk [tilespmem:v50+s13+$0x0], $0xffff;
	[tilespmem:v59+s17+$0x0] =	vst.idx.msk $0xffff, v51  }
0xa4: {  	v51 =	vor.u32 v14, v23;
	v59 =	vor.u32 v28, v18;
	v42 =	vld.idx.msk [tilespmem:v42+s13+$0x0], $0xffff;
	[tilespmem:v47+s17+$0x0] =	vst.idx.msk $0xffff, v45  }
0xa5: {  	v62 =	vor.u32 v30, v18;
	v25 =	vor.u32 v25, v18;
	[tilespmem:v44+s17+$0x0] =	vst.idx.msk $0xffff, v43;
	v45 =	vld.idx.msk [tilespmem:v49+s13+$0x0], $0xffff  }
0xa6: {  	v30 =	vor.u32 v14, v35;
	v49 =	vor.u32 v14, v34;
	v54 =	vld.idx.msk [tilespmem:v54+s13+$0x0], $0xffff;
	[tilespmem:v55+s17+$0x0] =	vst.idx.msk $0xffff, v48  }
0xa7: {  	v43 =	vor.u32 v39, v18;
	[tilespmem:v57+s17+$0x0] =	vst.idx.msk $0xffff, v53;
	v53 =	vor.u32 v10, v26;
	v55 =	vld.idx.msk [tilespmem:v60+s13+$0x0], $0xffff  }
0xa8: {  	v60 =	vor.u32 v10, v31;
	v57 =	vld.idx.msk [tilespmem:v46+s13+$0x0], $0xffff;
	[tilespmem:v61+s17+$0x0] =	vst.idx.msk $0xffff, v58;
	v58 =	vor.u32 v40, v22  }
0xa9: {  	v63 =	vor.u32 v29, v22;
	v61 =	vor.u32 v11, v41;
	[tilespmem:v51+s17+$0x0] =	vst.idx.msk $0xffff, v50;
	v39 =	vld.idx.msk [tilespmem:v56+s13+$0x0], $0xffff  }
.Ltmp8:
0xaa: {  	v28 =	vmov v38;
	v44 =	vor.u32 v15, v36;
	v48 =	vld.idx.msk [tilespmem:v25+s13+$0x0], $0xffff;
	[tilespmem:v52+s17+$0x0] =	vst.idx.msk $0xffff, v42;
	v25 =	vmov v37;
	(pc) =	sbr.rel @p0 .LBB2_15-.Ltmp8, $4  }
0xab: {  	v38 =	vor.u32 v15, v23;
	v23 =	vmov v41;
	v47 =	vld.idx.msk [tilespmem:v59+s13+$0x0], $0xffff;
	[tilespmem:v30+s17+$0x0] =	vst.idx.msk $0xffff, v45;
	v30 =	vmov v40  }
0xac: {  	v46 =	vor.u32 v15, v35;
	v40 =	vor.u32 v28, v22;
	[tilespmem:v53+s17+$0x0] =	vst.idx.msk $0xffff, v54;
	v41 =	vld.idx.msk [tilespmem:v62+s13+$0x0], $0xffff  }
0xad: {  	v42 =	vor.u32 v15, v34;
	v45 =	vor.u32 v30, v21;
	v51 =	vld.idx.msk [tilespmem:v58+s13+$0x0], $0xffff;
	[tilespmem:v60+s17+$0x0] =	vst.idx.msk $0xffff, v55  }
0xae: {  	v50 =	vor.u32 v29, v24;
	v53 =	vor.u32 v11, v26;
	[tilespmem:v61+s17+$0x0] =	vst.idx.msk $0xffff, v57;
	v52 =	vld.idx.msk [tilespmem:v63+s13+$0x0], $0xffff  }
0xaf: {  	_ =	sdelay $0x3  }
0xb0: {  	v16 =	vor.u32 v25, v24;
	v17 =	vor.u32 v11, v27;
	v19 =	vld.idx.msk [tilespmem:v40+s13+$0x0], $0xffff;
	_ =	sdelay $0x1  }
0xb1: {  	v22 =	vor.u32 v28, v24  }
0xb2: {  	[tilespmem:v53+s17+$0x0] =	vst.idx.msk $0xffff, v51  }
0xb3: {  	v59 =	vor.u32 v12, v26;
	v32 =	vld.idx.msk [tilespmem:v32+s13+$0x0], $0xffff;
	[tilespmem:v33+s17+$0x0] =	vst.idx.msk $0xffff, v52  }
0xb4: {  	v16 =	vld.idx.msk [tilespmem:v16+s13+$0x0], $0xffff;
	[tilespmem:v17+s17+$0x0] =	vst.idx.msk $0xffff, v19;
	v17 =	vor.u32 v12, v23  }
0xb5: {  	v58 =	vor.u32 v25, v21;
	v36 =	vor.u32 v12, v31;
	v35 =	vld.idx.msk [tilespmem:v50+s13+$0x0], $0xffff  }
0xb6: {  	v57 =	vor.u32 v12, v27;
	v60 =	vor.u32 v29, v21;
	v19 =	vld.idx.msk [tilespmem:v22+s13+$0x0], $0xffff  }
0xb7: {  	v34 =	vor.u32 v28, v21  }
0xb8: {  	[tilespmem:v59+s17+$0x0] =	vst.idx.msk $0xffff, v32  }
0xb9: {  	v63 =	vor.u32 v13, v26;
	[tilespmem:v17+s17+$0x0] =	vst.idx.msk $0xffff, v16;
	v32 =	vld.idx.msk [tilespmem:v45+s13+$0x0], $0xffff  }
0xba: {  	v50 =	vor.u32 v30, v20;
	v17 =	vor.u32 v13, v23;
	[tilespmem:v36+s17+$0x0] =	vst.idx.msk $0xffff, v35;
	v16 =	vld.idx.msk [tilespmem:v58+s13+$0x0], $0xffff  }
0xbb: {  	v62 =	vor.u32 v25, v20;
	v45 =	vor.u32 v13, v31;
	[tilespmem:v57+s17+$0x0] =	vst.idx.msk $0xffff, v19;
	v21 =	vld.idx.msk [tilespmem:v60+s13+$0x0], $0xffff  }
0xbc: {  	v61 =	vor.u32 v13, v27;
	v51 =	vor.u32 v29, v20;
	v22 =	vld.idx.msk [tilespmem:v34+s13+$0x0], $0xffff  }
0xbd: {  	v40 =	vor.u32 v28, v20;
	[tilespmem:v49+s17+$0x0] =	vst.idx.msk $0xffff, v39  }
0xbe: {  	[tilespmem:v63+s17+$0x0] =	vst.idx.msk $0xffff, v32  }
0xbf: {  	v56 =	vor.u32 v14, v26;
	[tilespmem:v17+s17+$0x0] =	vst.idx.msk $0xffff, v16;
	v55 =	vld.idx.msk [tilespmem:v50+s13+$0x0], $0xffff  }
0xc0: {  	v57 =	vor.u32 v30, v18;
	v17 =	vor.u32 v14, v23;
	[tilespmem:v45+s17+$0x0] =	vst.idx.msk $0xffff, v21;
	v16 =	vld.idx.msk [tilespmem:v62+s13+$0x0], $0xffff  }
0xc1: {  	v53 =	vor.u32 v25, v18;
	v58 =	vor.u32 v14, v31;
	[tilespmem:v61+s17+$0x0] =	vst.idx.msk $0xffff, v22;
	v20 =	vld.idx.msk [tilespmem:v51+s13+$0x0], $0xffff  }
0xc2: {  	[tilespmem:v38+s17+$0x0] =	vst.idx.msk $0xffff, v48;
	v52 =	vor.u32 v14, v27;
	v59 =	vor.u32 v29, v18;
	v22 =	vld.idx.msk [tilespmem:v40+s13+$0x0], $0xffff  }
0xc3: {  	v54 =	vor.u32 v28, v18;
	[tilespmem:v44+s17+$0x0] =	vst.idx.msk $0xffff, v47  }
0xc4: {  	v60 =	vld.idx.msk [tilespmem:v43+s13+$0x0], $0xffff;
	[tilespmem:v56+s17+$0x0] =	vst.idx.msk $0xffff, v55  }
0xc5: {  	v62 =	vor.u32 v15, v26;
	[tilespmem:v17+s17+$0x0] =	vst.idx.msk $0xffff, v16;
	v21 =	vld.idx.msk [tilespmem:v57+s13+$0x0], $0xffff  }
0xc6: {  	v17 =	vor.u32 v15, v23;
	[tilespmem:v58+s17+$0x0] =	vst.idx.msk $0xffff, v20;
	v16 =	vld.idx.msk [tilespmem:v53+s13+$0x0], $0xffff  }
0xc7: {  	v63 =	vor.u32 v15, v31;
	[tilespmem:v52+s17+$0x0] =	vst.idx.msk $0xffff, v22;
	v18 =	vld.idx.msk [tilespmem:v59+s13+$0x0], $0xffff  }
0xc8: {  	[tilespmem:v46+s17+$0x0] =	vst.idx.msk $0xffff, v41;
	v61 =	vor.u32 v15, v27;
	v22 =	vld.idx.msk [tilespmem:v54+s13+$0x0], $0xffff  }
0xc9: {  	s28 =	sadd.s32 s6, s25;
	p0 =	seq.s32 s26, $0x0;
	[tilespmem:v42+s17+$0x0] =	vst.idx.msk $0xffff, v60  }
.Ltmp9:
0xca: {  	s29 =	sshll.u32 s28, $0x7;
	[tilespmem:v62+s17+$0x0] =	vst.idx.msk $0xffff, v21;
	(pc) =	sbr.rel @p0 .LBB2_28-.Ltmp9, $4  }
0xcb: {  	s28 =	sshll.u32 s28, $0xA;
	s29 =	sand.u32 $0xF00, s29;
	[tilespmem:v17+s17+$0x0] =	vst.idx.msk $0xffff, v16  }
0xcc: {  	s28 =	sand.u32 $0xFFF8000, s28;
	s29 =	sadd.s32 s2, s29;
	[tilespmem:v63+s17+$0x0] =	vst.idx.msk $0xffff, v18  }
0xcd: {  	s28 =	sadd.s32 s28, s29;
	[tilespmem:v61+s17+$0x0] =	vst.idx.msk $0xffff, v22  }
0xce: {  	[hbm4b:s28+s18] =	stream.strided.scatter [tilespmem:s17], [sflag:$0x4], $0x2000, s19, s18, $0x38;
	[tilespmem:$0x1C800] =	vst v63  }
.LBB2_17:
0xcf: {  	p0 =	sgt.u32 s25, $0xC5  }
0xd0: {  	s26 =	sshll.u32 @!p0 s25, $0x7  }
0xd1: {  	s26 =	sand.u32 @!p0 $0x3FFFFF80, s26  }
0xd2: {  	s28 =	simm.s32 @!p0 $0x80;
	s29 =	simm.s32 @!p0 $0xC800;
	s26 =	sadd.s32 @!p0 $0x6500, s26  }
0xd3: {  	[tilespmem:s29], [sflag:$0x1] =	stream.indirect.gather @!p0 [hbm4b:s4+s28], $0x80, s26, s28, $0xb8;
	[tilespmem:$0x1C800] =	vst v63  }
0xd4: {  	_ =	swait.ge [sflag:s22], $0x4000  }
0xd5: {  	p0 =	slt.u32 s25, $0x2;
	[sflag:s22] =	ssyncset.done $0x0  }
0xd6: {  	s26 =	simm.s32 @!p0 $0x5;
	[sflag:s22] =	ssyncadd.s32 $0xFFFFC000  }
0xd7: {  	_ =	swait.ge @!p0 [sflag:s26], $0x2000  }
0xd8: {  	s30 =	sshll.u32 s25, $0x7;
	[sflag:s26] =	ssyncset.done @!p0 $0x0  }
0xd9: {  	[sflag:s26] =	ssyncadd.s32 @!p0 $0xFFFFE000;
	s26 =	sand.u32 $0x3FFFFF80, s30  }
0xda: {  	v16 =	vld [tilespmem:s26+$0x0];
	_ =	sdelay $0x4  }
0xdb: {  	s31 =	simm.s32 $0x0;
	v16 =	vshll.u32 v16, $0x6  }
0xdc: {  	v18 =	vadd.s32 s31, v0;
	s29 =	simm.s32 $0x2;
	v17 =	vld [tilespmem:s26+$0x10];
	v16 =	vand.u32 $0x40, v16  }
0xdd: {  	v39 =	vand.u32 $0x3F, v18;
	v18 =	vadd.s32 s29, v0;
	v16 =	vor.u32 v1, v16  }
0xde: {  	v38 =	vand.u32 $0x3F, v18;
	s30 =	simm.s32 $0x1;
	v20 =	vor.u32 v39, v16  }
0xdf: {  	s31 =	simm.s32 $0x3;
	v19 =	vld [tilespmem:s26+$0x20];
	v21 =	vadd.s32 s30, v0;
	v22 =	vor.u32 v38, v16  }
0xe0: {  	v18 =	vld [tilespmem:s26+$0x30];
	v41 =	vand.u32 $0x3F, v21;
	v21 =	vadd.s32 s31, v0  }
0xe1: {  	v23 =	vld [tilespmem:s26+$0x40];
	v36 =	vand.u32 $0x3F, v21;
	v17 =	vshll.u32 v17, $0x6;
	v25 =	vor.u32 v41, v16  }
0xe2: {  	v35 =	vshll.u32 v39, $0x7;
	v24 =	vld [tilespmem:s26+$0x50];
	v17 =	vand.u32 $0x40, v17;
	v26 =	vor.u32 v36, v16  }
0xe3: {  	v27 =	vor.u32 v0, v35;
	v34 =	vshll.u32 v38, $0x7;
	v17 =	vor.u32 v2, v17;
	v20 =	vld.idx.msk [tilespmem:v20+s13+$0x0], $0xffff  }
0xe4: {  	v29 =	vor.u32 v0, v34;
	v28 =	vor.u32 v39, v17;
	v22 =	vld.idx.msk [tilespmem:v22+s13+$0x0], $0xffff  }
0xe5: {  	v30 =	vld [tilespmem:s26+$0x70];
	v40 =	vshll.u32 v41, $0x7;
	v31 =	vor.u32 v38, v17  }
0xe6: {  	v37 =	vshll.u32 v36, $0x7;
	v32 =	vor.u32 v0, v40;
	v25 =	vld.idx.msk [tilespmem:v25+s13+$0x0], $0xffff  }
0xe7: {  	v42 =	vor.u32 v0, v37;
	v19 =	vshll.u32 v19, $0x6;
	v33 =	vor.u32 v41, v17;
	v26 =	vld.idx.msk [tilespmem:v26+s13+$0x0], $0xffff  }
0xe8: {  	v21 =	vld [tilespmem:s26+$0x60];
	v19 =	vand.u32 $0x40, v19;
	[tilespmem:v27+s16+$0x0] =	vst.idx.msk $0xffff, v20;
	v20 =	vor.u32 v36, v17  }
0xe9: {  	v19 =	vor.u32 v3, v19;
	[tilespmem:v29+s16+$0x0] =	vst.idx.msk $0xffff, v22;
	v27 =	vld.idx.msk [tilespmem:v28+s13+$0x0], $0xffff;
	v28 =	vor.u32 v9, v35  }
0xea: {  	v43 =	vor.u32 v9, v34;
	v29 =	vor.u32 v39, v19;
	v31 =	vld.idx.msk [tilespmem:v31+s13+$0x0], $0xffff  }
0xeb: {  	[tilespmem:v32+s16+$0x0] =	vst.idx.msk $0xffff, v25;
	v25 =	vor.u32 v38, v19  }
0xec: {  	v52 =	vor.u32 v9, v40;
	v18 =	vshll.u32 v18, $0x6;
	[tilespmem:v42+s16+$0x0] =	vst.idx.msk $0xffff, v26;
	v32 =	vld.idx.msk [tilespmem:v33+s13+$0x0], $0xffff  }
0xed: {  	v22 =	vshll.u32 v23, $0x6;
	v23 =	vor.u32 v41, v19;
	v26 =	vor.u32 v9, v37;
	v20 =	vld.idx.msk [tilespmem:v20+s13+$0x0], $0xffff  }
0xee: {  	v18 =	vand.u32 $0x40, v18;
	v53 =	vand.u32 $0x40, v22;
	[tilespmem:v28+s16+$0x0] =	vst.idx.msk $0xffff, v27;
	v27 =	vor.u32 v36, v19  }
0xef: {  	v22 =	vor.u32 v4, v18;
	v28 =	vor.u32 v10, v35;
	[tilespmem:v43+s16+$0x0] =	vst.idx.msk $0xffff, v31;
	v18 =	vld.idx.msk [tilespmem:v29+s13+$0x0], $0xffff  }
0xf0: {  	v61 =	vor.u32 v12, v35;
	v58 =	vor.u32 v11, v34;
	v31 =	vor.u32 v10, v34;
	v25 =	vld.idx.msk [tilespmem:v25+s13+$0x0], $0xffff  }
0xf1: {  	v44 =	vor.u32 v10, v40;
	v55 =	vor.u32 v38, v22;
	[tilespmem:v52+s16+$0x0] =	vst.idx.msk $0xffff, v32  }
0xf2: {  	v24 =	vshll.u32 v24, $0x6;
	v29 =	vor.u32 v39, v22;
	v23 =	vld.idx.msk [tilespmem:v23+s13+$0x0], $0xffff;
	[tilespmem:v26+s16+$0x0] =	vst.idx.msk $0xffff, v20  }
0xf3: {  	v30 =	vshll.u32 v30, $0x6;
	v54 =	vand.u32 $0x40, v24;
	v26 =	vld.idx.msk [tilespmem:v27+s13+$0x0], $0xffff;
	v27 =	vor.u32 v10, v37  }
0xf4: {  	v30 =	vand.u32 $0x40, v30;
	v24 =	vor.u32 v5, v53;
	[tilespmem:v28+s16+$0x0] =	vst.idx.msk $0xffff, v18;
	v28 =	vor.u32 v36, v22  }
0xf5: {  	v18 =	vor.u32 v8, v30;
	v30 =	vor.u32 v41, v22;
	[tilespmem:v31+s16+$0x0] =	vst.idx.msk $0xffff, v25  }
0xf6: {  	s28 =	simm.s32 $0x4;
	v48 =	vor.u32 v11, v40;
	v57 =	vor.u32 v11, v37;
	v31 =	vor.u32 v38, v24;
	v32 =	vld.idx.msk [tilespmem:v55+s13+$0x0], $0xffff  }
0xf7: {  	s29 =	simm.s32 $0x5;
	v21 =	vshll.u32 v21, $0x6;
	[tilespmem:v44+s16+$0x0] =	vst.idx.msk $0xffff, v23;
	v23 =	vor.u32 v11, v35;
	v25 =	vadd.s32 s28, v0;
	v29 =	vld.idx.msk [tilespmem:v29+s13+$0x0], $0xffff  }
0xf8: {  	v59 =	vor.u32 v39, v24;
	v25 =	vand.u32 $0x3F, v25;
	[tilespmem:v27+s16+$0x0] =	vst.idx.msk $0xffff, v26;
	v26 =	vadd.s32 s29, v0  }
0xf9: {  	v56 =	vand.u32 $0x40, v21;
	v47 =	vor.u32 v25, v16;
	v45 =	vld.idx.msk [tilespmem:v28+s13+$0x0], $0xffff;
	v28 =	vand.u32 $0x3F, v26  }
0xfa: {  	s30 =	simm.s32 $0x6;
	v21 =	vor.u32 v6, v54;
	v53 =	vor.u32 v12, v34;
	v49 =	vld.idx.msk [tilespmem:v30+s13+$0x0], $0xffff;
	v50 =	vor.u32 v28, v16  }
0xfb: {  	v46 =	vor.u32 v36, v24;
	v51 =	vor.u32 v41, v24;
	v26 =	vadd.s32 s30, v0;
	[tilespmem:v58+s16+$0x0] =	vst.idx.msk $0xffff, v32  }
0xfc: {  	s31 =	simm.s32 $0x7;
	v43 =	vor.u32 v38, v21;
	v30 =	vand.u32 $0x3F, v26;
	[tilespmem:v23+s16+$0x0] =	vst.idx.msk $0xffff, v29;
	v52 =	vld.idx.msk [tilespmem:v31+s13+$0x0], $0xffff  }
0xfd: {  	v20 =	vor.u32 v7, v56;
	v26 =	vadd.s32 s31, v0;
	v42 =	vor.u32 v30, v16;
	v44 =	vld.idx.msk [tilespmem:v59+s13+$0x0], $0xffff  }
0xfe: {  	v23 =	vshll.u32 v25, $0x7;
	v27 =	vshll.u32 v28, $0x7;
	v29 =	vand.u32 $0x3F, v26;
	v60 =	vld.idx.msk [tilespmem:v47+s13+$0x0], $0xffff  }
0xff: {  	v55 =	vor.u32 v0, v23;
	v54 =	vor.u32 v29, v16;
	[tilespmem:v48+s16+$0x0] =	vst.idx.msk $0xffff, v49;
	v50 =	vld.idx.msk [tilespmem:v50+s13+$0x0], $0xffff  }
0x100: {  	v62 =	vor.u32 v25, v17;
	v63 =	vor.u32 v0, v27;
	[tilespmem:v57+s16+$0x0] =	vst.idx.msk $0xffff, v45;
	v51 =	vld.idx.msk [tilespmem:v51+s13+$0x0], $0xffff  }
0x101: {  	v56 =	vor.u32 v28, v17;
	v26 =	vshll.u32 v30, $0x7;
	v57 =	vor.u32 v12, v40;
	v46 =	vld.idx.msk [tilespmem:v46+s13+$0x0], $0xffff  }
0x102: {  	v59 =	vor.u32 v39, v21;
	v47 =	vor.u32 v12, v37;
	v42 =	vld.idx.msk [tilespmem:v42+s13+$0x0], $0xffff;
	[tilespmem:v53+s16+$0x0] =	vst.idx.msk $0xffff, v52  }
0x103: {  	v31 =	vshll.u32 v29, $0x7;
	v58 =	vor.u32 v0, v26;
	[tilespmem:v61+s16+$0x0] =	vst.idx.msk $0xffff, v44;
	v43 =	vld.idx.msk [tilespmem:v43+s13+$0x0], $0xffff  }
0x104: {  	v44 =	vor.u32 v41, v21;
	[tilespmem:v55+s16+$0x0] =	vst.idx.msk $0xffff, v60;
	v52 =	vor.u32 v13, v34;
	v45 =	vld.idx.msk [tilespmem:v54+s13+$0x0], $0xffff  }
0x105: {  	v53 =	vor.u32 v36, v21;
	v48 =	vld.idx.msk [tilespmem:v62+s13+$0x0], $0xffff;
	v54 =	vor.u32 v9, v23;
	[tilespmem:v63+s16+$0x0] =	vst.idx.msk $0xffff, v50  }
0x106: {  	v49 =	vor.u32 v30, v17;
	v50 =	vor.u32 v0, v31;
	[tilespmem:v57+s16+$0x0] =	vst.idx.msk $0xffff, v51  }
0x107: {  	v60 =	vor.u32 v25, v19;
	v61 =	vor.u32 v9, v27;
	[tilespmem:v47+s16+$0x0] =	vst.idx.msk $0xffff, v46;
	v55 =	vld.idx.msk [tilespmem:v56+s13+$0x0], $0xffff  }
0x108: {  	v63 =	vor.u32 v13, v35;
	v56 =	vor.u32 v29, v17;
	[tilespmem:v58+s16+$0x0] =	vst.idx.msk $0xffff, v42;
	v42 =	vld.idx.msk [tilespmem:v59+s13+$0x0], $0xffff  }
0x109: {  	v62 =	vor.u32 v28, v19;
	v46 =	vor.u32 v13, v40;
	v44 =	vld.idx.msk [tilespmem:v44+s13+$0x0], $0xffff;
	[tilespmem:v52+s16+$0x0] =	vst.idx.msk $0xffff, v43  }
0x10a: {  	v32 =	vor.u32 v30, v24;
	v47 =	vor.u32 v39, v20;
	v43 =	vld.idx.msk [tilespmem:v53+s13+$0x0], $0xffff;
	[tilespmem:v54+s16+$0x0] =	vst.idx.msk $0xffff, v48  }
0x10b: {  	v49 =	vld.idx.msk [tilespmem:v49+s13+$0x0], $0xffff;
	v48 =	vor.u32 v9, v26;
	v53 =	vor.u32 v38, v20;
	[tilespmem:v50+s16+$0x0] =	vst.idx.msk $0xffff, v45  }
0x10c: {  	v54 =	vor.u32 v30, v19;
	v51 =	vld.idx.msk [tilespmem:v60+s13+$0x0], $0xffff;
	v60 =	vor.u32 v10, v23;
	[tilespmem:v61+s16+$0x0] =	vst.idx.msk $0xffff, v55  }
0x10d: {  	v45 =	vor.u32 v41, v20;
	v50 =	vor.u32 v13, v37;
	v52 =	vld.idx.msk [tilespmem:v56+s13+$0x0], $0xffff;
	[tilespmem:v63+s16+$0x0] =	vst.idx.msk $0xffff, v42  }
0x10e: {  	v55 =	vor.u32 v9, v31;
	[tilespmem:v46+s16+$0x0] =	vst.idx.msk $0xffff, v44;
	v44 =	vor.u32 v36, v20;
	v57 =	vld.idx.msk [tilespmem:v62+s13+$0x0], $0xffff  }
0x10f: {  	v33 =	vor.u32 v11, v31;
	v61 =	vor.u32 v29, v19;
	v63 =	vor.u32 v10, v27;
	v47 =	vld.idx.msk [tilespmem:v47+s13+$0x0], $0xffff  }
0x110: {  	v46 =	vor.u32 v14, v35;
	v62 =	vor.u32 v25, v22;
	[tilespmem:v48+s16+$0x0] =	vst.idx.msk $0xffff, v49;
	v53 =	vld.idx.msk [tilespmem:v53+s13+$0x0], $0xffff  }
0x111: {  	v48 =	vor.u32 v39, v18;
	v54 =	vld.idx.msk [tilespmem:v54+s13+$0x0], $0xffff;
	[tilespmem:v60+s16+$0x0] =	vst.idx.msk $0xffff, v51;
	v51 =	vor.u32 v10, v26  }
0x112: {  	v42 =	vor.u32 v30, v22;
	v45 =	vld.idx.msk [tilespmem:v45+s13+$0x0], $0xffff;
	[tilespmem:v50+s16+$0x0] =	vst.idx.msk $0xffff, v43;
	v50 =	vor.u32 v14, v40  }
0x113: {  	v41 =	vor.u32 v41, v18;
	[tilespmem:v55+s16+$0x0] =	vst.idx.msk $0xffff, v52;
	v52 =	vor.u32 v14, v34;
	v39 =	vld.idx.msk [tilespmem:v44+s13+$0x0], $0xffff  }
0x114: {  	v55 =	vor.u32 v38, v18;
	v56 =	vld.idx.msk [tilespmem:v61+s13+$0x0], $0xffff;
	[tilespmem:v63+s16+$0x0] =	vst.idx.msk $0xffff, v57;
	v57 =	vor.u32 v10, v31  }
0x115: {  	v59 =	vor.u32 v11, v23;
	v60 =	vor.u32 v29, v22;
	v58 =	vld.idx.msk [tilespmem:v62+s13+$0x0], $0xffff;
	[tilespmem:v46+s16+$0x0] =	vst.idx.msk $0xffff, v47  }
0x116: {  	v49 =	vor.u32 v14, v37;
	v43 =	vor.u32 v36, v18;
	v48 =	vld.idx.msk [tilespmem:v48+s13+$0x0], $0xffff;
	[tilespmem:v51+s16+$0x0] =	vst.idx.msk $0xffff, v54  }
0x117: {  	v44 =	vor.u32 v15, v40;
	v38 =	vor.u32 v15, v35;
	v51 =	vld.idx.msk [tilespmem:v42+s13+$0x0], $0xffff;
	[tilespmem:v50+s16+$0x0] =	vst.idx.msk $0xffff, v45  }
0x118: {  	v40 =	vor.u32 v28, v22;
	v46 =	vor.u32 v15, v34;
	v47 =	vld.idx.msk [tilespmem:v41+s13+$0x0], $0xffff;
	[tilespmem:v52+s16+$0x0] =	vst.idx.msk $0xffff, v53  }
0x119: {  	v42 =	vor.u32 v15, v37;
	v45 =	vor.u32 v30, v21;
	v41 =	vld.idx.msk [tilespmem:v55+s13+$0x0], $0xffff;
	[tilespmem:v57+s16+$0x0] =	vst.idx.msk $0xffff, v56  }
0x11a: {  	s26 =	simm.s32 $0x8;
	v50 =	vor.u32 v29, v24;
	v53 =	vor.u32 v11, v26;
	[tilespmem:v59+s16+$0x0] =	vst.idx.msk $0xffff, v58;
	v52 =	vld.idx.msk [tilespmem:v60+s13+$0x0], $0xffff  }
.LBB2_18:
0x11b: {  	s28 =	sadd.s32 $0x1, s26;
	v54 =	vor.u32 v25, v24;
	v55 =	vor.u32 v28, v24  }
0x11c: {  	v37 =	vadd.s32 s26, v0;
	p0 =	slt.u32 s26, $0x3C;
	[tilespmem:v49+s16+$0x0] =	vst.idx.msk $0xffff, v39;
	v39 =	vmovc v29;
	v36 =	vmovc v27;
	v35 =	vmov v26;
	v34 =	vmov v31;
	s29 =	smov.u32 s26;
	s26 =	sadd.s32 $0x4, s26  }
0x11d: {  	v37 =	vand.u32 $0x3F, v37;
	v26 =	vadd.s32 s28, v0;
	s28 =	sadd.s32 $0x2, s29;
	v49 =	vor.u32 v11, v36;
	[tilespmem:v38+s16+$0x0] =	vst.idx.msk $0xffff, v48;
	v43 =	vld.idx.msk [tilespmem:v43+s13+$0x0], $0xffff  }
0x11e: {  	v48 =	vor.u32 v37, v16;
	v38 =	vand.u32 $0x3F, v26;
	v26 =	vadd.s32 s28, v0;
	s28 =	sadd.s32 $0x3, s29;
	v56 =	vld.idx.msk [tilespmem:v40+s13+$0x0], $0xffff;
	[tilespmem:v44+s16+$0x0] =	vst.idx.msk $0xffff, v47  }
0x11f: {  	v44 =	vor.u32 v38, v16;
	v40 =	vand.u32 $0x3F, v26;
	v26 =	vadd.s32 s28, v0;
	[tilespmem:v46+s16+$0x0] =	vst.idx.msk $0xffff, v41  }
0x120: {  	v41 =	vshll.u32 v37, $0x7;
	v46 =	vor.u32 v40, v16;
	v29 =	vand.u32 $0x3F, v26;
	[tilespmem:v53+s16+$0x0] =	vst.idx.msk $0xffff, v51  }
0x121: {  	v27 =	vshll.u32 v38, $0x7;
	v26 =	vshll.u32 v40, $0x7;
	v47 =	vor.u32 v29, v16;
	v51 =	vld.idx.msk [tilespmem:v32+s13+$0x0], $0xffff;
	[tilespmem:v33+s16+$0x0] =	vst.idx.msk $0xffff, v52  }
0x122: {  	v53 =	vor.u32 v12, v35;
	v32 =	vor.u32 v40, v24;
	v31 =	vshll.u32 v29, $0x7;
	v52 =	vld.idx.msk [tilespmem:v54+s13+$0x0], $0xffff  }
0x123: {  	v33 =	vor.u32 v11, v31;
	v54 =	vor.u32 v12, v23;
	v48 =	vld.idx.msk [tilespmem:v48+s13+$0x0], $0xffff;
	[tilespmem:v42+s16+$0x0] =	vst.idx.msk $0xffff, v43  }
0x124: {  	v42 =	vor.u32 v0, v41;
	v43 =	vld.idx.msk [tilespmem:v44+s13+$0x0], $0xffff;
	[tilespmem:v49+s16+$0x0] =	vst.idx.msk $0xffff, v56  }
0x125: {  	v44 =	vor.u32 v37, v17;
	v49 =	vor.u32 v0, v27;
	v56 =	vor.u32 v39, v20;
	v55 =	vld.idx.msk [tilespmem:v55+s13+$0x0], $0xffff  }
0x126: {  	v58 =	vor.u32 v12, v36;
	v59 =	vor.u32 v13, v36;
	v57 =	vor.u32 v38, v17;
	v46 =	vld.idx.msk [tilespmem:v46+s13+$0x0], $0xffff  }
0x127: {  	v61 =	vor.u32 v25, v21;
	v60 =	vor.u32 v0, v26;
	[tilespmem:v53+s16+$0x0] =	vst.idx.msk $0xffff, v51;
	v50 =	vld.idx.msk [tilespmem:v50+s13+$0x0], $0xffff  }
0x128: {  	v51 =	vor.u32 v28, v21;
	[tilespmem:v54+s16+$0x0] =	vst.idx.msk $0xffff, v52;
	v45 =	vld.idx.msk [tilespmem:v45+s13+$0x0], $0xffff;
	v52 =	vor.u32 v12, v34  }
0x129: {  	[tilespmem:v42+s16+$0x0] =	vst.idx.msk $0xffff, v48;
	v42 =	vld.idx.msk [tilespmem:v47+s13+$0x0], $0xffff;
	v47 =	vor.u32 v13, v35;
	v48 =	vor.u32 v39, v21  }
0x12a: {  	v44 =	vld.idx.msk [tilespmem:v44+s13+$0x0], $0xffff;
	[tilespmem:v49+s16+$0x0] =	vst.idx.msk $0xffff, v43;
	v43 =	vor.u32 v40, v17;
	v49 =	vor.u32 v0, v31  }
0x12b: {  	v53 =	vor.u32 v9, v41;
	v54 =	vld.idx.msk [tilespmem:v57+s13+$0x0], $0xffff;
	v57 =	vor.u32 v29, v17;
	[tilespmem:v58+s16+$0x0] =	vst.idx.msk $0xffff, v55  }
0x12c: {  	v55 =	vor.u32 v37, v19;
	v58 =	vor.u32 v9, v27;
	[tilespmem:v60+s16+$0x0] =	vst.idx.msk $0xffff, v46;
	v46 =	vld.idx.msk [tilespmem:v61+s13+$0x0], $0xffff  }
0x12d: {  	v60 =	vor.u32 v38, v19;
	v61 =	vor.u32 v13, v23;
	v51 =	vld.idx.msk [tilespmem:v51+s13+$0x0], $0xffff;
	[tilespmem:v52+s16+$0x0] =	vst.idx.msk $0xffff, v50  }
0x12e: {  	v50 =	vor.u32 v25, v20;
	v52 =	vor.u32 v14, v36;
	[tilespmem:v47+s16+$0x0] =	vst.idx.msk $0xffff, v45;
	v45 =	vld.idx.msk [tilespmem:v48+s13+$0x0], $0xffff  }
0x12f: {  	v47 =	vor.u32 v13, v34;
	v43 =	vld.idx.msk [tilespmem:v43+s13+$0x0], $0xffff;
	[tilespmem:v49+s16+$0x0] =	vst.idx.msk $0xffff, v42;
	v42 =	vor.u32 v28, v20  }
0x130: {  	v49 =	vor.u32 v30, v20;
	[tilespmem:v53+s16+$0x0] =	vst.idx.msk $0xffff, v44;
	v44 =	vor.u32 v9, v26;
	v48 =	vld.idx.msk [tilespmem:v57+s13+$0x0], $0xffff  }
0x131: {  	v53 =	vld.idx.msk [tilespmem:v55+s13+$0x0], $0xffff;
	[tilespmem:v58+s16+$0x0] =	vst.idx.msk $0xffff, v54;
	v54 =	vor.u32 v40, v19;
	v55 =	vor.u32 v9, v31  }
0x132: {  	v57 =	vor.u32 v10, v41;
	v58 =	vld.idx.msk [tilespmem:v60+s13+$0x0], $0xffff;
	v60 =	vor.u32 v29, v19;
	[tilespmem:v61+s16+$0x0] =	vst.idx.msk $0xffff, v46  }
0x133: {  	v46 =	vor.u32 v37, v22;
	v61 =	vor.u32 v10, v27;
	v50 =	vld.idx.msk [tilespmem:v50+s13+$0x0], $0xffff;
	[tilespmem:v59+s16+$0x0] =	vst.idx.msk $0xffff, v51  }
0x134: {  	v51 =	vor.u32 v14, v23;
	v59 =	vor.u32 v28, v18;
	v42 =	vld.idx.msk [tilespmem:v42+s13+$0x0], $0xffff;
	[tilespmem:v47+s16+$0x0] =	vst.idx.msk $0xffff, v45  }
0x135: {  	v62 =	vor.u32 v30, v18;
	v25 =	vor.u32 v25, v18;
	[tilespmem:v44+s16+$0x0] =	vst.idx.msk $0xffff, v43;
	v45 =	vld.idx.msk [tilespmem:v49+s13+$0x0], $0xffff  }
0x136: {  	v30 =	vor.u32 v14, v35;
	v49 =	vor.u32 v14, v34;
	v54 =	vld.idx.msk [tilespmem:v54+s13+$0x0], $0xffff;
	[tilespmem:v55+s16+$0x0] =	vst.idx.msk $0xffff, v48  }
0x137: {  	v43 =	vor.u32 v39, v18;
	[tilespmem:v57+s16+$0x0] =	vst.idx.msk $0xffff, v53;
	v53 =	vor.u32 v10, v26;
	v55 =	vld.idx.msk [tilespmem:v60+s13+$0x0], $0xffff  }
0x138: {  	v60 =	vor.u32 v10, v31;
	v57 =	vld.idx.msk [tilespmem:v46+s13+$0x0], $0xffff;
	[tilespmem:v61+s16+$0x0] =	vst.idx.msk $0xffff, v58;
	v58 =	vor.u32 v40, v22  }
0x139: {  	v63 =	vor.u32 v29, v22;
	v61 =	vor.u32 v11, v41;
	[tilespmem:v51+s16+$0x0] =	vst.idx.msk $0xffff, v50;
	v39 =	vld.idx.msk [tilespmem:v56+s13+$0x0], $0xffff  }
.Ltmp10:
0x13a: {  	v28 =	vmov v38;
	v44 =	vor.u32 v15, v36;
	v48 =	vld.idx.msk [tilespmem:v25+s13+$0x0], $0xffff;
	[tilespmem:v52+s16+$0x0] =	vst.idx.msk $0xffff, v42;
	v25 =	vmov v37;
	(pc) =	sbr.rel @p0 .LBB2_18-.Ltmp10, $4  }
0x13b: {  	v38 =	vor.u32 v15, v23;
	v23 =	vmov v41;
	v47 =	vld.idx.msk [tilespmem:v59+s13+$0x0], $0xffff;
	[tilespmem:v30+s16+$0x0] =	vst.idx.msk $0xffff, v45;
	v30 =	vmov v40  }
0x13c: {  	v46 =	vor.u32 v15, v35;
	v40 =	vor.u32 v28, v22;
	[tilespmem:v53+s16+$0x0] =	vst.idx.msk $0xffff, v54;
	v41 =	vld.idx.msk [tilespmem:v62+s13+$0x0], $0xffff  }
0x13d: {  	v42 =	vor.u32 v15, v34;
	v45 =	vor.u32 v30, v21;
	v51 =	vld.idx.msk [tilespmem:v58+s13+$0x0], $0xffff;
	[tilespmem:v60+s16+$0x0] =	vst.idx.msk $0xffff, v55  }
0x13e: {  	v50 =	vor.u32 v29, v24;
	v53 =	vor.u32 v11, v26;
	[tilespmem:v61+s16+$0x0] =	vst.idx.msk $0xffff, v57;
	v52 =	vld.idx.msk [tilespmem:v63+s13+$0x0], $0xffff  }
0x13f: {  	_ =	sdelay $0x3  }
0x140: {  	v16 =	vor.u32 v25, v24;
	v17 =	vor.u32 v11, v27;
	v19 =	vld.idx.msk [tilespmem:v40+s13+$0x0], $0xffff;
	_ =	sdelay $0x1  }
0x141: {  	v22 =	vor.u32 v28, v24  }
0x142: {  	[tilespmem:v53+s16+$0x0] =	vst.idx.msk $0xffff, v51  }
0x143: {  	v59 =	vor.u32 v12, v26;
	v32 =	vld.idx.msk [tilespmem:v32+s13+$0x0], $0xffff;
	[tilespmem:v33+s16+$0x0] =	vst.idx.msk $0xffff, v52  }
0x144: {  	v16 =	vld.idx.msk [tilespmem:v16+s13+$0x0], $0xffff;
	[tilespmem:v17+s16+$0x0] =	vst.idx.msk $0xffff, v19;
	v17 =	vor.u32 v12, v23  }
0x145: {  	v58 =	vor.u32 v25, v21;
	v36 =	vor.u32 v12, v31;
	v35 =	vld.idx.msk [tilespmem:v50+s13+$0x0], $0xffff  }
0x146: {  	v57 =	vor.u32 v12, v27;
	v60 =	vor.u32 v29, v21;
	v19 =	vld.idx.msk [tilespmem:v22+s13+$0x0], $0xffff  }
0x147: {  	v34 =	vor.u32 v28, v21  }
0x148: {  	[tilespmem:v59+s16+$0x0] =	vst.idx.msk $0xffff, v32  }
0x149: {  	v63 =	vor.u32 v13, v26;
	[tilespmem:v17+s16+$0x0] =	vst.idx.msk $0xffff, v16;
	v32 =	vld.idx.msk [tilespmem:v45+s13+$0x0], $0xffff  }
0x14a: {  	v50 =	vor.u32 v30, v20;
	v17 =	vor.u32 v13, v23;
	[tilespmem:v36+s16+$0x0] =	vst.idx.msk $0xffff, v35;
	v16 =	vld.idx.msk [tilespmem:v58+s13+$0x0], $0xffff  }
0x14b: {  	v62 =	vor.u32 v25, v20;
	v45 =	vor.u32 v13, v31;
	[tilespmem:v57+s16+$0x0] =	vst.idx.msk $0xffff, v19;
	v21 =	vld.idx.msk [tilespmem:v60+s13+$0x0], $0xffff  }
0x14c: {  	v61 =	vor.u32 v13, v27;
	v51 =	vor.u32 v29, v20;
	v22 =	vld.idx.msk [tilespmem:v34+s13+$0x0], $0xffff  }
0x14d: {  	v40 =	vor.u32 v28, v20;
	[tilespmem:v49+s16+$0x0] =	vst.idx.msk $0xffff, v39  }
0x14e: {  	[tilespmem:v63+s16+$0x0] =	vst.idx.msk $0xffff, v32  }
0x14f: {  	v56 =	vor.u32 v14, v26;
	[tilespmem:v17+s16+$0x0] =	vst.idx.msk $0xffff, v16;
	v55 =	vld.idx.msk [tilespmem:v50+s13+$0x0], $0xffff  }
0x150: {  	v57 =	vor.u32 v30, v18;
	v17 =	vor.u32 v14, v23;
	[tilespmem:v45+s16+$0x0] =	vst.idx.msk $0xffff, v21;
	v16 =	vld.idx.msk [tilespmem:v62+s13+$0x0], $0xffff  }
0x151: {  	v53 =	vor.u32 v25, v18;
	v58 =	vor.u32 v14, v31;
	[tilespmem:v61+s16+$0x0] =	vst.idx.msk $0xffff, v22;
	v20 =	vld.idx.msk [tilespmem:v51+s13+$0x0], $0xffff  }
0x152: {  	[tilespmem:v38+s16+$0x0] =	vst.idx.msk $0xffff, v48;
	v52 =	vor.u32 v14, v27;
	v59 =	vor.u32 v29, v18;
	v22 =	vld.idx.msk [tilespmem:v40+s13+$0x0], $0xffff  }
0x153: {  	v54 =	vor.u32 v28, v18;
	[tilespmem:v44+s16+$0x0] =	vst.idx.msk $0xffff, v47  }
0x154: {  	v60 =	vld.idx.msk [tilespmem:v43+s13+$0x0], $0xffff;
	[tilespmem:v56+s16+$0x0] =	vst.idx.msk $0xffff, v55  }
0x155: {  	v62 =	vor.u32 v15, v26;
	[tilespmem:v17+s16+$0x0] =	vst.idx.msk $0xffff, v16;
	v21 =	vld.idx.msk [tilespmem:v57+s13+$0x0], $0xffff  }
0x156: {  	v17 =	vor.u32 v15, v23;
	[tilespmem:v58+s16+$0x0] =	vst.idx.msk $0xffff, v20;
	v16 =	vld.idx.msk [tilespmem:v53+s13+$0x0], $0xffff  }
0x157: {  	v63 =	vor.u32 v15, v31;
	[tilespmem:v52+s16+$0x0] =	vst.idx.msk $0xffff, v22;
	v18 =	vld.idx.msk [tilespmem:v59+s13+$0x0], $0xffff  }
0x158: {  	[tilespmem:v46+s16+$0x0] =	vst.idx.msk $0xffff, v41;
	v61 =	vor.u32 v15, v27;
	v22 =	vld.idx.msk [tilespmem:v54+s13+$0x0], $0xffff  }
.Ltmp11:
0x159: {  	[tilespmem:v42+s16+$0x0] =	vst.idx.msk $0xffff, v60;
	(pc) =	sbr.rel .LBB2_27-.Ltmp11, $4  }
0x15a: {  	[tilespmem:v62+s16+$0x0] =	vst.idx.msk $0xffff, v21  }
0x15b: {  	[tilespmem:v17+s16+$0x0] =	vst.idx.msk $0xffff, v16  }
0x15c: {  	[tilespmem:v63+s16+$0x0] =	vst.idx.msk $0xffff, v18  }
0x15d: {  	[tilespmem:v61+s16+$0x0] =	vst.idx.msk $0xffff, v22  }
.LBB2_20:
.Ltmp12:
0x15e: {  	(pc) =	sbr.rel @p0 .LBB2_24-.Ltmp12, $1  }
0x15f: {  	_ =	sdelay $0x3  }
0x160: {  	p0 =	sgt.u32 s25, $0xC5  }
0x161: {  	s28 =	sshll.u32 @!p0 s25, $0x7  }
0x162: {  	s28 =	sand.u32 @!p0 $0x3FFFFF80, s28  }
0x163: {  	s29 =	simm.s32 @!p0 $0x80;
	s30 =	simm.s32 @!p0 $0x10800;
	s28 =	sadd.s32 @!p0 $0x6500, s28  }
0x164: {  	[tilespmem:s30], [sflag:$0x2] =	stream.indirect.gather @!p0 [hbm4b:s4+s29], $0x80, s28, s29, $0xb8;
	[tilespmem:$0x1C800] =	vst v63  }
0x165: {  	_ =	swait.ge [sflag:s14], $0x4000  }
0x166: {  	p0 =	slt.u32 s25, $0x2;
	[sflag:s14] =	ssyncset.done $0x0  }
0x167: {  	s28 =	simm.s32 @!p0 $0x4;
	[sflag:s14] =	ssyncadd.s32 $0xFFFFC000  }
0x168: {  	_ =	swait.ge @!p0 [sflag:s28], $0x2000  }
0x169: {  	s31 =	sshll.u32 s25, $0x7;
	[sflag:s28] =	ssyncset.done @!p0 $0x0  }
0x16a: {  	[sflag:s28] =	ssyncadd.s32 @!p0 $0xFFFFE000;
	s28 =	sand.u32 $0x3FFFFF80, s31  }
0x16b: {  	v16 =	vld [tilespmem:s28+$0x0];
	_ =	sdelay $0x4  }
0x16c: {  	s30 =	simm.s32 $0x0;
	v16 =	vshll.u32 v16, $0x6  }
0x16d: {  	v18 =	vadd.s32 s30, v0;
	s31 =	simm.s32 $0x2;
	v17 =	vld [tilespmem:s28+$0x10];
	v16 =	vand.u32 $0x40, v16  }
0x16e: {  	v39 =	vand.u32 $0x3F, v18;
	v18 =	vadd.s32 s31, v0;
	v16 =	vor.u32 v1, v16  }
0x16f: {  	s30 =	simm.s32 $0x1;
	v38 =	vand.u32 $0x3F, v18;
	v20 =	vor.u32 v39, v16  }
0x170: {  	v21 =	vadd.s32 s30, v0;
	v19 =	vld [tilespmem:s28+$0x20];
	s31 =	simm.s32 $0x3;
	v22 =	vor.u32 v38, v16  }
0x171: {  	v41 =	vand.u32 $0x3F, v21;
	v23 =	vld [tilespmem:s28+$0x40];
	v21 =	vadd.s32 s31, v0  }
0x172: {  	v24 =	vld [tilespmem:s28+$0x50];
	v36 =	vand.u32 $0x3F, v21;
	v17 =	vshll.u32 v17, $0x6;
	v25 =	vor.u32 v41, v16  }
0x173: {  	v35 =	vshll.u32 v39, $0x7;
	v30 =	vld [tilespmem:s28+$0x70];
	v17 =	vand.u32 $0x40, v17;
	v26 =	vor.u32 v36, v16  }
0x174: {  	v27 =	vor.u32 v0, v35;
	v34 =	vshll.u32 v38, $0x7;
	v17 =	vor.u32 v2, v17;
	v20 =	vld.idx.msk [tilespmem:v20+s15+$0x0], $0xffff  }
0x175: {  	v29 =	vor.u32 v0, v34;
	v28 =	vor.u32 v39, v17;
	v22 =	vld.idx.msk [tilespmem:v22+s15+$0x0], $0xffff  }
0x176: {  	v40 =	vshll.u32 v41, $0x7;
	v18 =	vld [tilespmem:s28+$0x30];
	v31 =	vor.u32 v38, v17  }
0x177: {  	v32 =	vor.u32 v0, v40;
	v37 =	vshll.u32 v36, $0x7;
	v25 =	vld.idx.msk [tilespmem:v25+s15+$0x0], $0xffff  }
0x178: {  	v42 =	vor.u32 v0, v37;
	v19 =	vshll.u32 v19, $0x6;
	v33 =	vor.u32 v41, v17;
	v26 =	vld.idx.msk [tilespmem:v26+s15+$0x0], $0xffff  }
0x179: {  	v21 =	vld [tilespmem:s28+$0x60];
	v19 =	vand.u32 $0x40, v19;
	[tilespmem:v27+s17+$0x0] =	vst.idx.msk $0xffff, v20;
	v20 =	vor.u32 v36, v17  }
0x17a: {  	v19 =	vor.u32 v3, v19;
	[tilespmem:v29+s17+$0x0] =	vst.idx.msk $0xffff, v22;
	v27 =	vld.idx.msk [tilespmem:v28+s15+$0x0], $0xffff;
	v28 =	vor.u32 v9, v35  }
0x17b: {  	v43 =	vor.u32 v9, v34;
	v29 =	vor.u32 v39, v19;
	v31 =	vld.idx.msk [tilespmem:v31+s15+$0x0], $0xffff  }
0x17c: {  	[tilespmem:v32+s17+$0x0] =	vst.idx.msk $0xffff, v25;
	v25 =	vor.u32 v38, v19  }
0x17d: {  	v52 =	vor.u32 v9, v40;
	v18 =	vshll.u32 v18, $0x6;
	[tilespmem:v42+s17+$0x0] =	vst.idx.msk $0xffff, v26;
	v32 =	vld.idx.msk [tilespmem:v33+s15+$0x0], $0xffff  }
0x17e: {  	v22 =	vshll.u32 v23, $0x6;
	v23 =	vor.u32 v41, v19;
	v26 =	vor.u32 v9, v37;
	v20 =	vld.idx.msk [tilespmem:v20+s15+$0x0], $0xffff  }
0x17f: {  	v18 =	vand.u32 $0x40, v18;
	v53 =	vand.u32 $0x40, v22;
	[tilespmem:v28+s17+$0x0] =	vst.idx.msk $0xffff, v27;
	v27 =	vor.u32 v36, v19  }
0x180: {  	v22 =	vor.u32 v4, v18;
	v28 =	vor.u32 v10, v35;
	[tilespmem:v43+s17+$0x0] =	vst.idx.msk $0xffff, v31;
	v18 =	vld.idx.msk [tilespmem:v29+s15+$0x0], $0xffff  }
0x181: {  	v61 =	vor.u32 v12, v35;
	v44 =	vor.u32 v10, v40;
	v31 =	vor.u32 v10, v34;
	v25 =	vld.idx.msk [tilespmem:v25+s15+$0x0], $0xffff  }
0x182: {  	v48 =	vor.u32 v11, v40;
	v55 =	vor.u32 v38, v22;
	[tilespmem:v52+s17+$0x0] =	vst.idx.msk $0xffff, v32  }
0x183: {  	v24 =	vshll.u32 v24, $0x6;
	v29 =	vor.u32 v39, v22;
	v23 =	vld.idx.msk [tilespmem:v23+s15+$0x0], $0xffff;
	[tilespmem:v26+s17+$0x0] =	vst.idx.msk $0xffff, v20  }
0x184: {  	v30 =	vshll.u32 v30, $0x6;
	v54 =	vand.u32 $0x40, v24;
	v26 =	vld.idx.msk [tilespmem:v27+s15+$0x0], $0xffff;
	v27 =	vor.u32 v10, v37  }
0x185: {  	v30 =	vand.u32 $0x40, v30;
	v24 =	vor.u32 v5, v53;
	[tilespmem:v28+s17+$0x0] =	vst.idx.msk $0xffff, v18;
	v28 =	vor.u32 v36, v22  }
0x186: {  	v18 =	vor.u32 v8, v30;
	v30 =	vor.u32 v41, v22;
	[tilespmem:v31+s17+$0x0] =	vst.idx.msk $0xffff, v25  }
0x187: {  	s28 =	simm.s32 $0x4;
	v58 =	vor.u32 v11, v34;
	v57 =	vor.u32 v11, v37;
	v31 =	vor.u32 v38, v24;
	v32 =	vld.idx.msk [tilespmem:v55+s15+$0x0], $0xffff  }
0x188: {  	v21 =	vshll.u32 v21, $0x6;
	[tilespmem:v44+s17+$0x0] =	vst.idx.msk $0xffff, v23;
	v23 =	vor.u32 v11, v35;
	v25 =	vadd.s32 s28, v0;
	s28 =	simm.s32 $0x5;
	v29 =	vld.idx.msk [tilespmem:v29+s15+$0x0], $0xffff  }
0x189: {  	v59 =	vor.u32 v39, v24;
	v25 =	vand.u32 $0x3F, v25;
	[tilespmem:v27+s17+$0x0] =	vst.idx.msk $0xffff, v26;
	v26 =	vadd.s32 s28, v0  }
0x18a: {  	v56 =	vand.u32 $0x40, v21;
	v47 =	vor.u32 v25, v16;
	v45 =	vld.idx.msk [tilespmem:v28+s15+$0x0], $0xffff;
	v28 =	vand.u32 $0x3F, v26  }
0x18b: {  	v21 =	vor.u32 v6, v54;
	v53 =	vor.u32 v12, v34;
	s28 =	simm.s32 $0x6;
	v49 =	vld.idx.msk [tilespmem:v30+s15+$0x0], $0xffff;
	v50 =	vor.u32 v28, v16  }
0x18c: {  	v46 =	vor.u32 v36, v24;
	v51 =	vor.u32 v41, v24;
	v26 =	vadd.s32 s28, v0;
	[tilespmem:v58+s17+$0x0] =	vst.idx.msk $0xffff, v32  }
0x18d: {  	v43 =	vor.u32 v38, v21;
	s28 =	simm.s32 $0x7;
	v30 =	vand.u32 $0x3F, v26;
	[tilespmem:v23+s17+$0x0] =	vst.idx.msk $0xffff, v29;
	v52 =	vld.idx.msk [tilespmem:v31+s15+$0x0], $0xffff  }
0x18e: {  	v20 =	vor.u32 v7, v56;
	v26 =	vadd.s32 s28, v0;
	v42 =	vor.u32 v30, v16;
	v44 =	vld.idx.msk [tilespmem:v59+s15+$0x0], $0xffff  }
0x18f: {  	v23 =	vshll.u32 v25, $0x7;
	v27 =	vshll.u32 v28, $0x7;
	v29 =	vand.u32 $0x3F, v26;
	v60 =	vld.idx.msk [tilespmem:v47+s15+$0x0], $0xffff  }
0x190: {  	v55 =	vor.u32 v0, v23;
	v54 =	vor.u32 v29, v16;
	[tilespmem:v48+s17+$0x0] =	vst.idx.msk $0xffff, v49;
	v50 =	vld.idx.msk [tilespmem:v50+s15+$0x0], $0xffff  }
0x191: {  	v62 =	vor.u32 v25, v17;
	v63 =	vor.u32 v0, v27;
	[tilespmem:v57+s17+$0x0] =	vst.idx.msk $0xffff, v45;
	v51 =	vld.idx.msk [tilespmem:v51+s15+$0x0], $0xffff  }
0x192: {  	v56 =	vor.u32 v28, v17;
	v26 =	vshll.u32 v30, $0x7;
	v57 =	vor.u32 v12, v40;
	v46 =	vld.idx.msk [tilespmem:v46+s15+$0x0], $0xffff  }
0x193: {  	v59 =	vor.u32 v39, v21;
	v47 =	vor.u32 v12, v37;
	v42 =	vld.idx.msk [tilespmem:v42+s15+$0x0], $0xffff;
	[tilespmem:v53+s17+$0x0] =	vst.idx.msk $0xffff, v52  }
0x194: {  	v31 =	vshll.u32 v29, $0x7;
	v58 =	vor.u32 v0, v26;
	[tilespmem:v61+s17+$0x0] =	vst.idx.msk $0xffff, v44;
	v43 =	vld.idx.msk [tilespmem:v43+s15+$0x0], $0xffff  }
0x195: {  	v44 =	vor.u32 v41, v21;
	[tilespmem:v55+s17+$0x0] =	vst.idx.msk $0xffff, v60;
	v52 =	vor.u32 v13, v34;
	v45 =	vld.idx.msk [tilespmem:v54+s15+$0x0], $0xffff  }
0x196: {  	v53 =	vor.u32 v36, v21;
	v48 =	vld.idx.msk [tilespmem:v62+s15+$0x0], $0xffff;
	v54 =	vor.u32 v9, v23;
	[tilespmem:v63+s17+$0x0] =	vst.idx.msk $0xffff, v50  }
0x197: {  	v49 =	vor.u32 v30, v17;
	v50 =	vor.u32 v0, v31;
	[tilespmem:v57+s17+$0x0] =	vst.idx.msk $0xffff, v51  }
0x198: {  	v60 =	vor.u32 v25, v19;
	v61 =	vor.u32 v9, v27;
	[tilespmem:v47+s17+$0x0] =	vst.idx.msk $0xffff, v46;
	v55 =	vld.idx.msk [tilespmem:v56+s15+$0x0], $0xffff  }
0x199: {  	v63 =	vor.u32 v13, v35;
	v56 =	vor.u32 v29, v17;
	[tilespmem:v58+s17+$0x0] =	vst.idx.msk $0xffff, v42;
	v42 =	vld.idx.msk [tilespmem:v59+s15+$0x0], $0xffff  }
0x19a: {  	v62 =	vor.u32 v28, v19;
	v46 =	vor.u32 v13, v40;
	v44 =	vld.idx.msk [tilespmem:v44+s15+$0x0], $0xffff;
	[tilespmem:v52+s17+$0x0] =	vst.idx.msk $0xffff, v43  }
0x19b: {  	v32 =	vor.u32 v30, v24;
	v47 =	vor.u32 v39, v20;
	v43 =	vld.idx.msk [tilespmem:v53+s15+$0x0], $0xffff;
	[tilespmem:v54+s17+$0x0] =	vst.idx.msk $0xffff, v48  }
0x19c: {  	v49 =	vld.idx.msk [tilespmem:v49+s15+$0x0], $0xffff;
	v48 =	vor.u32 v9, v26;
	v53 =	vor.u32 v38, v20;
	[tilespmem:v50+s17+$0x0] =	vst.idx.msk $0xffff, v45  }
0x19d: {  	v54 =	vor.u32 v30, v19;
	v51 =	vld.idx.msk [tilespmem:v60+s15+$0x0], $0xffff;
	v60 =	vor.u32 v10, v23;
	[tilespmem:v61+s17+$0x0] =	vst.idx.msk $0xffff, v55  }
0x19e: {  	v45 =	vor.u32 v41, v20;
	v50 =	vor.u32 v13, v37;
	v52 =	vld.idx.msk [tilespmem:v56+s15+$0x0], $0xffff;
	[tilespmem:v63+s17+$0x0] =	vst.idx.msk $0xffff, v42  }
0x19f: {  	v55 =	vor.u32 v9, v31;
	[tilespmem:v46+s17+$0x0] =	vst.idx.msk $0xffff, v44;
	v44 =	vor.u32 v36, v20;
	v57 =	vld.idx.msk [tilespmem:v62+s15+$0x0], $0xffff  }
0x1a0: {  	v33 =	vor.u32 v11, v31;
	v61 =	vor.u32 v29, v19;
	v63 =	vor.u32 v10, v27;
	v47 =	vld.idx.msk [tilespmem:v47+s15+$0x0], $0xffff  }
0x1a1: {  	v46 =	vor.u32 v14, v35;
	v62 =	vor.u32 v25, v22;
	[tilespmem:v48+s17+$0x0] =	vst.idx.msk $0xffff, v49;
	v53 =	vld.idx.msk [tilespmem:v53+s15+$0x0], $0xffff  }
0x1a2: {  	v48 =	vor.u32 v39, v18;
	v54 =	vld.idx.msk [tilespmem:v54+s15+$0x0], $0xffff;
	[tilespmem:v60+s17+$0x0] =	vst.idx.msk $0xffff, v51;
	v51 =	vor.u32 v10, v26  }
0x1a3: {  	v42 =	vor.u32 v30, v22;
	v45 =	vld.idx.msk [tilespmem:v45+s15+$0x0], $0xffff;
	[tilespmem:v50+s17+$0x0] =	vst.idx.msk $0xffff, v43;
	v50 =	vor.u32 v14, v40  }
0x1a4: {  	v41 =	vor.u32 v41, v18;
	[tilespmem:v55+s17+$0x0] =	vst.idx.msk $0xffff, v52;
	v52 =	vor.u32 v14, v34;
	v39 =	vld.idx.msk [tilespmem:v44+s15+$0x0], $0xffff  }
0x1a5: {  	v55 =	vor.u32 v38, v18;
	v56 =	vld.idx.msk [tilespmem:v61+s15+$0x0], $0xffff;
	[tilespmem:v63+s17+$0x0] =	vst.idx.msk $0xffff, v57;
	v57 =	vor.u32 v10, v31  }
0x1a6: {  	v59 =	vor.u32 v11, v23;
	v60 =	vor.u32 v29, v22;
	v58 =	vld.idx.msk [tilespmem:v62+s15+$0x0], $0xffff;
	[tilespmem:v46+s17+$0x0] =	vst.idx.msk $0xffff, v47  }
0x1a7: {  	v49 =	vor.u32 v14, v37;
	v43 =	vor.u32 v36, v18;
	v48 =	vld.idx.msk [tilespmem:v48+s15+$0x0], $0xffff;
	[tilespmem:v51+s17+$0x0] =	vst.idx.msk $0xffff, v54  }
0x1a8: {  	v44 =	vor.u32 v15, v40;
	v38 =	vor.u32 v15, v35;
	v51 =	vld.idx.msk [tilespmem:v42+s15+$0x0], $0xffff;
	[tilespmem:v50+s17+$0x0] =	vst.idx.msk $0xffff, v45  }
0x1a9: {  	v40 =	vor.u32 v28, v22;
	v46 =	vor.u32 v15, v34;
	v47 =	vld.idx.msk [tilespmem:v41+s15+$0x0], $0xffff;
	[tilespmem:v52+s17+$0x0] =	vst.idx.msk $0xffff, v53  }
0x1aa: {  	v42 =	vor.u32 v15, v37;
	v45 =	vor.u32 v30, v21;
	v41 =	vld.idx.msk [tilespmem:v55+s15+$0x0], $0xffff;
	[tilespmem:v57+s17+$0x0] =	vst.idx.msk $0xffff, v56  }
0x1ab: {  	s28 =	simm.s32 $0x8;
	v50 =	vor.u32 v29, v24;
	v53 =	vor.u32 v11, v26;
	[tilespmem:v59+s17+$0x0] =	vst.idx.msk $0xffff, v58;
	v52 =	vld.idx.msk [tilespmem:v60+s15+$0x0], $0xffff  }
.LBB2_22:
0x1ac: {  	s29 =	sadd.s32 $0x1, s28;
	v54 =	vor.u32 v25, v24;
	v55 =	vor.u32 v28, v24  }
0x1ad: {  	v37 =	vadd.s32 s28, v0;
	p0 =	slt.u32 s28, $0x3C;
	[tilespmem:v49+s17+$0x0] =	vst.idx.msk $0xffff, v39;
	v39 =	vmovc v29;
	v36 =	vmovc v27;
	v35 =	vmov v26;
	v34 =	vmov v31;
	s30 =	smov.u32 s28;
	s28 =	sadd.s32 $0x4, s28  }
0x1ae: {  	v37 =	vand.u32 $0x3F, v37;
	v26 =	vadd.s32 s29, v0;
	s29 =	sadd.s32 $0x2, s30;
	v49 =	vor.u32 v11, v36;
	[tilespmem:v38+s17+$0x0] =	vst.idx.msk $0xffff, v48;
	v43 =	vld.idx.msk [tilespmem:v43+s15+$0x0], $0xffff  }
0x1af: {  	v48 =	vor.u32 v37, v16;
	v38 =	vand.u32 $0x3F, v26;
	v26 =	vadd.s32 s29, v0;
	s29 =	sadd.s32 $0x3, s30;
	v56 =	vld.idx.msk [tilespmem:v40+s15+$0x0], $0xffff;
	[tilespmem:v44+s17+$0x0] =	vst.idx.msk $0xffff, v47  }
0x1b0: {  	v44 =	vor.u32 v38, v16;
	v40 =	vand.u32 $0x3F, v26;
	v26 =	vadd.s32 s29, v0;
	[tilespmem:v46+s17+$0x0] =	vst.idx.msk $0xffff, v41  }
0x1b1: {  	v41 =	vshll.u32 v37, $0x7;
	v46 =	vor.u32 v40, v16;
	v29 =	vand.u32 $0x3F, v26;
	[tilespmem:v53+s17+$0x0] =	vst.idx.msk $0xffff, v51  }
0x1b2: {  	v27 =	vshll.u32 v38, $0x7;
	v26 =	vshll.u32 v40, $0x7;
	v47 =	vor.u32 v29, v16;
	v51 =	vld.idx.msk [tilespmem:v32+s15+$0x0], $0xffff;
	[tilespmem:v33+s17+$0x0] =	vst.idx.msk $0xffff, v52  }
0x1b3: {  	v53 =	vor.u32 v12, v35;
	v32 =	vor.u32 v40, v24;
	v31 =	vshll.u32 v29, $0x7;
	v52 =	vld.idx.msk [tilespmem:v54+s15+$0x0], $0xffff  }
0x1b4: {  	v33 =	vor.u32 v11, v31;
	v54 =	vor.u32 v12, v23;
	v48 =	vld.idx.msk [tilespmem:v48+s15+$0x0], $0xffff;
	[tilespmem:v42+s17+$0x0] =	vst.idx.msk $0xffff, v43  }
0x1b5: {  	v42 =	vor.u32 v0, v41;
	v43 =	vld.idx.msk [tilespmem:v44+s15+$0x0], $0xffff;
	[tilespmem:v49+s17+$0x0] =	vst.idx.msk $0xffff, v56  }
0x1b6: {  	v44 =	vor.u32 v37, v17;
	v49 =	vor.u32 v0, v27;
	v56 =	vor.u32 v39, v20;
	v55 =	vld.idx.msk [tilespmem:v55+s15+$0x0], $0xffff  }
0x1b7: {  	v58 =	vor.u32 v12, v36;
	v59 =	vor.u32 v13, v36;
	v57 =	vor.u32 v38, v17;
	v46 =	vld.idx.msk [tilespmem:v46+s15+$0x0], $0xffff  }
0x1b8: {  	v61 =	vor.u32 v25, v21;
	v60 =	vor.u32 v0, v26;
	[tilespmem:v53+s17+$0x0] =	vst.idx.msk $0xffff, v51;
	v50 =	vld.idx.msk [tilespmem:v50+s15+$0x0], $0xffff  }
0x1b9: {  	v51 =	vor.u32 v28, v21;
	[tilespmem:v54+s17+$0x0] =	vst.idx.msk $0xffff, v52;
	v45 =	vld.idx.msk [tilespmem:v45+s15+$0x0], $0xffff;
	v52 =	vor.u32 v12, v34  }
0x1ba: {  	[tilespmem:v42+s17+$0x0] =	vst.idx.msk $0xffff, v48;
	v42 =	vld.idx.msk [tilespmem:v47+s15+$0x0], $0xffff;
	v47 =	vor.u32 v13, v35;
	v48 =	vor.u32 v39, v21  }
0x1bb: {  	v44 =	vld.idx.msk [tilespmem:v44+s15+$0x0], $0xffff;
	[tilespmem:v49+s17+$0x0] =	vst.idx.msk $0xffff, v43;
	v43 =	vor.u32 v40, v17;
	v49 =	vor.u32 v0, v31  }
0x1bc: {  	v53 =	vor.u32 v9, v41;
	v54 =	vld.idx.msk [tilespmem:v57+s15+$0x0], $0xffff;
	v57 =	vor.u32 v29, v17;
	[tilespmem:v58+s17+$0x0] =	vst.idx.msk $0xffff, v55  }
0x1bd: {  	v55 =	vor.u32 v37, v19;
	v58 =	vor.u32 v9, v27;
	[tilespmem:v60+s17+$0x0] =	vst.idx.msk $0xffff, v46;
	v46 =	vld.idx.msk [tilespmem:v61+s15+$0x0], $0xffff  }
0x1be: {  	v60 =	vor.u32 v38, v19;
	v61 =	vor.u32 v13, v23;
	v51 =	vld.idx.msk [tilespmem:v51+s15+$0x0], $0xffff;
	[tilespmem:v52+s17+$0x0] =	vst.idx.msk $0xffff, v50  }
0x1bf: {  	v50 =	vor.u32 v25, v20;
	v52 =	vor.u32 v14, v36;
	[tilespmem:v47+s17+$0x0] =	vst.idx.msk $0xffff, v45;
	v45 =	vld.idx.msk [tilespmem:v48+s15+$0x0], $0xffff  }
0x1c0: {  	v47 =	vor.u32 v13, v34;
	v43 =	vld.idx.msk [tilespmem:v43+s15+$0x0], $0xffff;
	[tilespmem:v49+s17+$0x0] =	vst.idx.msk $0xffff, v42;
	v42 =	vor.u32 v28, v20  }
0x1c1: {  	v49 =	vor.u32 v30, v20;
	[tilespmem:v53+s17+$0x0] =	vst.idx.msk $0xffff, v44;
	v44 =	vor.u32 v9, v26;
	v48 =	vld.idx.msk [tilespmem:v57+s15+$0x0], $0xffff  }
0x1c2: {  	v53 =	vld.idx.msk [tilespmem:v55+s15+$0x0], $0xffff;
	[tilespmem:v58+s17+$0x0] =	vst.idx.msk $0xffff, v54;
	v54 =	vor.u32 v40, v19;
	v55 =	vor.u32 v9, v31  }
0x1c3: {  	v57 =	vor.u32 v10, v41;
	v58 =	vld.idx.msk [tilespmem:v60+s15+$0x0], $0xffff;
	v60 =	vor.u32 v29, v19;
	[tilespmem:v61+s17+$0x0] =	vst.idx.msk $0xffff, v46  }
0x1c4: {  	v46 =	vor.u32 v37, v22;
	v61 =	vor.u32 v10, v27;
	v50 =	vld.idx.msk [tilespmem:v50+s15+$0x0], $0xffff;
	[tilespmem:v59+s17+$0x0] =	vst.idx.msk $0xffff, v51  }
0x1c5: {  	v51 =	vor.u32 v14, v23;
	v59 =	vor.u32 v28, v18;
	v42 =	vld.idx.msk [tilespmem:v42+s15+$0x0], $0xffff;
	[tilespmem:v47+s17+$0x0] =	vst.idx.msk $0xffff, v45  }
0x1c6: {  	v62 =	vor.u32 v30, v18;
	v25 =	vor.u32 v25, v18;
	[tilespmem:v44+s17+$0x0] =	vst.idx.msk $0xffff, v43;
	v45 =	vld.idx.msk [tilespmem:v49+s15+$0x0], $0xffff  }
0x1c7: {  	v30 =	vor.u32 v14, v35;
	v49 =	vor.u32 v14, v34;
	v54 =	vld.idx.msk [tilespmem:v54+s15+$0x0], $0xffff;
	[tilespmem:v55+s17+$0x0] =	vst.idx.msk $0xffff, v48  }
0x1c8: {  	v43 =	vor.u32 v39, v18;
	[tilespmem:v57+s17+$0x0] =	vst.idx.msk $0xffff, v53;
	v53 =	vor.u32 v10, v26;
	v55 =	vld.idx.msk [tilespmem:v60+s15+$0x0], $0xffff  }
0x1c9: {  	v60 =	vor.u32 v10, v31;
	v57 =	vld.idx.msk [tilespmem:v46+s15+$0x0], $0xffff;
	[tilespmem:v61+s17+$0x0] =	vst.idx.msk $0xffff, v58;
	v58 =	vor.u32 v40, v22  }
0x1ca: {  	v63 =	vor.u32 v29, v22;
	v61 =	vor.u32 v11, v41;
	[tilespmem:v51+s17+$0x0] =	vst.idx.msk $0xffff, v50;
	v39 =	vld.idx.msk [tilespmem:v56+s15+$0x0], $0xffff  }
.Ltmp13:
0x1cb: {  	v28 =	vmov v38;
	v44 =	vor.u32 v15, v36;
	v48 =	vld.idx.msk [tilespmem:v25+s15+$0x0], $0xffff;
	[tilespmem:v52+s17+$0x0] =	vst.idx.msk $0xffff, v42;
	v25 =	vmov v37;
	(pc) =	sbr.rel @p0 .LBB2_22-.Ltmp13, $4  }
0x1cc: {  	v38 =	vor.u32 v15, v23;
	v23 =	vmov v41;
	v47 =	vld.idx.msk [tilespmem:v59+s15+$0x0], $0xffff;
	[tilespmem:v30+s17+$0x0] =	vst.idx.msk $0xffff, v45;
	v30 =	vmov v40  }
0x1cd: {  	v46 =	vor.u32 v15, v35;
	v40 =	vor.u32 v28, v22;
	[tilespmem:v53+s17+$0x0] =	vst.idx.msk $0xffff, v54;
	v41 =	vld.idx.msk [tilespmem:v62+s15+$0x0], $0xffff  }
0x1ce: {  	v42 =	vor.u32 v15, v34;
	v45 =	vor.u32 v30, v21;
	v51 =	vld.idx.msk [tilespmem:v58+s15+$0x0], $0xffff;
	[tilespmem:v60+s17+$0x0] =	vst.idx.msk $0xffff, v55  }
0x1cf: {  	v50 =	vor.u32 v29, v24;
	v53 =	vor.u32 v11, v26;
	[tilespmem:v61+s17+$0x0] =	vst.idx.msk $0xffff, v57;
	v52 =	vld.idx.msk [tilespmem:v63+s15+$0x0], $0xffff  }
0x1d0: {  	_ =	sdelay $0x3  }
0x1d1: {  	v16 =	vor.u32 v25, v24;
	v17 =	vor.u32 v11, v27;
	v19 =	vld.idx.msk [tilespmem:v40+s15+$0x0], $0xffff;
	_ =	sdelay $0x1  }
0x1d2: {  	v22 =	vor.u32 v28, v24  }
0x1d3: {  	[tilespmem:v53+s17+$0x0] =	vst.idx.msk $0xffff, v51  }
0x1d4: {  	v59 =	vor.u32 v12, v26;
	v32 =	vld.idx.msk [tilespmem:v32+s15+$0x0], $0xffff;
	[tilespmem:v33+s17+$0x0] =	vst.idx.msk $0xffff, v52  }
0x1d5: {  	v16 =	vld.idx.msk [tilespmem:v16+s15+$0x0], $0xffff;
	[tilespmem:v17+s17+$0x0] =	vst.idx.msk $0xffff, v19;
	v17 =	vor.u32 v12, v23  }
0x1d6: {  	v58 =	vor.u32 v25, v21;
	v36 =	vor.u32 v12, v31;
	v35 =	vld.idx.msk [tilespmem:v50+s15+$0x0], $0xffff  }
0x1d7: {  	v57 =	vor.u32 v12, v27;
	v60 =	vor.u32 v29, v21;
	v19 =	vld.idx.msk [tilespmem:v22+s15+$0x0], $0xffff  }
0x1d8: {  	v34 =	vor.u32 v28, v21  }
0x1d9: {  	[tilespmem:v59+s17+$0x0] =	vst.idx.msk $0xffff, v32  }
0x1da: {  	v63 =	vor.u32 v13, v26;
	[tilespmem:v17+s17+$0x0] =	vst.idx.msk $0xffff, v16;
	v32 =	vld.idx.msk [tilespmem:v45+s15+$0x0], $0xffff  }
0x1db: {  	v50 =	vor.u32 v30, v20;
	v17 =	vor.u32 v13, v23;
	[tilespmem:v36+s17+$0x0] =	vst.idx.msk $0xffff, v35;
	v16 =	vld.idx.msk [tilespmem:v58+s15+$0x0], $0xffff  }
0x1dc: {  	v62 =	vor.u32 v25, v20;
	v45 =	vor.u32 v13, v31;
	[tilespmem:v57+s17+$0x0] =	vst.idx.msk $0xffff, v19;
	v21 =	vld.idx.msk [tilespmem:v60+s15+$0x0], $0xffff  }
0x1dd: {  	v61 =	vor.u32 v13, v27;
	v51 =	vor.u32 v29, v20;
	v22 =	vld.idx.msk [tilespmem:v34+s15+$0x0], $0xffff  }
0x1de: {  	v40 =	vor.u32 v28, v20;
	[tilespmem:v49+s17+$0x0] =	vst.idx.msk $0xffff, v39  }
0x1df: {  	[tilespmem:v63+s17+$0x0] =	vst.idx.msk $0xffff, v32  }
0x1e0: {  	v56 =	vor.u32 v14, v26;
	[tilespmem:v17+s17+$0x0] =	vst.idx.msk $0xffff, v16;
	v55 =	vld.idx.msk [tilespmem:v50+s15+$0x0], $0xffff  }
0x1e1: {  	v57 =	vor.u32 v30, v18;
	v17 =	vor.u32 v14, v23;
	[tilespmem:v45+s17+$0x0] =	vst.idx.msk $0xffff, v21;
	v16 =	vld.idx.msk [tilespmem:v62+s15+$0x0], $0xffff  }
0x1e2: {  	v53 =	vor.u32 v25, v18;
	v58 =	vor.u32 v14, v31;
	[tilespmem:v61+s17+$0x0] =	vst.idx.msk $0xffff, v22;
	v20 =	vld.idx.msk [tilespmem:v51+s15+$0x0], $0xffff  }
0x1e3: {  	[tilespmem:v38+s17+$0x0] =	vst.idx.msk $0xffff, v48;
	v52 =	vor.u32 v14, v27;
	v59 =	vor.u32 v29, v18;
	v22 =	vld.idx.msk [tilespmem:v40+s15+$0x0], $0xffff  }
0x1e4: {  	v54 =	vor.u32 v28, v18;
	[tilespmem:v44+s17+$0x0] =	vst.idx.msk $0xffff, v47  }
0x1e5: {  	v60 =	vld.idx.msk [tilespmem:v43+s15+$0x0], $0xffff;
	[tilespmem:v56+s17+$0x0] =	vst.idx.msk $0xffff, v55  }
0x1e6: {  	v62 =	vor.u32 v15, v26;
	[tilespmem:v17+s17+$0x0] =	vst.idx.msk $0xffff, v16;
	v21 =	vld.idx.msk [tilespmem:v57+s15+$0x0], $0xffff  }
0x1e7: {  	v17 =	vor.u32 v15, v23;
	[tilespmem:v58+s17+$0x0] =	vst.idx.msk $0xffff, v20;
	v16 =	vld.idx.msk [tilespmem:v53+s15+$0x0], $0xffff  }
0x1e8: {  	v63 =	vor.u32 v15, v31;
	[tilespmem:v52+s17+$0x0] =	vst.idx.msk $0xffff, v22;
	v18 =	vld.idx.msk [tilespmem:v59+s15+$0x0], $0xffff  }
0x1e9: {  	[tilespmem:v46+s17+$0x0] =	vst.idx.msk $0xffff, v41;
	v61 =	vor.u32 v15, v27;
	v22 =	vld.idx.msk [tilespmem:v54+s15+$0x0], $0xffff  }
0x1ea: {  	s28 =	sadd.s32 s6, s25;
	p0 =	seq.s32 s26, $0x0;
	[tilespmem:v42+s17+$0x0] =	vst.idx.msk $0xffff, v60  }
.Ltmp14:
0x1eb: {  	s29 =	sshll.u32 s28, $0x7;
	[tilespmem:v62+s17+$0x0] =	vst.idx.msk $0xffff, v21;
	(pc) =	sbr.rel @p0 .LBB2_28-.Ltmp14, $4  }
0x1ec: {  	s28 =	sshll.u32 s28, $0xA;
	s29 =	sand.u32 $0xF00, s29;
	[tilespmem:v17+s17+$0x0] =	vst.idx.msk $0xffff, v16  }
0x1ed: {  	s28 =	sand.u32 $0xFFF8000, s28;
	s29 =	sadd.s32 s2, s29;
	[tilespmem:v63+s17+$0x0] =	vst.idx.msk $0xffff, v18  }
0x1ee: {  	s28 =	sadd.s32 s28, s29;
	[tilespmem:v61+s17+$0x0] =	vst.idx.msk $0xffff, v22  }
0x1ef: {  	[hbm4b:s28+s18] =	stream.strided.scatter [tilespmem:s17], [sflag:$0x4], $0x2000, s19, s18, $0x38;
	[tilespmem:$0x1C800] =	vst v63  }
.LBB2_24:
0x1f0: {  	p0 =	sgt.u32 s25, $0xC5  }
0x1f1: {  	s26 =	sshll.u32 @!p0 s25, $0x7  }
0x1f2: {  	s26 =	sand.u32 @!p0 $0x3FFFFF80, s26  }
0x1f3: {  	s28 =	simm.s32 @!p0 $0x80;
	s29 =	simm.s32 @!p0 $0x10800;
	s26 =	sadd.s32 @!p0 $0x6500, s26  }
0x1f4: {  	[tilespmem:s29], [sflag:$0x2] =	stream.indirect.gather @!p0 [hbm4b:s4+s28], $0x80, s26, s28, $0xb8;
	[tilespmem:$0x1C800] =	vst v63  }
0x1f5: {  	_ =	swait.ge [sflag:s14], $0x4000  }
0x1f6: {  	p0 =	slt.u32 s25, $0x2;
	[sflag:s14] =	ssyncset.done $0x0  }
0x1f7: {  	s26 =	simm.s32 @!p0 $0x5;
	[sflag:s14] =	ssyncadd.s32 $0xFFFFC000  }
0x1f8: {  	_ =	swait.ge @!p0 [sflag:s26], $0x2000  }
0x1f9: {  	s30 =	sshll.u32 s25, $0x7;
	[sflag:s26] =	ssyncset.done @!p0 $0x0  }
0x1fa: {  	[sflag:s26] =	ssyncadd.s32 @!p0 $0xFFFFE000;
	s26 =	sand.u32 $0x3FFFFF80, s30  }
0x1fb: {  	v16 =	vld [tilespmem:s26+$0x0];
	_ =	sdelay $0x4  }
0x1fc: {  	s31 =	simm.s32 $0x0;
	v16 =	vshll.u32 v16, $0x6  }
0x1fd: {  	v18 =	vadd.s32 s31, v0;
	s29 =	simm.s32 $0x2;
	v17 =	vld [tilespmem:s26+$0x10];
	v16 =	vand.u32 $0x40, v16  }
0x1fe: {  	v39 =	vand.u32 $0x3F, v18;
	v18 =	vadd.s32 s29, v0;
	v16 =	vor.u32 v1, v16  }
0x1ff: {  	v38 =	vand.u32 $0x3F, v18;
	s30 =	simm.s32 $0x1;
	v20 =	vor.u32 v39, v16  }
0x200: {  	s31 =	simm.s32 $0x3;
	v19 =	vld [tilespmem:s26+$0x20];
	v21 =	vadd.s32 s30, v0;
	v22 =	vor.u32 v38, v16  }
0x201: {  	v18 =	vld [tilespmem:s26+$0x30];
	v41 =	vand.u32 $0x3F, v21;
	v21 =	vadd.s32 s31, v0  }
0x202: {  	v23 =	vld [tilespmem:s26+$0x40];
	v36 =	vand.u32 $0x3F, v21;
	v17 =	vshll.u32 v17, $0x6;
	v25 =	vor.u32 v41, v16  }
0x203: {  	v35 =	vshll.u32 v39, $0x7;
	v24 =	vld [tilespmem:s26+$0x50];
	v17 =	vand.u32 $0x40, v17;
	v26 =	vor.u32 v36, v16  }
0x204: {  	v27 =	vor.u32 v0, v35;
	v34 =	vshll.u32 v38, $0x7;
	v17 =	vor.u32 v2, v17;
	v20 =	vld.idx.msk [tilespmem:v20+s15+$0x0], $0xffff  }
0x205: {  	v29 =	vor.u32 v0, v34;
	v28 =	vor.u32 v39, v17;
	v22 =	vld.idx.msk [tilespmem:v22+s15+$0x0], $0xffff  }
0x206: {  	v30 =	vld [tilespmem:s26+$0x70];
	v40 =	vshll.u32 v41, $0x7;
	v31 =	vor.u32 v38, v17  }
0x207: {  	v37 =	vshll.u32 v36, $0x7;
	v32 =	vor.u32 v0, v40;
	v25 =	vld.idx.msk [tilespmem:v25+s15+$0x0], $0xffff  }
0x208: {  	v42 =	vor.u32 v0, v37;
	v19 =	vshll.u32 v19, $0x6;
	v33 =	vor.u32 v41, v17;
	v26 =	vld.idx.msk [tilespmem:v26+s15+$0x0], $0xffff  }
0x209: {  	v21 =	vld [tilespmem:s26+$0x60];
	v19 =	vand.u32 $0x40, v19;
	[tilespmem:v27+s16+$0x0] =	vst.idx.msk $0xffff, v20;
	v20 =	vor.u32 v36, v17  }
0x20a: {  	v19 =	vor.u32 v3, v19;
	[tilespmem:v29+s16+$0x0] =	vst.idx.msk $0xffff, v22;
	v27 =	vld.idx.msk [tilespmem:v28+s15+$0x0], $0xffff;
	v28 =	vor.u32 v9, v35  }
0x20b: {  	v43 =	vor.u32 v9, v34;
	v29 =	vor.u32 v39, v19;
	v31 =	vld.idx.msk [tilespmem:v31+s15+$0x0], $0xffff  }
0x20c: {  	[tilespmem:v32+s16+$0x0] =	vst.idx.msk $0xffff, v25;
	v25 =	vor.u32 v38, v19  }
0x20d: {  	v52 =	vor.u32 v9, v40;
	v18 =	vshll.u32 v18, $0x6;
	[tilespmem:v42+s16+$0x0] =	vst.idx.msk $0xffff, v26;
	v32 =	vld.idx.msk [tilespmem:v33+s15+$0x0], $0xffff  }
0x20e: {  	v22 =	vshll.u32 v23, $0x6;
	v23 =	vor.u32 v41, v19;
	v26 =	vor.u32 v9, v37;
	v20 =	vld.idx.msk [tilespmem:v20+s15+$0x0], $0xffff  }
0x20f: {  	v18 =	vand.u32 $0x40, v18;
	v53 =	vand.u32 $0x40, v22;
	[tilespmem:v28+s16+$0x0] =	vst.idx.msk $0xffff, v27;
	v27 =	vor.u32 v36, v19  }
0x210: {  	v22 =	vor.u32 v4, v18;
	v28 =	vor.u32 v10, v35;
	[tilespmem:v43+s16+$0x0] =	vst.idx.msk $0xffff, v31;
	v18 =	vld.idx.msk [tilespmem:v29+s15+$0x0], $0xffff  }
0x211: {  	v61 =	vor.u32 v12, v35;
	v58 =	vor.u32 v11, v34;
	v31 =	vor.u32 v10, v34;
	v25 =	vld.idx.msk [tilespmem:v25+s15+$0x0], $0xffff  }
0x212: {  	v44 =	vor.u32 v10, v40;
	v55 =	vor.u32 v38, v22;
	[tilespmem:v52+s16+$0x0] =	vst.idx.msk $0xffff, v32  }
0x213: {  	v24 =	vshll.u32 v24, $0x6;
	v29 =	vor.u32 v39, v22;
	v23 =	vld.idx.msk [tilespmem:v23+s15+$0x0], $0xffff;
	[tilespmem:v26+s16+$0x0] =	vst.idx.msk $0xffff, v20  }
0x214: {  	v30 =	vshll.u32 v30, $0x6;
	v54 =	vand.u32 $0x40, v24;
	v26 =	vld.idx.msk [tilespmem:v27+s15+$0x0], $0xffff;
	v27 =	vor.u32 v10, v37  }
0x215: {  	v30 =	vand.u32 $0x40, v30;
	v24 =	vor.u32 v5, v53;
	[tilespmem:v28+s16+$0x0] =	vst.idx.msk $0xffff, v18;
	v28 =	vor.u32 v36, v22  }
0x216: {  	v18 =	vor.u32 v8, v30;
	v30 =	vor.u32 v41, v22;
	[tilespmem:v31+s16+$0x0] =	vst.idx.msk $0xffff, v25  }
0x217: {  	s28 =	simm.s32 $0x4;
	v48 =	vor.u32 v11, v40;
	v57 =	vor.u32 v11, v37;
	v31 =	vor.u32 v38, v24;
	v32 =	vld.idx.msk [tilespmem:v55+s15+$0x0], $0xffff  }
0x218: {  	s29 =	simm.s32 $0x5;
	v21 =	vshll.u32 v21, $0x6;
	[tilespmem:v44+s16+$0x0] =	vst.idx.msk $0xffff, v23;
	v23 =	vor.u32 v11, v35;
	v25 =	vadd.s32 s28, v0;
	v29 =	vld.idx.msk [tilespmem:v29+s15+$0x0], $0xffff  }
0x219: {  	v59 =	vor.u32 v39, v24;
	v25 =	vand.u32 $0x3F, v25;
	[tilespmem:v27+s16+$0x0] =	vst.idx.msk $0xffff, v26;
	v26 =	vadd.s32 s29, v0  }
0x21a: {  	v56 =	vand.u32 $0x40, v21;
	v47 =	vor.u32 v25, v16;
	v45 =	vld.idx.msk [tilespmem:v28+s15+$0x0], $0xffff;
	v28 =	vand.u32 $0x3F, v26  }
0x21b: {  	s30 =	simm.s32 $0x6;
	v21 =	vor.u32 v6, v54;
	v53 =	vor.u32 v12, v34;
	v49 =	vld.idx.msk [tilespmem:v30+s15+$0x0], $0xffff;
	v50 =	vor.u32 v28, v16  }
0x21c: {  	v46 =	vor.u32 v36, v24;
	v51 =	vor.u32 v41, v24;
	v26 =	vadd.s32 s30, v0;
	[tilespmem:v58+s16+$0x0] =	vst.idx.msk $0xffff, v32  }
0x21d: {  	s31 =	simm.s32 $0x7;
	v43 =	vor.u32 v38, v21;
	v30 =	vand.u32 $0x3F, v26;
	[tilespmem:v23+s16+$0x0] =	vst.idx.msk $0xffff, v29;
	v52 =	vld.idx.msk [tilespmem:v31+s15+$0x0], $0xffff  }
0x21e: {  	v20 =	vor.u32 v7, v56;
	v26 =	vadd.s32 s31, v0;
	v42 =	vor.u32 v30, v16;
	v44 =	vld.idx.msk [tilespmem:v59+s15+$0x0], $0xffff  }
0x21f: {  	v23 =	vshll.u32 v25, $0x7;
	v27 =	vshll.u32 v28, $0x7;
	v29 =	vand.u32 $0x3F, v26;
	v60 =	vld.idx.msk [tilespmem:v47+s15+$0x0], $0xffff  }
0x220: {  	v55 =	vor.u32 v0, v23;
	v54 =	vor.u32 v29, v16;
	[tilespmem:v48+s16+$0x0] =	vst.idx.msk $0xffff, v49;
	v50 =	vld.idx.msk [tilespmem:v50+s15+$0x0], $0xffff  }
0x221: {  	v62 =	vor.u32 v25, v17;
	v63 =	vor.u32 v0, v27;
	[tilespmem:v57+s16+$0x0] =	vst.idx.msk $0xffff, v45;
	v51 =	vld.idx.msk [tilespmem:v51+s15+$0x0], $0xffff  }
0x222: {  	v56 =	vor.u32 v28, v17;
	v26 =	vshll.u32 v30, $0x7;
	v57 =	vor.u32 v12, v40;
	v46 =	vld.idx.msk [tilespmem:v46+s15+$0x0], $0xffff  }
0x223: {  	v59 =	vor.u32 v39, v21;
	v47 =	vor.u32 v12, v37;
	v42 =	vld.idx.msk [tilespmem:v42+s15+$0x0], $0xffff;
	[tilespmem:v53+s16+$0x0] =	vst.idx.msk $0xffff, v52  }
0x224: {  	v31 =	vshll.u32 v29, $0x7;
	v58 =	vor.u32 v0, v26;
	[tilespmem:v61+s16+$0x0] =	vst.idx.msk $0xffff, v44;
	v43 =	vld.idx.msk [tilespmem:v43+s15+$0x0], $0xffff  }
0x225: {  	v44 =	vor.u32 v41, v21;
	[tilespmem:v55+s16+$0x0] =	vst.idx.msk $0xffff, v60;
	v52 =	vor.u32 v13, v34;
	v45 =	vld.idx.msk [tilespmem:v54+s15+$0x0], $0xffff  }
0x226: {  	v53 =	vor.u32 v36, v21;
	v48 =	vld.idx.msk [tilespmem:v62+s15+$0x0], $0xffff;
	v54 =	vor.u32 v9, v23;
	[tilespmem:v63+s16+$0x0] =	vst.idx.msk $0xffff, v50  }
0x227: {  	v49 =	vor.u32 v30, v17;
	v50 =	vor.u32 v0, v31;
	[tilespmem:v57+s16+$0x0] =	vst.idx.msk $0xffff, v51  }
0x228: {  	v60 =	vor.u32 v25, v19;
	v61 =	vor.u32 v9, v27;
	[tilespmem:v47+s16+$0x0] =	vst.idx.msk $0xffff, v46;
	v55 =	vld.idx.msk [tilespmem:v56+s15+$0x0], $0xffff  }
0x229: {  	v63 =	vor.u32 v13, v35;
	v56 =	vor.u32 v29, v17;
	[tilespmem:v58+s16+$0x0] =	vst.idx.msk $0xffff, v42;
	v42 =	vld.idx.msk [tilespmem:v59+s15+$0x0], $0xffff  }
0x22a: {  	v62 =	vor.u32 v28, v19;
	v46 =	vor.u32 v13, v40;
	v44 =	vld.idx.msk [tilespmem:v44+s15+$0x0], $0xffff;
	[tilespmem:v52+s16+$0x0] =	vst.idx.msk $0xffff, v43  }
0x22b: {  	v32 =	vor.u32 v30, v24;
	v47 =	vor.u32 v39, v20;
	v43 =	vld.idx.msk [tilespmem:v53+s15+$0x0], $0xffff;
	[tilespmem:v54+s16+$0x0] =	vst.idx.msk $0xffff, v48  }
0x22c: {  	v49 =	vld.idx.msk [tilespmem:v49+s15+$0x0], $0xffff;
	v48 =	vor.u32 v9, v26;
	v53 =	vor.u32 v38, v20;
	[tilespmem:v50+s16+$0x0] =	vst.idx.msk $0xffff, v45  }
0x22d: {  	v54 =	vor.u32 v30, v19;
	v51 =	vld.idx.msk [tilespmem:v60+s15+$0x0], $0xffff;
	v60 =	vor.u32 v10, v23;
	[tilespmem:v61+s16+$0x0] =	vst.idx.msk $0xffff, v55  }
0x22e: {  	v45 =	vor.u32 v41, v20;
	v50 =	vor.u32 v13, v37;
	v52 =	vld.idx.msk [tilespmem:v56+s15+$0x0], $0xffff;
	[tilespmem:v63+s16+$0x0] =	vst.idx.msk $0xffff, v42  }
0x22f: {  	v55 =	vor.u32 v9, v31;
	[tilespmem:v46+s16+$0x0] =	vst.idx.msk $0xffff, v44;
	v44 =	vor.u32 v36, v20;
	v57 =	vld.idx.msk [tilespmem:v62+s15+$0x0], $0xffff  }
0x230: {  	v33 =	vor.u32 v11, v31;
	v61 =	vor.u32 v29, v19;
	v63 =	vor.u32 v10, v27;
	v47 =	vld.idx.msk [tilespmem:v47+s15+$0x0], $0xffff  }
0x231: {  	v46 =	vor.u32 v14, v35;
	v62 =	vor.u32 v25, v22;
	[tilespmem:v48+s16+$0x0] =	vst.idx.msk $0xffff, v49;
	v53 =	vld.idx.msk [tilespmem:v53+s15+$0x0], $0xffff  }
0x232: {  	v48 =	vor.u32 v39, v18;
	v54 =	vld.idx.msk [tilespmem:v54+s15+$0x0], $0xffff;
	[tilespmem:v60+s16+$0x0] =	vst.idx.msk $0xffff, v51;
	v51 =	vor.u32 v10, v26  }
0x233: {  	v42 =	vor.u32 v30, v22;
	v45 =	vld.idx.msk [tilespmem:v45+s15+$0x0], $0xffff;
	[tilespmem:v50+s16+$0x0] =	vst.idx.msk $0xffff, v43;
	v50 =	vor.u32 v14, v40  }
0x234: {  	v41 =	vor.u32 v41, v18;
	[tilespmem:v55+s16+$0x0] =	vst.idx.msk $0xffff, v52;
	v52 =	vor.u32 v14, v34;
	v39 =	vld.idx.msk [tilespmem:v44+s15+$0x0], $0xffff  }
0x235: {  	v55 =	vor.u32 v38, v18;
	v56 =	vld.idx.msk [tilespmem:v61+s15+$0x0], $0xffff;
	[tilespmem:v63+s16+$0x0] =	vst.idx.msk $0xffff, v57;
	v57 =	vor.u32 v10, v31  }
0x236: {  	v59 =	vor.u32 v11, v23;
	v60 =	vor.u32 v29, v22;
	v58 =	vld.idx.msk [tilespmem:v62+s15+$0x0], $0xffff;
	[tilespmem:v46+s16+$0x0] =	vst.idx.msk $0xffff, v47  }
0x237: {  	v49 =	vor.u32 v14, v37;
	v43 =	vor.u32 v36, v18;
	v48 =	vld.idx.msk [tilespmem:v48+s15+$0x0], $0xffff;
	[tilespmem:v51+s16+$0x0] =	vst.idx.msk $0xffff, v54  }
0x238: {  	v44 =	vor.u32 v15, v40;
	v38 =	vor.u32 v15, v35;
	v51 =	vld.idx.msk [tilespmem:v42+s15+$0x0], $0xffff;
	[tilespmem:v50+s16+$0x0] =	vst.idx.msk $0xffff, v45  }
0x239: {  	v40 =	vor.u32 v28, v22;
	v46 =	vor.u32 v15, v34;
	v47 =	vld.idx.msk [tilespmem:v41+s15+$0x0], $0xffff;
	[tilespmem:v52+s16+$0x0] =	vst.idx.msk $0xffff, v53  }
0x23a: {  	v42 =	vor.u32 v15, v37;
	v45 =	vor.u32 v30, v21;
	v41 =	vld.idx.msk [tilespmem:v55+s15+$0x0], $0xffff;
	[tilespmem:v57+s16+$0x0] =	vst.idx.msk $0xffff, v56  }
0x23b: {  	s26 =	simm.s32 $0x8;
	v50 =	vor.u32 v29, v24;
	v53 =	vor.u32 v11, v26;
	[tilespmem:v59+s16+$0x0] =	vst.idx.msk $0xffff, v58;
	v52 =	vld.idx.msk [tilespmem:v60+s15+$0x0], $0xffff  }
.LBB2_25:
0x23c: {  	s28 =	sadd.s32 $0x1, s26;
	v54 =	vor.u32 v25, v24;
	v55 =	vor.u32 v28, v24  }
0x23d: {  	v37 =	vadd.s32 s26, v0;
	p0 =	slt.u32 s26, $0x3C;
	[tilespmem:v49+s16+$0x0] =	vst.idx.msk $0xffff, v39;
	v39 =	vmovc v29;
	v36 =	vmovc v27;
	v35 =	vmov v26;
	v34 =	vmov v31;
	s29 =	smov.u32 s26;
	s26 =	sadd.s32 $0x4, s26  }
0x23e: {  	v37 =	vand.u32 $0x3F, v37;
	v26 =	vadd.s32 s28, v0;
	s28 =	sadd.s32 $0x2, s29;
	v49 =	vor.u32 v11, v36;
	[tilespmem:v38+s16+$0x0] =	vst.idx.msk $0xffff, v48;
	v43 =	vld.idx.msk [tilespmem:v43+s15+$0x0], $0xffff  }
0x23f: {  	v48 =	vor.u32 v37, v16;
	v38 =	vand.u32 $0x3F, v26;
	v26 =	vadd.s32 s28, v0;
	s28 =	sadd.s32 $0x3, s29;
	v56 =	vld.idx.msk [tilespmem:v40+s15+$0x0], $0xffff;
	[tilespmem:v44+s16+$0x0] =	vst.idx.msk $0xffff, v47  }
0x240: {  	v44 =	vor.u32 v38, v16;
	v40 =	vand.u32 $0x3F, v26;
	v26 =	vadd.s32 s28, v0;
	[tilespmem:v46+s16+$0x0] =	vst.idx.msk $0xffff, v41  }
0x241: {  	v41 =	vshll.u32 v37, $0x7;
	v46 =	vor.u32 v40, v16;
	v29 =	vand.u32 $0x3F, v26;
	[tilespmem:v53+s16+$0x0] =	vst.idx.msk $0xffff, v51  }
0x242: {  	v27 =	vshll.u32 v38, $0x7;
	v26 =	vshll.u32 v40, $0x7;
	v47 =	vor.u32 v29, v16;
	v51 =	vld.idx.msk [tilespmem:v32+s15+$0x0], $0xffff;
	[tilespmem:v33+s16+$0x0] =	vst.idx.msk $0xffff, v52  }
0x243: {  	v53 =	vor.u32 v12, v35;
	v32 =	vor.u32 v40, v24;
	v31 =	vshll.u32 v29, $0x7;
	v52 =	vld.idx.msk [tilespmem:v54+s15+$0x0], $0xffff  }
0x244: {  	v33 =	vor.u32 v11, v31;
	v54 =	vor.u32 v12, v23;
	v48 =	vld.idx.msk [tilespmem:v48+s15+$0x0], $0xffff;
	[tilespmem:v42+s16+$0x0] =	vst.idx.msk $0xffff, v43  }
0x245: {  	v42 =	vor.u32 v0, v41;
	v43 =	vld.idx.msk [tilespmem:v44+s15+$0x0], $0xffff;
	[tilespmem:v49+s16+$0x0] =	vst.idx.msk $0xffff, v56  }
0x246: {  	v44 =	vor.u32 v37, v17;
	v49 =	vor.u32 v0, v27;
	v56 =	vor.u32 v39, v20;
	v55 =	vld.idx.msk [tilespmem:v55+s15+$0x0], $0xffff  }
0x247: {  	v58 =	vor.u32 v12, v36;
	v59 =	vor.u32 v13, v36;
	v57 =	vor.u32 v38, v17;
	v46 =	vld.idx.msk [tilespmem:v46+s15+$0x0], $0xffff  }
0x248: {  	v61 =	vor.u32 v25, v21;
	v60 =	vor.u32 v0, v26;
	[tilespmem:v53+s16+$0x0] =	vst.idx.msk $0xffff, v51;
	v50 =	vld.idx.msk [tilespmem:v50+s15+$0x0], $0xffff  }
0x249: {  	v51 =	vor.u32 v28, v21;
	[tilespmem:v54+s16+$0x0] =	vst.idx.msk $0xffff, v52;
	v45 =	vld.idx.msk [tilespmem:v45+s15+$0x0], $0xffff;
	v52 =	vor.u32 v12, v34  }
0x24a: {  	[tilespmem:v42+s16+$0x0] =	vst.idx.msk $0xffff, v48;
	v42 =	vld.idx.msk [tilespmem:v47+s15+$0x0], $0xffff;
	v47 =	vor.u32 v13, v35;
	v48 =	vor.u32 v39, v21  }
0x24b: {  	v44 =	vld.idx.msk [tilespmem:v44+s15+$0x0], $0xffff;
	[tilespmem:v49+s16+$0x0] =	vst.idx.msk $0xffff, v43;
	v43 =	vor.u32 v40, v17;
	v49 =	vor.u32 v0, v31  }
0x24c: {  	v53 =	vor.u32 v9, v41;
	v54 =	vld.idx.msk [tilespmem:v57+s15+$0x0], $0xffff;
	v57 =	vor.u32 v29, v17;
	[tilespmem:v58+s16+$0x0] =	vst.idx.msk $0xffff, v55  }
0x24d: {  	v55 =	vor.u32 v37, v19;
	v58 =	vor.u32 v9, v27;
	[tilespmem:v60+s16+$0x0] =	vst.idx.msk $0xffff, v46;
	v46 =	vld.idx.msk [tilespmem:v61+s15+$0x0], $0xffff  }
0x24e: {  	v60 =	vor.u32 v38, v19;
	v61 =	vor.u32 v13, v23;
	v51 =	vld.idx.msk [tilespmem:v51+s15+$0x0], $0xffff;
	[tilespmem:v52+s16+$0x0] =	vst.idx.msk $0xffff, v50  }
0x24f: {  	v50 =	vor.u32 v25, v20;
	v52 =	vor.u32 v14, v36;
	[tilespmem:v47+s16+$0x0] =	vst.idx.msk $0xffff, v45;
	v45 =	vld.idx.msk [tilespmem:v48+s15+$0x0], $0xffff  }
0x250: {  	v47 =	vor.u32 v13, v34;
	v43 =	vld.idx.msk [tilespmem:v43+s15+$0x0], $0xffff;
	[tilespmem:v49+s16+$0x0] =	vst.idx.msk $0xffff, v42;
	v42 =	vor.u32 v28, v20  }
0x251: {  	v49 =	vor.u32 v30, v20;
	[tilespmem:v53+s16+$0x0] =	vst.idx.msk $0xffff, v44;
	v44 =	vor.u32 v9, v26;
	v48 =	vld.idx.msk [tilespmem:v57+s15+$0x0], $0xffff  }
0x252: {  	v53 =	vld.idx.msk [tilespmem:v55+s15+$0x0], $0xffff;
	[tilespmem:v58+s16+$0x0] =	vst.idx.msk $0xffff, v54;
	v54 =	vor.u32 v40, v19;
	v55 =	vor.u32 v9, v31  }
0x253: {  	v57 =	vor.u32 v10, v41;
	v58 =	vld.idx.msk [tilespmem:v60+s15+$0x0], $0xffff;
	v60 =	vor.u32 v29, v19;
	[tilespmem:v61+s16+$0x0] =	vst.idx.msk $0xffff, v46  }
0x254: {  	v46 =	vor.u32 v37, v22;
	v61 =	vor.u32 v10, v27;
	v50 =	vld.idx.msk [tilespmem:v50+s15+$0x0], $0xffff;
	[tilespmem:v59+s16+$0x0] =	vst.idx.msk $0xffff, v51  }
0x255: {  	v51 =	vor.u32 v14, v23;
	v59 =	vor.u32 v28, v18;
	v42 =	vld.idx.msk [tilespmem:v42+s15+$0x0], $0xffff;
	[tilespmem:v47+s16+$0x0] =	vst.idx.msk $0xffff, v45  }
0x256: {  	v62 =	vor.u32 v30, v18;
	v25 =	vor.u32 v25, v18;
	[tilespmem:v44+s16+$0x0] =	vst.idx.msk $0xffff, v43;
	v45 =	vld.idx.msk [tilespmem:v49+s15+$0x0], $0xffff  }
0x257: {  	v30 =	vor.u32 v14, v35;
	v49 =	vor.u32 v14, v34;
	v54 =	vld.idx.msk [tilespmem:v54+s15+$0x0], $0xffff;
	[tilespmem:v55+s16+$0x0] =	vst.idx.msk $0xffff, v48  }
0x258: {  	v43 =	vor.u32 v39, v18;
	[tilespmem:v57+s16+$0x0] =	vst.idx.msk $0xffff, v53;
	v53 =	vor.u32 v10, v26;
	v55 =	vld.idx.msk [tilespmem:v60+s15+$0x0], $0xffff  }
0x259: {  	v60 =	vor.u32 v10, v31;
	v57 =	vld.idx.msk [tilespmem:v46+s15+$0x0], $0xffff;
	[tilespmem:v61+s16+$0x0] =	vst.idx.msk $0xffff, v58;
	v58 =	vor.u32 v40, v22  }
0x25a: {  	v63 =	vor.u32 v29, v22;
	v61 =	vor.u32 v11, v41;
	[tilespmem:v51+s16+$0x0] =	vst.idx.msk $0xffff, v50;
	v39 =	vld.idx.msk [tilespmem:v56+s15+$0x0], $0xffff  }
.Ltmp15:
0x25b: {  	v28 =	vmov v38;
	v44 =	vor.u32 v15, v36;
	v48 =	vld.idx.msk [tilespmem:v25+s15+$0x0], $0xffff;
	[tilespmem:v52+s16+$0x0] =	vst.idx.msk $0xffff, v42;
	v25 =	vmov v37;
	(pc) =	sbr.rel @p0 .LBB2_25-.Ltmp15, $4  }
0x25c: {  	v38 =	vor.u32 v15, v23;
	v23 =	vmov v41;
	v47 =	vld.idx.msk [tilespmem:v59+s15+$0x0], $0xffff;
	[tilespmem:v30+s16+$0x0] =	vst.idx.msk $0xffff, v45;
	v30 =	vmov v40  }
0x25d: {  	v46 =	vor.u32 v15, v35;
	v40 =	vor.u32 v28, v22;
	[tilespmem:v53+s16+$0x0] =	vst.idx.msk $0xffff, v54;
	v41 =	vld.idx.msk [tilespmem:v62+s15+$0x0], $0xffff  }
0x25e: {  	v42 =	vor.u32 v15, v34;
	v45 =	vor.u32 v30, v21;
	v51 =	vld.idx.msk [tilespmem:v58+s15+$0x0], $0xffff;
	[tilespmem:v60+s16+$0x0] =	vst.idx.msk $0xffff, v55  }
0x25f: {  	v50 =	vor.u32 v29, v24;
	v53 =	vor.u32 v11, v26;
	[tilespmem:v61+s16+$0x0] =	vst.idx.msk $0xffff, v57;
	v52 =	vld.idx.msk [tilespmem:v63+s15+$0x0], $0xffff  }
0x260: {  	_ =	sdelay $0x3  }
0x261: {  	v16 =	vor.u32 v25, v24;
	v17 =	vor.u32 v11, v27;
	v19 =	vld.idx.msk [tilespmem:v40+s15+$0x0], $0xffff;
	_ =	sdelay $0x1  }
0x262: {  	v22 =	vor.u32 v28, v24  }
0x263: {  	[tilespmem:v53+s16+$0x0] =	vst.idx.msk $0xffff, v51  }
0x264: {  	v59 =	vor.u32 v12, v26;
	v32 =	vld.idx.msk [tilespmem:v32+s15+$0x0], $0xffff;
	[tilespmem:v33+s16+$0x0] =	vst.idx.msk $0xffff, v52  }
0x265: {  	v16 =	vld.idx.msk [tilespmem:v16+s15+$0x0], $0xffff;
	[tilespmem:v17+s16+$0x0] =	vst.idx.msk $0xffff, v19;
	v17 =	vor.u32 v12, v23  }
0x266: {  	v58 =	vor.u32 v25, v21;
	v36 =	vor.u32 v12, v31;
	v35 =	vld.idx.msk [tilespmem:v50+s15+$0x0], $0xffff  }
0x267: {  	v57 =	vor.u32 v12, v27;
	v60 =	vor.u32 v29, v21;
	v19 =	vld.idx.msk [tilespmem:v22+s15+$0x0], $0xffff  }
0x268: {  	v34 =	vor.u32 v28, v21  }
0x269: {  	[tilespmem:v59+s16+$0x0] =	vst.idx.msk $0xffff, v32  }
0x26a: {  	v63 =	vor.u32 v13, v26;
	[tilespmem:v17+s16+$0x0] =	vst.idx.msk $0xffff, v16;
	v32 =	vld.idx.msk [tilespmem:v45+s15+$0x0], $0xffff  }
0x26b: {  	v50 =	vor.u32 v30, v20;
	v17 =	vor.u32 v13, v23;
	[tilespmem:v36+s16+$0x0] =	vst.idx.msk $0xffff, v35;
	v16 =	vld.idx.msk [tilespmem:v58+s15+$0x0], $0xffff  }
0x26c: {  	v62 =	vor.u32 v25, v20;
	v45 =	vor.u32 v13, v31;
	[tilespmem:v57+s16+$0x0] =	vst.idx.msk $0xffff, v19;
	v21 =	vld.idx.msk [tilespmem:v60+s15+$0x0], $0xffff  }
0x26d: {  	v61 =	vor.u32 v13, v27;
	v51 =	vor.u32 v29, v20;
	v22 =	vld.idx.msk [tilespmem:v34+s15+$0x0], $0xffff  }
0x26e: {  	v40 =	vor.u32 v28, v20;
	[tilespmem:v49+s16+$0x0] =	vst.idx.msk $0xffff, v39  }
0x26f: {  	[tilespmem:v63+s16+$0x0] =	vst.idx.msk $0xffff, v32  }
0x270: {  	v56 =	vor.u32 v14, v26;
	[tilespmem:v17+s16+$0x0] =	vst.idx.msk $0xffff, v16;
	v55 =	vld.idx.msk [tilespmem:v50+s15+$0x0], $0xffff  }
0x271: {  	v57 =	vor.u32 v30, v18;
	v17 =	vor.u32 v14, v23;
	[tilespmem:v45+s16+$0x0] =	vst.idx.msk $0xffff, v21;
	v16 =	vld.idx.msk [tilespmem:v62+s15+$0x0], $0xffff  }
0x272: {  	v53 =	vor.u32 v25, v18;
	v58 =	vor.u32 v14, v31;
	[tilespmem:v61+s16+$0x0] =	vst.idx.msk $0xffff, v22;
	v20 =	vld.idx.msk [tilespmem:v51+s15+$0x0], $0xffff  }
0x273: {  	[tilespmem:v38+s16+$0x0] =	vst.idx.msk $0xffff, v48;
	v52 =	vor.u32 v14, v27;
	v59 =	vor.u32 v29, v18;
	v22 =	vld.idx.msk [tilespmem:v40+s15+$0x0], $0xffff  }
0x274: {  	v54 =	vor.u32 v28, v18;
	[tilespmem:v44+s16+$0x0] =	vst.idx.msk $0xffff, v47  }
0x275: {  	v60 =	vld.idx.msk [tilespmem:v43+s15+$0x0], $0xffff;
	[tilespmem:v56+s16+$0x0] =	vst.idx.msk $0xffff, v55  }
0x276: {  	v62 =	vor.u32 v15, v26;
	[tilespmem:v17+s16+$0x0] =	vst.idx.msk $0xffff, v16;
	v21 =	vld.idx.msk [tilespmem:v57+s15+$0x0], $0xffff  }
0x277: {  	v17 =	vor.u32 v15, v23;
	[tilespmem:v58+s16+$0x0] =	vst.idx.msk $0xffff, v20;
	v16 =	vld.idx.msk [tilespmem:v53+s15+$0x0], $0xffff  }
0x278: {  	v63 =	vor.u32 v15, v31;
	[tilespmem:v52+s16+$0x0] =	vst.idx.msk $0xffff, v22;
	v18 =	vld.idx.msk [tilespmem:v59+s15+$0x0], $0xffff  }
0x279: {  	[tilespmem:v46+s16+$0x0] =	vst.idx.msk $0xffff, v41;
	v61 =	vor.u32 v15, v27;
	v22 =	vld.idx.msk [tilespmem:v54+s15+$0x0], $0xffff  }
.Ltmp16:
0x27a: {  	[tilespmem:v42+s16+$0x0] =	vst.idx.msk $0xffff, v60;
	(pc) =	sbr.rel .LBB2_27-.Ltmp16, $4  }
0x27b: {  	[tilespmem:v62+s16+$0x0] =	vst.idx.msk $0xffff, v21  }
0x27c: {  	[tilespmem:v17+s16+$0x0] =	vst.idx.msk $0xffff, v16  }
0x27d: {  	[tilespmem:v63+s16+$0x0] =	vst.idx.msk $0xffff, v18  }
0x27e: {  	[tilespmem:v61+s16+$0x0] =	vst.idx.msk $0xffff, v22  }
.LBB2_6:
.Ltmp17:
0x27f: {  	(pc) =	sbr.rel @p0 .LBB2_10-.Ltmp17, $1  }
0x280: {  	_ =	sdelay $0x3  }
0x281: {  	p0 =	sgt.u32 s25, $0xC5  }
0x282: {  	s28 =	sshll.u32 @!p0 s25, $0x7  }
0x283: {  	s28 =	sand.u32 @!p0 $0x3FFFFF80, s28  }
0x284: {  	s29 =	simm.s32 @!p0 $0x80;
	s30 =	simm.s32 @!p0 $0x14800;
	s28 =	sadd.s32 @!p0 $0x6500, s28  }
0x285: {  	[tilespmem:s30], [sflag:$0x3] =	stream.indirect.gather @!p0 [hbm4b:s4+s29], $0x80, s28, s29, $0xb8;
	[tilespmem:$0x1C800] =	vst v63  }
0x286: {  	_ =	swait.ge [sflag:s23], $0x4000  }
0x287: {  	p0 =	slt.u32 s25, $0x2;
	[sflag:s23] =	ssyncset.done $0x0  }
0x288: {  	s28 =	simm.s32 @!p0 $0x4;
	[sflag:s23] =	ssyncadd.s32 $0xFFFFC000  }
0x289: {  	_ =	swait.ge @!p0 [sflag:s28], $0x2000  }
0x28a: {  	s31 =	sshll.u32 s25, $0x7;
	[sflag:s28] =	ssyncset.done @!p0 $0x0  }
0x28b: {  	[sflag:s28] =	ssyncadd.s32 @!p0 $0xFFFFE000;
	s28 =	sand.u32 $0x3FFFFF80, s31  }
0x28c: {  	v16 =	vld [tilespmem:s28+$0x0];
	_ =	sdelay $0x4  }
0x28d: {  	s30 =	simm.s32 $0x0;
	v16 =	vshll.u32 v16, $0x6  }
0x28e: {  	v18 =	vadd.s32 s30, v0;
	s31 =	simm.s32 $0x2;
	v17 =	vld [tilespmem:s28+$0x10];
	v16 =	vand.u32 $0x40, v16  }
0x28f: {  	v39 =	vand.u32 $0x3F, v18;
	v18 =	vadd.s32 s31, v0;
	v16 =	vor.u32 v1, v16  }
0x290: {  	s30 =	simm.s32 $0x1;
	v38 =	vand.u32 $0x3F, v18;
	v20 =	vor.u32 v39, v16  }
0x291: {  	v21 =	vadd.s32 s30, v0;
	v19 =	vld [tilespmem:s28+$0x20];
	s31 =	simm.s32 $0x3;
	v22 =	vor.u32 v38, v16  }
0x292: {  	v41 =	vand.u32 $0x3F, v21;
	v23 =	vld [tilespmem:s28+$0x40];
	v21 =	vadd.s32 s31, v0  }
0x293: {  	v24 =	vld [tilespmem:s28+$0x50];
	v36 =	vand.u32 $0x3F, v21;
	v17 =	vshll.u32 v17, $0x6;
	v25 =	vor.u32 v41, v16  }
0x294: {  	v35 =	vshll.u32 v39, $0x7;
	v30 =	vld [tilespmem:s28+$0x70];
	v17 =	vand.u32 $0x40, v17;
	v26 =	vor.u32 v36, v16  }
0x295: {  	v27 =	vor.u32 v0, v35;
	v34 =	vshll.u32 v38, $0x7;
	v17 =	vor.u32 v2, v17;
	v20 =	vld.idx.msk [tilespmem:v20+s11+$0x0], $0xffff  }
0x296: {  	v29 =	vor.u32 v0, v34;
	v28 =	vor.u32 v39, v17;
	v22 =	vld.idx.msk [tilespmem:v22+s11+$0x0], $0xffff  }
0x297: {  	v40 =	vshll.u32 v41, $0x7;
	v18 =	vld [tilespmem:s28+$0x30];
	v31 =	vor.u32 v38, v17  }
0x298: {  	v32 =	vor.u32 v0, v40;
	v37 =	vshll.u32 v36, $0x7;
	v25 =	vld.idx.msk [tilespmem:v25+s11+$0x0], $0xffff  }
0x299: {  	v42 =	vor.u32 v0, v37;
	v19 =	vshll.u32 v19, $0x6;
	v33 =	vor.u32 v41, v17;
	v26 =	vld.idx.msk [tilespmem:v26+s11+$0x0], $0xffff  }
0x29a: {  	v21 =	vld [tilespmem:s28+$0x60];
	v19 =	vand.u32 $0x40, v19;
	[tilespmem:v27+s17+$0x0] =	vst.idx.msk $0xffff, v20;
	v20 =	vor.u32 v36, v17  }
0x29b: {  	v19 =	vor.u32 v3, v19;
	[tilespmem:v29+s17+$0x0] =	vst.idx.msk $0xffff, v22;
	v27 =	vld.idx.msk [tilespmem:v28+s11+$0x0], $0xffff;
	v28 =	vor.u32 v9, v35  }
0x29c: {  	v43 =	vor.u32 v9, v34;
	v29 =	vor.u32 v39, v19;
	v31 =	vld.idx.msk [tilespmem:v31+s11+$0x0], $0xffff  }
0x29d: {  	[tilespmem:v32+s17+$0x0] =	vst.idx.msk $0xffff, v25;
	v25 =	vor.u32 v38, v19  }
0x29e: {  	v52 =	vor.u32 v9, v40;
	v18 =	vshll.u32 v18, $0x6;
	[tilespmem:v42+s17+$0x0] =	vst.idx.msk $0xffff, v26;
	v32 =	vld.idx.msk [tilespmem:v33+s11+$0x0], $0xffff  }
0x29f: {  	v22 =	vshll.u32 v23, $0x6;
	v23 =	vor.u32 v41, v19;
	v26 =	vor.u32 v9, v37;
	v20 =	vld.idx.msk [tilespmem:v20+s11+$0x0], $0xffff  }
0x2a0: {  	v18 =	vand.u32 $0x40, v18;
	v53 =	vand.u32 $0x40, v22;
	[tilespmem:v28+s17+$0x0] =	vst.idx.msk $0xffff, v27;
	v27 =	vor.u32 v36, v19  }
0x2a1: {  	v22 =	vor.u32 v4, v18;
	v28 =	vor.u32 v10, v35;
	[tilespmem:v43+s17+$0x0] =	vst.idx.msk $0xffff, v31;
	v18 =	vld.idx.msk [tilespmem:v29+s11+$0x0], $0xffff  }
0x2a2: {  	v61 =	vor.u32 v12, v35;
	v44 =	vor.u32 v10, v40;
	v31 =	vor.u32 v10, v34;
	v25 =	vld.idx.msk [tilespmem:v25+s11+$0x0], $0xffff  }
0x2a3: {  	v48 =	vor.u32 v11, v40;
	v55 =	vor.u32 v38, v22;
	[tilespmem:v52+s17+$0x0] =	vst.idx.msk $0xffff, v32  }
0x2a4: {  	v24 =	vshll.u32 v24, $0x6;
	v29 =	vor.u32 v39, v22;
	v23 =	vld.idx.msk [tilespmem:v23+s11+$0x0], $0xffff;
	[tilespmem:v26+s17+$0x0] =	vst.idx.msk $0xffff, v20  }
0x2a5: {  	v30 =	vshll.u32 v30, $0x6;
	v54 =	vand.u32 $0x40, v24;
	v26 =	vld.idx.msk [tilespmem:v27+s11+$0x0], $0xffff;
	v27 =	vor.u32 v10, v37  }
0x2a6: {  	v30 =	vand.u32 $0x40, v30;
	v24 =	vor.u32 v5, v53;
	[tilespmem:v28+s17+$0x0] =	vst.idx.msk $0xffff, v18;
	v28 =	vor.u32 v36, v22  }
0x2a7: {  	v18 =	vor.u32 v8, v30;
	v30 =	vor.u32 v41, v22;
	[tilespmem:v31+s17+$0x0] =	vst.idx.msk $0xffff, v25  }
0x2a8: {  	s28 =	simm.s32 $0x4;
	v58 =	vor.u32 v11, v34;
	v57 =	vor.u32 v11, v37;
	v31 =	vor.u32 v38, v24;
	v32 =	vld.idx.msk [tilespmem:v55+s11+$0x0], $0xffff  }
0x2a9: {  	v21 =	vshll.u32 v21, $0x6;
	[tilespmem:v44+s17+$0x0] =	vst.idx.msk $0xffff, v23;
	v23 =	vor.u32 v11, v35;
	v25 =	vadd.s32 s28, v0;
	s28 =	simm.s32 $0x5;
	v29 =	vld.idx.msk [tilespmem:v29+s11+$0x0], $0xffff  }
0x2aa: {  	v59 =	vor.u32 v39, v24;
	v25 =	vand.u32 $0x3F, v25;
	[tilespmem:v27+s17+$0x0] =	vst.idx.msk $0xffff, v26;
	v26 =	vadd.s32 s28, v0  }
0x2ab: {  	v56 =	vand.u32 $0x40, v21;
	v47 =	vor.u32 v25, v16;
	v45 =	vld.idx.msk [tilespmem:v28+s11+$0x0], $0xffff;
	v28 =	vand.u32 $0x3F, v26  }
0x2ac: {  	v21 =	vor.u32 v6, v54;
	v53 =	vor.u32 v12, v34;
	s28 =	simm.s32 $0x6;
	v49 =	vld.idx.msk [tilespmem:v30+s11+$0x0], $0xffff;
	v50 =	vor.u32 v28, v16  }
0x2ad: {  	v46 =	vor.u32 v36, v24;
	v51 =	vor.u32 v41, v24;
	v26 =	vadd.s32 s28, v0;
	[tilespmem:v58+s17+$0x0] =	vst.idx.msk $0xffff, v32  }
0x2ae: {  	v43 =	vor.u32 v38, v21;
	s28 =	simm.s32 $0x7;
	v30 =	vand.u32 $0x3F, v26;
	[tilespmem:v23+s17+$0x0] =	vst.idx.msk $0xffff, v29;
	v52 =	vld.idx.msk [tilespmem:v31+s11+$0x0], $0xffff  }
0x2af: {  	v20 =	vor.u32 v7, v56;
	v26 =	vadd.s32 s28, v0;
	v42 =	vor.u32 v30, v16;
	v44 =	vld.idx.msk [tilespmem:v59+s11+$0x0], $0xffff  }
0x2b0: {  	v23 =	vshll.u32 v25, $0x7;
	v27 =	vshll.u32 v28, $0x7;
	v29 =	vand.u32 $0x3F, v26;
	v60 =	vld.idx.msk [tilespmem:v47+s11+$0x0], $0xffff  }
0x2b1: {  	v55 =	vor.u32 v0, v23;
	v54 =	vor.u32 v29, v16;
	[tilespmem:v48+s17+$0x0] =	vst.idx.msk $0xffff, v49;
	v50 =	vld.idx.msk [tilespmem:v50+s11+$0x0], $0xffff  }
0x2b2: {  	v62 =	vor.u32 v25, v17;
	v63 =	vor.u32 v0, v27;
	[tilespmem:v57+s17+$0x0] =	vst.idx.msk $0xffff, v45;
	v51 =	vld.idx.msk [tilespmem:v51+s11+$0x0], $0xffff  }
0x2b3: {  	v56 =	vor.u32 v28, v17;
	v26 =	vshll.u32 v30, $0x7;
	v57 =	vor.u32 v12, v40;
	v46 =	vld.idx.msk [tilespmem:v46+s11+$0x0], $0xffff  }
0x2b4: {  	v59 =	vor.u32 v39, v21;
	v47 =	vor.u32 v12, v37;
	v42 =	vld.idx.msk [tilespmem:v42+s11+$0x0], $0xffff;
	[tilespmem:v53+s17+$0x0] =	vst.idx.msk $0xffff, v52  }
0x2b5: {  	v31 =	vshll.u32 v29, $0x7;
	v58 =	vor.u32 v0, v26;
	[tilespmem:v61+s17+$0x0] =	vst.idx.msk $0xffff, v44;
	v43 =	vld.idx.msk [tilespmem:v43+s11+$0x0], $0xffff  }
0x2b6: {  	v44 =	vor.u32 v41, v21;
	[tilespmem:v55+s17+$0x0] =	vst.idx.msk $0xffff, v60;
	v52 =	vor.u32 v13, v34;
	v45 =	vld.idx.msk [tilespmem:v54+s11+$0x0], $0xffff  }
0x2b7: {  	v53 =	vor.u32 v36, v21;
	v48 =	vld.idx.msk [tilespmem:v62+s11+$0x0], $0xffff;
	v54 =	vor.u32 v9, v23;
	[tilespmem:v63+s17+$0x0] =	vst.idx.msk $0xffff, v50  }
0x2b8: {  	v49 =	vor.u32 v30, v17;
	v50 =	vor.u32 v0, v31;
	[tilespmem:v57+s17+$0x0] =	vst.idx.msk $0xffff, v51  }
0x2b9: {  	v60 =	vor.u32 v25, v19;
	v61 =	vor.u32 v9, v27;
	[tilespmem:v47+s17+$0x0] =	vst.idx.msk $0xffff, v46;
	v55 =	vld.idx.msk [tilespmem:v56+s11+$0x0], $0xffff  }
0x2ba: {  	v63 =	vor.u32 v13, v35;
	v56 =	vor.u32 v29, v17;
	[tilespmem:v58+s17+$0x0] =	vst.idx.msk $0xffff, v42;
	v42 =	vld.idx.msk [tilespmem:v59+s11+$0x0], $0xffff  }
0x2bb: {  	v62 =	vor.u32 v28, v19;
	v46 =	vor.u32 v13, v40;
	v44 =	vld.idx.msk [tilespmem:v44+s11+$0x0], $0xffff;
	[tilespmem:v52+s17+$0x0] =	vst.idx.msk $0xffff, v43  }
0x2bc: {  	v32 =	vor.u32 v30, v24;
	v47 =	vor.u32 v39, v20;
	v43 =	vld.idx.msk [tilespmem:v53+s11+$0x0], $0xffff;
	[tilespmem:v54+s17+$0x0] =	vst.idx.msk $0xffff, v48  }
0x2bd: {  	v49 =	vld.idx.msk [tilespmem:v49+s11+$0x0], $0xffff;
	v48 =	vor.u32 v9, v26;
	v53 =	vor.u32 v38, v20;
	[tilespmem:v50+s17+$0x0] =	vst.idx.msk $0xffff, v45  }
0x2be: {  	v54 =	vor.u32 v30, v19;
	v51 =	vld.idx.msk [tilespmem:v60+s11+$0x0], $0xffff;
	v60 =	vor.u32 v10, v23;
	[tilespmem:v61+s17+$0x0] =	vst.idx.msk $0xffff, v55  }
0x2bf: {  	v45 =	vor.u32 v41, v20;
	v50 =	vor.u32 v13, v37;
	v52 =	vld.idx.msk [tilespmem:v56+s11+$0x0], $0xffff;
	[tilespmem:v63+s17+$0x0] =	vst.idx.msk $0xffff, v42  }
0x2c0: {  	v55 =	vor.u32 v9, v31;
	[tilespmem:v46+s17+$0x0] =	vst.idx.msk $0xffff, v44;
	v44 =	vor.u32 v36, v20;
	v57 =	vld.idx.msk [tilespmem:v62+s11+$0x0], $0xffff  }
0x2c1: {  	v33 =	vor.u32 v11, v31;
	v61 =	vor.u32 v29, v19;
	v63 =	vor.u32 v10, v27;
	v47 =	vld.idx.msk [tilespmem:v47+s11+$0x0], $0xffff  }
0x2c2: {  	v46 =	vor.u32 v14, v35;
	v62 =	vor.u32 v25, v22;
	[tilespmem:v48+s17+$0x0] =	vst.idx.msk $0xffff, v49;
	v53 =	vld.idx.msk [tilespmem:v53+s11+$0x0], $0xffff  }
0x2c3: {  	v48 =	vor.u32 v39, v18;
	v54 =	vld.idx.msk [tilespmem:v54+s11+$0x0], $0xffff;
	[tilespmem:v60+s17+$0x0] =	vst.idx.msk $0xffff, v51;
	v51 =	vor.u32 v10, v26  }
0x2c4: {  	v42 =	vor.u32 v30, v22;
	v45 =	vld.idx.msk [tilespmem:v45+s11+$0x0], $0xffff;
	[tilespmem:v50+s17+$0x0] =	vst.idx.msk $0xffff, v43;
	v50 =	vor.u32 v14, v40  }
0x2c5: {  	v41 =	vor.u32 v41, v18;
	[tilespmem:v55+s17+$0x0] =	vst.idx.msk $0xffff, v52;
	v52 =	vor.u32 v14, v34;
	v39 =	vld.idx.msk [tilespmem:v44+s11+$0x0], $0xffff  }
0x2c6: {  	v55 =	vor.u32 v38, v18;
	v56 =	vld.idx.msk [tilespmem:v61+s11+$0x0], $0xffff;
	[tilespmem:v63+s17+$0x0] =	vst.idx.msk $0xffff, v57;
	v57 =	vor.u32 v10, v31  }
0x2c7: {  	v59 =	vor.u32 v11, v23;
	v60 =	vor.u32 v29, v22;
	v58 =	vld.idx.msk [tilespmem:v62+s11+$0x0], $0xffff;
	[tilespmem:v46+s17+$0x0] =	vst.idx.msk $0xffff, v47  }
0x2c8: {  	v49 =	vor.u32 v14, v37;
	v43 =	vor.u32 v36, v18;
	v48 =	vld.idx.msk [tilespmem:v48+s11+$0x0], $0xffff;
	[tilespmem:v51+s17+$0x0] =	vst.idx.msk $0xffff, v54  }
0x2c9: {  	v44 =	vor.u32 v15, v40;
	v38 =	vor.u32 v15, v35;
	v51 =	vld.idx.msk [tilespmem:v42+s11+$0x0], $0xffff;
	[tilespmem:v50+s17+$0x0] =	vst.idx.msk $0xffff, v45  }
0x2ca: {  	v40 =	vor.u32 v28, v22;
	v46 =	vor.u32 v15, v34;
	v47 =	vld.idx.msk [tilespmem:v41+s11+$0x0], $0xffff;
	[tilespmem:v52+s17+$0x0] =	vst.idx.msk $0xffff, v53  }
0x2cb: {  	v42 =	vor.u32 v15, v37;
	v45 =	vor.u32 v30, v21;
	v41 =	vld.idx.msk [tilespmem:v55+s11+$0x0], $0xffff;
	[tilespmem:v57+s17+$0x0] =	vst.idx.msk $0xffff, v56  }
0x2cc: {  	s28 =	simm.s32 $0x8;
	v50 =	vor.u32 v29, v24;
	v53 =	vor.u32 v11, v26;
	[tilespmem:v59+s17+$0x0] =	vst.idx.msk $0xffff, v58;
	v52 =	vld.idx.msk [tilespmem:v60+s11+$0x0], $0xffff  }
.LBB2_8:
0x2cd: {  	s29 =	sadd.s32 $0x1, s28;
	v54 =	vor.u32 v25, v24;
	v55 =	vor.u32 v28, v24  }
0x2ce: {  	v37 =	vadd.s32 s28, v0;
	p0 =	slt.u32 s28, $0x3C;
	[tilespmem:v49+s17+$0x0] =	vst.idx.msk $0xffff, v39;
	v39 =	vmovc v29;
	v36 =	vmovc v27;
	v35 =	vmov v26;
	v34 =	vmov v31;
	s30 =	smov.u32 s28;
	s28 =	sadd.s32 $0x4, s28  }
0x2cf: {  	v37 =	vand.u32 $0x3F, v37;
	v26 =	vadd.s32 s29, v0;
	s29 =	sadd.s32 $0x2, s30;
	v49 =	vor.u32 v11, v36;
	[tilespmem:v38+s17+$0x0] =	vst.idx.msk $0xffff, v48;
	v43 =	vld.idx.msk [tilespmem:v43+s11+$0x0], $0xffff  }
0x2d0: {  	v48 =	vor.u32 v37, v16;
	v38 =	vand.u32 $0x3F, v26;
	v26 =	vadd.s32 s29, v0;
	s29 =	sadd.s32 $0x3, s30;
	v56 =	vld.idx.msk [tilespmem:v40+s11+$0x0], $0xffff;
	[tilespmem:v44+s17+$0x0] =	vst.idx.msk $0xffff, v47  }
0x2d1: {  	v44 =	vor.u32 v38, v16;
	v40 =	vand.u32 $0x3F, v26;
	v26 =	vadd.s32 s29, v0;
	[tilespmem:v46+s17+$0x0] =	vst.idx.msk $0xffff, v41  }
0x2d2: {  	v41 =	vshll.u32 v37, $0x7;
	v46 =	vor.u32 v40, v16;
	v29 =	vand.u32 $0x3F, v26;
	[tilespmem:v53+s17+$0x0] =	vst.idx.msk $0xffff, v51  }
0x2d3: {  	v27 =	vshll.u32 v38, $0x7;
	v26 =	vshll.u32 v40, $0x7;
	v47 =	vor.u32 v29, v16;
	v51 =	vld.idx.msk [tilespmem:v32+s11+$0x0], $0xffff;
	[tilespmem:v33+s17+$0x0] =	vst.idx.msk $0xffff, v52  }
0x2d4: {  	v53 =	vor.u32 v12, v35;
	v32 =	vor.u32 v40, v24;
	v31 =	vshll.u32 v29, $0x7;
	v52 =	vld.idx.msk [tilespmem:v54+s11+$0x0], $0xffff  }
0x2d5: {  	v33 =	vor.u32 v11, v31;
	v54 =	vor.u32 v12, v23;
	v48 =	vld.idx.msk [tilespmem:v48+s11+$0x0], $0xffff;
	[tilespmem:v42+s17+$0x0] =	vst.idx.msk $0xffff, v43  }
0x2d6: {  	v42 =	vor.u32 v0, v41;
	v43 =	vld.idx.msk [tilespmem:v44+s11+$0x0], $0xffff;
	[tilespmem:v49+s17+$0x0] =	vst.idx.msk $0xffff, v56  }
0x2d7: {  	v44 =	vor.u32 v37, v17;
	v49 =	vor.u32 v0, v27;
	v56 =	vor.u32 v39, v20;
	v55 =	vld.idx.msk [tilespmem:v55+s11+$0x0], $0xffff  }
0x2d8: {  	v58 =	vor.u32 v12, v36;
	v59 =	vor.u32 v13, v36;
	v57 =	vor.u32 v38, v17;
	v46 =	vld.idx.msk [tilespmem:v46+s11+$0x0], $0xffff  }
0x2d9: {  	v61 =	vor.u32 v25, v21;
	v60 =	vor.u32 v0, v26;
	[tilespmem:v53+s17+$0x0] =	vst.idx.msk $0xffff, v51;
	v50 =	vld.idx.msk [tilespmem:v50+s11+$0x0], $0xffff  }
0x2da: {  	v51 =	vor.u32 v28, v21;
	[tilespmem:v54+s17+$0x0] =	vst.idx.msk $0xffff, v52;
	v45 =	vld.idx.msk [tilespmem:v45+s11+$0x0], $0xffff;
	v52 =	vor.u32 v12, v34  }
0x2db: {  	[tilespmem:v42+s17+$0x0] =	vst.idx.msk $0xffff, v48;
	v42 =	vld.idx.msk [tilespmem:v47+s11+$0x0], $0xffff;
	v47 =	vor.u32 v13, v35;
	v48 =	vor.u32 v39, v21  }
0x2dc: {  	v44 =	vld.idx.msk [tilespmem:v44+s11+$0x0], $0xffff;
	[tilespmem:v49+s17+$0x0] =	vst.idx.msk $0xffff, v43;
	v43 =	vor.u32 v40, v17;
	v49 =	vor.u32 v0, v31  }
0x2dd: {  	v53 =	vor.u32 v9, v41;
	v54 =	vld.idx.msk [tilespmem:v57+s11+$0x0], $0xffff;
	v57 =	vor.u32 v29, v17;
	[tilespmem:v58+s17+$0x0] =	vst.idx.msk $0xffff, v55  }
0x2de: {  	v55 =	vor.u32 v37, v19;
	v58 =	vor.u32 v9, v27;
	[tilespmem:v60+s17+$0x0] =	vst.idx.msk $0xffff, v46;
	v46 =	vld.idx.msk [tilespmem:v61+s11+$0x0], $0xffff  }
0x2df: {  	v60 =	vor.u32 v38, v19;
	v61 =	vor.u32 v13, v23;
	v51 =	vld.idx.msk [tilespmem:v51+s11+$0x0], $0xffff;
	[tilespmem:v52+s17+$0x0] =	vst.idx.msk $0xffff, v50  }
0x2e0: {  	v50 =	vor.u32 v25, v20;
	v52 =	vor.u32 v14, v36;
	[tilespmem:v47+s17+$0x0] =	vst.idx.msk $0xffff, v45;
	v45 =	vld.idx.msk [tilespmem:v48+s11+$0x0], $0xffff  }
0x2e1: {  	v47 =	vor.u32 v13, v34;
	v43 =	vld.idx.msk [tilespmem:v43+s11+$0x0], $0xffff;
	[tilespmem:v49+s17+$0x0] =	vst.idx.msk $0xffff, v42;
	v42 =	vor.u32 v28, v20  }
0x2e2: {  	v49 =	vor.u32 v30, v20;
	[tilespmem:v53+s17+$0x0] =	vst.idx.msk $0xffff, v44;
	v44 =	vor.u32 v9, v26;
	v48 =	vld.idx.msk [tilespmem:v57+s11+$0x0], $0xffff  }
0x2e3: {  	v53 =	vld.idx.msk [tilespmem:v55+s11+$0x0], $0xffff;
	[tilespmem:v58+s17+$0x0] =	vst.idx.msk $0xffff, v54;
	v54 =	vor.u32 v40, v19;
	v55 =	vor.u32 v9, v31  }
0x2e4: {  	v57 =	vor.u32 v10, v41;
	v58 =	vld.idx.msk [tilespmem:v60+s11+$0x0], $0xffff;
	v60 =	vor.u32 v29, v19;
	[tilespmem:v61+s17+$0x0] =	vst.idx.msk $0xffff, v46  }
0x2e5: {  	v46 =	vor.u32 v37, v22;
	v61 =	vor.u32 v10, v27;
	v50 =	vld.idx.msk [tilespmem:v50+s11+$0x0], $0xffff;
	[tilespmem:v59+s17+$0x0] =	vst.idx.msk $0xffff, v51  }
0x2e6: {  	v51 =	vor.u32 v14, v23;
	v59 =	vor.u32 v28, v18;
	v42 =	vld.idx.msk [tilespmem:v42+s11+$0x0], $0xffff;
	[tilespmem:v47+s17+$0x0] =	vst.idx.msk $0xffff, v45  }
0x2e7: {  	v62 =	vor.u32 v30, v18;
	v25 =	vor.u32 v25, v18;
	[tilespmem:v44+s17+$0x0] =	vst.idx.msk $0xffff, v43;
	v45 =	vld.idx.msk [tilespmem:v49+s11+$0x0], $0xffff  }
0x2e8: {  	v30 =	vor.u32 v14, v35;
	v49 =	vor.u32 v14, v34;
	v54 =	vld.idx.msk [tilespmem:v54+s11+$0x0], $0xffff;
	[tilespmem:v55+s17+$0x0] =	vst.idx.msk $0xffff, v48  }
0x2e9: {  	v43 =	vor.u32 v39, v18;
	[tilespmem:v57+s17+$0x0] =	vst.idx.msk $0xffff, v53;
	v53 =	vor.u32 v10, v26;
	v55 =	vld.idx.msk [tilespmem:v60+s11+$0x0], $0xffff  }
0x2ea: {  	v60 =	vor.u32 v10, v31;
	v57 =	vld.idx.msk [tilespmem:v46+s11+$0x0], $0xffff;
	[tilespmem:v61+s17+$0x0] =	vst.idx.msk $0xffff, v58;
	v58 =	vor.u32 v40, v22  }
0x2eb: {  	v63 =	vor.u32 v29, v22;
	v61 =	vor.u32 v11, v41;
	[tilespmem:v51+s17+$0x0] =	vst.idx.msk $0xffff, v50;
	v39 =	vld.idx.msk [tilespmem:v56+s11+$0x0], $0xffff  }
.Ltmp18:
0x2ec: {  	v28 =	vmov v38;
	v44 =	vor.u32 v15, v36;
	v48 =	vld.idx.msk [tilespmem:v25+s11+$0x0], $0xffff;
	[tilespmem:v52+s17+$0x0] =	vst.idx.msk $0xffff, v42;
	v25 =	vmov v37;
	(pc) =	sbr.rel @p0 .LBB2_8-.Ltmp18, $4  }
0x2ed: {  	v38 =	vor.u32 v15, v23;
	v23 =	vmov v41;
	v47 =	vld.idx.msk [tilespmem:v59+s11+$0x0], $0xffff;
	[tilespmem:v30+s17+$0x0] =	vst.idx.msk $0xffff, v45;
	v30 =	vmov v40  }
0x2ee: {  	v46 =	vor.u32 v15, v35;
	v40 =	vor.u32 v28, v22;
	[tilespmem:v53+s17+$0x0] =	vst.idx.msk $0xffff, v54;
	v41 =	vld.idx.msk [tilespmem:v62+s11+$0x0], $0xffff  }
0x2ef: {  	v42 =	vor.u32 v15, v34;
	v45 =	vor.u32 v30, v21;
	v51 =	vld.idx.msk [tilespmem:v58+s11+$0x0], $0xffff;
	[tilespmem:v60+s17+$0x0] =	vst.idx.msk $0xffff, v55  }
0x2f0: {  	v50 =	vor.u32 v29, v24;
	v53 =	vor.u32 v11, v26;
	[tilespmem:v61+s17+$0x0] =	vst.idx.msk $0xffff, v57;
	v52 =	vld.idx.msk [tilespmem:v63+s11+$0x0], $0xffff  }
0x2f1: {  	_ =	sdelay $0x3  }
0x2f2: {  	v16 =	vor.u32 v25, v24;
	v17 =	vor.u32 v11, v27;
	v19 =	vld.idx.msk [tilespmem:v40+s11+$0x0], $0xffff;
	_ =	sdelay $0x1  }
0x2f3: {  	v22 =	vor.u32 v28, v24  }
0x2f4: {  	[tilespmem:v53+s17+$0x0] =	vst.idx.msk $0xffff, v51  }
0x2f5: {  	v59 =	vor.u32 v12, v26;
	v32 =	vld.idx.msk [tilespmem:v32+s11+$0x0], $0xffff;
	[tilespmem:v33+s17+$0x0] =	vst.idx.msk $0xffff, v52  }
0x2f6: {  	v16 =	vld.idx.msk [tilespmem:v16+s11+$0x0], $0xffff;
	[tilespmem:v17+s17+$0x0] =	vst.idx.msk $0xffff, v19;
	v17 =	vor.u32 v12, v23  }
0x2f7: {  	v58 =	vor.u32 v25, v21;
	v36 =	vor.u32 v12, v31;
	v35 =	vld.idx.msk [tilespmem:v50+s11+$0x0], $0xffff  }
0x2f8: {  	v57 =	vor.u32 v12, v27;
	v60 =	vor.u32 v29, v21;
	v19 =	vld.idx.msk [tilespmem:v22+s11+$0x0], $0xffff  }
0x2f9: {  	v34 =	vor.u32 v28, v21  }
0x2fa: {  	[tilespmem:v59+s17+$0x0] =	vst.idx.msk $0xffff, v32  }
0x2fb: {  	v63 =	vor.u32 v13, v26;
	[tilespmem:v17+s17+$0x0] =	vst.idx.msk $0xffff, v16;
	v32 =	vld.idx.msk [tilespmem:v45+s11+$0x0], $0xffff  }
0x2fc: {  	v50 =	vor.u32 v30, v20;
	v17 =	vor.u32 v13, v23;
	[tilespmem:v36+s17+$0x0] =	vst.idx.msk $0xffff, v35;
	v16 =	vld.idx.msk [tilespmem:v58+s11+$0x0], $0xffff  }
0x2fd: {  	v62 =	vor.u32 v25, v20;
	v45 =	vor.u32 v13, v31;
	[tilespmem:v57+s17+$0x0] =	vst.idx.msk $0xffff, v19;
	v21 =	vld.idx.msk [tilespmem:v60+s11+$0x0], $0xffff  }
0x2fe: {  	v61 =	vor.u32 v13, v27;
	v51 =	vor.u32 v29, v20;
	v22 =	vld.idx.msk [tilespmem:v34+s11+$0x0], $0xffff  }
0x2ff: {  	v40 =	vor.u32 v28, v20;
	[tilespmem:v49+s17+$0x0] =	vst.idx.msk $0xffff, v39  }
0x300: {  	[tilespmem:v63+s17+$0x0] =	vst.idx.msk $0xffff, v32  }
0x301: {  	v56 =	vor.u32 v14, v26;
	[tilespmem:v17+s17+$0x0] =	vst.idx.msk $0xffff, v16;
	v55 =	vld.idx.msk [tilespmem:v50+s11+$0x0], $0xffff  }
0x302: {  	v57 =	vor.u32 v30, v18;
	v17 =	vor.u32 v14, v23;
	[tilespmem:v45+s17+$0x0] =	vst.idx.msk $0xffff, v21;
	v16 =	vld.idx.msk [tilespmem:v62+s11+$0x0], $0xffff  }
0x303: {  	v53 =	vor.u32 v25, v18;
	v58 =	vor.u32 v14, v31;
	[tilespmem:v61+s17+$0x0] =	vst.idx.msk $0xffff, v22;
	v20 =	vld.idx.msk [tilespmem:v51+s11+$0x0], $0xffff  }
0x304: {  	[tilespmem:v38+s17+$0x0] =	vst.idx.msk $0xffff, v48;
	v52 =	vor.u32 v14, v27;
	v59 =	vor.u32 v29, v18;
	v22 =	vld.idx.msk [tilespmem:v40+s11+$0x0], $0xffff  }
0x305: {  	v54 =	vor.u32 v28, v18;
	[tilespmem:v44+s17+$0x0] =	vst.idx.msk $0xffff, v47  }
0x306: {  	v60 =	vld.idx.msk [tilespmem:v43+s11+$0x0], $0xffff;
	[tilespmem:v56+s17+$0x0] =	vst.idx.msk $0xffff, v55  }
0x307: {  	v62 =	vor.u32 v15, v26;
	[tilespmem:v17+s17+$0x0] =	vst.idx.msk $0xffff, v16;
	v21 =	vld.idx.msk [tilespmem:v57+s11+$0x0], $0xffff  }
0x308: {  	v17 =	vor.u32 v15, v23;
	[tilespmem:v58+s17+$0x0] =	vst.idx.msk $0xffff, v20;
	v16 =	vld.idx.msk [tilespmem:v53+s11+$0x0], $0xffff  }
0x309: {  	v63 =	vor.u32 v15, v31;
	[tilespmem:v52+s17+$0x0] =	vst.idx.msk $0xffff, v22;
	v18 =	vld.idx.msk [tilespmem:v59+s11+$0x0], $0xffff  }
0x30a: {  	[tilespmem:v46+s17+$0x0] =	vst.idx.msk $0xffff, v41;
	v61 =	vor.u32 v15, v27;
	v22 =	vld.idx.msk [tilespmem:v54+s11+$0x0], $0xffff  }
0x30b: {  	s28 =	sadd.s32 s6, s25;
	p0 =	seq.s32 s26, $0x0;
	[tilespmem:v42+s17+$0x0] =	vst.idx.msk $0xffff, v60  }
.Ltmp19:
0x30c: {  	s29 =	sshll.u32 s28, $0x7;
	[tilespmem:v62+s17+$0x0] =	vst.idx.msk $0xffff, v21;
	(pc) =	sbr.rel @p0 .LBB2_28-.Ltmp19, $4  }
0x30d: {  	s28 =	sshll.u32 s28, $0xA;
	s29 =	sand.u32 $0xF00, s29;
	[tilespmem:v17+s17+$0x0] =	vst.idx.msk $0xffff, v16  }
0x30e: {  	s28 =	sand.u32 $0xFFF8000, s28;
	s29 =	sadd.s32 s2, s29;
	[tilespmem:v63+s17+$0x0] =	vst.idx.msk $0xffff, v18  }
0x30f: {  	s28 =	sadd.s32 s28, s29;
	[tilespmem:v61+s17+$0x0] =	vst.idx.msk $0xffff, v22  }
0x310: {  	[hbm4b:s28+s18] =	stream.strided.scatter [tilespmem:s17], [sflag:$0x4], $0x2000, s19, s18, $0x38;
	[tilespmem:$0x1C800] =	vst v63  }
.LBB2_10:
0x311: {  	p0 =	sgt.u32 s25, $0xC5  }
0x312: {  	s26 =	sshll.u32 @!p0 s25, $0x7  }
0x313: {  	s26 =	sand.u32 @!p0 $0x3FFFFF80, s26  }
0x314: {  	s28 =	simm.s32 @!p0 $0x80;
	s29 =	simm.s32 @!p0 $0x14800;
	s26 =	sadd.s32 @!p0 $0x6500, s26  }
0x315: {  	[tilespmem:s29], [sflag:$0x3] =	stream.indirect.gather @!p0 [hbm4b:s4+s28], $0x80, s26, s28, $0xb8;
	[tilespmem:$0x1C800] =	vst v63  }
0x316: {  	_ =	swait.ge [sflag:s23], $0x4000  }
0x317: {  	p0 =	slt.u32 s25, $0x2;
	[sflag:s23] =	ssyncset.done $0x0  }
0x318: {  	s26 =	simm.s32 @!p0 $0x5;
	[sflag:s23] =	ssyncadd.s32 $0xFFFFC000  }
0x319: {  	_ =	swait.ge @!p0 [sflag:s26], $0x2000  }
0x31a: {  	s30 =	sshll.u32 s25, $0x7;
	[sflag:s26] =	ssyncset.done @!p0 $0x0  }
0x31b: {  	[sflag:s26] =	ssyncadd.s32 @!p0 $0xFFFFE000;
	s26 =	sand.u32 $0x3FFFFF80, s30  }
0x31c: {  	v16 =	vld [tilespmem:s26+$0x0];
	_ =	sdelay $0x4  }
0x31d: {  	s31 =	simm.s32 $0x0;
	v16 =	vshll.u32 v16, $0x6  }
0x31e: {  	v18 =	vadd.s32 s31, v0;
	s29 =	simm.s32 $0x2;
	v17 =	vld [tilespmem:s26+$0x10];
	v16 =	vand.u32 $0x40, v16  }
0x31f: {  	v39 =	vand.u32 $0x3F, v18;
	v18 =	vadd.s32 s29, v0;
	v16 =	vor.u32 v1, v16  }
0x320: {  	v38 =	vand.u32 $0x3F, v18;
	s30 =	simm.s32 $0x1;
	v20 =	vor.u32 v39, v16  }
0x321: {  	s31 =	simm.s32 $0x3;
	v19 =	vld [tilespmem:s26+$0x20];
	v21 =	vadd.s32 s30, v0;
	v22 =	vor.u32 v38, v16  }
0x322: {  	v18 =	vld [tilespmem:s26+$0x30];
	v41 =	vand.u32 $0x3F, v21;
	v21 =	vadd.s32 s31, v0  }
0x323: {  	v23 =	vld [tilespmem:s26+$0x40];
	v36 =	vand.u32 $0x3F, v21;
	v17 =	vshll.u32 v17, $0x6;
	v25 =	vor.u32 v41, v16  }
0x324: {  	v35 =	vshll.u32 v39, $0x7;
	v24 =	vld [tilespmem:s26+$0x50];
	v17 =	vand.u32 $0x40, v17;
	v26 =	vor.u32 v36, v16  }
0x325: {  	v27 =	vor.u32 v0, v35;
	v34 =	vshll.u32 v38, $0x7;
	v17 =	vor.u32 v2, v17;
	v20 =	vld.idx.msk [tilespmem:v20+s11+$0x0], $0xffff  }
0x326: {  	v29 =	vor.u32 v0, v34;
	v28 =	vor.u32 v39, v17;
	v22 =	vld.idx.msk [tilespmem:v22+s11+$0x0], $0xffff  }
0x327: {  	v30 =	vld [tilespmem:s26+$0x70];
	v40 =	vshll.u32 v41, $0x7;
	v31 =	vor.u32 v38, v17  }
0x328: {  	v37 =	vshll.u32 v36, $0x7;
	v32 =	vor.u32 v0, v40;
	v25 =	vld.idx.msk [tilespmem:v25+s11+$0x0], $0xffff  }
0x329: {  	v42 =	vor.u32 v0, v37;
	v19 =	vshll.u32 v19, $0x6;
	v33 =	vor.u32 v41, v17;
	v26 =	vld.idx.msk [tilespmem:v26+s11+$0x0], $0xffff  }
0x32a: {  	v21 =	vld [tilespmem:s26+$0x60];
	v19 =	vand.u32 $0x40, v19;
	[tilespmem:v27+s16+$0x0] =	vst.idx.msk $0xffff, v20;
	v20 =	vor.u32 v36, v17  }
0x32b: {  	v19 =	vor.u32 v3, v19;
	[tilespmem:v29+s16+$0x0] =	vst.idx.msk $0xffff, v22;
	v27 =	vld.idx.msk [tilespmem:v28+s11+$0x0], $0xffff;
	v28 =	vor.u32 v9, v35  }
0x32c: {  	v43 =	vor.u32 v9, v34;
	v29 =	vor.u32 v39, v19;
	v31 =	vld.idx.msk [tilespmem:v31+s11+$0x0], $0xffff  }
0x32d: {  	[tilespmem:v32+s16+$0x0] =	vst.idx.msk $0xffff, v25;
	v25 =	vor.u32 v38, v19  }
0x32e: {  	v52 =	vor.u32 v9, v40;
	v18 =	vshll.u32 v18, $0x6;
	[tilespmem:v42+s16+$0x0] =	vst.idx.msk $0xffff, v26;
	v32 =	vld.idx.msk [tilespmem:v33+s11+$0x0], $0xffff  }
0x32f: {  	v22 =	vshll.u32 v23, $0x6;
	v23 =	vor.u32 v41, v19;
	v26 =	vor.u32 v9, v37;
	v20 =	vld.idx.msk [tilespmem:v20+s11+$0x0], $0xffff  }
0x330: {  	v18 =	vand.u32 $0x40, v18;
	v53 =	vand.u32 $0x40, v22;
	[tilespmem:v28+s16+$0x0] =	vst.idx.msk $0xffff, v27;
	v27 =	vor.u32 v36, v19  }
0x331: {  	v22 =	vor.u32 v4, v18;
	v28 =	vor.u32 v10, v35;
	[tilespmem:v43+s16+$0x0] =	vst.idx.msk $0xffff, v31;
	v18 =	vld.idx.msk [tilespmem:v29+s11+$0x0], $0xffff  }
0x332: {  	v61 =	vor.u32 v12, v35;
	v58 =	vor.u32 v11, v34;
	v31 =	vor.u32 v10, v34;
	v25 =	vld.idx.msk [tilespmem:v25+s11+$0x0], $0xffff  }
0x333: {  	v44 =	vor.u32 v10, v40;
	v55 =	vor.u32 v38, v22;
	[tilespmem:v52+s16+$0x0] =	vst.idx.msk $0xffff, v32  }
0x334: {  	v24 =	vshll.u32 v24, $0x6;
	v29 =	vor.u32 v39, v22;
	v23 =	vld.idx.msk [tilespmem:v23+s11+$0x0], $0xffff;
	[tilespmem:v26+s16+$0x0] =	vst.idx.msk $0xffff, v20  }
0x335: {  	v30 =	vshll.u32 v30, $0x6;
	v54 =	vand.u32 $0x40, v24;
	v26 =	vld.idx.msk [tilespmem:v27+s11+$0x0], $0xffff;
	v27 =	vor.u32 v10, v37  }
0x336: {  	v30 =	vand.u32 $0x40, v30;
	v24 =	vor.u32 v5, v53;
	[tilespmem:v28+s16+$0x0] =	vst.idx.msk $0xffff, v18;
	v28 =	vor.u32 v36, v22  }
0x337: {  	v18 =	vor.u32 v8, v30;
	v30 =	vor.u32 v41, v22;
	[tilespmem:v31+s16+$0x0] =	vst.idx.msk $0xffff, v25  }
0x338: {  	s28 =	simm.s32 $0x4;
	v48 =	vor.u32 v11, v40;
	v57 =	vor.u32 v11, v37;
	v31 =	vor.u32 v38, v24;
	v32 =	vld.idx.msk [tilespmem:v55+s11+$0x0], $0xffff  }
0x339: {  	s29 =	simm.s32 $0x5;
	v21 =	vshll.u32 v21, $0x6;
	[tilespmem:v44+s16+$0x0] =	vst.idx.msk $0xffff, v23;
	v23 =	vor.u32 v11, v35;
	v25 =	vadd.s32 s28, v0;
	v29 =	vld.idx.msk [tilespmem:v29+s11+$0x0], $0xffff  }
0x33a: {  	v59 =	vor.u32 v39, v24;
	v25 =	vand.u32 $0x3F, v25;
	[tilespmem:v27+s16+$0x0] =	vst.idx.msk $0xffff, v26;
	v26 =	vadd.s32 s29, v0  }
0x33b: {  	v56 =	vand.u32 $0x40, v21;
	v47 =	vor.u32 v25, v16;
	v45 =	vld.idx.msk [tilespmem:v28+s11+$0x0], $0xffff;
	v28 =	vand.u32 $0x3F, v26  }
0x33c: {  	s30 =	simm.s32 $0x6;
	v21 =	vor.u32 v6, v54;
	v53 =	vor.u32 v12, v34;
	v49 =	vld.idx.msk [tilespmem:v30+s11+$0x0], $0xffff;
	v50 =	vor.u32 v28, v16  }
0x33d: {  	v46 =	vor.u32 v36, v24;
	v51 =	vor.u32 v41, v24;
	v26 =	vadd.s32 s30, v0;
	[tilespmem:v58+s16+$0x0] =	vst.idx.msk $0xffff, v32  }
0x33e: {  	s31 =	simm.s32 $0x7;
	v43 =	vor.u32 v38, v21;
	v30 =	vand.u32 $0x3F, v26;
	[tilespmem:v23+s16+$0x0] =	vst.idx.msk $0xffff, v29;
	v52 =	vld.idx.msk [tilespmem:v31+s11+$0x0], $0xffff  }
0x33f: {  	v20 =	vor.u32 v7, v56;
	v26 =	vadd.s32 s31, v0;
	v42 =	vor.u32 v30, v16;
	v44 =	vld.idx.msk [tilespmem:v59+s11+$0x0], $0xffff  }
0x340: {  	v23 =	vshll.u32 v25, $0x7;
	v27 =	vshll.u32 v28, $0x7;
	v29 =	vand.u32 $0x3F, v26;
	v60 =	vld.idx.msk [tilespmem:v47+s11+$0x0], $0xffff  }
0x341: {  	v55 =	vor.u32 v0, v23;
	v54 =	vor.u32 v29, v16;
	[tilespmem:v48+s16+$0x0] =	vst.idx.msk $0xffff, v49;
	v50 =	vld.idx.msk [tilespmem:v50+s11+$0x0], $0xffff  }
0x342: {  	v62 =	vor.u32 v25, v17;
	v63 =	vor.u32 v0, v27;
	[tilespmem:v57+s16+$0x0] =	vst.idx.msk $0xffff, v45;
	v51 =	vld.idx.msk [tilespmem:v51+s11+$0x0], $0xffff  }
0x343: {  	v56 =	vor.u32 v28, v17;
	v26 =	vshll.u32 v30, $0x7;
	v57 =	vor.u32 v12, v40;
	v46 =	vld.idx.msk [tilespmem:v46+s11+$0x0], $0xffff  }
0x344: {  	v59 =	vor.u32 v39, v21;
	v47 =	vor.u32 v12, v37;
	v42 =	vld.idx.msk [tilespmem:v42+s11+$0x0], $0xffff;
	[tilespmem:v53+s16+$0x0] =	vst.idx.msk $0xffff, v52  }
0x345: {  	v31 =	vshll.u32 v29, $0x7;
	v58 =	vor.u32 v0, v26;
	[tilespmem:v61+s16+$0x0] =	vst.idx.msk $0xffff, v44;
	v43 =	vld.idx.msk [tilespmem:v43+s11+$0x0], $0xffff  }
0x346: {  	v44 =	vor.u32 v41, v21;
	[tilespmem:v55+s16+$0x0] =	vst.idx.msk $0xffff, v60;
	v52 =	vor.u32 v13, v34;
	v45 =	vld.idx.msk [tilespmem:v54+s11+$0x0], $0xffff  }
0x347: {  	v53 =	vor.u32 v36, v21;
	v48 =	vld.idx.msk [tilespmem:v62+s11+$0x0], $0xffff;
	v54 =	vor.u32 v9, v23;
	[tilespmem:v63+s16+$0x0] =	vst.idx.msk $0xffff, v50  }
0x348: {  	v49 =	vor.u32 v30, v17;
	v50 =	vor.u32 v0, v31;
	[tilespmem:v57+s16+$0x0] =	vst.idx.msk $0xffff, v51  }
0x349: {  	v60 =	vor.u32 v25, v19;
	v61 =	vor.u32 v9, v27;
	[tilespmem:v47+s16+$0x0] =	vst.idx.msk $0xffff, v46;
	v55 =	vld.idx.msk [tilespmem:v56+s11+$0x0], $0xffff  }
0x34a: {  	v63 =	vor.u32 v13, v35;
	v56 =	vor.u32 v29, v17;
	[tilespmem:v58+s16+$0x0] =	vst.idx.msk $0xffff, v42;
	v42 =	vld.idx.msk [tilespmem:v59+s11+$0x0], $0xffff  }
0x34b: {  	v62 =	vor.u32 v28, v19;
	v46 =	vor.u32 v13, v40;
	v44 =	vld.idx.msk [tilespmem:v44+s11+$0x0], $0xffff;
	[tilespmem:v52+s16+$0x0] =	vst.idx.msk $0xffff, v43  }
0x34c: {  	v32 =	vor.u32 v30, v24;
	v47 =	vor.u32 v39, v20;
	v43 =	vld.idx.msk [tilespmem:v53+s11+$0x0], $0xffff;
	[tilespmem:v54+s16+$0x0] =	vst.idx.msk $0xffff, v48  }
0x34d: {  	v49 =	vld.idx.msk [tilespmem:v49+s11+$0x0], $0xffff;
	v48 =	vor.u32 v9, v26;
	v53 =	vor.u32 v38, v20;
	[tilespmem:v50+s16+$0x0] =	vst.idx.msk $0xffff, v45  }
0x34e: {  	v54 =	vor.u32 v30, v19;
	v51 =	vld.idx.msk [tilespmem:v60+s11+$0x0], $0xffff;
	v60 =	vor.u32 v10, v23;
	[tilespmem:v61+s16+$0x0] =	vst.idx.msk $0xffff, v55  }
0x34f: {  	v45 =	vor.u32 v41, v20;
	v50 =	vor.u32 v13, v37;
	v52 =	vld.idx.msk [tilespmem:v56+s11+$0x0], $0xffff;
	[tilespmem:v63+s16+$0x0] =	vst.idx.msk $0xffff, v42  }
0x350: {  	v55 =	vor.u32 v9, v31;
	[tilespmem:v46+s16+$0x0] =	vst.idx.msk $0xffff, v44;
	v44 =	vor.u32 v36, v20;
	v57 =	vld.idx.msk [tilespmem:v62+s11+$0x0], $0xffff  }
0x351: {  	v33 =	vor.u32 v11, v31;
	v61 =	vor.u32 v29, v19;
	v63 =	vor.u32 v10, v27;
	v47 =	vld.idx.msk [tilespmem:v47+s11+$0x0], $0xffff  }
0x352: {  	v46 =	vor.u32 v14, v35;
	v62 =	vor.u32 v25, v22;
	[tilespmem:v48+s16+$0x0] =	vst.idx.msk $0xffff, v49;
	v53 =	vld.idx.msk [tilespmem:v53+s11+$0x0], $0xffff  }
0x353: {  	v48 =	vor.u32 v39, v18;
	v54 =	vld.idx.msk [tilespmem:v54+s11+$0x0], $0xffff;
	[tilespmem:v60+s16+$0x0] =	vst.idx.msk $0xffff, v51;
	v51 =	vor.u32 v10, v26  }
0x354: {  	v42 =	vor.u32 v30, v22;
	v45 =	vld.idx.msk [tilespmem:v45+s11+$0x0], $0xffff;
	[tilespmem:v50+s16+$0x0] =	vst.idx.msk $0xffff, v43;
	v50 =	vor.u32 v14, v40  }
0x355: {  	v41 =	vor.u32 v41, v18;
	[tilespmem:v55+s16+$0x0] =	vst.idx.msk $0xffff, v52;
	v52 =	vor.u32 v14, v34;
	v39 =	vld.idx.msk [tilespmem:v44+s11+$0x0], $0xffff  }
0x356: {  	v55 =	vor.u32 v38, v18;
	v56 =	vld.idx.msk [tilespmem:v61+s11+$0x0], $0xffff;
	[tilespmem:v63+s16+$0x0] =	vst.idx.msk $0xffff, v57;
	v57 =	vor.u32 v10, v31  }
0x357: {  	v59 =	vor.u32 v11, v23;
	v60 =	vor.u32 v29, v22;
	v58 =	vld.idx.msk [tilespmem:v62+s11+$0x0], $0xffff;
	[tilespmem:v46+s16+$0x0] =	vst.idx.msk $0xffff, v47  }
0x358: {  	v49 =	vor.u32 v14, v37;
	v43 =	vor.u32 v36, v18;
	v48 =	vld.idx.msk [tilespmem:v48+s11+$0x0], $0xffff;
	[tilespmem:v51+s16+$0x0] =	vst.idx.msk $0xffff, v54  }
0x359: {  	v44 =	vor.u32 v15, v40;
	v38 =	vor.u32 v15, v35;
	v51 =	vld.idx.msk [tilespmem:v42+s11+$0x0], $0xffff;
	[tilespmem:v50+s16+$0x0] =	vst.idx.msk $0xffff, v45  }
0x35a: {  	v40 =	vor.u32 v28, v22;
	v46 =	vor.u32 v15, v34;
	v47 =	vld.idx.msk [tilespmem:v41+s11+$0x0], $0xffff;
	[tilespmem:v52+s16+$0x0] =	vst.idx.msk $0xffff, v53  }
0x35b: {  	v42 =	vor.u32 v15, v37;
	v45 =	vor.u32 v30, v21;
	v41 =	vld.idx.msk [tilespmem:v55+s11+$0x0], $0xffff;
	[tilespmem:v57+s16+$0x0] =	vst.idx.msk $0xffff, v56  }
0x35c: {  	s26 =	simm.s32 $0x8;
	v50 =	vor.u32 v29, v24;
	v53 =	vor.u32 v11, v26;
	[tilespmem:v59+s16+$0x0] =	vst.idx.msk $0xffff, v58;
	v52 =	vld.idx.msk [tilespmem:v60+s11+$0x0], $0xffff  }
.LBB2_11:
0x35d: {  	s28 =	sadd.s32 $0x1, s26;
	v54 =	vor.u32 v25, v24;
	v55 =	vor.u32 v28, v24  }
0x35e: {  	v37 =	vadd.s32 s26, v0;
	p0 =	slt.u32 s26, $0x3C;
	[tilespmem:v49+s16+$0x0] =	vst.idx.msk $0xffff, v39;
	v39 =	vmovc v29;
	v36 =	vmovc v27;
	v35 =	vmov v26;
	v34 =	vmov v31;
	s29 =	smov.u32 s26;
	s26 =	sadd.s32 $0x4, s26  }
0x35f: {  	v37 =	vand.u32 $0x3F, v37;
	v26 =	vadd.s32 s28, v0;
	s28 =	sadd.s32 $0x2, s29;
	v49 =	vor.u32 v11, v36;
	[tilespmem:v38+s16+$0x0] =	vst.idx.msk $0xffff, v48;
	v43 =	vld.idx.msk [tilespmem:v43+s11+$0x0], $0xffff  }
0x360: {  	v48 =	vor.u32 v37, v16;
	v38 =	vand.u32 $0x3F, v26;
	v26 =	vadd.s32 s28, v0;
	s28 =	sadd.s32 $0x3, s29;
	v56 =	vld.idx.msk [tilespmem:v40+s11+$0x0], $0xffff;
	[tilespmem:v44+s16+$0x0] =	vst.idx.msk $0xffff, v47  }
0x361: {  	v44 =	vor.u32 v38, v16;
	v40 =	vand.u32 $0x3F, v26;
	v26 =	vadd.s32 s28, v0;
	[tilespmem:v46+s16+$0x0] =	vst.idx.msk $0xffff, v41  }
0x362: {  	v41 =	vshll.u32 v37, $0x7;
	v46 =	vor.u32 v40, v16;
	v29 =	vand.u32 $0x3F, v26;
	[tilespmem:v53+s16+$0x0] =	vst.idx.msk $0xffff, v51  }
0x363: {  	v27 =	vshll.u32 v38, $0x7;
	v26 =	vshll.u32 v40, $0x7;
	v47 =	vor.u32 v29, v16;
	v51 =	vld.idx.msk [tilespmem:v32+s11+$0x0], $0xffff;
	[tilespmem:v33+s16+$0x0] =	vst.idx.msk $0xffff, v52  }
0x364: {  	v53 =	vor.u32 v12, v35;
	v32 =	vor.u32 v40, v24;
	v31 =	vshll.u32 v29, $0x7;
	v52 =	vld.idx.msk [tilespmem:v54+s11+$0x0], $0xffff  }
0x365: {  	v33 =	vor.u32 v11, v31;
	v54 =	vor.u32 v12, v23;
	v48 =	vld.idx.msk [tilespmem:v48+s11+$0x0], $0xffff;
	[tilespmem:v42+s16+$0x0] =	vst.idx.msk $0xffff, v43  }
0x366: {  	v42 =	vor.u32 v0, v41;
	v43 =	vld.idx.msk [tilespmem:v44+s11+$0x0], $0xffff;
	[tilespmem:v49+s16+$0x0] =	vst.idx.msk $0xffff, v56  }
0x367: {  	v44 =	vor.u32 v37, v17;
	v49 =	vor.u32 v0, v27;
	v56 =	vor.u32 v39, v20;
	v55 =	vld.idx.msk [tilespmem:v55+s11+$0x0], $0xffff  }
0x368: {  	v58 =	vor.u32 v12, v36;
	v59 =	vor.u32 v13, v36;
	v57 =	vor.u32 v38, v17;
	v46 =	vld.idx.msk [tilespmem:v46+s11+$0x0], $0xffff  }
0x369: {  	v61 =	vor.u32 v25, v21;
	v60 =	vor.u32 v0, v26;
	[tilespmem:v53+s16+$0x0] =	vst.idx.msk $0xffff, v51;
	v50 =	vld.idx.msk [tilespmem:v50+s11+$0x0], $0xffff  }
0x36a: {  	v51 =	vor.u32 v28, v21;
	[tilespmem:v54+s16+$0x0] =	vst.idx.msk $0xffff, v52;
	v45 =	vld.idx.msk [tilespmem:v45+s11+$0x0], $0xffff;
	v52 =	vor.u32 v12, v34  }
0x36b: {  	[tilespmem:v42+s16+$0x0] =	vst.idx.msk $0xffff, v48;
	v42 =	vld.idx.msk [tilespmem:v47+s11+$0x0], $0xffff;
	v47 =	vor.u32 v13, v35;
	v48 =	vor.u32 v39, v21  }
0x36c: {  	v44 =	vld.idx.msk [tilespmem:v44+s11+$0x0], $0xffff;
	[tilespmem:v49+s16+$0x0] =	vst.idx.msk $0xffff, v43;
	v43 =	vor.u32 v40, v17;
	v49 =	vor.u32 v0, v31  }
0x36d: {  	v53 =	vor.u32 v9, v41;
	v54 =	vld.idx.msk [tilespmem:v57+s11+$0x0], $0xffff;
	v57 =	vor.u32 v29, v17;
	[tilespmem:v58+s16+$0x0] =	vst.idx.msk $0xffff, v55  }
0x36e: {  	v55 =	vor.u32 v37, v19;
	v58 =	vor.u32 v9, v27;
	[tilespmem:v60+s16+$0x0] =	vst.idx.msk $0xffff, v46;
	v46 =	vld.idx.msk [tilespmem:v61+s11+$0x0], $0xffff  }
0x36f: {  	v60 =	vor.u32 v38, v19;
	v61 =	vor.u32 v13, v23;
	v51 =	vld.idx.msk [tilespmem:v51+s11+$0x0], $0xffff;
	[tilespmem:v52+s16+$0x0] =	vst.idx.msk $0xffff, v50  }
0x370: {  	v50 =	vor.u32 v25, v20;
	v52 =	vor.u32 v14, v36;
	[tilespmem:v47+s16+$0x0] =	vst.idx.msk $0xffff, v45;
	v45 =	vld.idx.msk [tilespmem:v48+s11+$0x0], $0xffff  }
0x371: {  	v47 =	vor.u32 v13, v34;
	v43 =	vld.idx.msk [tilespmem:v43+s11+$0x0], $0xffff;
	[tilespmem:v49+s16+$0x0] =	vst.idx.msk $0xffff, v42;
	v42 =	vor.u32 v28, v20  }
0x372: {  	v49 =	vor.u32 v30, v20;
	[tilespmem:v53+s16+$0x0] =	vst.idx.msk $0xffff, v44;
	v44 =	vor.u32 v9, v26;
	v48 =	vld.idx.msk [tilespmem:v57+s11+$0x0], $0xffff  }
0x373: {  	v53 =	vld.idx.msk [tilespmem:v55+s11+$0x0], $0xffff;
	[tilespmem:v58+s16+$0x0] =	vst.idx.msk $0xffff, v54;
	v54 =	vor.u32 v40, v19;
	v55 =	vor.u32 v9, v31  }
0x374: {  	v57 =	vor.u32 v10, v41;
	v58 =	vld.idx.msk [tilespmem:v60+s11+$0x0], $0xffff;
	v60 =	vor.u32 v29, v19;
	[tilespmem:v61+s16+$0x0] =	vst.idx.msk $0xffff, v46  }
0x375: {  	v46 =	vor.u32 v37, v22;
	v61 =	vor.u32 v10, v27;
	v50 =	vld.idx.msk [tilespmem:v50+s11+$0x0], $0xffff;
	[tilespmem:v59+s16+$0x0] =	vst.idx.msk $0xffff, v51  }
0x376: {  	v51 =	vor.u32 v14, v23;
	v59 =	vor.u32 v28, v18;
	v42 =	vld.idx.msk [tilespmem:v42+s11+$0x0], $0xffff;
	[tilespmem:v47+s16+$0x0] =	vst.idx.msk $0xffff, v45  }
0x377: {  	v62 =	vor.u32 v30, v18;
	v25 =	vor.u32 v25, v18;
	[tilespmem:v44+s16+$0x0] =	vst.idx.msk $0xffff, v43;
	v45 =	vld.idx.msk [tilespmem:v49+s11+$0x0], $0xffff  }
0x378: {  	v30 =	vor.u32 v14, v35;
	v49 =	vor.u32 v14, v34;
	v54 =	vld.idx.msk [tilespmem:v54+s11+$0x0], $0xffff;
	[tilespmem:v55+s16+$0x0] =	vst.idx.msk $0xffff, v48  }
0x379: {  	v43 =	vor.u32 v39, v18;
	[tilespmem:v57+s16+$0x0] =	vst.idx.msk $0xffff, v53;
	v53 =	vor.u32 v10, v26;
	v55 =	vld.idx.msk [tilespmem:v60+s11+$0x0], $0xffff  }
0x37a: {  	v60 =	vor.u32 v10, v31;
	v57 =	vld.idx.msk [tilespmem:v46+s11+$0x0], $0xffff;
	[tilespmem:v61+s16+$0x0] =	vst.idx.msk $0xffff, v58;
	v58 =	vor.u32 v40, v22  }
0x37b: {  	v63 =	vor.u32 v29, v22;
	v61 =	vor.u32 v11, v41;
	[tilespmem:v51+s16+$0x0] =	vst.idx.msk $0xffff, v50;
	v39 =	vld.idx.msk [tilespmem:v56+s11+$0x0], $0xffff  }
.Ltmp20:
0x37c: {  	v28 =	vmov v38;
	v44 =	vor.u32 v15, v36;
	v48 =	vld.idx.msk [tilespmem:v25+s11+$0x0], $0xffff;
	[tilespmem:v52+s16+$0x0] =	vst.idx.msk $0xffff, v42;
	v25 =	vmov v37;
	(pc) =	sbr.rel @p0 .LBB2_11-.Ltmp20, $4  }
0x37d: {  	v38 =	vor.u32 v15, v23;
	v23 =	vmov v41;
	v47 =	vld.idx.msk [tilespmem:v59+s11+$0x0], $0xffff;
	[tilespmem:v30+s16+$0x0] =	vst.idx.msk $0xffff, v45;
	v30 =	vmov v40  }
0x37e: {  	v46 =	vor.u32 v15, v35;
	v40 =	vor.u32 v28, v22;
	[tilespmem:v53+s16+$0x0] =	vst.idx.msk $0xffff, v54;
	v41 =	vld.idx.msk [tilespmem:v62+s11+$0x0], $0xffff  }
0x37f: {  	v42 =	vor.u32 v15, v34;
	v45 =	vor.u32 v30, v21;
	v51 =	vld.idx.msk [tilespmem:v58+s11+$0x0], $0xffff;
	[tilespmem:v60+s16+$0x0] =	vst.idx.msk $0xffff, v55  }
0x380: {  	v50 =	vor.u32 v29, v24;
	v53 =	vor.u32 v11, v26;
	[tilespmem:v61+s16+$0x0] =	vst.idx.msk $0xffff, v57;
	v52 =	vld.idx.msk [tilespmem:v63+s11+$0x0], $0xffff  }
0x381: {  	_ =	sdelay $0x3  }
0x382: {  	v16 =	vor.u32 v25, v24;
	v17 =	vor.u32 v11, v27;
	v19 =	vld.idx.msk [tilespmem:v40+s11+$0x0], $0xffff;
	_ =	sdelay $0x1  }
0x383: {  	v22 =	vor.u32 v28, v24  }
0x384: {  	[tilespmem:v53+s16+$0x0] =	vst.idx.msk $0xffff, v51  }
0x385: {  	v59 =	vor.u32 v12, v26;
	v32 =	vld.idx.msk [tilespmem:v32+s11+$0x0], $0xffff;
	[tilespmem:v33+s16+$0x0] =	vst.idx.msk $0xffff, v52  }
0x386: {  	v16 =	vld.idx.msk [tilespmem:v16+s11+$0x0], $0xffff;
	[tilespmem:v17+s16+$0x0] =	vst.idx.msk $0xffff, v19;
	v17 =	vor.u32 v12, v23  }
0x387: {  	v58 =	vor.u32 v25, v21;
	v36 =	vor.u32 v12, v31;
	v35 =	vld.idx.msk [tilespmem:v50+s11+$0x0], $0xffff  }
0x388: {  	v57 =	vor.u32 v12, v27;
	v60 =	vor.u32 v29, v21;
	v19 =	vld.idx.msk [tilespmem:v22+s11+$0x0], $0xffff  }
0x389: {  	v34 =	vor.u32 v28, v21  }
0x38a: {  	[tilespmem:v59+s16+$0x0] =	vst.idx.msk $0xffff, v32  }
0x38b: {  	v63 =	vor.u32 v13, v26;
	[tilespmem:v17+s16+$0x0] =	vst.idx.msk $0xffff, v16;
	v32 =	vld.idx.msk [tilespmem:v45+s11+$0x0], $0xffff  }
0x38c: {  	v50 =	vor.u32 v30, v20;
	v17 =	vor.u32 v13, v23;
	[tilespmem:v36+s16+$0x0] =	vst.idx.msk $0xffff, v35;
	v16 =	vld.idx.msk [tilespmem:v58+s11+$0x0], $0xffff  }
0x38d: {  	v62 =	vor.u32 v25, v20;
	v45 =	vor.u32 v13, v31;
	[tilespmem:v57+s16+$0x0] =	vst.idx.msk $0xffff, v19;
	v21 =	vld.idx.msk [tilespmem:v60+s11+$0x0], $0xffff  }
0x38e: {  	v61 =	vor.u32 v13, v27;
	v51 =	vor.u32 v29, v20;
	v22 =	vld.idx.msk [tilespmem:v34+s11+$0x0], $0xffff  }
0x38f: {  	v40 =	vor.u32 v28, v20;
	[tilespmem:v49+s16+$0x0] =	vst.idx.msk $0xffff, v39  }
0x390: {  	[tilespmem:v63+s16+$0x0] =	vst.idx.msk $0xffff, v32  }
0x391: {  	v56 =	vor.u32 v14, v26;
	[tilespmem:v17+s16+$0x0] =	vst.idx.msk $0xffff, v16;
	v55 =	vld.idx.msk [tilespmem:v50+s11+$0x0], $0xffff  }
0x392: {  	v57 =	vor.u32 v30, v18;
	v17 =	vor.u32 v14, v23;
	[tilespmem:v45+s16+$0x0] =	vst.idx.msk $0xffff, v21;
	v16 =	vld.idx.msk [tilespmem:v62+s11+$0x0], $0xffff  }
0x393: {  	v53 =	vor.u32 v25, v18;
	v58 =	vor.u32 v14, v31;
	[tilespmem:v61+s16+$0x0] =	vst.idx.msk $0xffff, v22;
	v20 =	vld.idx.msk [tilespmem:v51+s11+$0x0], $0xffff  }
0x394: {  	[tilespmem:v38+s16+$0x0] =	vst.idx.msk $0xffff, v48;
	v52 =	vor.u32 v14, v27;
	v59 =	vor.u32 v29, v18;
	v22 =	vld.idx.msk [tilespmem:v40+s11+$0x0], $0xffff  }
0x395: {  	v54 =	vor.u32 v28, v18;
	[tilespmem:v44+s16+$0x0] =	vst.idx.msk $0xffff, v47  }
0x396: {  	v60 =	vld.idx.msk [tilespmem:v43+s11+$0x0], $0xffff;
	[tilespmem:v56+s16+$0x0] =	vst.idx.msk $0xffff, v55  }
0x397: {  	v62 =	vor.u32 v15, v26;
	[tilespmem:v17+s16+$0x0] =	vst.idx.msk $0xffff, v16;
	v21 =	vld.idx.msk [tilespmem:v57+s11+$0x0], $0xffff  }
0x398: {  	v17 =	vor.u32 v15, v23;
	[tilespmem:v58+s16+$0x0] =	vst.idx.msk $0xffff, v20;
	v16 =	vld.idx.msk [tilespmem:v53+s11+$0x0], $0xffff  }
0x399: {  	v63 =	vor.u32 v15, v31;
	[tilespmem:v52+s16+$0x0] =	vst.idx.msk $0xffff, v22;
	v18 =	vld.idx.msk [tilespmem:v59+s11+$0x0], $0xffff  }
0x39a: {  	[tilespmem:v46+s16+$0x0] =	vst.idx.msk $0xffff, v41;
	v61 =	vor.u32 v15, v27;
	v22 =	vld.idx.msk [tilespmem:v54+s11+$0x0], $0xffff  }
.Ltmp21:
0x39b: {  	[tilespmem:v42+s16+$0x0] =	vst.idx.msk $0xffff, v60;
	(pc) =	sbr.rel .LBB2_27-.Ltmp21, $4  }
0x39c: {  	[tilespmem:v62+s16+$0x0] =	vst.idx.msk $0xffff, v21  }
0x39d: {  	[tilespmem:v17+s16+$0x0] =	vst.idx.msk $0xffff, v16  }
0x39e: {  	[tilespmem:v63+s16+$0x0] =	vst.idx.msk $0xffff, v18  }
0x39f: {  	[tilespmem:v61+s16+$0x0] =	vst.idx.msk $0xffff, v22  }
.LBB2_30:
0x3a0: {  	_ =	sfence.sel $0x180000  }
0x3a1: {  	[bflag:$0x0] =	sbarrier.arrive $0xFFFF  }
0x3a2: {  	p0 =	sne.s32 s0, $0x0;
	_ =	strace $0x9000004A  }
0x3a3: {  	s0 =	sadd.s32 @!p0 $0x100000, s1;
	[bflag:$0x2] =	sbarrier.arrive $0xFFFF  }
0x3a4: {  	[sflag:s0] =	ssyncadd.tile.s32 @!p0 $0x1;
	_ =	shalt  }
.Lfunc_end2:
_tile_overlayer_lowered:
.L_overlay_start_2:
0x3a5: {  	(tag) =	ssettag $0x2  }
0x3a6: {  	s0 =	rddreg [dreg:$0x0];
	s2 =	stileid.u32  }
0x3a7: {  	s1 =	rddreg [dreg:$0x1];
	p0 =	sne.s32 s2, $0x0  }
0x3a8: {  	s3 =	rddreg [dreg:$0x2];
	[bflag:$0x3] =	sbarrier.arrive $0xFFFF;
	s2 =	simm.s32 @!p0 $0x1C06  }
0x3a9: {  	[timem:s3], [sflag:s2] =	dma.local @!p0 [hbm:s0], s1  }
0x3aa: {  	s0 =	simm.s32 @!p0 $0x6  }
0x3ab: {  	_ =	swait.ge @!p0 [sflag:s0], s1  }
0x3ac: {  	s1 =	ssub.s32 @!p0 $0x0, s1;
	[sflag:s0] =	ssyncset.done @!p0 $0x0  }
0x3ad: {  	[sflag:s0] =	ssyncadd.s32 @!p0 s1  }
0x3ae: {  	[bflag:$0x3] =	sbarrier.arrive $0xFFFF  }
0x3af: {  	_ =	shalt  }

</sc_bundles>
